<compile_context>
chip_gen: v7x
topology: tpu7x:2x2x1
jax: 0.10.2.dev20260603
libtpu: 0.0.44.dev20260713+nightly
codegen_flags: <defaults>
</compile_context>

<pallas_src>
import functools

import jax
import jax.numpy as jnp
from jax import lax
from jax.experimental import pallas as pl
from jax.experimental.pallas import tpu as pltpu
from jax.experimental.pallas import tpu_sc as plsc

_LANE = 128
_GRP = 16


def kernel(user_id, table):
    (batch,) = user_id.shape
    vocab, dim = table.shape

    info = plsc.get_sparse_core_info()
    n_workers = info.num_cores * info.num_subcores
    b_per_w = batch // n_workers

    idx = user_id.astype(jnp.int32)
    table_t = table.T

    @functools.partial(
        pl.kernel,
        out_type=jax.ShapeDtypeStruct((dim, batch), table.dtype),
        mesh=plsc.VectorSubcoreMesh(core_axis_name="c", subcore_axis_name="s"),
        scratch_types=[
            pltpu.VMEM((b_per_w,), jnp.int32),
            pltpu.VMEM((dim, _GRP * _LANE), table.dtype),
            pltpu.VMEM((dim, _GRP * _LANE), table.dtype),
            pltpu.VMEM((dim, _GRP * _LANE), table.dtype),
            pltpu.VMEM((dim, b_per_w), table.dtype),
            pltpu.SemaphoreType.DMA,
            pltpu.SemaphoreType.DMA,
            pltpu.SemaphoreType.DMA,
        ],
        compiler_params=pltpu.CompilerParams(
            use_tc_tiling_on_sc=True, needs_layout_passes=False
        ),
    )
    def _gather(idx_hbm, tt_hbm, outt_hbm, idx_v, win_a, win_b, win_c, res_v,
                sem_a, sem_b, sem_c):
        wid = lax.axis_index("s") * info.num_cores + lax.axis_index("c")
        base = wid * b_per_w
        pltpu.sync_copy(idx_hbm.at[pl.ds(base, b_per_w)], idx_v)
        lanes = lax.iota(jnp.int32, 16)

        def fire(g, win, sem):
            vec = idx_v[pl.ds(g * _GRP, _GRP)]
            for j in range(_GRP):
                blk = pl.multiple_of((vec[j] // _LANE) * _LANE, _LANE)
                pltpu.async_copy(
                    tt_hbm.at[:, pl.ds(blk, _LANE)],
                    win.at[:, pl.ds(j * _LANE, _LANE)],
                    sem,
                )

        def drain_extract(g, win, sem):
            pltpu.make_async_copy(
                tt_hbm.at[:, pl.ds(0, _GRP * _LANE)], win, sem
            ).wait()
            vec = idx_v[pl.ds(g * _GRP, _GRP)]
            cols = lanes * _LANE + (vec - (vec // _LANE) * _LANE)
            slots = g * _GRP + lanes
            for c in range(dim):
                crow = jnp.full((16,), c, jnp.int32)
                vals = plsc.load_gather(win, [crow, cols])
                plsc.store_scatter(res_v, [crow, slots], vals)

        fire(0, win_a, sem_a)
        fire(1, win_b, sem_b)

        def body(p, carry):
            g = 3 * p
            fire(g + 2, win_c, sem_c)
            drain_extract(g, win_a, sem_a)
            fire(g + 3, win_a, sem_a)
            drain_extract(g + 1, win_b, sem_b)
            fire(g + 4, win_b, sem_b)
            drain_extract(g + 2, win_c, sem_c)
            return carry

        n_groups = b_per_w // _GRP
        lax.fori_loop(0, (n_groups - 2) // 3, body, 0)
        drain_extract(n_groups - 2, win_a, sem_a)
        drain_extract(n_groups - 1, win_b, sem_b)
        pltpu.sync_copy(res_v, outt_hbm.at[:, pl.ds(base, b_per_w)])

    return _gather(idx, table_t).T

# --- scband reference (transcript-rebuilt; emitter-appended) ---
"""Pipeline reference for scband-user-model-13984413516105 (READ-ONLY COPY).

The authoritative reference and input builder live on the scoring server;
editing this copy changes nothing except your own understanding.
"""

import jax, jax.numpy as jnp
import numpy as np

NUM_USERS = 1000000
EMBED_DIM = 16
BATCH = 16384

def setup_inputs(seed: int = 0) -> dict:
    key = jax.random.key(seed)
    k_idx, k_tab = jax.random.split(key)
    user_id = jax.random.randint(k_idx, (BATCH,), 0, NUM_USERS, dtype=jnp.int64 if jax.config.jax_enable_x64 else jnp.int32)
    # Embedding table of shape (num_users + 1, embedding_dim), like keras Embedding
    table = jax.random.normal(k_tab, (NUM_USERS + 1, EMBED_DIM), dtype=jnp.float32) * 0.05
    return {"user_id": user_id, "table": table}

def reference(user_id, table):
    # Faithful translation of UserModel.call: embedding lookup on user_id
    return jnp.take(table, user_id, axis=0)

if __name__ == "__main__":
    import jax
    _d = setup_inputs()
    print(jax.jit(kernel)(*tuple(_d.values())))

</pallas_src>

<mosaic_0001>
#map = affine_map<(d0, d1) -> (0)>
#map1 = affine_map<(d0, d1) -> (0, 0)>
module attributes {stable_mosaic.version = 14 : i64} {
  func.func @_gather(%arg0: i32, %arg1: i32, %arg2: memref<16384xi32, #tpu.memory_space<hbm>>, %arg3: memref<16x1000001xf32, #tpu.memory_space<hbm>>, %arg4: memref<16x16384xf32, #tpu.memory_space<hbm>>, %arg5: memref<512xi32, #tpu.memory_space<vmem>>, %arg6: memref<16x2048xf32, #tpu.memory_space<vmem>>, %arg7: memref<16x2048xf32, #tpu.memory_space<vmem>>, %arg8: memref<16x2048xf32, #tpu.memory_space<vmem>>, %arg9: memref<16x512xf32, #tpu.memory_space<vmem>>, %arg10: memref<!tpu.dma_semaphore, #tpu.memory_space<semaphore_mem>>, %arg11: memref<!tpu.dma_semaphore, #tpu.memory_space<semaphore_mem>>, %arg12: memref<!tpu.dma_semaphore, #tpu.memory_space<semaphore_mem>>) attributes {dimension_semantics = [#tpu.dimension_semantics<core_parallel>, #tpu.dimension_semantics<subcore_parallel>], iteration_bounds = array<i64: 2, 16>, scalar_prefetch = 0 : i64, scratch_operands = 8 : i64, tpu.core_type = #tpu.core_type<sc_vector_subcore>, window_params = [{transform_indices = #map}, {transform_indices = #map1}, {transform_indices = #map1}]} {
    %mul3A = arith.constant 2 : i32
    %mul3A_0 = arith.muli %arg1, %mul3A : i32
    %add3A = arith.addi %mul3A_0, %arg0 : i32
    %mul3A_1 = arith.constant 512 : i32
    %mul3A_2 = arith.muli %add3A, %mul3A_1 : i32
    "tpu.region"() ({
      %run_scoped3A = tpu.sem_alloc : memref<!tpu.dma_semaphore, #tpu.memory_space<semaphore_mem>>
      %dma_start3A_1440 = tpu.memref_slice %arg2[%mul3A_2] : memref<16384xi32, #tpu.memory_space<hbm>> -> memref<512xi32, #tpu.memory_space<hbm>>
      %dma_start3A_1441 = tpu.memref_slice %arg2[%mul3A_2] : memref<16384xi32, #tpu.memory_space<hbm>> -> memref<512xi32, #tpu.memory_space<hbm>>
      tpu.enqueue_dma source(%dma_start3A_1441 : memref<512xi32, #tpu.memory_space<hbm>>) target(%arg5 : memref<512xi32, #tpu.memory_space<vmem>>) target_semaphore(%run_scoped3A : memref<!tpu.dma_semaphore, #tpu.memory_space<semaphore_mem>>)
      %dma_wait3A_1442 = tpu.memref_slice %arg2[%mul3A_2] : memref<16384xi32, #tpu.memory_space<hbm>> -> memref<512xi32, #tpu.memory_space<hbm>>
      %dma_wait3A_1443 = tpu.memref_slice %arg2[%mul3A_2] : memref<16384xi32, #tpu.memory_space<hbm>> -> memref<512xi32, #tpu.memory_space<hbm>>
      tpu.wait_dma2 semaphore(%run_scoped3A : memref<!tpu.dma_semaphore, #tpu.memory_space<semaphore_mem>>) src(%dma_wait3A_1443 : memref<512xi32, #tpu.memory_space<hbm>>) dst(%arg5 : memref<512xi32, #tpu.memory_space<vmem>>)
      tpu.yield
    }) : () -> ()
    %iota3A = tpu.iota {dimensions = array<i32: 0>} : vector<16xi32>
    %get3A = arith.constant 0 : index
    %get3A_3 = tpu.vector_load %arg5[%get3A] {strides = array<i32>} : memref<512xi32, #tpu.memory_space<vmem>>, vector<16xi32>,
    %slice3A = vector.extract_strided_slice %get3A_3 {offsets = [0], sizes = [1], strides = [1]} : vector<16xi32> to vector<1xi32>
    %squeeze3A = vector.extract %slice3A[0] : i32 from vector<1xi32>
    %jit3A = arith.constant 128 : i32
    %div3A = arith.divsi %squeeze3A, %jit3A : i32
    %sign3A = arith.constant 0 : i32
    %sign3A_4 = arith.cmpi sgt, %squeeze3A, %sign3A : i32
    %sign3A_5 = arith.extui %sign3A_4 : i1 to i32
    %sign3A_6 = arith.constant 0 : i32
    %sign3A_7 = arith.cmpi slt, %squeeze3A, %sign3A_6 : i32
    %sign3A_8 = arith.extui %sign3A_7 : i1 to i32
    %sign3A_9 = arith.subi %sign3A_5, %sign3A_8 : i32
    %sign3A_10 = arith.constant 0 : i32
    %sign3A_11 = arith.cmpi sgt, %jit3A, %sign3A_10 : i32
    %sign3A_12 = arith.extui %sign3A_11 : i1 to i32
    %sign3A_13 = arith.constant 0 : i32
    %sign3A_14 = arith.cmpi slt, %jit3A, %sign3A_13 : i32
    %sign3A_15 = arith.extui %sign3A_14 : i1 to i32
    %sign3A_16 = arith.subi %sign3A_12, %sign3A_15 : i32
    %ne3A = arith.cmpi ne, %sign3A_9, %sign3A_16 : i32
    %rem3A = arith.remsi %squeeze3A, %jit3A : i32
    %ne3A_17 = arith.constant 0 : i32
    %ne3A_18 = arith.cmpi ne, %rem3A, %ne3A_17 : i32
    %and3A = arith.andi %ne3A, %ne3A_18 : i1
    %sub3A = arith.constant 1 : i32
    %sub3A_19 = arith.subi %div3A, %sub3A : i32
    %select_n3A = arith.select %and3A, %sub3A_19, %div3A : i32
    %mul3A_20 = arith.constant 128 : i32
    %mul3A_21 = arith.muli %select_n3A, %mul3A_20 : i32
    %multiple_of3A = tpu.assume_multiple %mul3A_21, 128 : i32
    %dma_start3A = arith.constant 0 : i32
    %dma_start3A_22 = arith.constant 0 : i32
    %dma_start3A_23 = tpu.memref_slice %arg6[%dma_start3A, %dma_start3A_22] : memref<16x2048xf32, #tpu.memory_space<vmem>> -> memref<16x128xf32, #tpu.memory_space<vmem>>
    %dma_start3A_24 = arith.constant 0 : i32
    %dma_start3A_25 = tpu.memref_slice %arg3[%dma_start3A_24, %multiple_of3A] : memref<16x1000001xf32, #tpu.memory_space<hbm>> -> memref<16x128xf32, #tpu.memory_space<hbm>>
    %dma_start3A_26 = arith.constant 0 : i32
    %dma_start3A_27 = arith.constant 0 : i32
    %dma_start3A_28 = tpu.memref_slice %arg6[%dma_start3A_26, %dma_start3A_27] : memref<16x2048xf32, #tpu.memory_space<vmem>> -> memref<16x128xf32, #tpu.memory_space<vmem>>
    %dma_start3A_29 = arith.constant 0 : i32
    %dma_start3A_30 = tpu.memref_slice %arg3[%dma_start3A_29, %multiple_of3A] : memref<16x1000001xf32, #tpu.memory_space<hbm>> -> memref<16x128xf32, #tpu.memory_space<hbm>>
    tpu.enqueue_dma source(%dma_start3A_30 : memref<16x128xf32, #tpu.memory_space<hbm>>) target(%dma_start3A_28 : memref<16x128xf32, #tpu.memory_space<vmem>>) target_semaphore(%arg10 : memref<!tpu.dma_semaphore, #tpu.memory_space<semaphore_mem>>)
    %slice3A_31 = vector.extract_strided_slice %get3A_3 {offsets = [1], sizes = [1], strides = [1]} : vector<16xi32> to vector<1xi32>
    %squeeze3A_32 = vector.extract %slice3A_31[0] : i32 from vector<1xi32>
    %jit3A_33 = arith.constant 128 : i32
    %div3A_34 = arith.divsi %squeeze3A_32, %jit3A_33 : i32
    %sign3A_35 = arith.constant 0 : i32
    %sign3A_36 = arith.cmpi sgt, %squeeze3A_32, %sign3A_35 : i32
    %sign3A_37 = arith.extui %sign3A_36 : i1 to i32
    %sign3A_38 = arith.constant 0 : i32
    %sign3A_39 = arith.cmpi slt, %squeeze3A_32, %sign3A_38 : i32
    %sign3A_40 = arith.extui %sign3A_39 : i1 to i32
    %sign3A_41 = arith.subi %sign3A_37, %sign3A_40 : i32
    %sign3A_42 = arith.constant 0 : i32
    %sign3A_43 = arith.cmpi sgt, %jit3A_33, %sign3A_42 : i32
    %sign3A_44 = arith.extui %sign3A_43 : i1 to i32
    %sign3A_45 = arith.constant 0 : i32
    %sign3A_46 = arith.cmpi slt, %jit3A_33, %sign3A_45 : i32
    %sign3A_47 = arith.extui %sign3A_46 : i1 to i32
    %sign3A_48 = arith.subi %sign3A_44, %sign3A_47 : i32
    %ne3A_49 = arith.cmpi ne, %sign3A_41, %sign3A_48 : i32
    %rem3A_50 = arith.remsi %squeeze3A_32, %jit3A_33 : i32
    %ne3A_51 = arith.constant 0 : i32
    %ne3A_52 = arith.cmpi ne, %rem3A_50, %ne3A_51 : i32
    %and3A_53 = arith.andi %ne3A_49, %ne3A_52 : i1
    %sub3A_54 = arith.constant 1 : i32
    %sub3A_55 = arith.subi %div3A_34, %sub3A_54 : i32
    %select_n3A_56 = arith.select %and3A_53, %sub3A_55, %div3A_34 : i32
    %mul3A_57 = arith.constant 128 : i32
    %mul3A_58 = arith.muli %select_n3A_56, %mul3A_57 : i32
    %multiple_of3A_59 = tpu.assume_multiple %mul3A_58, 128 : i32
    %dma_start3A_60 = arith.constant 0 : i32
    %dma_start3A_61 = arith.constant 128 : i32
    %dma_start3A_62 = tpu.memref_slice %arg6[%dma_start3A_60, %dma_start3A_61] : memref<16x2048xf32, #tpu.memory_space<vmem>> -> memref<16x128xf32, #tpu.memory_space<vmem>>
    %dma_start3A_63 = arith.constant 0 : i32
    %dma_start3A_64 = tpu.memref_slice %arg3[%dma_start3A_63, %multiple_of3A_59] : memref<16x1000001xf32, #tpu.memory_space<hbm>> -> memref<16x128xf32, #tpu.memory_space<hbm>>
    %dma_start3A_65 = arith.constant 0 : i32
    %dma_start3A_66 = arith.constant 128 : i32
    %dma_start3A_67 = tpu.memref_slice %arg6[%dma_start3A_65, %dma_start3A_66] : memref<16x2048xf32, #tpu.memory_space<vmem>> -> memref<16x128xf32, #tpu.memory_space<vmem>>
    %dma_start3A_68 = arith.constant 0 : i32
    %dma_start3A_69 = tpu.memref_slice %arg3[%dma_start3A_68, %multiple_of3A_59] : memref<16x1000001xf32, #tpu.memory_space<hbm>> -> memref<16x128xf32, #tpu.memory_space<hbm>>
    tpu.enqueue_dma source(%dma_start3A_69 : memref<16x128xf32, #tpu.memory_space<hbm>>) target(%dma_start3A_67 : memref<16x128xf32, #tpu.memory_space<vmem>>) target_semaphore(%arg10 : memref<!tpu.dma_semaphore, #tpu.memory_space<semaphore_mem>>)
    %slice3A_70 = vector.extract_strided_slice %get3A_3 {offsets = [2], sizes = [1], strides = [1]} : vector<16xi32> to vector<1xi32>
    %squeeze3A_71 = vector.extract %slice3A_70[0] : i32 from vector<1xi32>
    %jit3A_72 = arith.constant 128 : i32
    %div3A_73 = arith.divsi %squeeze3A_71, %jit3A_72 : i32
    %sign3A_74 = arith.constant 0 : i32
    %sign3A_75 = arith.cmpi sgt, %squeeze3A_71, %sign3A_74 : i32
    %sign3A_76 = arith.extui %sign3A_75 : i1 to i32
    %sign3A_77 = arith.constant 0 : i32
    %sign3A_78 = arith.cmpi slt, %squeeze3A_71, %sign3A_77 : i32
    %sign3A_79 = arith.extui %sign3A_78 : i1 to i32
    %sign3A_80 = arith.subi %sign3A_76, %sign3A_79 : i32
    %sign3A_81 = arith.constant 0 : i32
    %sign3A_82 = arith.cmpi sgt, %jit3A_72, %sign3A_81 : i32
    %sign3A_83 = arith.extui %sign3A_82 : i1 to i32
    %sign3A_84 = arith.constant 0 : i32
    %sign3A_85 = arith.cmpi slt, %jit3A_72, %sign3A_84 : i32
    %sign3A_86 = arith.extui %sign3A_85 : i1 to i32
    %sign3A_87 = arith.subi %sign3A_83, %sign3A_86 : i32
    %ne3A_88 = arith.cmpi ne, %sign3A_80, %sign3A_87 : i32
    %rem3A_89 = arith.remsi %squeeze3A_71, %jit3A_72 : i32
    %ne3A_90 = arith.constant 0 : i32
    %ne3A_91 = arith.cmpi ne, %rem3A_89, %ne3A_90 : i32
    %and3A_92 = arith.andi %ne3A_88, %ne3A_91 : i1
    %sub3A_93 = arith.constant 1 : i32
    %sub3A_94 = arith.subi %div3A_73, %sub3A_93 : i32
    %select_n3A_95 = arith.select %and3A_92, %sub3A_94, %div3A_73 : i32
    %mul3A_96 = arith.constant 128 : i32
    %mul3A_97 = arith.muli %select_n3A_95, %mul3A_96 : i32
    %multiple_of3A_98 = tpu.assume_multiple %mul3A_97, 128 : i32
    %dma_start3A_99 = arith.constant 0 : i32
    %dma_start3A_100 = arith.constant 256 : i32
    %dma_start3A_101 = tpu.memref_slice %arg6[%dma_start3A_99, %dma_start3A_100] : memref<16x2048xf32, #tpu.memory_space<vmem>> -> memref<16x128xf32, #tpu.memory_space<vmem>>
    %dma_start3A_102 = arith.constant 0 : i32
    %dma_start3A_103 = tpu.memref_slice %arg3[%dma_start3A_102, %multiple_of3A_98] : memref<16x1000001xf32, #tpu.memory_space<hbm>> -> memref<16x128xf32, #tpu.memory_space<hbm>>
    %dma_start3A_104 = arith.constant 0 : i32
    %dma_start3A_105 = arith.constant 256 : i32
    %dma_start3A_106 = tpu.memref_slice %arg6[%dma_start3A_104, %dma_start3A_105] : memref<16x2048xf32, #tpu.memory_space<vmem>> -> memref<16x128xf32, #tpu.memory_space<vmem>>
    %dma_start3A_107 = arith.constant 0 : i32
    %dma_start3A_108 = tpu.memref_slice %arg3[%dma_start3A_107, %multiple_of3A_98] : memref<16x1000001xf32, #tpu.memory_space<hbm>> -> memref<16x128xf32, #tpu.memory_space<hbm>>
    tpu.enqueue_dma source(%dma_start3A_108 : memref<16x128xf32, #tpu.memory_space<hbm>>) target(%dma_start3A_106 : memref<16x128xf32, #tpu.memory_space<vmem>>) target_semaphore(%arg10 : memref<!tpu.dma_semaphore, #tpu.memory_space<semaphore_mem>>)
    %slice3A_109 = vector.extract_strided_slice %get3A_3 {offsets = [3], sizes = [1], strides = [1]} : vector<16xi32> to vector<1xi32>
    %squeeze3A_110 = vector.extract %slice3A_109[0] : i32 from vector<1xi32>
    %jit3A_111 = arith.constant 128 : i32
    %div3A_112 = arith.divsi %squeeze3A_110, %jit3A_111 : i32
    %sign3A_113 = arith.constant 0 : i32
    %sign3A_114 = arith.cmpi sgt, %squeeze3A_110, %sign3A_113 : i32
    %sign3A_115 = arith.extui %sign3A_114 : i1 to i32
    %sign3A_116 = arith.constant 0 : i32
    %sign3A_117 = arith.cmpi slt, %squeeze3A_110, %sign3A_116 : i32
    %sign3A_118 = arith.extui %sign3A_117 : i1 to i32
    %sign3A_119 = arith.subi %sign3A_115, %sign3A_118 : i32
    %sign3A_120 = arith.constant 0 : i32
    %sign3A_121 = arith.cmpi sgt, %jit3A_111, %sign3A_120 : i32
    %sign3A_122 = arith.extui %sign3A_121 : i1 to i32
    %sign3A_123 = arith.constant 0 : i32
    %sign3A_124 = arith.cmpi slt, %jit3A_111, %sign3A_123 : i32
    %sign3A_125 = arith.extui %sign3A_124 : i1 to i32
    %sign3A_126 = arith.subi %sign3A_122, %sign3A_125 : i32
    %ne3A_127 = arith.cmpi ne, %sign3A_119, %sign3A_126 : i32
    %rem3A_128 = arith.remsi %squeeze3A_110, %jit3A_111 : i32
    %ne3A_129 = arith.constant 0 : i32
    %ne3A_130 = arith.cmpi ne, %rem3A_128, %ne3A_129 : i32
    %and3A_131 = arith.andi %ne3A_127, %ne3A_130 : i1
    %sub3A_132 = arith.constant 1 : i32
    %sub3A_133 = arith.subi %div3A_112, %sub3A_132 : i32
    %select_n3A_134 = arith.select %and3A_131, %sub3A_133, %div3A_112 : i32
    %mul3A_135 = arith.constant 128 : i32
    %mul3A_136 = arith.muli %select_n3A_134, %mul3A_135 : i32
    %multiple_of3A_137 = tpu.assume_multiple %mul3A_136, 128 : i32
    %dma_start3A_138 = arith.constant 0 : i32
    %dma_start3A_139 = arith.constant 384 : i32
    %dma_start3A_140 = tpu.memref_slice %arg6[%dma_start3A_138, %dma_start3A_139] : memref<16x2048xf32, #tpu.memory_space<vmem>> -> memref<16x128xf32, #tpu.memory_space<vmem>>
    %dma_start3A_141 = arith.constant 0 : i32
    %dma_start3A_142 = tpu.memref_slice %arg3[%dma_start3A_141, %multiple_of3A_137] : memref<16x1000001xf32, #tpu.memory_space<hbm>> -> memref<16x128xf32, #tpu.memory_space<hbm>>
    %dma_start3A_143 = arith.constant 0 : i32
    %dma_start3A_144 = arith.constant 384 : i32
    %dma_start3A_145 = tpu.memref_slice %arg6[%dma_start3A_143, %dma_start3A_144] : memref<16x2048xf32, #tpu.memory_space<vmem>> -> memref<16x128xf32, #tpu.memory_space<vmem>>
    %dma_start3A_146 = arith.constant 0 : i32
    %dma_start3A_147 = tpu.memref_slice %arg3[%dma_start3A_146, %multiple_of3A_137] : memref<16x1000001xf32, #tpu.memory_space<hbm>> -> memref<16x128xf32, #tpu.memory_space<hbm>>
    tpu.enqueue_dma source(%dma_start3A_147 : memref<16x128xf32, #tpu.memory_space<hbm>>) target(%dma_start3A_145 : memref<16x128xf32, #tpu.memory_space<vmem>>) target_semaphore(%arg10 : memref<!tpu.dma_semaphore, #tpu.memory_space<semaphore_mem>>)
    %slice3A_148 = vector.extract_strided_slice %get3A_3 {offsets = [4], sizes = [1], strides = [1]} : vector<16xi32> to vector<1xi32>
    %squeeze3A_149 = vector.extract %slice3A_148[0] : i32 from vector<1xi32>
    %jit3A_150 = arith.constant 128 : i32
    %div3A_151 = arith.divsi %squeeze3A_149, %jit3A_150 : i32
    %sign3A_152 = arith.constant 0 : i32
    %sign3A_153 = arith.cmpi sgt, %squeeze3A_149, %sign3A_152 : i32
    %sign3A_154 = arith.extui %sign3A_153 : i1 to i32
    %sign3A_155 = arith.constant 0 : i32
    %sign3A_156 = arith.cmpi slt, %squeeze3A_149, %sign3A_155 : i32
    %sign3A_157 = arith.extui %sign3A_156 : i1 to i32
    %sign3A_158 = arith.subi %sign3A_154, %sign3A_157 : i32
    %sign3A_159 = arith.constant 0 : i32
    %sign3A_160 = arith.cmpi sgt, %jit3A_150, %sign3A_159 : i32
    %sign3A_161 = arith.extui %sign3A_160 : i1 to i32
    %sign3A_162 = arith.constant 0 : i32
    %sign3A_163 = arith.cmpi slt, %jit3A_150, %sign3A_162 : i32
    %sign3A_164 = arith.extui %sign3A_163 : i1 to i32
    %sign3A_165 = arith.subi %sign3A_161, %sign3A_164 : i32
    %ne3A_166 = arith.cmpi ne, %sign3A_158, %sign3A_165 : i32
    %rem3A_167 = arith.remsi %squeeze3A_149, %jit3A_150 : i32
    %ne3A_168 = arith.constant 0 : i32
    %ne3A_169 = arith.cmpi ne, %rem3A_167, %ne3A_168 : i32
    %and3A_170 = arith.andi %ne3A_166, %ne3A_169 : i1
    %sub3A_171 = arith.constant 1 : i32
    %sub3A_172 = arith.subi %div3A_151, %sub3A_171 : i32
    %select_n3A_173 = arith.select %and3A_170, %sub3A_172, %div3A_151 : i32
    %mul3A_174 = arith.constant 128 : i32
    %mul3A_175 = arith.muli %select_n3A_173, %mul3A_174 : i32
    %multiple_of3A_176 = tpu.assume_multiple %mul3A_175, 128 : i32
    %dma_start3A_177 = arith.constant 0 : i32
    %dma_start3A_178 = arith.constant 512 : i32
    %dma_start3A_179 = tpu.memref_slice %arg6[%dma_start3A_177, %dma_start3A_178] : memref<16x2048xf32, #tpu.memory_space<vmem>> -> memref<16x128xf32, #tpu.memory_space<vmem>>
    %dma_start3A_180 = arith.constant 0 : i32
    %dma_start3A_181 = tpu.memref_slice %arg3[%dma_start3A_180, %multiple_of3A_176] : memref<16x1000001xf32, #tpu.memory_space<hbm>> -> memref<16x128xf32, #tpu.memory_space<hbm>>
    %dma_start3A_182 = arith.constant 0 : i32
    %dma_start3A_183 = arith.constant 512 : i32
    %dma_start3A_184 = tpu.memref_slice %arg6[%dma_start3A_182, %dma_start3A_183] : memref<16x2048xf32, #tpu.memory_space<vmem>> -> memref<16x128xf32, #tpu.memory_space<vmem>>
    %dma_start3A_185 = arith.constant 0 : i32
    %dma_start3A_186 = tpu.memref_slice %arg3[%dma_start3A_185, %multiple_of3A_176] : memref<16x1000001xf32, #tpu.memory_space<hbm>> -> memref<16x128xf32, #tpu.memory_space<hbm>>
    tpu.enqueue_dma source(%dma_start3A_186 : memref<16x128xf32, #tpu.memory_space<hbm>>) target(%dma_start3A_184 : memref<16x128xf32, #tpu.memory_space<vmem>>) target_semaphore(%arg10 : memref<!tpu.dma_semaphore, #tpu.memory_space<semaphore_mem>>)
    %slice3A_187 = vector.extract_strided_slice %get3A_3 {offsets = [5], sizes = [1], strides = [1]} : vector<16xi32> to vector<1xi32>
    %squeeze3A_188 = vector.extract %slice3A_187[0] : i32 from vector<1xi32>
    %jit3A_189 = arith.constant 128 : i32
    %div3A_190 = arith.divsi %squeeze3A_188, %jit3A_189 : i32
    %sign3A_191 = arith.constant 0 : i32
    %sign3A_192 = arith.cmpi sgt, %squeeze3A_188, %sign3A_191 : i32
    %sign3A_193 = arith.extui %sign3A_192 : i1 to i32
    %sign3A_194 = arith.constant 0 : i32
    %sign3A_195 = arith.cmpi slt, %squeeze3A_188, %sign3A_194 : i32
    %sign3A_196 = arith.extui %sign3A_195 : i1 to i32
    %sign3A_197 = arith.subi %sign3A_193, %sign3A_196 : i32
    %sign3A_198 = arith.constant 0 : i32
    %sign3A_199 = arith.cmpi sgt, %jit3A_189, %sign3A_198 : i32
    %sign3A_200 = arith.extui %sign3A_199 : i1 to i32
    %sign3A_201 = arith.constant 0 : i32
    %sign3A_202 = arith.cmpi slt, %jit3A_189, %sign3A_201 : i32
    %sign3A_203 = arith.extui %sign3A_202 : i1 to i32
    %sign3A_204 = arith.subi %sign3A_200, %sign3A_203 : i32
    %ne3A_205 = arith.cmpi ne, %sign3A_197, %sign3A_204 : i32
    %rem3A_206 = arith.remsi %squeeze3A_188, %jit3A_189 : i32
    %ne3A_207 = arith.constant 0 : i32
    %ne3A_208 = arith.cmpi ne, %rem3A_206, %ne3A_207 : i32
    %and3A_209 = arith.andi %ne3A_205, %ne3A_208 : i1
    %sub3A_210 = arith.constant 1 : i32
    %sub3A_211 = arith.subi %div3A_190, %sub3A_210 : i32
    %select_n3A_212 = arith.select %and3A_209, %sub3A_211, %div3A_190 : i32
    %mul3A_213 = arith.constant 128 : i32
    %mul3A_214 = arith.muli %select_n3A_212, %mul3A_213 : i32
    %multiple_of3A_215 = tpu.assume_multiple %mul3A_214, 128 : i32
    %dma_start3A_216 = arith.constant 0 : i32
    %dma_start3A_217 = arith.constant 640 : i32
    %dma_start3A_218 = tpu.memref_slice %arg6[%dma_start3A_216, %dma_start3A_217] : memref<16x2048xf32, #tpu.memory_space<vmem>> -> memref<16x128xf32, #tpu.memory_space<vmem>>
    %dma_start3A_219 = arith.constant 0 : i32
    %dma_start3A_220 = tpu.memref_slice %arg3[%dma_start3A_219, %multiple_of3A_215] : memref<16x1000001xf32, #tpu.memory_space<hbm>> -> memref<16x128xf32, #tpu.memory_space<hbm>>
    %dma_start3A_221 = arith.constant 0 : i32
    %dma_start3A_222 = arith.constant 640 : i32
    %dma_start3A_223 = tpu.memref_slice %arg6[%dma_start3A_221, %dma_start3A_222] : memref<16x2048xf32, #tpu.memory_space<vmem>> -> memref<16x128xf32, #tpu.memory_space<vmem>>
    %dma_start3A_224 = arith.constant 0 : i32
    %dma_start3A_225 = tpu.memref_slice %arg3[%dma_start3A_224, %multiple_of3A_215] : memref<16x1000001xf32, #tpu.memory_space<hbm>> -> memref<16x128xf32, #tpu.memory_space<hbm>>
    tpu.enqueue_dma source(%dma_start3A_225 : memref<16x128xf32, #tpu.memory_space<hbm>>) target(%dma_start3A_223 : memref<16x128xf32, #tpu.memory_space<vmem>>) target_semaphore(%arg10 : memref<!tpu.dma_semaphore, #tpu.memory_space<semaphore_mem>>)
    %slice3A_226 = vector.extract_strided_slice %get3A_3 {offsets = [6], sizes = [1], strides = [1]} : vector<16xi32> to vector<1xi32>
    %squeeze3A_227 = vector.extract %slice3A_226[0] : i32 from vector<1xi32>
    %jit3A_228 = arith.constant 128 : i32
    %div3A_229 = arith.divsi %squeeze3A_227, %jit3A_228 : i32
    %sign3A_230 = arith.constant 0 : i32
    %sign3A_231 = arith.cmpi sgt, %squeeze3A_227, %sign3A_230 : i32
    %sign3A_232 = arith.extui %sign3A_231 : i1 to i32
    %sign3A_233 = arith.constant 0 : i32
    %sign3A_234 = arith.cmpi slt, %squeeze3A_227, %sign3A_233 : i32
    %sign3A_235 = arith.extui %sign3A_234 : i1 to i32
    %sign3A_236 = arith.subi %sign3A_232, %sign3A_235 : i32
    %sign3A_237 = arith.constant 0 : i32
    %sign3A_238 = arith.cmpi sgt, %jit3A_228, %sign3A_237 : i32
    %sign3A_239 = arith.extui %sign3A_238 : i1 to i32
    %sign3A_240 = arith.constant 0 : i32
    %sign3A_241 = arith.cmpi slt, %jit3A_228, %sign3A_240 : i32
    %sign3A_242 = arith.extui %sign3A_241 : i1 to i32
    %sign3A_243 = arith.subi %sign3A_239, %sign3A_242 : i32
    %ne3A_244 = arith.cmpi ne, %sign3A_236, %sign3A_243 : i32
    %rem3A_245 = arith.remsi %squeeze3A_227, %jit3A_228 : i32
    %ne3A_246 = arith.constant 0 : i32
    %ne3A_247 = arith.cmpi ne, %rem3A_245, %ne3A_246 : i32
    %and3A_248 = arith.andi %ne3A_244, %ne3A_247 : i1
    %sub3A_249 = arith.constant 1 : i32
    %sub3A_250 = arith.subi %div3A_229, %sub3A_249 : i32
    %select_n3A_251 = arith.select %and3A_248, %sub3A_250, %div3A_229 : i32
    %mul3A_252 = arith.constant 128 : i32
    %mul3A_253 = arith.muli %select_n3A_251, %mul3A_252 : i32
    %multiple_of3A_254 = tpu.assume_multiple %mul3A_253, 128 : i32
    %dma_start3A_255 = arith.constant 0 : i32
    %dma_start3A_256 = arith.constant 768 : i32
    %dma_start3A_257 = tpu.memref_slice %arg6[%dma_start3A_255, %dma_start3A_256] : memref<16x2048xf32, #tpu.memory_space<vmem>> -> memref<16x128xf32, #tpu.memory_space<vmem>>
    %dma_start3A_258 = arith.constant 0 : i32
    %dma_start3A_259 = tpu.memref_slice %arg3[%dma_start3A_258, %multiple_of3A_254] : memref<16x1000001xf32, #tpu.memory_space<hbm>> -> memref<16x128xf32, #tpu.memory_space<hbm>>
    %dma_start3A_260 = arith.constant 0 : i32
    %dma_start3A_261 = arith.constant 768 : i32
    %dma_start3A_262 = tpu.memref_slice %arg6[%dma_start3A_260, %dma_start3A_261] : memref<16x2048xf32, #tpu.memory_space<vmem>> -> memref<16x128xf32, #tpu.memory_space<vmem>>
    %dma_start3A_263 = arith.constant 0 : i32
    %dma_start3A_264 = tpu.memref_slice %arg3[%dma_start3A_263, %multiple_of3A_254] : memref<16x1000001xf32, #tpu.memory_space<hbm>> -> memref<16x128xf32, #tpu.memory_space<hbm>>
    tpu.enqueue_dma source(%dma_start3A_264 : memref<16x128xf32, #tpu.memory_space<hbm>>) target(%dma_start3A_262 : memref<16x128xf32, #tpu.memory_space<vmem>>) target_semaphore(%arg10 : memref<!tpu.dma_semaphore, #tpu.memory_space<semaphore_mem>>)
    %slice3A_265 = vector.extract_strided_slice %get3A_3 {offsets = [7], sizes = [1], strides = [1]} : vector<16xi32> to vector<1xi32>
    %squeeze3A_266 = vector.extract %slice3A_265[0] : i32 from vector<1xi32>
    %jit3A_267 = arith.constant 128 : i32
    %div3A_268 = arith.divsi %squeeze3A_266, %jit3A_267 : i32
    %sign3A_269 = arith.constant 0 : i32
    %sign3A_270 = arith.cmpi sgt, %squeeze3A_266, %sign3A_269 : i32
    %sign3A_271 = arith.extui %sign3A_270 : i1 to i32
    %sign3A_272 = arith.constant 0 : i32
    %sign3A_273 = arith.cmpi slt, %squeeze3A_266, %sign3A_272 : i32
    %sign3A_274 = arith.extui %sign3A_273 : i1 to i32
    %sign3A_275 = arith.subi %sign3A_271, %sign3A_274 : i32
    %sign3A_276 = arith.constant 0 : i32
    %sign3A_277 = arith.cmpi sgt, %jit3A_267, %sign3A_276 : i32
    %sign3A_278 = arith.extui %sign3A_277 : i1 to i32
    %sign3A_279 = arith.constant 0 : i32
    %sign3A_280 = arith.cmpi slt, %jit3A_267, %sign3A_279 : i32
    %sign3A_281 = arith.extui %sign3A_280 : i1 to i32
    %sign3A_282 = arith.subi %sign3A_278, %sign3A_281 : i32
    %ne3A_283 = arith.cmpi ne, %sign3A_275, %sign3A_282 : i32
    %rem3A_284 = arith.remsi %squeeze3A_266, %jit3A_267 : i32
    %ne3A_285 = arith.constant 0 : i32
    %ne3A_286 = arith.cmpi ne, %rem3A_284, %ne3A_285 : i32
    %and3A_287 = arith.andi %ne3A_283, %ne3A_286 : i1
    %sub3A_288 = arith.constant 1 : i32
    %sub3A_289 = arith.subi %div3A_268, %sub3A_288 : i32
    %select_n3A_290 = arith.select %and3A_287, %sub3A_289, %div3A_268 : i32
    %mul3A_291 = arith.constant 128 : i32
    %mul3A_292 = arith.muli %select_n3A_290, %mul3A_291 : i32
    %multiple_of3A_293 = tpu.assume_multiple %mul3A_292, 128 : i32
    %dma_start3A_294 = arith.constant 0 : i32
    %dma_start3A_295 = arith.constant 896 : i32
    %dma_start3A_296 = tpu.memref_slice %arg6[%dma_start3A_294, %dma_start3A_295] : memref<16x2048xf32, #tpu.memory_space<vmem>> -> memref<16x128xf32, #tpu.memory_space<vmem>>
    %dma_start3A_297 = arith.constant 0 : i32
    %dma_start3A_298 = tpu.memref_slice %arg3[%dma_start3A_297, %multiple_of3A_293] : memref<16x1000001xf32, #tpu.memory_space<hbm>> -> memref<16x128xf32, #tpu.memory_space<hbm>>
    %dma_start3A_299 = arith.constant 0 : i32
    %dma_start3A_300 = arith.constant 896 : i32
    %dma_start3A_301 = tpu.memref_slice %arg6[%dma_start3A_299, %dma_start3A_300] : memref<16x2048xf32, #tpu.memory_space<vmem>> -> memref<16x128xf32, #tpu.memory_space<vmem>>
    %dma_start3A_302 = arith.constant 0 : i32
    %dma_start3A_303 = tpu.memref_slice %arg3[%dma_start3A_302, %multiple_of3A_293] : memref<16x1000001xf32, #tpu.memory_space<hbm>> -> memref<16x128xf32, #tpu.memory_space<hbm>>
    tpu.enqueue_dma source(%dma_start3A_303 : memref<16x128xf32, #tpu.memory_space<hbm>>) target(%dma_start3A_301 : memref<16x128xf32, #tpu.memory_space<vmem>>) target_semaphore(%arg10 : memref<!tpu.dma_semaphore, #tpu.memory_space<semaphore_mem>>)
    %slice3A_304 = vector.extract_strided_slice %get3A_3 {offsets = [8], sizes = [1], strides = [1]} : vector<16xi32> to vector<1xi32>
    %squeeze3A_305 = vector.extract %slice3A_304[0] : i32 from vector<1xi32>
    %jit3A_306 = arith.constant 128 : i32
    %div3A_307 = arith.divsi %squeeze3A_305, %jit3A_306 : i32
    %sign3A_308 = arith.constant 0 : i32
    %sign3A_309 = arith.cmpi sgt, %squeeze3A_305, %sign3A_308 : i32
    %sign3A_310 = arith.extui %sign3A_309 : i1 to i32
    %sign3A_311 = arith.constant 0 : i32
    %sign3A_312 = arith.cmpi slt, %squeeze3A_305, %sign3A_311 : i32
    %sign3A_313 = arith.extui %sign3A_312 : i1 to i32
    %sign3A_314 = arith.subi %sign3A_310, %sign3A_313 : i32
    %sign3A_315 = arith.constant 0 : i32
    %sign3A_316 = arith.cmpi sgt, %jit3A_306, %sign3A_315 : i32
    %sign3A_317 = arith.extui %sign3A_316 : i1 to i32
    %sign3A_318 = arith.constant 0 : i32
    %sign3A_319 = arith.cmpi slt, %jit3A_306, %sign3A_318 : i32
    %sign3A_320 = arith.extui %sign3A_319 : i1 to i32
    %sign3A_321 = arith.subi %sign3A_317, %sign3A_320 : i32
    %ne3A_322 = arith.cmpi ne, %sign3A_314, %sign3A_321 : i32
    %rem3A_323 = arith.remsi %squeeze3A_305, %jit3A_306 : i32
    %ne3A_324 = arith.constant 0 : i32
    %ne3A_325 = arith.cmpi ne, %rem3A_323, %ne3A_324 : i32
    %and3A_326 = arith.andi %ne3A_322, %ne3A_325 : i1
    %sub3A_327 = arith.constant 1 : i32
    %sub3A_328 = arith.subi %div3A_307, %sub3A_327 : i32
    %select_n3A_329 = arith.select %and3A_326, %sub3A_328, %div3A_307 : i32
    %mul3A_330 = arith.constant 128 : i32
    %mul3A_331 = arith.muli %select_n3A_329, %mul3A_330 : i32
    %multiple_of3A_332 = tpu.assume_multiple %mul3A_331, 128 : i32
    %dma_start3A_333 = arith.constant 0 : i32
    %dma_start3A_334 = arith.constant 1024 : i32
    %dma_start3A_335 = tpu.memref_slice %arg6[%dma_start3A_333, %dma_start3A_334] : memref<16x2048xf32, #tpu.memory_space<vmem>> -> memref<16x128xf32, #tpu.memory_space<vmem>>
    %dma_start3A_336 = arith.constant 0 : i32
    %dma_start3A_337 = tpu.memref_slice %arg3[%dma_start3A_336, %multiple_of3A_332] : memref<16x1000001xf32, #tpu.memory_space<hbm>> -> memref<16x128xf32, #tpu.memory_space<hbm>>
    %dma_start3A_338 = arith.constant 0 : i32
    %dma_start3A_339 = arith.constant 1024 : i32
    %dma_start3A_340 = tpu.memref_slice %arg6[%dma_start3A_338, %dma_start3A_339] : memref<16x2048xf32, #tpu.memory_space<vmem>> -> memref<16x128xf32, #tpu.memory_space<vmem>>
    %dma_start3A_341 = arith.constant 0 : i32
    %dma_start3A_342 = tpu.memref_slice %arg3[%dma_start3A_341, %multiple_of3A_332] : memref<16x1000001xf32, #tpu.memory_space<hbm>> -> memref<16x128xf32, #tpu.memory_space<hbm>>
    tpu.enqueue_dma source(%dma_start3A_342 : memref<16x128xf32, #tpu.memory_space<hbm>>) target(%dma_start3A_340 : memref<16x128xf32, #tpu.memory_space<vmem>>) target_semaphore(%arg10 : memref<!tpu.dma_semaphore, #tpu.memory_space<semaphore_mem>>)
    %slice3A_343 = vector.extract_strided_slice %get3A_3 {offsets = [9], sizes = [1], strides = [1]} : vector<16xi32> to vector<1xi32>
    %squeeze3A_344 = vector.extract %slice3A_343[0] : i32 from vector<1xi32>
    %jit3A_345 = arith.constant 128 : i32
    %div3A_346 = arith.divsi %squeeze3A_344, %jit3A_345 : i32
    %sign3A_347 = arith.constant 0 : i32
    %sign3A_348 = arith.cmpi sgt, %squeeze3A_344, %sign3A_347 : i32
    %sign3A_349 = arith.extui %sign3A_348 : i1 to i32
    %sign3A_350 = arith.constant 0 : i32
    %sign3A_351 = arith.cmpi slt, %squeeze3A_344, %sign3A_350 : i32
    %sign3A_352 = arith.extui %sign3A_351 : i1 to i32
    %sign3A_353 = arith.subi %sign3A_349, %sign3A_352 : i32
    %sign3A_354 = arith.constant 0 : i32
    %sign3A_355 = arith.cmpi sgt, %jit3A_345, %sign3A_354 : i32
    %sign3A_356 = arith.extui %sign3A_355 : i1 to i32
    %sign3A_357 = arith.constant 0 : i32
    %sign3A_358 = arith.cmpi slt, %jit3A_345, %sign3A_357 : i32
    %sign3A_359 = arith.extui %sign3A_358 : i1 to i32
    %sign3A_360 = arith.subi %sign3A_356, %sign3A_359 : i32
    %ne3A_361 = arith.cmpi ne, %sign3A_353, %sign3A_360 : i32
    %rem3A_362 = arith.remsi %squeeze3A_344, %jit3A_345 : i32
    %ne3A_363 = arith.constant 0 : i32
    %ne3A_364 = arith.cmpi ne, %rem3A_362, %ne3A_363 : i32
    %and3A_365 = arith.andi %ne3A_361, %ne3A_364 : i1
    %sub3A_366 = arith.constant 1 : i32
    %sub3A_367 = arith.subi %div3A_346, %sub3A_366 : i32
    %select_n3A_368 = arith.select %and3A_365, %sub3A_367, %div3A_346 : i32
    %mul3A_369 = arith.constant 128 : i32
    %mul3A_370 = arith.muli %select_n3A_368, %mul3A_369 : i32
    %multiple_of3A_371 = tpu.assume_multiple %mul3A_370, 128 : i32
    %dma_start3A_372 = arith.constant 0 : i32
    %dma_start3A_373 = arith.constant 1152 : i32
    %dma_start3A_374 = tpu.memref_slice %arg6[%dma_start3A_372, %dma_start3A_373] : memref<16x2048xf32, #tpu.memory_space<vmem>> -> memref<16x128xf32, #tpu.memory_space<vmem>>
    %dma_start3A_375 = arith.constant 0 : i32
    %dma_start3A_376 = tpu.memref_slice %arg3[%dma_start3A_375, %multiple_of3A_371] : memref<16x1000001xf32, #tpu.memory_space<hbm>> -> memref<16x128xf32, #tpu.memory_space<hbm>>
    %dma_start3A_377 = arith.constant 0 : i32
    %dma_start3A_378 = arith.constant 1152 : i32
    %dma_start3A_379 = tpu.memref_slice %arg6[%dma_start3A_377, %dma_start3A_378] : memref<16x2048xf32, #tpu.memory_space<vmem>> -> memref<16x128xf32, #tpu.memory_space<vmem>>
    %dma_start3A_380 = arith.constant 0 : i32
    %dma_start3A_381 = tpu.memref_slice %arg3[%dma_start3A_380, %multiple_of3A_371] : memref<16x1000001xf32, #tpu.memory_space<hbm>> -> memref<16x128xf32, #tpu.memory_space<hbm>>
    tpu.enqueue_dma source(%dma_start3A_381 : memref<16x128xf32, #tpu.memory_space<hbm>>) target(%dma_start3A_379 : memref<16x128xf32, #tpu.memory_space<vmem>>) target_semaphore(%arg10 : memref<!tpu.dma_semaphore, #tpu.memory_space<semaphore_mem>>)
    %slice3A_382 = vector.extract_strided_slice %get3A_3 {offsets = [10], sizes = [1], strides = [1]} : vector<16xi32> to vector<1xi32>
    %squeeze3A_383 = vector.extract %slice3A_382[0] : i32 from vector<1xi32>
    %jit3A_384 = arith.constant 128 : i32
    %div3A_385 = arith.divsi %squeeze3A_383, %jit3A_384 : i32
    %sign3A_386 = arith.constant 0 : i32
    %sign3A_387 = arith.cmpi sgt, %squeeze3A_383, %sign3A_386 : i32
    %sign3A_388 = arith.extui %sign3A_387 : i1 to i32
    %sign3A_389 = arith.constant 0 : i32
    %sign3A_390 = arith.cmpi slt, %squeeze3A_383, %sign3A_389 : i32
    %sign3A_391 = arith.extui %sign3A_390 : i1 to i32
    %sign3A_392 = arith.subi %sign3A_388, %sign3A_391 : i32
    %sign3A_393 = arith.constant 0 : i32
    %sign3A_394 = arith.cmpi sgt, %jit3A_384, %sign3A_393 : i32
    %sign3A_395 = arith.extui %sign3A_394 : i1 to i32
    %sign3A_396 = arith.constant 0 : i32
    %sign3A_397 = arith.cmpi slt, %jit3A_384, %sign3A_396 : i32
    %sign3A_398 = arith.extui %sign3A_397 : i1 to i32
    %sign3A_399 = arith.subi %sign3A_395, %sign3A_398 : i32
    %ne3A_400 = arith.cmpi ne, %sign3A_392, %sign3A_399 : i32
    %rem3A_401 = arith.remsi %squeeze3A_383, %jit3A_384 : i32
    %ne3A_402 = arith.constant 0 : i32
    %ne3A_403 = arith.cmpi ne, %rem3A_401, %ne3A_402 : i32
    %and3A_404 = arith.andi %ne3A_400, %ne3A_403 : i1
    %sub3A_405 = arith.constant 1 : i32
    %sub3A_406 = arith.subi %div3A_385, %sub3A_405 : i32
    %select_n3A_407 = arith.select %and3A_404, %sub3A_406, %div3A_385 : i32
    %mul3A_408 = arith.constant 128 : i32
    %mul3A_409 = arith.muli %select_n3A_407, %mul3A_408 : i32
    %multiple_of3A_410 = tpu.assume_multiple %mul3A_409, 128 : i32
    %dma_start3A_411 = arith.constant 0 : i32
    %dma_start3A_412 = arith.constant 1280 : i32
    %dma_start3A_413 = tpu.memref_slice %arg6[%dma_start3A_411, %dma_start3A_412] : memref<16x2048xf32, #tpu.memory_space<vmem>> -> memref<16x128xf32, #tpu.memory_space<vmem>>
    %dma_start3A_414 = arith.constant 0 : i32
    %dma_start3A_415 = tpu.memref_slice %arg3[%dma_start3A_414, %multiple_of3A_410] : memref<16x1000001xf32, #tpu.memory_space<hbm>> -> memref<16x128xf32, #tpu.memory_space<hbm>>
    %dma_start3A_416 = arith.constant 0 : i32
    %dma_start3A_417 = arith.constant 1280 : i32
    %dma_start3A_418 = tpu.memref_slice %arg6[%dma_start3A_416, %dma_start3A_417] : memref<16x2048xf32, #tpu.memory_space<vmem>> -> memref<16x128xf32, #tpu.memory_space<vmem>>
    %dma_start3A_419 = arith.constant 0 : i32
    %dma_start3A_420 = tpu.memref_slice %arg3[%dma_start3A_419, %multiple_of3A_410] : memref<16x1000001xf32, #tpu.memory_space<hbm>> -> memref<16x128xf32, #tpu.memory_space<hbm>>
    tpu.enqueue_dma source(%dma_start3A_420 : memref<16x128xf32, #tpu.memory_space<hbm>>) target(%dma_start3A_418 : memref<16x128xf32, #tpu.memory_space<vmem>>) target_semaphore(%arg10 : memref<!tpu.dma_semaphore, #tpu.memory_space<semaphore_mem>>)
    %slice3A_421 = vector.extract_strided_slice %get3A_3 {offsets = [11], sizes = [1], strides = [1]} : vector<16xi32> to vector<1xi32>
    %squeeze3A_422 = vector.extract %slice3A_421[0] : i32 from vector<1xi32>
    %jit3A_423 = arith.constant 128 : i32
    %div3A_424 = arith.divsi %squeeze3A_422, %jit3A_423 : i32
    %sign3A_425 = arith.constant 0 : i32
    %sign3A_426 = arith.cmpi sgt, %squeeze3A_422, %sign3A_425 : i32
    %sign3A_427 = arith.extui %sign3A_426 : i1 to i32
    %sign3A_428 = arith.constant 0 : i32
    %sign3A_429 = arith.cmpi slt, %squeeze3A_422, %sign3A_428 : i32
    %sign3A_430 = arith.extui %sign3A_429 : i1 to i32
    %sign3A_431 = arith.subi %sign3A_427, %sign3A_430 : i32
    %sign3A_432 = arith.constant 0 : i32
    %sign3A_433 = arith.cmpi sgt, %jit3A_423, %sign3A_432 : i32
    %sign3A_434 = arith.extui %sign3A_433 : i1 to i32
    %sign3A_435 = arith.constant 0 : i32
    %sign3A_436 = arith.cmpi slt, %jit3A_423, %sign3A_435 : i32
    %sign3A_437 = arith.extui %sign3A_436 : i1 to i32
    %sign3A_438 = arith.subi %sign3A_434, %sign3A_437 : i32
    %ne3A_439 = arith.cmpi ne, %sign3A_431, %sign3A_438 : i32
    %rem3A_440 = arith.remsi %squeeze3A_422, %jit3A_423 : i32
    %ne3A_441 = arith.constant 0 : i32
    %ne3A_442 = arith.cmpi ne, %rem3A_440, %ne3A_441 : i32
    %and3A_443 = arith.andi %ne3A_439, %ne3A_442 : i1
    %sub3A_444 = arith.constant 1 : i32
    %sub3A_445 = arith.subi %div3A_424, %sub3A_444 : i32
    %select_n3A_446 = arith.select %and3A_443, %sub3A_445, %div3A_424 : i32
    %mul3A_447 = arith.constant 128 : i32
    %mul3A_448 = arith.muli %select_n3A_446, %mul3A_447 : i32
    %multiple_of3A_449 = tpu.assume_multiple %mul3A_448, 128 : i32
    %dma_start3A_450 = arith.constant 0 : i32
    %dma_start3A_451 = arith.constant 1408 : i32
    %dma_start3A_452 = tpu.memref_slice %arg6[%dma_start3A_450, %dma_start3A_451] : memref<16x2048xf32, #tpu.memory_space<vmem>> -> memref<16x128xf32, #tpu.memory_space<vmem>>
    %dma_start3A_453 = arith.constant 0 : i32
    %dma_start3A_454 = tpu.memref_slice %arg3[%dma_start3A_453, %multiple_of3A_449] : memref<16x1000001xf32, #tpu.memory_space<hbm>> -> memref<16x128xf32, #tpu.memory_space<hbm>>
    %dma_start3A_455 = arith.constant 0 : i32
    %dma_start3A_456 = arith.constant 1408 : i32
    %dma_start3A_457 = tpu.memref_slice %arg6[%dma_start3A_455, %dma_start3A_456] : memref<16x2048xf32, #tpu.memory_space<vmem>> -> memref<16x128xf32, #tpu.memory_space<vmem>>
    %dma_start3A_458 = arith.constant 0 : i32
    %dma_start3A_459 = tpu.memref_slice %arg3[%dma_start3A_458, %multiple_of3A_449] : memref<16x1000001xf32, #tpu.memory_space<hbm>> -> memref<16x128xf32, #tpu.memory_space<hbm>>
    tpu.enqueue_dma source(%dma_start3A_459 : memref<16x128xf32, #tpu.memory_space<hbm>>) target(%dma_start3A_457 : memref<16x128xf32, #tpu.memory_space<vmem>>) target_semaphore(%arg10 : memref<!tpu.dma_semaphore, #tpu.memory_space<semaphore_mem>>)
    %slice3A_460 = vector.extract_strided_slice %get3A_3 {offsets = [12], sizes = [1], strides = [1]} : vector<16xi32> to vector<1xi32>
    %squeeze3A_461 = vector.extract %slice3A_460[0] : i32 from vector<1xi32>
    %jit3A_462 = arith.constant 128 : i32
    %div3A_463 = arith.divsi %squeeze3A_461, %jit3A_462 : i32
    %sign3A_464 = arith.constant 0 : i32
    %sign3A_465 = arith.cmpi sgt, %squeeze3A_461, %sign3A_464 : i32
    %sign3A_466 = arith.extui %sign3A_465 : i1 to i32
    %sign3A_467 = arith.constant 0 : i32
    %sign3A_468 = arith.cmpi slt, %squeeze3A_461, %sign3A_467 : i32
    %sign3A_469 = arith.extui %sign3A_468 : i1 to i32
    %sign3A_470 = arith.subi %sign3A_466, %sign3A_469 : i32
    %sign3A_471 = arith.constant 0 : i32
    %sign3A_472 = arith.cmpi sgt, %jit3A_462, %sign3A_471 : i32
    %sign3A_473 = arith.extui %sign3A_472 : i1 to i32
    %sign3A_474 = arith.constant 0 : i32
    %sign3A_475 = arith.cmpi slt, %jit3A_462, %sign3A_474 : i32
    %sign3A_476 = arith.extui %sign3A_475 : i1 to i32
    %sign3A_477 = arith.subi %sign3A_473, %sign3A_476 : i32
    %ne3A_478 = arith.cmpi ne, %sign3A_470, %sign3A_477 : i32
    %rem3A_479 = arith.remsi %squeeze3A_461, %jit3A_462 : i32
    %ne3A_480 = arith.constant 0 : i32
    %ne3A_481 = arith.cmpi ne, %rem3A_479, %ne3A_480 : i32
    %and3A_482 = arith.andi %ne3A_478, %ne3A_481 : i1
    %sub3A_483 = arith.constant 1 : i32
    %sub3A_484 = arith.subi %div3A_463, %sub3A_483 : i32
    %select_n3A_485 = arith.select %and3A_482, %sub3A_484, %div3A_463 : i32
    %mul3A_486 = arith.constant 128 : i32
    %mul3A_487 = arith.muli %select_n3A_485, %mul3A_486 : i32
    %multiple_of3A_488 = tpu.assume_multiple %mul3A_487, 128 : i32
    %dma_start3A_489 = arith.constant 0 : i32
    %dma_start3A_490 = arith.constant 1536 : i32
    %dma_start3A_491 = tpu.memref_slice %arg6[%dma_start3A_489, %dma_start3A_490] : memref<16x2048xf32, #tpu.memory_space<vmem>> -> memref<16x128xf32, #tpu.memory_space<vmem>>
    %dma_start3A_492 = arith.constant 0 : i32
    %dma_start3A_493 = tpu.memref_slice %arg3[%dma_start3A_492, %multiple_of3A_488] : memref<16x1000001xf32, #tpu.memory_space<hbm>> -> memref<16x128xf32, #tpu.memory_space<hbm>>
    %dma_start3A_494 = arith.constant 0 : i32
    %dma_start3A_495 = arith.constant 1536 : i32
    %dma_start3A_496 = tpu.memref_slice %arg6[%dma_start3A_494, %dma_start3A_495] : memref<16x2048xf32, #tpu.memory_space<vmem>> -> memref<16x128xf32, #tpu.memory_space<vmem>>
    %dma_start3A_497 = arith.constant 0 : i32
    %dma_start3A_498 = tpu.memref_slice %arg3[%dma_start3A_497, %multiple_of3A_488] : memref<16x1000001xf32, #tpu.memory_space<hbm>> -> memref<16x128xf32, #tpu.memory_space<hbm>>
    tpu.enqueue_dma source(%dma_start3A_498 : memref<16x128xf32, #tpu.memory_space<hbm>>) target(%dma_start3A_496 : memref<16x128xf32, #tpu.memory_space<vmem>>) target_semaphore(%arg10 : memref<!tpu.dma_semaphore, #tpu.memory_space<semaphore_mem>>)
    %slice3A_499 = vector.extract_strided_slice %get3A_3 {offsets = [13], sizes = [1], strides = [1]} : vector<16xi32> to vector<1xi32>
    %squeeze3A_500 = vector.extract %slice3A_499[0] : i32 from vector<1xi32>
    %jit3A_501 = arith.constant 128 : i32
    %div3A_502 = arith.divsi %squeeze3A_500, %jit3A_501 : i32
    %sign3A_503 = arith.constant 0 : i32
    %sign3A_504 = arith.cmpi sgt, %squeeze3A_500, %sign3A_503 : i32
    %sign3A_505 = arith.extui %sign3A_504 : i1 to i32
    %sign3A_506 = arith.constant 0 : i32
    %sign3A_507 = arith.cmpi slt, %squeeze3A_500, %sign3A_506 : i32
    %sign3A_508 = arith.extui %sign3A_507 : i1 to i32
    %sign3A_509 = arith.subi %sign3A_505, %sign3A_508 : i32
    %sign3A_510 = arith.constant 0 : i32
    %sign3A_511 = arith.cmpi sgt, %jit3A_501, %sign3A_510 : i32
    %sign3A_512 = arith.extui %sign3A_511 : i1 to i32
    %sign3A_513 = arith.constant 0 : i32
    %sign3A_514 = arith.cmpi slt, %jit3A_501, %sign3A_513 : i32
    %sign3A_515 = arith.extui %sign3A_514 : i1 to i32
    %sign3A_516 = arith.subi %sign3A_512, %sign3A_515 : i32
    %ne3A_517 = arith.cmpi ne, %sign3A_509, %sign3A_516 : i32
    %rem3A_518 = arith.remsi %squeeze3A_500, %jit3A_501 : i32
    %ne3A_519 = arith.constant 0 : i32
    %ne3A_520 = arith.cmpi ne, %rem3A_518, %ne3A_519 : i32
    %and3A_521 = arith.andi %ne3A_517, %ne3A_520 : i1
    %sub3A_522 = arith.constant 1 : i32
    %sub3A_523 = arith.subi %div3A_502, %sub3A_522 : i32
    %select_n3A_524 = arith.select %and3A_521, %sub3A_523, %div3A_502 : i32
    %mul3A_525 = arith.constant 128 : i32
    %mul3A_526 = arith.muli %select_n3A_524, %mul3A_525 : i32
    %multiple_of3A_527 = tpu.assume_multiple %mul3A_526, 128 : i32
    %dma_start3A_528 = arith.constant 0 : i32
    %dma_start3A_529 = arith.constant 1664 : i32
    %dma_start3A_530 = tpu.memref_slice %arg6[%dma_start3A_528, %dma_start3A_529] : memref<16x2048xf32, #tpu.memory_space<vmem>> -> memref<16x128xf32, #tpu.memory_space<vmem>>
    %dma_start3A_531 = arith.constant 0 : i32
    %dma_start3A_532 = tpu.memref_slice %arg3[%dma_start3A_531, %multiple_of3A_527] : memref<16x1000001xf32, #tpu.memory_space<hbm>> -> memref<16x128xf32, #tpu.memory_space<hbm>>
    %dma_start3A_533 = arith.constant 0 : i32
    %dma_start3A_534 = arith.constant 1664 : i32
    %dma_start3A_535 = tpu.memref_slice %arg6[%dma_start3A_533, %dma_start3A_534] : memref<16x2048xf32, #tpu.memory_space<vmem>> -> memref<16x128xf32, #tpu.memory_space<vmem>>
    %dma_start3A_536 = arith.constant 0 : i32
    %dma_start3A_537 = tpu.memref_slice %arg3[%dma_start3A_536, %multiple_of3A_527] : memref<16x1000001xf32, #tpu.memory_space<hbm>> -> memref<16x128xf32, #tpu.memory_space<hbm>>
    tpu.enqueue_dma source(%dma_start3A_537 : memref<16x128xf32, #tpu.memory_space<hbm>>) target(%dma_start3A_535 : memref<16x128xf32, #tpu.memory_space<vmem>>) target_semaphore(%arg10 : memref<!tpu.dma_semaphore, #tpu.memory_space<semaphore_mem>>)
    %slice3A_538 = vector.extract_strided_slice %get3A_3 {offsets = [14], sizes = [1], strides = [1]} : vector<16xi32> to vector<1xi32>
    %squeeze3A_539 = vector.extract %slice3A_538[0] : i32 from vector<1xi32>
    %jit3A_540 = arith.constant 128 : i32
    %div3A_541 = arith.divsi %squeeze3A_539, %jit3A_540 : i32
    %sign3A_542 = arith.constant 0 : i32
    %sign3A_543 = arith.cmpi sgt, %squeeze3A_539, %sign3A_542 : i32
    %sign3A_544 = arith.extui %sign3A_543 : i1 to i32
    %sign3A_545 = arith.constant 0 : i32
    %sign3A_546 = arith.cmpi slt, %squeeze3A_539, %sign3A_545 : i32
    %sign3A_547 = arith.extui %sign3A_546 : i1 to i32
    %sign3A_548 = arith.subi %sign3A_544, %sign3A_547 : i32
    %sign3A_549 = arith.constant 0 : i32
    %sign3A_550 = arith.cmpi sgt, %jit3A_540, %sign3A_549 : i32
    %sign3A_551 = arith.extui %sign3A_550 : i1 to i32
    %sign3A_552 = arith.constant 0 : i32
    %sign3A_553 = arith.cmpi slt, %jit3A_540, %sign3A_552 : i32
    %sign3A_554 = arith.extui %sign3A_553 : i1 to i32
    %sign3A_555 = arith.subi %sign3A_551, %sign3A_554 : i32
    %ne3A_556 = arith.cmpi ne, %sign3A_548, %sign3A_555 : i32
    %rem3A_557 = arith.remsi %squeeze3A_539, %jit3A_540 : i32
    %ne3A_558 = arith.constant 0 : i32
    %ne3A_559 = arith.cmpi ne, %rem3A_557, %ne3A_558 : i32
    %and3A_560 = arith.andi %ne3A_556, %ne3A_559 : i1
    %sub3A_561 = arith.constant 1 : i32
    %sub3A_562 = arith.subi %div3A_541, %sub3A_561 : i32
    %select_n3A_563 = arith.select %and3A_560, %sub3A_562, %div3A_541 : i32
    %mul3A_564 = arith.constant 128 : i32
    %mul3A_565 = arith.muli %select_n3A_563, %mul3A_564 : i32
    %multiple_of3A_566 = tpu.assume_multiple %mul3A_565, 128 : i32
    %dma_start3A_567 = arith.constant 0 : i32
    %dma_start3A_568 = arith.constant 1792 : i32
    %dma_start3A_569 = tpu.memref_slice %arg6[%dma_start3A_567, %dma_start3A_568] : memref<16x2048xf32, #tpu.memory_space<vmem>> -> memref<16x128xf32, #tpu.memory_space<vmem>>
    %dma_start3A_570 = arith.constant 0 : i32
    %dma_start3A_571 = tpu.memref_slice %arg3[%dma_start3A_570, %multiple_of3A_566] : memref<16x1000001xf32, #tpu.memory_space<hbm>> -> memref<16x128xf32, #tpu.memory_space<hbm>>
    %dma_start3A_572 = arith.constant 0 : i32
    %dma_start3A_573 = arith.constant 1792 : i32
    %dma_start3A_574 = tpu.memref_slice %arg6[%dma_start3A_572, %dma_start3A_573] : memref<16x2048xf32, #tpu.memory_space<vmem>> -> memref<16x128xf32, #tpu.memory_space<vmem>>
    %dma_start3A_575 = arith.constant 0 : i32
    %dma_start3A_576 = tpu.memref_slice %arg3[%dma_start3A_575, %multiple_of3A_566] : memref<16x1000001xf32, #tpu.memory_space<hbm>> -> memref<16x128xf32, #tpu.memory_space<hbm>>
    tpu.enqueue_dma source(%dma_start3A_576 : memref<16x128xf32, #tpu.memory_space<hbm>>) target(%dma_start3A_574 : memref<16x128xf32, #tpu.memory_space<vmem>>) target_semaphore(%arg10 : memref<!tpu.dma_semaphore, #tpu.memory_space<semaphore_mem>>)
    %slice3A_577 = vector.extract_strided_slice %get3A_3 {offsets = [15], sizes = [1], strides = [1]} : vector<16xi32> to vector<1xi32>
    %squeeze3A_578 = vector.extract %slice3A_577[0] : i32 from vector<1xi32>
    %jit3A_579 = arith.constant 128 : i32
    %div3A_580 = arith.divsi %squeeze3A_578, %jit3A_579 : i32
    %sign3A_581 = arith.constant 0 : i32
    %sign3A_582 = arith.cmpi sgt, %squeeze3A_578, %sign3A_581 : i32
    %sign3A_583 = arith.extui %sign3A_582 : i1 to i32
    %sign3A_584 = arith.constant 0 : i32
    %sign3A_585 = arith.cmpi slt, %squeeze3A_578, %sign3A_584 : i32
    %sign3A_586 = arith.extui %sign3A_585 : i1 to i32
    %sign3A_587 = arith.subi %sign3A_583, %sign3A_586 : i32
    %sign3A_588 = arith.constant 0 : i32
    %sign3A_589 = arith.cmpi sgt, %jit3A_579, %sign3A_588 : i32
    %sign3A_590 = arith.extui %sign3A_589 : i1 to i32
    %sign3A_591 = arith.constant 0 : i32
    %sign3A_592 = arith.cmpi slt, %jit3A_579, %sign3A_591 : i32
    %sign3A_593 = arith.extui %sign3A_592 : i1 to i32
    %sign3A_594 = arith.subi %sign3A_590, %sign3A_593 : i32
    %ne3A_595 = arith.cmpi ne, %sign3A_587, %sign3A_594 : i32
    %rem3A_596 = arith.remsi %squeeze3A_578, %jit3A_579 : i32
    %ne3A_597 = arith.constant 0 : i32
    %ne3A_598 = arith.cmpi ne, %rem3A_596, %ne3A_597 : i32
    %and3A_599 = arith.andi %ne3A_595, %ne3A_598 : i1
    %sub3A_600 = arith.constant 1 : i32
    %sub3A_601 = arith.subi %div3A_580, %sub3A_600 : i32
    %select_n3A_602 = arith.select %and3A_599, %sub3A_601, %div3A_580 : i32
    %mul3A_603 = arith.constant 128 : i32
    %mul3A_604 = arith.muli %select_n3A_602, %mul3A_603 : i32
    %multiple_of3A_605 = tpu.assume_multiple %mul3A_604, 128 : i32
    %dma_start3A_606 = arith.constant 0 : i32
    %dma_start3A_607 = arith.constant 1920 : i32
    %dma_start3A_608 = tpu.memref_slice %arg6[%dma_start3A_606, %dma_start3A_607] : memref<16x2048xf32, #tpu.memory_space<vmem>> -> memref<16x128xf32, #tpu.memory_space<vmem>>
    %dma_start3A_609 = arith.constant 0 : i32
    %dma_start3A_610 = tpu.memref_slice %arg3[%dma_start3A_609, %multiple_of3A_605] : memref<16x1000001xf32, #tpu.memory_space<hbm>> -> memref<16x128xf32, #tpu.memory_space<hbm>>
    %dma_start3A_611 = arith.constant 0 : i32
    %dma_start3A_612 = arith.constant 1920 : i32
    %dma_start3A_613 = tpu.memref_slice %arg6[%dma_start3A_611, %dma_start3A_612] : memref<16x2048xf32, #tpu.memory_space<vmem>> -> memref<16x128xf32, #tpu.memory_space<vmem>>
    %dma_start3A_614 = arith.constant 0 : i32
    %dma_start3A_615 = tpu.memref_slice %arg3[%dma_start3A_614, %multiple_of3A_605] : memref<16x1000001xf32, #tpu.memory_space<hbm>> -> memref<16x128xf32, #tpu.memory_space<hbm>>
    tpu.enqueue_dma source(%dma_start3A_615 : memref<16x128xf32, #tpu.memory_space<hbm>>) target(%dma_start3A_613 : memref<16x128xf32, #tpu.memory_space<vmem>>) target_semaphore(%arg10 : memref<!tpu.dma_semaphore, #tpu.memory_space<semaphore_mem>>)
    %get3A_616 = arith.constant 16 : index
    %get3A_617 = tpu.vector_load %arg5[%get3A_616] {strides = array<i32>} : memref<512xi32, #tpu.memory_space<vmem>>, vector<16xi32>,
    %slice3A_618 = vector.extract_strided_slice %get3A_617 {offsets = [0], sizes = [1], strides = [1]} : vector<16xi32> to vector<1xi32>
    %squeeze3A_619 = vector.extract %slice3A_618[0] : i32 from vector<1xi32>
    %jit3A_620 = arith.constant 128 : i32
    %div3A_621 = arith.divsi %squeeze3A_619, %jit3A_620 : i32
    %sign3A_622 = arith.constant 0 : i32
    %sign3A_623 = arith.cmpi sgt, %squeeze3A_619, %sign3A_622 : i32
    %sign3A_624 = arith.extui %sign3A_623 : i1 to i32
    %sign3A_625 = arith.constant 0 : i32
    %sign3A_626 = arith.cmpi slt, %squeeze3A_619, %sign3A_625 : i32
    %sign3A_627 = arith.extui %sign3A_626 : i1 to i32
    %sign3A_628 = arith.subi %sign3A_624, %sign3A_627 : i32
    %sign3A_629 = arith.constant 0 : i32
    %sign3A_630 = arith.cmpi sgt, %jit3A_620, %sign3A_629 : i32
    %sign3A_631 = arith.extui %sign3A_630 : i1 to i32
    %sign3A_632 = arith.constant 0 : i32
    %sign3A_633 = arith.cmpi slt, %jit3A_620, %sign3A_632 : i32
    %sign3A_634 = arith.extui %sign3A_633 : i1 to i32
    %sign3A_635 = arith.subi %sign3A_631, %sign3A_634 : i32
    %ne3A_636 = arith.cmpi ne, %sign3A_628, %sign3A_635 : i32
    %rem3A_637 = arith.remsi %squeeze3A_619, %jit3A_620 : i32
    %ne3A_638 = arith.constant 0 : i32
    %ne3A_639 = arith.cmpi ne, %rem3A_637, %ne3A_638 : i32
    %and3A_640 = arith.andi %ne3A_636, %ne3A_639 : i1
    %sub3A_641 = arith.constant 1 : i32
    %sub3A_642 = arith.subi %div3A_621, %sub3A_641 : i32
    %select_n3A_643 = arith.select %and3A_640, %sub3A_642, %div3A_621 : i32
    %mul3A_644 = arith.constant 128 : i32
    %mul3A_645 = arith.muli %select_n3A_643, %mul3A_644 : i32
    %multiple_of3A_646 = tpu.assume_multiple %mul3A_645, 128 : i32
    %dma_start3A_647 = arith.constant 0 : i32
    %dma_start3A_648 = arith.constant 0 : i32
    %dma_start3A_649 = tpu.memref_slice %arg7[%dma_start3A_647, %dma_start3A_648] : memref<16x2048xf32, #tpu.memory_space<vmem>> -> memref<16x128xf32, #tpu.memory_space<vmem>>
    %dma_start3A_650 = arith.constant 0 : i32
    %dma_start3A_651 = tpu.memref_slice %arg3[%dma_start3A_650, %multiple_of3A_646] : memref<16x1000001xf32, #tpu.memory_space<hbm>> -> memref<16x128xf32, #tpu.memory_space<hbm>>
    %dma_start3A_652 = arith.constant 0 : i32
    %dma_start3A_653 = arith.constant 0 : i32
    %dma_start3A_654 = tpu.memref_slice %arg7[%dma_start3A_652, %dma_start3A_653] : memref<16x2048xf32, #tpu.memory_space<vmem>> -> memref<16x128xf32, #tpu.memory_space<vmem>>
    %dma_start3A_655 = arith.constant 0 : i32
    %dma_start3A_656 = tpu.memref_slice %arg3[%dma_start3A_655, %multiple_of3A_646] : memref<16x1000001xf32, #tpu.memory_space<hbm>> -> memref<16x128xf32, #tpu.memory_space<hbm>>
    tpu.enqueue_dma source(%dma_start3A_656 : memref<16x128xf32, #tpu.memory_space<hbm>>) target(%dma_start3A_654 : memref<16x128xf32, #tpu.memory_space<vmem>>) target_semaphore(%arg11 : memref<!tpu.dma_semaphore, #tpu.memory_space<semaphore_mem>>)
    %slice3A_657 = vector.extract_strided_slice %get3A_617 {offsets = [1], sizes = [1], strides = [1]} : vector<16xi32> to vector<1xi32>
    %squeeze3A_658 = vector.extract %slice3A_657[0] : i32 from vector<1xi32>
    %jit3A_659 = arith.constant 128 : i32
    %div3A_660 = arith.divsi %squeeze3A_658, %jit3A_659 : i32
    %sign3A_661 = arith.constant 0 : i32
    %sign3A_662 = arith.cmpi sgt, %squeeze3A_658, %sign3A_661 : i32
    %sign3A_663 = arith.extui %sign3A_662 : i1 to i32
    %sign3A_664 = arith.constant 0 : i32
    %sign3A_665 = arith.cmpi slt, %squeeze3A_658, %sign3A_664 : i32
    %sign3A_666 = arith.extui %sign3A_665 : i1 to i32
    %sign3A_667 = arith.subi %sign3A_663, %sign3A_666 : i32
    %sign3A_668 = arith.constant 0 : i32
    %sign3A_669 = arith.cmpi sgt, %jit3A_659, %sign3A_668 : i32
    %sign3A_670 = arith.extui %sign3A_669 : i1 to i32
    %sign3A_671 = arith.constant 0 : i32
    %sign3A_672 = arith.cmpi slt, %jit3A_659, %sign3A_671 : i32
    %sign3A_673 = arith.extui %sign3A_672 : i1 to i32
    %sign3A_674 = arith.subi %sign3A_670, %sign3A_673 : i32
    %ne3A_675 = arith.cmpi ne, %sign3A_667, %sign3A_674 : i32
    %rem3A_676 = arith.remsi %squeeze3A_658, %jit3A_659 : i32
    %ne3A_677 = arith.constant 0 : i32
    %ne3A_678 = arith.cmpi ne, %rem3A_676, %ne3A_677 : i32
    %and3A_679 = arith.andi %ne3A_675, %ne3A_678 : i1
    %sub3A_680 = arith.constant 1 : i32
    %sub3A_681 = arith.subi %div3A_660, %sub3A_680 : i32
    %select_n3A_682 = arith.select %and3A_679, %sub3A_681, %div3A_660 : i32
    %mul3A_683 = arith.constant 128 : i32
    %mul3A_684 = arith.muli %select_n3A_682, %mul3A_683 : i32
    %multiple_of3A_685 = tpu.assume_multiple %mul3A_684, 128 : i32
    %dma_start3A_686 = arith.constant 0 : i32
    %dma_start3A_687 = arith.constant 128 : i32
    %dma_start3A_688 = tpu.memref_slice %arg7[%dma_start3A_686, %dma_start3A_687] : memref<16x2048xf32, #tpu.memory_space<vmem>> -> memref<16x128xf32, #tpu.memory_space<vmem>>
    %dma_start3A_689 = arith.constant 0 : i32
    %dma_start3A_690 = tpu.memref_slice %arg3[%dma_start3A_689, %multiple_of3A_685] : memref<16x1000001xf32, #tpu.memory_space<hbm>> -> memref<16x128xf32, #tpu.memory_space<hbm>>
    %dma_start3A_691 = arith.constant 0 : i32
    %dma_start3A_692 = arith.constant 128 : i32
    %dma_start3A_693 = tpu.memref_slice %arg7[%dma_start3A_691, %dma_start3A_692] : memref<16x2048xf32, #tpu.memory_space<vmem>> -> memref<16x128xf32, #tpu.memory_space<vmem>>
    %dma_start3A_694 = arith.constant 0 : i32
    %dma_start3A_695 = tpu.memref_slice %arg3[%dma_start3A_694, %multiple_of3A_685] : memref<16x1000001xf32, #tpu.memory_space<hbm>> -> memref<16x128xf32, #tpu.memory_space<hbm>>
    tpu.enqueue_dma source(%dma_start3A_695 : memref<16x128xf32, #tpu.memory_space<hbm>>) target(%dma_start3A_693 : memref<16x128xf32, #tpu.memory_space<vmem>>) target_semaphore(%arg11 : memref<!tpu.dma_semaphore, #tpu.memory_space<semaphore_mem>>)
    %slice3A_696 = vector.extract_strided_slice %get3A_617 {offsets = [2], sizes = [1], strides = [1]} : vector<16xi32> to vector<1xi32>
    %squeeze3A_697 = vector.extract %slice3A_696[0] : i32 from vector<1xi32>
    %jit3A_698 = arith.constant 128 : i32
    %div3A_699 = arith.divsi %squeeze3A_697, %jit3A_698 : i32
    %sign3A_700 = arith.constant 0 : i32
    %sign3A_701 = arith.cmpi sgt, %squeeze3A_697, %sign3A_700 : i32
    %sign3A_702 = arith.extui %sign3A_701 : i1 to i32
    %sign3A_703 = arith.constant 0 : i32
    %sign3A_704 = arith.cmpi slt, %squeeze3A_697, %sign3A_703 : i32
    %sign3A_705 = arith.extui %sign3A_704 : i1 to i32
    %sign3A_706 = arith.subi %sign3A_702, %sign3A_705 : i32
    %sign3A_707 = arith.constant 0 : i32
    %sign3A_708 = arith.cmpi sgt, %jit3A_698, %sign3A_707 : i32
    %sign3A_709 = arith.extui %sign3A_708 : i1 to i32
    %sign3A_710 = arith.constant 0 : i32
    %sign3A_711 = arith.cmpi slt, %jit3A_698, %sign3A_710 : i32
    %sign3A_712 = arith.extui %sign3A_711 : i1 to i32
    %sign3A_713 = arith.subi %sign3A_709, %sign3A_712 : i32
    %ne3A_714 = arith.cmpi ne, %sign3A_706, %sign3A_713 : i32
    %rem3A_715 = arith.remsi %squeeze3A_697, %jit3A_698 : i32
    %ne3A_716 = arith.constant 0 : i32
    %ne3A_717 = arith.cmpi ne, %rem3A_715, %ne3A_716 : i32
    %and3A_718 = arith.andi %ne3A_714, %ne3A_717 : i1
    %sub3A_719 = arith.constant 1 : i32
    %sub3A_720 = arith.subi %div3A_699, %sub3A_719 : i32
    %select_n3A_721 = arith.select %and3A_718, %sub3A_720, %div3A_699 : i32
    %mul3A_722 = arith.constant 128 : i32
    %mul3A_723 = arith.muli %select_n3A_721, %mul3A_722 : i32
    %multiple_of3A_724 = tpu.assume_multiple %mul3A_723, 128 : i32
    %dma_start3A_725 = arith.constant 0 : i32
    %dma_start3A_726 = arith.constant 256 : i32
    %dma_start3A_727 = tpu.memref_slice %arg7[%dma_start3A_725, %dma_start3A_726] : memref<16x2048xf32, #tpu.memory_space<vmem>> -> memref<16x128xf32, #tpu.memory_space<vmem>>
    %dma_start3A_728 = arith.constant 0 : i32
    %dma_start3A_729 = tpu.memref_slice %arg3[%dma_start3A_728, %multiple_of3A_724] : memref<16x1000001xf32, #tpu.memory_space<hbm>> -> memref<16x128xf32, #tpu.memory_space<hbm>>
    %dma_start3A_730 = arith.constant 0 : i32
    %dma_start3A_731 = arith.constant 256 : i32
    %dma_start3A_732 = tpu.memref_slice %arg7[%dma_start3A_730, %dma_start3A_731] : memref<16x2048xf32, #tpu.memory_space<vmem>> -> memref<16x128xf32, #tpu.memory_space<vmem>>
    %dma_start3A_733 = arith.constant 0 : i32
    %dma_start3A_734 = tpu.memref_slice %arg3[%dma_start3A_733, %multiple_of3A_724] : memref<16x1000001xf32, #tpu.memory_space<hbm>> -> memref<16x128xf32, #tpu.memory_space<hbm>>
    tpu.enqueue_dma source(%dma_start3A_734 : memref<16x128xf32, #tpu.memory_space<hbm>>) target(%dma_start3A_732 : memref<16x128xf32, #tpu.memory_space<vmem>>) target_semaphore(%arg11 : memref<!tpu.dma_semaphore, #tpu.memory_space<semaphore_mem>>)
    %slice3A_735 = vector.extract_strided_slice %get3A_617 {offsets = [3], sizes = [1], strides = [1]} : vector<16xi32> to vector<1xi32>
    %squeeze3A_736 = vector.extract %slice3A_735[0] : i32 from vector<1xi32>
    %jit3A_737 = arith.constant 128 : i32
    %div3A_738 = arith.divsi %squeeze3A_736, %jit3A_737 : i32
    %sign3A_739 = arith.constant 0 : i32
    %sign3A_740 = arith.cmpi sgt, %squeeze3A_736, %sign3A_739 : i32
    %sign3A_741 = arith.extui %sign3A_740 : i1 to i32
    %sign3A_742 = arith.constant 0 : i32
    %sign3A_743 = arith.cmpi slt, %squeeze3A_736, %sign3A_742 : i32
    %sign3A_744 = arith.extui %sign3A_743 : i1 to i32
    %sign3A_745 = arith.subi %sign3A_741, %sign3A_744 : i32
    %sign3A_746 = arith.constant 0 : i32
    %sign3A_747 = arith.cmpi sgt, %jit3A_737, %sign3A_746 : i32
    %sign3A_748 = arith.extui %sign3A_747 : i1 to i32
    %sign3A_749 = arith.constant 0 : i32
    %sign3A_750 = arith.cmpi slt, %jit3A_737, %sign3A_749 : i32
    %sign3A_751 = arith.extui %sign3A_750 : i1 to i32
    %sign3A_752 = arith.subi %sign3A_748, %sign3A_751 : i32
    %ne3A_753 = arith.cmpi ne, %sign3A_745, %sign3A_752 : i32
    %rem3A_754 = arith.remsi %squeeze3A_736, %jit3A_737 : i32
    %ne3A_755 = arith.constant 0 : i32
    %ne3A_756 = arith.cmpi ne, %rem3A_754, %ne3A_755 : i32
    %and3A_757 = arith.andi %ne3A_753, %ne3A_756 : i1
    %sub3A_758 = arith.constant 1 : i32
    %sub3A_759 = arith.subi %div3A_738, %sub3A_758 : i32
    %select_n3A_760 = arith.select %and3A_757, %sub3A_759, %div3A_738 : i32
    %mul3A_761 = arith.constant 128 : i32
    %mul3A_762 = arith.muli %select_n3A_760, %mul3A_761 : i32
    %multiple_of3A_763 = tpu.assume_multiple %mul3A_762, 128 : i32
    %dma_start3A_764 = arith.constant 0 : i32
    %dma_start3A_765 = arith.constant 384 : i32
    %dma_start3A_766 = tpu.memref_slice %arg7[%dma_start3A_764, %dma_start3A_765] : memref<16x2048xf32, #tpu.memory_space<vmem>> -> memref<16x128xf32, #tpu.memory_space<vmem>>
    %dma_start3A_767 = arith.constant 0 : i32
    %dma_start3A_768 = tpu.memref_slice %arg3[%dma_start3A_767, %multiple_of3A_763] : memref<16x1000001xf32, #tpu.memory_space<hbm>> -> memref<16x128xf32, #tpu.memory_space<hbm>>
    %dma_start3A_769 = arith.constant 0 : i32
    %dma_start3A_770 = arith.constant 384 : i32
    %dma_start3A_771 = tpu.memref_slice %arg7[%dma_start3A_769, %dma_start3A_770] : memref<16x2048xf32, #tpu.memory_space<vmem>> -> memref<16x128xf32, #tpu.memory_space<vmem>>
    %dma_start3A_772 = arith.constant 0 : i32
    %dma_start3A_773 = tpu.memref_slice %arg3[%dma_start3A_772, %multiple_of3A_763] : memref<16x1000001xf32, #tpu.memory_space<hbm>> -> memref<16x128xf32, #tpu.memory_space<hbm>>
    tpu.enqueue_dma source(%dma_start3A_773 : memref<16x128xf32, #tpu.memory_space<hbm>>) target(%dma_start3A_771 : memref<16x128xf32, #tpu.memory_space<vmem>>) target_semaphore(%arg11 : memref<!tpu.dma_semaphore, #tpu.memory_space<semaphore_mem>>)
    %slice3A_774 = vector.extract_strided_slice %get3A_617 {offsets = [4], sizes = [1], strides = [1]} : vector<16xi32> to vector<1xi32>
    %squeeze3A_775 = vector.extract %slice3A_774[0] : i32 from vector<1xi32>
    %jit3A_776 = arith.constant 128 : i32
    %div3A_777 = arith.divsi %squeeze3A_775, %jit3A_776 : i32
    %sign3A_778 = arith.constant 0 : i32
    %sign3A_779 = arith.cmpi sgt, %squeeze3A_775, %sign3A_778 : i32
    %sign3A_780 = arith.extui %sign3A_779 : i1 to i32
    %sign3A_781 = arith.constant 0 : i32
    %sign3A_782 = arith.cmpi slt, %squeeze3A_775, %sign3A_781 : i32
    %sign3A_783 = arith.extui %sign3A_782 : i1 to i32
    %sign3A_784 = arith.subi %sign3A_780, %sign3A_783 : i32
    %sign3A_785 = arith.constant 0 : i32
    %sign3A_786 = arith.cmpi sgt, %jit3A_776, %sign3A_785 : i32
    %sign3A_787 = arith.extui %sign3A_786 : i1 to i32
    %sign3A_788 = arith.constant 0 : i32
    %sign3A_789 = arith.cmpi slt, %jit3A_776, %sign3A_788 : i32
    %sign3A_790 = arith.extui %sign3A_789 : i1 to i32
    %sign3A_791 = arith.subi %sign3A_787, %sign3A_790 : i32
    %ne3A_792 = arith.cmpi ne, %sign3A_784, %sign3A_791 : i32
    %rem3A_793 = arith.remsi %squeeze3A_775, %jit3A_776 : i32
    %ne3A_794 = arith.constant 0 : i32
    %ne3A_795 = arith.cmpi ne, %rem3A_793, %ne3A_794 : i32
    %and3A_796 = arith.andi %ne3A_792, %ne3A_795 : i1
    %sub3A_797 = arith.constant 1 : i32
    %sub3A_798 = arith.subi %div3A_777, %sub3A_797 : i32
    %select_n3A_799 = arith.select %and3A_796, %sub3A_798, %div3A_777 : i32
    %mul3A_800 = arith.constant 128 : i32
    %mul3A_801 = arith.muli %select_n3A_799, %mul3A_800 : i32
    %multiple_of3A_802 = tpu.assume_multiple %mul3A_801, 128 : i32
    %dma_start3A_803 = arith.constant 0 : i32
    %dma_start3A_804 = arith.constant 512 : i32
    %dma_start3A_805 = tpu.memref_slice %arg7[%dma_start3A_803, %dma_start3A_804] : memref<16x2048xf32, #tpu.memory_space<vmem>> -> memref<16x128xf32, #tpu.memory_space<vmem>>
    %dma_start3A_806 = arith.constant 0 : i32
    %dma_start3A_807 = tpu.memref_slice %arg3[%dma_start3A_806, %multiple_of3A_802] : memref<16x1000001xf32, #tpu.memory_space<hbm>> -> memref<16x128xf32, #tpu.memory_space<hbm>>
    %dma_start3A_808 = arith.constant 0 : i32
    %dma_start3A_809 = arith.constant 512 : i32
    %dma_start3A_810 = tpu.memref_slice %arg7[%dma_start3A_808, %dma_start3A_809] : memref<16x2048xf32, #tpu.memory_space<vmem>> -> memref<16x128xf32, #tpu.memory_space<vmem>>
    %dma_start3A_811 = arith.constant 0 : i32
    %dma_start3A_812 = tpu.memref_slice %arg3[%dma_start3A_811, %multiple_of3A_802] : memref<16x1000001xf32, #tpu.memory_space<hbm>> -> memref<16x128xf32, #tpu.memory_space<hbm>>
    tpu.enqueue_dma source(%dma_start3A_812 : memref<16x128xf32, #tpu.memory_space<hbm>>) target(%dma_start3A_810 : memref<16x128xf32, #tpu.memory_space<vmem>>) target_semaphore(%arg11 : memref<!tpu.dma_semaphore, #tpu.memory_space<semaphore_mem>>)
    %slice3A_813 = vector.extract_strided_slice %get3A_617 {offsets = [5], sizes = [1], strides = [1]} : vector<16xi32> to vector<1xi32>
    %squeeze3A_814 = vector.extract %slice3A_813[0] : i32 from vector<1xi32>
    %jit3A_815 = arith.constant 128 : i32
    %div3A_816 = arith.divsi %squeeze3A_814, %jit3A_815 : i32
    %sign3A_817 = arith.constant 0 : i32
    %sign3A_818 = arith.cmpi sgt, %squeeze3A_814, %sign3A_817 : i32
    %sign3A_819 = arith.extui %sign3A_818 : i1 to i32
    %sign3A_820 = arith.constant 0 : i32
    %sign3A_821 = arith.cmpi slt, %squeeze3A_814, %sign3A_820 : i32
    %sign3A_822 = arith.extui %sign3A_821 : i1 to i32
    %sign3A_823 = arith.subi %sign3A_819, %sign3A_822 : i32
    %sign3A_824 = arith.constant 0 : i32
    %sign3A_825 = arith.cmpi sgt, %jit3A_815, %sign3A_824 : i32
    %sign3A_826 = arith.extui %sign3A_825 : i1 to i32
    %sign3A_827 = arith.constant 0 : i32
    %sign3A_828 = arith.cmpi slt, %jit3A_815, %sign3A_827 : i32
    %sign3A_829 = arith.extui %sign3A_828 : i1 to i32
    %sign3A_830 = arith.subi %sign3A_826, %sign3A_829 : i32
    %ne3A_831 = arith.cmpi ne, %sign3A_823, %sign3A_830 : i32
    %rem3A_832 = arith.remsi %squeeze3A_814, %jit3A_815 : i32
    %ne3A_833 = arith.constant 0 : i32
    %ne3A_834 = arith.cmpi ne, %rem3A_832, %ne3A_833 : i32
    %and3A_835 = arith.andi %ne3A_831, %ne3A_834 : i1
    %sub3A_836 = arith.constant 1 : i32
    %sub3A_837 = arith.subi %div3A_816, %sub3A_836 : i32
    %select_n3A_838 = arith.select %and3A_835, %sub3A_837, %div3A_816 : i32
    %mul3A_839 = arith.constant 128 : i32
    %mul3A_840 = arith.muli %select_n3A_838, %mul3A_839 : i32
    %multiple_of3A_841 = tpu.assume_multiple %mul3A_840, 128 : i32
    %dma_start3A_842 = arith.constant 0 : i32
    %dma_start3A_843 = arith.constant 640 : i32
    %dma_start3A_844 = tpu.memref_slice %arg7[%dma_start3A_842, %dma_start3A_843] : memref<16x2048xf32, #tpu.memory_space<vmem>> -> memref<16x128xf32, #tpu.memory_space<vmem>>
    %dma_start3A_845 = arith.constant 0 : i32
    %dma_start3A_846 = tpu.memref_slice %arg3[%dma_start3A_845, %multiple_of3A_841] : memref<16x1000001xf32, #tpu.memory_space<hbm>> -> memref<16x128xf32, #tpu.memory_space<hbm>>
    %dma_start3A_847 = arith.constant 0 : i32
    %dma_start3A_848 = arith.constant 640 : i32
    %dma_start3A_849 = tpu.memref_slice %arg7[%dma_start3A_847, %dma_start3A_848] : memref<16x2048xf32, #tpu.memory_space<vmem>> -> memref<16x128xf32, #tpu.memory_space<vmem>>
    %dma_start3A_850 = arith.constant 0 : i32
    %dma_start3A_851 = tpu.memref_slice %arg3[%dma_start3A_850, %multiple_of3A_841] : memref<16x1000001xf32, #tpu.memory_space<hbm>> -> memref<16x128xf32, #tpu.memory_space<hbm>>
    tpu.enqueue_dma source(%dma_start3A_851 : memref<16x128xf32, #tpu.memory_space<hbm>>) target(%dma_start3A_849 : memref<16x128xf32, #tpu.memory_space<vmem>>) target_semaphore(%arg11 : memref<!tpu.dma_semaphore, #tpu.memory_space<semaphore_mem>>)
    %slice3A_852 = vector.extract_strided_slice %get3A_617 {offsets = [6], sizes = [1], strides = [1]} : vector<16xi32> to vector<1xi32>
    %squeeze3A_853 = vector.extract %slice3A_852[0] : i32 from vector<1xi32>
    %jit3A_854 = arith.constant 128 : i32
    %div3A_855 = arith.divsi %squeeze3A_853, %jit3A_854 : i32
    %sign3A_856 = arith.constant 0 : i32
    %sign3A_857 = arith.cmpi sgt, %squeeze3A_853, %sign3A_856 : i32
    %sign3A_858 = arith.extui %sign3A_857 : i1 to i32
    %sign3A_859 = arith.constant 0 : i32
    %sign3A_860 = arith.cmpi slt, %squeeze3A_853, %sign3A_859 : i32
    %sign3A_861 = arith.extui %sign3A_860 : i1 to i32
    %sign3A_862 = arith.subi %sign3A_858, %sign3A_861 : i32
    %sign3A_863 = arith.constant 0 : i32
    %sign3A_864 = arith.cmpi sgt, %jit3A_854, %sign3A_863 : i32
    %sign3A_865 = arith.extui %sign3A_864 : i1 to i32
    %sign3A_866 = arith.constant 0 : i32
    %sign3A_867 = arith.cmpi slt, %jit3A_854, %sign3A_866 : i32
    %sign3A_868 = arith.extui %sign3A_867 : i1 to i32
    %sign3A_869 = arith.subi %sign3A_865, %sign3A_868 : i32
    %ne3A_870 = arith.cmpi ne, %sign3A_862, %sign3A_869 : i32
    %rem3A_871 = arith.remsi %squeeze3A_853, %jit3A_854 : i32
    %ne3A_872 = arith.constant 0 : i32
    %ne3A_873 = arith.cmpi ne, %rem3A_871, %ne3A_872 : i32
    %and3A_874 = arith.andi %ne3A_870, %ne3A_873 : i1
    %sub3A_875 = arith.constant 1 : i32
    %sub3A_876 = arith.subi %div3A_855, %sub3A_875 : i32
    %select_n3A_877 = arith.select %and3A_874, %sub3A_876, %div3A_855 : i32
    %mul3A_878 = arith.constant 128 : i32
    %mul3A_879 = arith.muli %select_n3A_877, %mul3A_878 : i32
    %multiple_of3A_880 = tpu.assume_multiple %mul3A_879, 128 : i32
    %dma_start3A_881 = arith.constant 0 : i32
    %dma_start3A_882 = arith.constant 768 : i32
    %dma_start3A_883 = tpu.memref_slice %arg7[%dma_start3A_881, %dma_start3A_882] : memref<16x2048xf32, #tpu.memory_space<vmem>> -> memref<16x128xf32, #tpu.memory_space<vmem>>
    %dma_start3A_884 = arith.constant 0 : i32
    %dma_start3A_885 = tpu.memref_slice %arg3[%dma_start3A_884, %multiple_of3A_880] : memref<16x1000001xf32, #tpu.memory_space<hbm>> -> memref<16x128xf32, #tpu.memory_space<hbm>>
    %dma_start3A_886 = arith.constant 0 : i32
    %dma_start3A_887 = arith.constant 768 : i32
    %dma_start3A_888 = tpu.memref_slice %arg7[%dma_start3A_886, %dma_start3A_887] : memref<16x2048xf32, #tpu.memory_space<vmem>> -> memref<16x128xf32, #tpu.memory_space<vmem>>
    %dma_start3A_889 = arith.constant 0 : i32
    %dma_start3A_890 = tpu.memref_slice %arg3[%dma_start3A_889, %multiple_of3A_880] : memref<16x1000001xf32, #tpu.memory_space<hbm>> -> memref<16x128xf32, #tpu.memory_space<hbm>>
    tpu.enqueue_dma source(%dma_start3A_890 : memref<16x128xf32, #tpu.memory_space<hbm>>) target(%dma_start3A_888 : memref<16x128xf32, #tpu.memory_space<vmem>>) target_semaphore(%arg11 : memref<!tpu.dma_semaphore, #tpu.memory_space<semaphore_mem>>)
    %slice3A_891 = vector.extract_strided_slice %get3A_617 {offsets = [7], sizes = [1], strides = [1]} : vector<16xi32> to vector<1xi32>
    %squeeze3A_892 = vector.extract %slice3A_891[0] : i32 from vector<1xi32>
    %jit3A_893 = arith.constant 128 : i32
    %div3A_894 = arith.divsi %squeeze3A_892, %jit3A_893 : i32
    %sign3A_895 = arith.constant 0 : i32
    %sign3A_896 = arith.cmpi sgt, %squeeze3A_892, %sign3A_895 : i32
    %sign3A_897 = arith.extui %sign3A_896 : i1 to i32
    %sign3A_898 = arith.constant 0 : i32
    %sign3A_899 = arith.cmpi slt, %squeeze3A_892, %sign3A_898 : i32
    %sign3A_900 = arith.extui %sign3A_899 : i1 to i32
    %sign3A_901 = arith.subi %sign3A_897, %sign3A_900 : i32
    %sign3A_902 = arith.constant 0 : i32
    %sign3A_903 = arith.cmpi sgt, %jit3A_893, %sign3A_902 : i32
    %sign3A_904 = arith.extui %sign3A_903 : i1 to i32
    %sign3A_905 = arith.constant 0 : i32
    %sign3A_906 = arith.cmpi slt, %jit3A_893, %sign3A_905 : i32
    %sign3A_907 = arith.extui %sign3A_906 : i1 to i32
    %sign3A_908 = arith.subi %sign3A_904, %sign3A_907 : i32
    %ne3A_909 = arith.cmpi ne, %sign3A_901, %sign3A_908 : i32
    %rem3A_910 = arith.remsi %squeeze3A_892, %jit3A_893 : i32
    %ne3A_911 = arith.constant 0 : i32
    %ne3A_912 = arith.cmpi ne, %rem3A_910, %ne3A_911 : i32
    %and3A_913 = arith.andi %ne3A_909, %ne3A_912 : i1
    %sub3A_914 = arith.constant 1 : i32
    %sub3A_915 = arith.subi %div3A_894, %sub3A_914 : i32
    %select_n3A_916 = arith.select %and3A_913, %sub3A_915, %div3A_894 : i32
    %mul3A_917 = arith.constant 128 : i32
    %mul3A_918 = arith.muli %select_n3A_916, %mul3A_917 : i32
    %multiple_of3A_919 = tpu.assume_multiple %mul3A_918, 128 : i32
    %dma_start3A_920 = arith.constant 0 : i32
    %dma_start3A_921 = arith.constant 896 : i32
    %dma_start3A_922 = tpu.memref_slice %arg7[%dma_start3A_920, %dma_start3A_921] : memref<16x2048xf32, #tpu.memory_space<vmem>> -> memref<16x128xf32, #tpu.memory_space<vmem>>
    %dma_start3A_923 = arith.constant 0 : i32
    %dma_start3A_924 = tpu.memref_slice %arg3[%dma_start3A_923, %multiple_of3A_919] : memref<16x1000001xf32, #tpu.memory_space<hbm>> -> memref<16x128xf32, #tpu.memory_space<hbm>>
    %dma_start3A_925 = arith.constant 0 : i32
    %dma_start3A_926 = arith.constant 896 : i32
    %dma_start3A_927 = tpu.memref_slice %arg7[%dma_start3A_925, %dma_start3A_926] : memref<16x2048xf32, #tpu.memory_space<vmem>> -> memref<16x128xf32, #tpu.memory_space<vmem>>
    %dma_start3A_928 = arith.constant 0 : i32
    %dma_start3A_929 = tpu.memref_slice %arg3[%dma_start3A_928, %multiple_of3A_919] : memref<16x1000001xf32, #tpu.memory_space<hbm>> -> memref<16x128xf32, #tpu.memory_space<hbm>>
    tpu.enqueue_dma source(%dma_start3A_929 : memref<16x128xf32, #tpu.memory_space<hbm>>) target(%dma_start3A_927 : memref<16x128xf32, #tpu.memory_space<vmem>>) target_semaphore(%arg11 : memref<!tpu.dma_semaphore, #tpu.memory_space<semaphore_mem>>)
    %slice3A_930 = vector.extract_strided_slice %get3A_617 {offsets = [8], sizes = [1], strides = [1]} : vector<16xi32> to vector<1xi32>
    %squeeze3A_931 = vector.extract %slice3A_930[0] : i32 from vector<1xi32>
    %jit3A_932 = arith.constant 128 : i32
    %div3A_933 = arith.divsi %squeeze3A_931, %jit3A_932 : i32
    %sign3A_934 = arith.constant 0 : i32
    %sign3A_935 = arith.cmpi sgt, %squeeze3A_931, %sign3A_934 : i32
    %sign3A_936 = arith.extui %sign3A_935 : i1 to i32
    %sign3A_937 = arith.constant 0 : i32
    %sign3A_938 = arith.cmpi slt, %squeeze3A_931, %sign3A_937 : i32
    %sign3A_939 = arith.extui %sign3A_938 : i1 to i32
    %sign3A_940 = arith.subi %sign3A_936, %sign3A_939 : i32
    %sign3A_941 = arith.constant 0 : i32
    %sign3A_942 = arith.cmpi sgt, %jit3A_932, %sign3A_941 : i32
    %sign3A_943 = arith.extui %sign3A_942 : i1 to i32
    %sign3A_944 = arith.constant 0 : i32
    %sign3A_945 = arith.cmpi slt, %jit3A_932, %sign3A_944 : i32
    %sign3A_946 = arith.extui %sign3A_945 : i1 to i32
    %sign3A_947 = arith.subi %sign3A_943, %sign3A_946 : i32
    %ne3A_948 = arith.cmpi ne, %sign3A_940, %sign3A_947 : i32
    %rem3A_949 = arith.remsi %squeeze3A_931, %jit3A_932 : i32
    %ne3A_950 = arith.constant 0 : i32
    %ne3A_951 = arith.cmpi ne, %rem3A_949, %ne3A_950 : i32
    %and3A_952 = arith.andi %ne3A_948, %ne3A_951 : i1
    %sub3A_953 = arith.constant 1 : i32
    %sub3A_954 = arith.subi %div3A_933, %sub3A_953 : i32
    %select_n3A_955 = arith.select %and3A_952, %sub3A_954, %div3A_933 : i32
    %mul3A_956 = arith.constant 128 : i32
    %mul3A_957 = arith.muli %select_n3A_955, %mul3A_956 : i32
    %multiple_of3A_958 = tpu.assume_multiple %mul3A_957, 128 : i32
    %dma_start3A_959 = arith.constant 0 : i32
    %dma_start3A_960 = arith.constant 1024 : i32
    %dma_start3A_961 = tpu.memref_slice %arg7[%dma_start3A_959, %dma_start3A_960] : memref<16x2048xf32, #tpu.memory_space<vmem>> -> memref<16x128xf32, #tpu.memory_space<vmem>>
    %dma_start3A_962 = arith.constant 0 : i32
    %dma_start3A_963 = tpu.memref_slice %arg3[%dma_start3A_962, %multiple_of3A_958] : memref<16x1000001xf32, #tpu.memory_space<hbm>> -> memref<16x128xf32, #tpu.memory_space<hbm>>
    %dma_start3A_964 = arith.constant 0 : i32
    %dma_start3A_965 = arith.constant 1024 : i32
    %dma_start3A_966 = tpu.memref_slice %arg7[%dma_start3A_964, %dma_start3A_965] : memref<16x2048xf32, #tpu.memory_space<vmem>> -> memref<16x128xf32, #tpu.memory_space<vmem>>
    %dma_start3A_967 = arith.constant 0 : i32
    %dma_start3A_968 = tpu.memref_slice %arg3[%dma_start3A_967, %multiple_of3A_958] : memref<16x1000001xf32, #tpu.memory_space<hbm>> -> memref<16x128xf32, #tpu.memory_space<hbm>>
    tpu.enqueue_dma source(%dma_start3A_968 : memref<16x128xf32, #tpu.memory_space<hbm>>) target(%dma_start3A_966 : memref<16x128xf32, #tpu.memory_space<vmem>>) target_semaphore(%arg11 : memref<!tpu.dma_semaphore, #tpu.memory_space<semaphore_mem>>)
    %slice3A_969 = vector.extract_strided_slice %get3A_617 {offsets = [9], sizes = [1], strides = [1]} : vector<16xi32> to vector<1xi32>
    %squeeze3A_970 = vector.extract %slice3A_969[0] : i32 from vector<1xi32>
    %jit3A_971 = arith.constant 128 : i32
    %div3A_972 = arith.divsi %squeeze3A_970, %jit3A_971 : i32
    %sign3A_973 = arith.constant 0 : i32
    %sign3A_974 = arith.cmpi sgt, %squeeze3A_970, %sign3A_973 : i32
    %sign3A_975 = arith.extui %sign3A_974 : i1 to i32
    %sign3A_976 = arith.constant 0 : i32
    %sign3A_977 = arith.cmpi slt, %squeeze3A_970, %sign3A_976 : i32
    %sign3A_978 = arith.extui %sign3A_977 : i1 to i32
    %sign3A_979 = arith.subi %sign3A_975, %sign3A_978 : i32
    %sign3A_980 = arith.constant 0 : i32
    %sign3A_981 = arith.cmpi sgt, %jit3A_971, %sign3A_980 : i32
    %sign3A_982 = arith.extui %sign3A_981 : i1 to i32
    %sign3A_983 = arith.constant 0 : i32
    %sign3A_984 = arith.cmpi slt, %jit3A_971, %sign3A_983 : i32
    %sign3A_985 = arith.extui %sign3A_984 : i1 to i32
    %sign3A_986 = arith.subi %sign3A_982, %sign3A_985 : i32
    %ne3A_987 = arith.cmpi ne, %sign3A_979, %sign3A_986 : i32
    %rem3A_988 = arith.remsi %squeeze3A_970, %jit3A_971 : i32
    %ne3A_989 = arith.constant 0 : i32
    %ne3A_990 = arith.cmpi ne, %rem3A_988, %ne3A_989 : i32
    %and3A_991 = arith.andi %ne3A_987, %ne3A_990 : i1
    %sub3A_992 = arith.constant 1 : i32
    %sub3A_993 = arith.subi %div3A_972, %sub3A_992 : i32
    %select_n3A_994 = arith.select %and3A_991, %sub3A_993, %div3A_972 : i32
    %mul3A_995 = arith.constant 128 : i32
    %mul3A_996 = arith.muli %select_n3A_994, %mul3A_995 : i32
    %multiple_of3A_997 = tpu.assume_multiple %mul3A_996, 128 : i32
    %dma_start3A_998 = arith.constant 0 : i32
    %dma_start3A_999 = arith.constant 1152 : i32
    %dma_start3A_1000 = tpu.memref_slice %arg7[%dma_start3A_998, %dma_start3A_999] : memref<16x2048xf32, #tpu.memory_space<vmem>> -> memref<16x128xf32, #tpu.memory_space<vmem>>
    %dma_start3A_1001 = arith.constant 0 : i32
    %dma_start3A_1002 = tpu.memref_slice %arg3[%dma_start3A_1001, %multiple_of3A_997] : memref<16x1000001xf32, #tpu.memory_space<hbm>> -> memref<16x128xf32, #tpu.memory_space<hbm>>
    %dma_start3A_1003 = arith.constant 0 : i32
    %dma_start3A_1004 = arith.constant 1152 : i32
    %dma_start3A_1005 = tpu.memref_slice %arg7[%dma_start3A_1003, %dma_start3A_1004] : memref<16x2048xf32, #tpu.memory_space<vmem>> -> memref<16x128xf32, #tpu.memory_space<vmem>>
    %dma_start3A_1006 = arith.constant 0 : i32
    %dma_start3A_1007 = tpu.memref_slice %arg3[%dma_start3A_1006, %multiple_of3A_997] : memref<16x1000001xf32, #tpu.memory_space<hbm>> -> memref<16x128xf32, #tpu.memory_space<hbm>>
    tpu.enqueue_dma source(%dma_start3A_1007 : memref<16x128xf32, #tpu.memory_space<hbm>>) target(%dma_start3A_1005 : memref<16x128xf32, #tpu.memory_space<vmem>>) target_semaphore(%arg11 : memref<!tpu.dma_semaphore, #tpu.memory_space<semaphore_mem>>)
    %slice3A_1008 = vector.extract_strided_slice %get3A_617 {offsets = [10], sizes = [1], strides = [1]} : vector<16xi32> to vector<1xi32>
    %squeeze3A_1009 = vector.extract %slice3A_1008[0] : i32 from vector<1xi32>
    %jit3A_1010 = arith.constant 128 : i32
    %div3A_1011 = arith.divsi %squeeze3A_1009, %jit3A_1010 : i32
    %sign3A_1012 = arith.constant 0 : i32
    %sign3A_1013 = arith.cmpi sgt, %squeeze3A_1009, %sign3A_1012 : i32
    %sign3A_1014 = arith.extui %sign3A_1013 : i1 to i32
    %sign3A_1015 = arith.constant 0 : i32
    %sign3A_1016 = arith.cmpi slt, %squeeze3A_1009, %sign3A_1015 : i32
    %sign3A_1017 = arith.extui %sign3A_1016 : i1 to i32
    %sign3A_1018 = arith.subi %sign3A_1014, %sign3A_1017 : i32
    %sign3A_1019 = arith.constant 0 : i32
    %sign3A_1020 = arith.cmpi sgt, %jit3A_1010, %sign3A_1019 : i32
    %sign3A_1021 = arith.extui %sign3A_1020 : i1 to i32
    %sign3A_1022 = arith.constant 0 : i32
    %sign3A_1023 = arith.cmpi slt, %jit3A_1010, %sign3A_1022 : i32
    %sign3A_1024 = arith.extui %sign3A_1023 : i1 to i32
    %sign3A_1025 = arith.subi %sign3A_1021, %sign3A_1024 : i32
    %ne3A_1026 = arith.cmpi ne, %sign3A_1018, %sign3A_1025 : i32
    %rem3A_1027 = arith.remsi %squeeze3A_1009, %jit3A_1010 : i32
    %ne3A_1028 = arith.constant 0 : i32
    %ne3A_1029 = arith.cmpi ne, %rem3A_1027, %ne3A_1028 : i32
    %and3A_1030 = arith.andi %ne3A_1026, %ne3A_1029 : i1
    %sub3A_1031 = arith.constant 1 : i32
    %sub3A_1032 = arith.subi %div3A_1011, %sub3A_1031 : i32
    %select_n3A_1033 = arith.select %and3A_1030, %sub3A_1032, %div3A_1011 : i32
    %mul3A_1034 = arith.constant 128 : i32
    %mul3A_1035 = arith.muli %select_n3A_1033, %mul3A_1034 : i32
    %multiple_of3A_1036 = tpu.assume_multiple %mul3A_1035, 128 : i32
    %dma_start3A_1037 = arith.constant 0 : i32
    %dma_start3A_1038 = arith.constant 1280 : i32
    %dma_start3A_1039 = tpu.memref_slice %arg7[%dma_start3A_1037, %dma_start3A_1038] : memref<16x2048xf32, #tpu.memory_space<vmem>> -> memref<16x128xf32, #tpu.memory_space<vmem>>
    %dma_start3A_1040 = arith.constant 0 : i32
    %dma_start3A_1041 = tpu.memref_slice %arg3[%dma_start3A_1040, %multiple_of3A_1036] : memref<16x1000001xf32, #tpu.memory_space<hbm>> -> memref<16x128xf32, #tpu.memory_space<hbm>>
    %dma_start3A_1042 = arith.constant 0 : i32
    %dma_start3A_1043 = arith.constant 1280 : i32
    %dma_start3A_1044 = tpu.memref_slice %arg7[%dma_start3A_1042, %dma_start3A_1043] : memref<16x2048xf32, #tpu.memory_space<vmem>> -> memref<16x128xf32, #tpu.memory_space<vmem>>
    %dma_start3A_1045 = arith.constant 0 : i32
    %dma_start3A_1046 = tpu.memref_slice %arg3[%dma_start3A_1045, %multiple_of3A_1036] : memref<16x1000001xf32, #tpu.memory_space<hbm>> -> memref<16x128xf32, #tpu.memory_space<hbm>>
    tpu.enqueue_dma source(%dma_start3A_1046 : memref<16x128xf32, #tpu.memory_space<hbm>>) target(%dma_start3A_1044 : memref<16x128xf32, #tpu.memory_space<vmem>>) target_semaphore(%arg11 : memref<!tpu.dma_semaphore, #tpu.memory_space<semaphore_mem>>)
    %slice3A_1047 = vector.extract_strided_slice %get3A_617 {offsets = [11], sizes = [1], strides = [1]} : vector<16xi32> to vector<1xi32>
    %squeeze3A_1048 = vector.extract %slice3A_1047[0] : i32 from vector<1xi32>
    %jit3A_1049 = arith.constant 128 : i32
    %div3A_1050 = arith.divsi %squeeze3A_1048, %jit3A_1049 : i32
    %sign3A_1051 = arith.constant 0 : i32
    %sign3A_1052 = arith.cmpi sgt, %squeeze3A_1048, %sign3A_1051 : i32
    %sign3A_1053 = arith.extui %sign3A_1052 : i1 to i32
    %sign3A_1054 = arith.constant 0 : i32
    %sign3A_1055 = arith.cmpi slt, %squeeze3A_1048, %sign3A_1054 : i32
    %sign3A_1056 = arith.extui %sign3A_1055 : i1 to i32
    %sign3A_1057 = arith.subi %sign3A_1053, %sign3A_1056 : i32
    %sign3A_1058 = arith.constant 0 : i32
    %sign3A_1059 = arith.cmpi sgt, %jit3A_1049, %sign3A_1058 : i32
    %sign3A_1060 = arith.extui %sign3A_1059 : i1 to i32
    %sign3A_1061 = arith.constant 0 : i32
    %sign3A_1062 = arith.cmpi slt, %jit3A_1049, %sign3A_1061 : i32
    %sign3A_1063 = arith.extui %sign3A_1062 : i1 to i32
    %sign3A_1064 = arith.subi %sign3A_1060, %sign3A_1063 : i32
    %ne3A_1065 = arith.cmpi ne, %sign3A_1057, %sign3A_1064 : i32
    %rem3A_1066 = arith.remsi %squeeze3A_1048, %jit3A_1049 : i32
    %ne3A_1067 = arith.constant 0 : i32
    %ne3A_1068 = arith.cmpi ne, %rem3A_1066, %ne3A_1067 : i32
    %and3A_1069 = arith.andi %ne3A_1065, %ne3A_1068 : i1
    %sub3A_1070 = arith.constant 1 : i32
    %sub3A_1071 = arith.subi %div3A_1050, %sub3A_1070 : i32
    %select_n3A_1072 = arith.select %and3A_1069, %sub3A_1071, %div3A_1050 : i32
    %mul3A_1073 = arith.constant 128 : i32
    %mul3A_1074 = arith.muli %select_n3A_1072, %mul3A_1073 : i32
    %multiple_of3A_1075 = tpu.assume_multiple %mul3A_1074, 128 : i32
    %dma_start3A_1076 = arith.constant 0 : i32
    %dma_start3A_1077 = arith.constant 1408 : i32
    %dma_start3A_1078 = tpu.memref_slice %arg7[%dma_start3A_1076, %dma_start3A_1077] : memref<16x2048xf32, #tpu.memory_space<vmem>> -> memref<16x128xf32, #tpu.memory_space<vmem>>
    %dma_start3A_1079 = arith.constant 0 : i32
    %dma_start3A_1080 = tpu.memref_slice %arg3[%dma_start3A_1079, %multiple_of3A_1075] : memref<16x1000001xf32, #tpu.memory_space<hbm>> -> memref<16x128xf32, #tpu.memory_space<hbm>>
    %dma_start3A_1081 = arith.constant 0 : i32
    %dma_start3A_1082 = arith.constant 1408 : i32
    %dma_start3A_1083 = tpu.memref_slice %arg7[%dma_start3A_1081, %dma_start3A_1082] : memref<16x2048xf32, #tpu.memory_space<vmem>> -> memref<16x128xf32, #tpu.memory_space<vmem>>
    %dma_start3A_1084 = arith.constant 0 : i32
    %dma_start3A_1085 = tpu.memref_slice %arg3[%dma_start3A_1084, %multiple_of3A_1075] : memref<16x1000001xf32, #tpu.memory_space<hbm>> -> memref<16x128xf32, #tpu.memory_space<hbm>>
    tpu.enqueue_dma source(%dma_start3A_1085 : memref<16x128xf32, #tpu.memory_space<hbm>>) target(%dma_start3A_1083 : memref<16x128xf32, #tpu.memory_space<vmem>>) target_semaphore(%arg11 : memref<!tpu.dma_semaphore, #tpu.memory_space<semaphore_mem>>)
    %slice3A_1086 = vector.extract_strided_slice %get3A_617 {offsets = [12], sizes = [1], strides = [1]} : vector<16xi32> to vector<1xi32>
    %squeeze3A_1087 = vector.extract %slice3A_1086[0] : i32 from vector<1xi32>
    %jit3A_1088 = arith.constant 128 : i32
    %div3A_1089 = arith.divsi %squeeze3A_1087, %jit3A_1088 : i32
    %sign3A_1090 = arith.constant 0 : i32
    %sign3A_1091 = arith.cmpi sgt, %squeeze3A_1087, %sign3A_1090 : i32
    %sign3A_1092 = arith.extui %sign3A_1091 : i1 to i32
    %sign3A_1093 = arith.constant 0 : i32
    %sign3A_1094 = arith.cmpi slt, %squeeze3A_1087, %sign3A_1093 : i32
    %sign3A_1095 = arith.extui %sign3A_1094 : i1 to i32
    %sign3A_1096 = arith.subi %sign3A_1092, %sign3A_1095 : i32
    %sign3A_1097 = arith.constant 0 : i32
    %sign3A_1098 = arith.cmpi sgt, %jit3A_1088, %sign3A_1097 : i32
    %sign3A_1099 = arith.extui %sign3A_1098 : i1 to i32
    %sign3A_1100 = arith.constant 0 : i32
    %sign3A_1101 = arith.cmpi slt, %jit3A_1088, %sign3A_1100 : i32
    %sign3A_1102 = arith.extui %sign3A_1101 : i1 to i32
    %sign3A_1103 = arith.subi %sign3A_1099, %sign3A_1102 : i32
    %ne3A_1104 = arith.cmpi ne, %sign3A_1096, %sign3A_1103 : i32
    %rem3A_1105 = arith.remsi %squeeze3A_1087, %jit3A_1088 : i32
    %ne3A_1106 = arith.constant 0 : i32
    %ne3A_1107 = arith.cmpi ne, %rem3A_1105, %ne3A_1106 : i32
    %and3A_1108 = arith.andi %ne3A_1104, %ne3A_1107 : i1
    %sub3A_1109 = arith.constant 1 : i32
    %sub3A_1110 = arith.subi %div3A_1089, %sub3A_1109 : i32
    %select_n3A_1111 = arith.select %and3A_1108, %sub3A_1110, %div3A_1089 : i32
    %mul3A_1112 = arith.constant 128 : i32
    %mul3A_1113 = arith.muli %select_n3A_1111, %mul3A_1112 : i32
    %multiple_of3A_1114 = tpu.assume_multiple %mul3A_1113, 128 : i32
    %dma_start3A_1115 = arith.constant 0 : i32
    %dma_start3A_1116 = arith.constant 1536 : i32
    %dma_start3A_1117 = tpu.memref_slice %arg7[%dma_start3A_1115, %dma_start3A_1116] : memref<16x2048xf32, #tpu.memory_space<vmem>> -> memref<16x128xf32, #tpu.memory_space<vmem>>
    %dma_start3A_1118 = arith.constant 0 : i32
    %dma_start3A_1119 = tpu.memref_slice %arg3[%dma_start3A_1118, %multiple_of3A_1114] : memref<16x1000001xf32, #tpu.memory_space<hbm>> -> memref<16x128xf32, #tpu.memory_space<hbm>>
    %dma_start3A_1120 = arith.constant 0 : i32
    %dma_start3A_1121 = arith.constant 1536 : i32
    %dma_start3A_1122 = tpu.memref_slice %arg7[%dma_start3A_1120, %dma_start3A_1121] : memref<16x2048xf32, #tpu.memory_space<vmem>> -> memref<16x128xf32, #tpu.memory_space<vmem>>
    %dma_start3A_1123 = arith.constant 0 : i32
    %dma_start3A_1124 = tpu.memref_slice %arg3[%dma_start3A_1123, %multiple_of3A_1114] : memref<16x1000001xf32, #tpu.memory_space<hbm>> -> memref<16x128xf32, #tpu.memory_space<hbm>>
    tpu.enqueue_dma source(%dma_start3A_1124 : memref<16x128xf32, #tpu.memory_space<hbm>>) target(%dma_start3A_1122 : memref<16x128xf32, #tpu.memory_space<vmem>>) target_semaphore(%arg11 : memref<!tpu.dma_semaphore, #tpu.memory_space<semaphore_mem>>)
    %slice3A_1125 = vector.extract_strided_slice %get3A_617 {offsets = [13], sizes = [1], strides = [1]} : vector<16xi32> to vector<1xi32>
    %squeeze3A_1126 = vector.extract %slice3A_1125[0] : i32 from vector<1xi32>
    %jit3A_1127 = arith.constant 128 : i32
    %div3A_1128 = arith.divsi %squeeze3A_1126, %jit3A_1127 : i32
    %sign3A_1129 = arith.constant 0 : i32
    %sign3A_1130 = arith.cmpi sgt, %squeeze3A_1126, %sign3A_1129 : i32
    %sign3A_1131 = arith.extui %sign3A_1130 : i1 to i32
    %sign3A_1132 = arith.constant 0 : i32
    %sign3A_1133 = arith.cmpi slt, %squeeze3A_1126, %sign3A_1132 : i32
    %sign3A_1134 = arith.extui %sign3A_1133 : i1 to i32
    %sign3A_1135 = arith.subi %sign3A_1131, %sign3A_1134 : i32
    %sign3A_1136 = arith.constant 0 : i32
    %sign3A_1137 = arith.cmpi sgt, %jit3A_1127, %sign3A_1136 : i32
    %sign3A_1138 = arith.extui %sign3A_1137 : i1 to i32
    %sign3A_1139 = arith.constant 0 : i32
    %sign3A_1140 = arith.cmpi slt, %jit3A_1127, %sign3A_1139 : i32
    %sign3A_1141 = arith.extui %sign3A_1140 : i1 to i32
    %sign3A_1142 = arith.subi %sign3A_1138, %sign3A_1141 : i32
    %ne3A_1143 = arith.cmpi ne, %sign3A_1135, %sign3A_1142 : i32
    %rem3A_1144 = arith.remsi %squeeze3A_1126, %jit3A_1127 : i32
    %ne3A_1145 = arith.constant 0 : i32
    %ne3A_1146 = arith.cmpi ne, %rem3A_1144, %ne3A_1145 : i32
    %and3A_1147 = arith.andi %ne3A_1143, %ne3A_1146 : i1
    %sub3A_1148 = arith.constant 1 : i32
    %sub3A_1149 = arith.subi %div3A_1128, %sub3A_1148 : i32
    %select_n3A_1150 = arith.select %and3A_1147, %sub3A_1149, %div3A_1128 : i32
    %mul3A_1151 = arith.constant 128 : i32
    %mul3A_1152 = arith.muli %select_n3A_1150, %mul3A_1151 : i32
    %multiple_of3A_1153 = tpu.assume_multiple %mul3A_1152, 128 : i32
    %dma_start3A_1154 = arith.constant 0 : i32
    %dma_start3A_1155 = arith.constant 1664 : i32
    %dma_start3A_1156 = tpu.memref_slice %arg7[%dma_start3A_1154, %dma_start3A_1155] : memref<16x2048xf32, #tpu.memory_space<vmem>> -> memref<16x128xf32, #tpu.memory_space<vmem>>
    %dma_start3A_1157 = arith.constant 0 : i32
    %dma_start3A_1158 = tpu.memref_slice %arg3[%dma_start3A_1157, %multiple_of3A_1153] : memref<16x1000001xf32, #tpu.memory_space<hbm>> -> memref<16x128xf32, #tpu.memory_space<hbm>>
    %dma_start3A_1159 = arith.constant 0 : i32
    %dma_start3A_1160 = arith.constant 1664 : i32
    %dma_start3A_1161 = tpu.memref_slice %arg7[%dma_start3A_1159, %dma_start3A_1160] : memref<16x2048xf32, #tpu.memory_space<vmem>> -> memref<16x128xf32, #tpu.memory_space<vmem>>
    %dma_start3A_1162 = arith.constant 0 : i32
    %dma_start3A_1163 = tpu.memref_slice %arg3[%dma_start3A_1162, %multiple_of3A_1153] : memref<16x1000001xf32, #tpu.memory_space<hbm>> -> memref<16x128xf32, #tpu.memory_space<hbm>>
    tpu.enqueue_dma source(%dma_start3A_1163 : memref<16x128xf32, #tpu.memory_space<hbm>>) target(%dma_start3A_1161 : memref<16x128xf32, #tpu.memory_space<vmem>>) target_semaphore(%arg11 : memref<!tpu.dma_semaphore, #tpu.memory_space<semaphore_mem>>)
    %slice3A_1164 = vector.extract_strided_slice %get3A_617 {offsets = [14], sizes = [1], strides = [1]} : vector<16xi32> to vector<1xi32>
    %squeeze3A_1165 = vector.extract %slice3A_1164[0] : i32 from vector<1xi32>
    %jit3A_1166 = arith.constant 128 : i32
    %div3A_1167 = arith.divsi %squeeze3A_1165, %jit3A_1166 : i32
    %sign3A_1168 = arith.constant 0 : i32
    %sign3A_1169 = arith.cmpi sgt, %squeeze3A_1165, %sign3A_1168 : i32
    %sign3A_1170 = arith.extui %sign3A_1169 : i1 to i32
    %sign3A_1171 = arith.constant 0 : i32
    %sign3A_1172 = arith.cmpi slt, %squeeze3A_1165, %sign3A_1171 : i32
    %sign3A_1173 = arith.extui %sign3A_1172 : i1 to i32
    %sign3A_1174 = arith.subi %sign3A_1170, %sign3A_1173 : i32
    %sign3A_1175 = arith.constant 0 : i32
    %sign3A_1176 = arith.cmpi sgt, %jit3A_1166, %sign3A_1175 : i32
    %sign3A_1177 = arith.extui %sign3A_1176 : i1 to i32
    %sign3A_1178 = arith.constant 0 : i32
    %sign3A_1179 = arith.cmpi slt, %jit3A_1166, %sign3A_1178 : i32
    %sign3A_1180 = arith.extui %sign3A_1179 : i1 to i32
    %sign3A_1181 = arith.subi %sign3A_1177, %sign3A_1180 : i32
    %ne3A_1182 = arith.cmpi ne, %sign3A_1174, %sign3A_1181 : i32
    %rem3A_1183 = arith.remsi %squeeze3A_1165, %jit3A_1166 : i32
    %ne3A_1184 = arith.constant 0 : i32
    %ne3A_1185 = arith.cmpi ne, %rem3A_1183, %ne3A_1184 : i32
    %and3A_1186 = arith.andi %ne3A_1182, %ne3A_1185 : i1
    %sub3A_1187 = arith.constant 1 : i32
    %sub3A_1188 = arith.subi %div3A_1167, %sub3A_1187 : i32
    %select_n3A_1189 = arith.select %and3A_1186, %sub3A_1188, %div3A_1167 : i32
    %mul3A_1190 = arith.constant 128 : i32
    %mul3A_1191 = arith.muli %select_n3A_1189, %mul3A_1190 : i32
    %multiple_of3A_1192 = tpu.assume_multiple %mul3A_1191, 128 : i32
    %dma_start3A_1193 = arith.constant 0 : i32
    %dma_start3A_1194 = arith.constant 1792 : i32
    %dma_start3A_1195 = tpu.memref_slice %arg7[%dma_start3A_1193, %dma_start3A_1194] : memref<16x2048xf32, #tpu.memory_space<vmem>> -> memref<16x128xf32, #tpu.memory_space<vmem>>
    %dma_start3A_1196 = arith.constant 0 : i32
    %dma_start3A_1197 = tpu.memref_slice %arg3[%dma_start3A_1196, %multiple_of3A_1192] : memref<16x1000001xf32, #tpu.memory_space<hbm>> -> memref<16x128xf32, #tpu.memory_space<hbm>>
    %dma_start3A_1198 = arith.constant 0 : i32
    %dma_start3A_1199 = arith.constant 1792 : i32
    %dma_start3A_1200 = tpu.memref_slice %arg7[%dma_start3A_1198, %dma_start3A_1199] : memref<16x2048xf32, #tpu.memory_space<vmem>> -> memref<16x128xf32, #tpu.memory_space<vmem>>
    %dma_start3A_1201 = arith.constant 0 : i32
    %dma_start3A_1202 = tpu.memref_slice %arg3[%dma_start3A_1201, %multiple_of3A_1192] : memref<16x1000001xf32, #tpu.memory_space<hbm>> -> memref<16x128xf32, #tpu.memory_space<hbm>>
    tpu.enqueue_dma source(%dma_start3A_1202 : memref<16x128xf32, #tpu.memory_space<hbm>>) target(%dma_start3A_1200 : memref<16x128xf32, #tpu.memory_space<vmem>>) target_semaphore(%arg11 : memref<!tpu.dma_semaphore, #tpu.memory_space<semaphore_mem>>)
    %slice3A_1203 = vector.extract_strided_slice %get3A_617 {offsets = [15], sizes = [1], strides = [1]} : vector<16xi32> to vector<1xi32>
    %squeeze3A_1204 = vector.extract %slice3A_1203[0] : i32 from vector<1xi32>
    %jit3A_1205 = arith.constant 128 : i32
    %div3A_1206 = arith.divsi %squeeze3A_1204, %jit3A_1205 : i32
    %sign3A_1207 = arith.constant 0 : i32
    %sign3A_1208 = arith.cmpi sgt, %squeeze3A_1204, %sign3A_1207 : i32
    %sign3A_1209 = arith.extui %sign3A_1208 : i1 to i32
    %sign3A_1210 = arith.constant 0 : i32
    %sign3A_1211 = arith.cmpi slt, %squeeze3A_1204, %sign3A_1210 : i32
    %sign3A_1212 = arith.extui %sign3A_1211 : i1 to i32
    %sign3A_1213 = arith.subi %sign3A_1209, %sign3A_1212 : i32
    %sign3A_1214 = arith.constant 0 : i32
    %sign3A_1215 = arith.cmpi sgt, %jit3A_1205, %sign3A_1214 : i32
    %sign3A_1216 = arith.extui %sign3A_1215 : i1 to i32
    %sign3A_1217 = arith.constant 0 : i32
    %sign3A_1218 = arith.cmpi slt, %jit3A_1205, %sign3A_1217 : i32
    %sign3A_1219 = arith.extui %sign3A_1218 : i1 to i32
    %sign3A_1220 = arith.subi %sign3A_1216, %sign3A_1219 : i32
    %ne3A_1221 = arith.cmpi ne, %sign3A_1213, %sign3A_1220 : i32
    %rem3A_1222 = arith.remsi %squeeze3A_1204, %jit3A_1205 : i32
    %ne3A_1223 = arith.constant 0 : i32
    %ne3A_1224 = arith.cmpi ne, %rem3A_1222, %ne3A_1223 : i32
    %and3A_1225 = arith.andi %ne3A_1221, %ne3A_1224 : i1
    %sub3A_1226 = arith.constant 1 : i32
    %sub3A_1227 = arith.subi %div3A_1206, %sub3A_1226 : i32
    %select_n3A_1228 = arith.select %and3A_1225, %sub3A_1227, %div3A_1206 : i32
    %mul3A_1229 = arith.constant 128 : i32
    %mul3A_1230 = arith.muli %select_n3A_1228, %mul3A_1229 : i32
    %multiple_of3A_1231 = tpu.assume_multiple %mul3A_1230, 128 : i32
    %dma_start3A_1232 = arith.constant 0 : i32
    %dma_start3A_1233 = arith.constant 1920 : i32
    %dma_start3A_1234 = tpu.memref_slice %arg7[%dma_start3A_1232, %dma_start3A_1233] : memref<16x2048xf32, #tpu.memory_space<vmem>> -> memref<16x128xf32, #tpu.memory_space<vmem>>
    %dma_start3A_1235 = arith.constant 0 : i32
    %dma_start3A_1236 = tpu.memref_slice %arg3[%dma_start3A_1235, %multiple_of3A_1231] : memref<16x1000001xf32, #tpu.memory_space<hbm>> -> memref<16x128xf32, #tpu.memory_space<hbm>>
    %dma_start3A_1237 = arith.constant 0 : i32
    %dma_start3A_1238 = arith.constant 1920 : i32
    %dma_start3A_1239 = tpu.memref_slice %arg7[%dma_start3A_1237, %dma_start3A_1238] : memref<16x2048xf32, #tpu.memory_space<vmem>> -> memref<16x128xf32, #tpu.memory_space<vmem>>
    %dma_start3A_1240 = arith.constant 0 : i32
    %dma_start3A_1241 = tpu.memref_slice %arg3[%dma_start3A_1240, %multiple_of3A_1231] : memref<16x1000001xf32, #tpu.memory_space<hbm>> -> memref<16x128xf32, #tpu.memory_space<hbm>>
    tpu.enqueue_dma source(%dma_start3A_1241 : memref<16x128xf32, #tpu.memory_space<hbm>>) target(%dma_start3A_1239 : memref<16x128xf32, #tpu.memory_space<vmem>>) target_semaphore(%arg11 : memref<!tpu.dma_semaphore, #tpu.memory_space<semaphore_mem>>)
    %scan3A = arith.constant 0 : i32
    %scan3A_1242 = arith.constant 0 : i32
    %scan3A_1243 = arith.constant 10 : i32
    %scan3A_1244 = arith.addi %scan3A_1242, %scan3A_1243 : i32
    %scan3A_1245 = arith.constant 1 : i32
    scf.for %scan3A_1440 = %scan3A_1242 to %scan3A_1244 step %scan3A_1245  : i32 {
      %mul3A_1441 = arith.constant 3 : i32
      %mul3A_1442 = arith.muli %mul3A_1441, %scan3A_1440 : i32
      %add3A_1443 = arith.constant 2 : i32
      %add3A_1444 = arith.addi %mul3A_1442, %add3A_1443 : i32
      %mul3A_1445 = arith.constant 16 : i32
      %mul3A_1446 = arith.muli %add3A_1444, %mul3A_1445 : i32
      %get3A_1447 = arith.index_cast %mul3A_1446 : i32 to index
      %get3A_1448 = tpu.vector_load %arg5[%get3A_1447] {strides = array<i32>} : memref<512xi32, #tpu.memory_space<vmem>>, vector<16xi32>,
      %slice3A_1449 = vector.extract_strided_slice %get3A_1448 {offsets = [0], sizes = [1], strides = [1]} : vector<16xi32> to vector<1xi32>
      %squeeze3A_1450 = vector.extract %slice3A_1449[0] : i32 from vector<1xi32>
      %jit3A_1451 = arith.constant 128 : i32
      %div3A_1452 = arith.divsi %squeeze3A_1450, %jit3A_1451 : i32
      %sign3A_1453 = arith.constant 0 : i32
      %sign3A_1454 = arith.cmpi sgt, %squeeze3A_1450, %sign3A_1453 : i32
      %sign3A_1455 = arith.extui %sign3A_1454 : i1 to i32
      %sign3A_1456 = arith.constant 0 : i32
      %sign3A_1457 = arith.cmpi slt, %squeeze3A_1450, %sign3A_1456 : i32
      %sign3A_1458 = arith.extui %sign3A_1457 : i1 to i32
      %sign3A_1459 = arith.subi %sign3A_1455, %sign3A_1458 : i32
      %sign3A_1460 = arith.constant 0 : i32
      %sign3A_1461 = arith.cmpi sgt, %jit3A_1451, %sign3A_1460 : i32
      %sign3A_1462 = arith.extui %sign3A_1461 : i1 to i32
      %sign3A_1463 = arith.constant 0 : i32
      %sign3A_1464 = arith.cmpi slt, %jit3A_1451, %sign3A_1463 : i32
      %sign3A_1465 = arith.extui %sign3A_1464 : i1 to i32
      %sign3A_1466 = arith.subi %sign3A_1462, %sign3A_1465 : i32
      %ne3A_1467 = arith.cmpi ne, %sign3A_1459, %sign3A_1466 : i32
      %rem3A_1468 = arith.remsi %squeeze3A_1450, %jit3A_1451 : i32
      %ne3A_1469 = arith.constant 0 : i32
      %ne3A_1470 = arith.cmpi ne, %rem3A_1468, %ne3A_1469 : i32
      %and3A_1471 = arith.andi %ne3A_1467, %ne3A_1470 : i1
      %sub3A_1472 = arith.constant 1 : i32
      %sub3A_1473 = arith.subi %div3A_1452, %sub3A_1472 : i32
      %select_n3A_1474 = arith.select %and3A_1471, %sub3A_1473, %div3A_1452 : i32
      %mul3A_1475 = arith.constant 128 : i32
      %mul3A_1476 = arith.muli %select_n3A_1474, %mul3A_1475 : i32
      %multiple_of3A_1477 = tpu.assume_multiple %mul3A_1476, 128 : i32
      %dma_start3A_1478 = arith.constant 0 : i32
      %dma_start3A_1479 = arith.constant 0 : i32
      %dma_start3A_1480 = tpu.memref_slice %arg8[%dma_start3A_1478, %dma_start3A_1479] : memref<16x2048xf32, #tpu.memory_space<vmem>> -> memref<16x128xf32, #tpu.memory_space<vmem>>
      %dma_start3A_1481 = arith.constant 0 : i32
      %dma_start3A_1482 = tpu.memref_slice %arg3[%dma_start3A_1481, %multiple_of3A_1477] : memref<16x1000001xf32, #tpu.memory_space<hbm>> -> memref<16x128xf32, #tpu.memory_space<hbm>>
      %dma_start3A_1483 = arith.constant 0 : i32
      %dma_start3A_1484 = arith.constant 0 : i32
      %dma_start3A_1485 = tpu.memref_slice %arg8[%dma_start3A_1483, %dma_start3A_1484] : memref<16x2048xf32, #tpu.memory_space<vmem>> -> memref<16x128xf32, #tpu.memory_space<vmem>>
      %dma_start3A_1486 = arith.constant 0 : i32
      %dma_start3A_1487 = tpu.memref_slice %arg3[%dma_start3A_1486, %multiple_of3A_1477] : memref<16x1000001xf32, #tpu.memory_space<hbm>> -> memref<16x128xf32, #tpu.memory_space<hbm>>
      tpu.enqueue_dma source(%dma_start3A_1487 : memref<16x128xf32, #tpu.memory_space<hbm>>) target(%dma_start3A_1485 : memref<16x128xf32, #tpu.memory_space<vmem>>) target_semaphore(%arg12 : memref<!tpu.dma_semaphore, #tpu.memory_space<semaphore_mem>>)
      %slice3A_1488 = vector.extract_strided_slice %get3A_1448 {offsets = [1], sizes = [1], strides = [1]} : vector<16xi32> to vector<1xi32>
      %squeeze3A_1489 = vector.extract %slice3A_1488[0] : i32 from vector<1xi32>
      %jit3A_1490 = arith.constant 128 : i32
      %div3A_1491 = arith.divsi %squeeze3A_1489, %jit3A_1490 : i32
      %sign3A_1492 = arith.constant 0 : i32
      %sign3A_1493 = arith.cmpi sgt, %squeeze3A_1489, %sign3A_1492 : i32
      %sign3A_1494 = arith.extui %sign3A_1493 : i1 to i32
      %sign3A_1495 = arith.constant 0 : i32
      %sign3A_1496 = arith.cmpi slt, %squeeze3A_1489, %sign3A_1495 : i32
      %sign3A_1497 = arith.extui %sign3A_1496 : i1 to i32
      %sign3A_1498 = arith.subi %sign3A_1494, %sign3A_1497 : i32
      %sign3A_1499 = arith.constant 0 : i32
      %sign3A_1500 = arith.cmpi sgt, %jit3A_1490, %sign3A_1499 : i32
      %sign3A_1501 = arith.extui %sign3A_1500 : i1 to i32
      %sign3A_1502 = arith.constant 0 : i32
      %sign3A_1503 = arith.cmpi slt, %jit3A_1490, %sign3A_1502 : i32
      %sign3A_1504 = arith.extui %sign3A_1503 : i1 to i32
      %sign3A_1505 = arith.subi %sign3A_1501, %sign3A_1504 : i32
      %ne3A_1506 = arith.cmpi ne, %sign3A_1498, %sign3A_1505 : i32
      %rem3A_1507 = arith.remsi %squeeze3A_1489, %jit3A_1490 : i32
      %ne3A_1508 = arith.constant 0 : i32
      %ne3A_1509 = arith.cmpi ne, %rem3A_1507, %ne3A_1508 : i32
      %and3A_1510 = arith.andi %ne3A_1506, %ne3A_1509 : i1
      %sub3A_1511 = arith.constant 1 : i32
      %sub3A_1512 = arith.subi %div3A_1491, %sub3A_1511 : i32
      %select_n3A_1513 = arith.select %and3A_1510, %sub3A_1512, %div3A_1491 : i32
      %mul3A_1514 = arith.constant 128 : i32
      %mul3A_1515 = arith.muli %select_n3A_1513, %mul3A_1514 : i32
      %multiple_of3A_1516 = tpu.assume_multiple %mul3A_1515, 128 : i32
      %dma_start3A_1517 = arith.constant 0 : i32
      %dma_start3A_1518 = arith.constant 128 : i32
      %dma_start3A_1519 = tpu.memref_slice %arg8[%dma_start3A_1517, %dma_start3A_1518] : memref<16x2048xf32, #tpu.memory_space<vmem>> -> memref<16x128xf32, #tpu.memory_space<vmem>>
      %dma_start3A_1520 = arith.constant 0 : i32
      %dma_start3A_1521 = tpu.memref_slice %arg3[%dma_start3A_1520, %multiple_of3A_1516] : memref<16x1000001xf32, #tpu.memory_space<hbm>> -> memref<16x128xf32, #tpu.memory_space<hbm>>
      %dma_start3A_1522 = arith.constant 0 : i32
      %dma_start3A_1523 = arith.constant 128 : i32
      %dma_start3A_1524 = tpu.memref_slice %arg8[%dma_start3A_1522, %dma_start3A_1523] : memref<16x2048xf32, #tpu.memory_space<vmem>> -> memref<16x128xf32, #tpu.memory_space<vmem>>
      %dma_start3A_1525 = arith.constant 0 : i32
      %dma_start3A_1526 = tpu.memref_slice %arg3[%dma_start3A_1525, %multiple_of3A_1516] : memref<16x1000001xf32, #tpu.memory_space<hbm>> -> memref<16x128xf32, #tpu.memory_space<hbm>>
      tpu.enqueue_dma source(%dma_start3A_1526 : memref<16x128xf32, #tpu.memory_space<hbm>>) target(%dma_start3A_1524 : memref<16x128xf32, #tpu.memory_space<vmem>>) target_semaphore(%arg12 : memref<!tpu.dma_semaphore, #tpu.memory_space<semaphore_mem>>)
      %slice3A_1527 = vector.extract_strided_slice %get3A_1448 {offsets = [2], sizes = [1], strides = [1]} : vector<16xi32> to vector<1xi32>
      %squeeze3A_1528 = vector.extract %slice3A_1527[0] : i32 from vector<1xi32>
      %jit3A_1529 = arith.constant 128 : i32
      %div3A_1530 = arith.divsi %squeeze3A_1528, %jit3A_1529 : i32
      %sign3A_1531 = arith.constant 0 : i32
      %sign3A_1532 = arith.cmpi sgt, %squeeze3A_1528, %sign3A_1531 : i32
      %sign3A_1533 = arith.extui %sign3A_1532 : i1 to i32
      %sign3A_1534 = arith.constant 0 : i32
      %sign3A_1535 = arith.cmpi slt, %squeeze3A_1528, %sign3A_1534 : i32
      %sign3A_1536 = arith.extui %sign3A_1535 : i1 to i32
      %sign3A_1537 = arith.subi %sign3A_1533, %sign3A_1536 : i32
      %sign3A_1538 = arith.constant 0 : i32
      %sign3A_1539 = arith.cmpi sgt, %jit3A_1529, %sign3A_1538 : i32
      %sign3A_1540 = arith.extui %sign3A_1539 : i1 to i32
      %sign3A_1541 = arith.constant 0 : i32
      %sign3A_1542 = arith.cmpi slt, %jit3A_1529, %sign3A_1541 : i32
      %sign3A_1543 = arith.extui %sign3A_1542 : i1 to i32
      %sign3A_1544 = arith.subi %sign3A_1540, %sign3A_1543 : i32
      %ne3A_1545 = arith.cmpi ne, %sign3A_1537, %sign3A_1544 : i32
      %rem3A_1546 = arith.remsi %squeeze3A_1528, %jit3A_1529 : i32
      %ne3A_1547 = arith.constant 0 : i32
      %ne3A_1548 = arith.cmpi ne, %rem3A_1546, %ne3A_1547 : i32
      %and3A_1549 = arith.andi %ne3A_1545, %ne3A_1548 : i1
      %sub3A_1550 = arith.constant 1 : i32
      %sub3A_1551 = arith.subi %div3A_1530, %sub3A_1550 : i32
      %select_n3A_1552 = arith.select %and3A_1549, %sub3A_1551, %div3A_1530 : i32
      %mul3A_1553 = arith.constant 128 : i32
      %mul3A_1554 = arith.muli %select_n3A_1552, %mul3A_1553 : i32
      %multiple_of3A_1555 = tpu.assume_multiple %mul3A_1554, 128 : i32
      %dma_start3A_1556 = arith.constant 0 : i32
      %dma_start3A_1557 = arith.constant 256 : i32
      %dma_start3A_1558 = tpu.memref_slice %arg8[%dma_start3A_1556, %dma_start3A_1557] : memref<16x2048xf32, #tpu.memory_space<vmem>> -> memref<16x128xf32, #tpu.memory_space<vmem>>
      %dma_start3A_1559 = arith.constant 0 : i32
      %dma_start3A_1560 = tpu.memref_slice %arg3[%dma_start3A_1559, %multiple_of3A_1555] : memref<16x1000001xf32, #tpu.memory_space<hbm>> -> memref<16x128xf32, #tpu.memory_space<hbm>>
      %dma_start3A_1561 = arith.constant 0 : i32
      %dma_start3A_1562 = arith.constant 256 : i32
      %dma_start3A_1563 = tpu.memref_slice %arg8[%dma_start3A_1561, %dma_start3A_1562] : memref<16x2048xf32, #tpu.memory_space<vmem>> -> memref<16x128xf32, #tpu.memory_space<vmem>>
      %dma_start3A_1564 = arith.constant 0 : i32
      %dma_start3A_1565 = tpu.memref_slice %arg3[%dma_start3A_1564, %multiple_of3A_1555] : memref<16x1000001xf32, #tpu.memory_space<hbm>> -> memref<16x128xf32, #tpu.memory_space<hbm>>
      tpu.enqueue_dma source(%dma_start3A_1565 : memref<16x128xf32, #tpu.memory_space<hbm>>) target(%dma_start3A_1563 : memref<16x128xf32, #tpu.memory_space<vmem>>) target_semaphore(%arg12 : memref<!tpu.dma_semaphore, #tpu.memory_space<semaphore_mem>>)
      %slice3A_1566 = vector.extract_strided_slice %get3A_1448 {offsets = [3], sizes = [1], strides = [1]} : vector<16xi32> to vector<1xi32>
      %squeeze3A_1567 = vector.extract %slice3A_1566[0] : i32 from vector<1xi32>
      %jit3A_1568 = arith.constant 128 : i32
      %div3A_1569 = arith.divsi %squeeze3A_1567, %jit3A_1568 : i32
      %sign3A_1570 = arith.constant 0 : i32
      %sign3A_1571 = arith.cmpi sgt, %squeeze3A_1567, %sign3A_1570 : i32
      %sign3A_1572 = arith.extui %sign3A_1571 : i1 to i32
      %sign3A_1573 = arith.constant 0 : i32
      %sign3A_1574 = arith.cmpi slt, %squeeze3A_1567, %sign3A_1573 : i32
      %sign3A_1575 = arith.extui %sign3A_1574 : i1 to i32
      %sign3A_1576 = arith.subi %sign3A_1572, %sign3A_1575 : i32
      %sign3A_1577 = arith.constant 0 : i32
      %sign3A_1578 = arith.cmpi sgt, %jit3A_1568, %sign3A_1577 : i32
      %sign3A_1579 = arith.extui %sign3A_1578 : i1 to i32
      %sign3A_1580 = arith.constant 0 : i32
      %sign3A_1581 = arith.cmpi slt, %jit3A_1568, %sign3A_1580 : i32
      %sign3A_1582 = arith.extui %sign3A_1581 : i1 to i32
      %sign3A_1583 = arith.subi %sign3A_1579, %sign3A_1582 : i32
      %ne3A_1584 = arith.cmpi ne, %sign3A_1576, %sign3A_1583 : i32
      %rem3A_1585 = arith.remsi %squeeze3A_1567, %jit3A_1568 : i32
      %ne3A_1586 = arith.constant 0 : i32
      %ne3A_1587 = arith.cmpi ne, %rem3A_1585, %ne3A_1586 : i32
      %and3A_1588 = arith.andi %ne3A_1584, %ne3A_1587 : i1
      %sub3A_1589 = arith.constant 1 : i32
      %sub3A_1590 = arith.subi %div3A_1569, %sub3A_1589 : i32
      %select_n3A_1591 = arith.select %and3A_1588, %sub3A_1590, %div3A_1569 : i32
      %mul3A_1592 = arith.constant 128 : i32
      %mul3A_1593 = arith.muli %select_n3A_1591, %mul3A_1592 : i32
      %multiple_of3A_1594 = tpu.assume_multiple %mul3A_1593, 128 : i32
      %dma_start3A_1595 = arith.constant 0 : i32
      %dma_start3A_1596 = arith.constant 384 : i32
      %dma_start3A_1597 = tpu.memref_slice %arg8[%dma_start3A_1595, %dma_start3A_1596] : memref<16x2048xf32, #tpu.memory_space<vmem>> -> memref<16x128xf32, #tpu.memory_space<vmem>>
      %dma_start3A_1598 = arith.constant 0 : i32
      %dma_start3A_1599 = tpu.memref_slice %arg3[%dma_start3A_1598, %multiple_of3A_1594] : memref<16x1000001xf32, #tpu.memory_space<hbm>> -> memref<16x128xf32, #tpu.memory_space<hbm>>
      %dma_start3A_1600 = arith.constant 0 : i32
      %dma_start3A_1601 = arith.constant 384 : i32
      %dma_start3A_1602 = tpu.memref_slice %arg8[%dma_start3A_1600, %dma_start3A_1601] : memref<16x2048xf32, #tpu.memory_space<vmem>> -> memref<16x128xf32, #tpu.memory_space<vmem>>
      %dma_start3A_1603 = arith.constant 0 : i32
      %dma_start3A_1604 = tpu.memref_slice %arg3[%dma_start3A_1603, %multiple_of3A_1594] : memref<16x1000001xf32, #tpu.memory_space<hbm>> -> memref<16x128xf32, #tpu.memory_space<hbm>>
      tpu.enqueue_dma source(%dma_start3A_1604 : memref<16x128xf32, #tpu.memory_space<hbm>>) target(%dma_start3A_1602 : memref<16x128xf32, #tpu.memory_space<vmem>>) target_semaphore(%arg12 : memref<!tpu.dma_semaphore, #tpu.memory_space<semaphore_mem>>)
      %slice3A_1605 = vector.extract_strided_slice %get3A_1448 {offsets = [4], sizes = [1], strides = [1]} : vector<16xi32> to vector<1xi32>
      %squeeze3A_1606 = vector.extract %slice3A_1605[0] : i32 from vector<1xi32>
      %jit3A_1607 = arith.constant 128 : i32
      %div3A_1608 = arith.divsi %squeeze3A_1606, %jit3A_1607 : i32
      %sign3A_1609 = arith.constant 0 : i32
      %sign3A_1610 = arith.cmpi sgt, %squeeze3A_1606, %sign3A_1609 : i32
      %sign3A_1611 = arith.extui %sign3A_1610 : i1 to i32
      %sign3A_1612 = arith.constant 0 : i32
      %sign3A_1613 = arith.cmpi slt, %squeeze3A_1606, %sign3A_1612 : i32
      %sign3A_1614 = arith.extui %sign3A_1613 : i1 to i32
      %sign3A_1615 = arith.subi %sign3A_1611, %sign3A_1614 : i32
      %sign3A_1616 = arith.constant 0 : i32
      %sign3A_1617 = arith.cmpi sgt, %jit3A_1607, %sign3A_1616 : i32
      %sign3A_1618 = arith.extui %sign3A_1617 : i1 to i32
      %sign3A_1619 = arith.constant 0 : i32
      %sign3A_1620 = arith.cmpi slt, %jit3A_1607, %sign3A_1619 : i32
      %sign3A_1621 = arith.extui %sign3A_1620 : i1 to i32
      %sign3A_1622 = arith.subi %sign3A_1618, %sign3A_1621 : i32
      %ne3A_1623 = arith.cmpi ne, %sign3A_1615, %sign3A_1622 : i32
      %rem3A_1624 = arith.remsi %squeeze3A_1606, %jit3A_1607 : i32
      %ne3A_1625 = arith.constant 0 : i32
      %ne3A_1626 = arith.cmpi ne, %rem3A_1624, %ne3A_1625 : i32
      %and3A_1627 = arith.andi %ne3A_1623, %ne3A_1626 : i1
      %sub3A_1628 = arith.constant 1 : i32
      %sub3A_1629 = arith.subi %div3A_1608, %sub3A_1628 : i32
      %select_n3A_1630 = arith.select %and3A_1627, %sub3A_1629, %div3A_1608 : i32
      %mul3A_1631 = arith.constant 128 : i32
      %mul3A_1632 = arith.muli %select_n3A_1630, %mul3A_1631 : i32
      %multiple_of3A_1633 = tpu.assume_multiple %mul3A_1632, 128 : i32
      %dma_start3A_1634 = arith.constant 0 : i32
      %dma_start3A_1635 = arith.constant 512 : i32
      %dma_start3A_1636 = tpu.memref_slice %arg8[%dma_start3A_1634, %dma_start3A_1635] : memref<16x2048xf32, #tpu.memory_space<vmem>> -> memref<16x128xf32, #tpu.memory_space<vmem>>
      %dma_start3A_1637 = arith.constant 0 : i32
      %dma_start3A_1638 = tpu.memref_slice %arg3[%dma_start3A_1637, %multiple_of3A_1633] : memref<16x1000001xf32, #tpu.memory_space<hbm>> -> memref<16x128xf32, #tpu.memory_space<hbm>>
      %dma_start3A_1639 = arith.constant 0 : i32
      %dma_start3A_1640 = arith.constant 512 : i32
      %dma_start3A_1641 = tpu.memref_slice %arg8[%dma_start3A_1639, %dma_start3A_1640] : memref<16x2048xf32, #tpu.memory_space<vmem>> -> memref<16x128xf32, #tpu.memory_space<vmem>>
      %dma_start3A_1642 = arith.constant 0 : i32
      %dma_start3A_1643 = tpu.memref_slice %arg3[%dma_start3A_1642, %multiple_of3A_1633] : memref<16x1000001xf32, #tpu.memory_space<hbm>> -> memref<16x128xf32, #tpu.memory_space<hbm>>
      tpu.enqueue_dma source(%dma_start3A_1643 : memref<16x128xf32, #tpu.memory_space<hbm>>) target(%dma_start3A_1641 : memref<16x128xf32, #tpu.memory_space<vmem>>) target_semaphore(%arg12 : memref<!tpu.dma_semaphore, #tpu.memory_space<semaphore_mem>>)
      %slice3A_1644 = vector.extract_strided_slice %get3A_1448 {offsets = [5], sizes = [1], strides = [1]} : vector<16xi32> to vector<1xi32>
      %squeeze3A_1645 = vector.extract %slice3A_1644[0] : i32 from vector<1xi32>
      %jit3A_1646 = arith.constant 128 : i32
      %div3A_1647 = arith.divsi %squeeze3A_1645, %jit3A_1646 : i32
      %sign3A_1648 = arith.constant 0 : i32
      %sign3A_1649 = arith.cmpi sgt, %squeeze3A_1645, %sign3A_1648 : i32
      %sign3A_1650 = arith.extui %sign3A_1649 : i1 to i32
      %sign3A_1651 = arith.constant 0 : i32
      %sign3A_1652 = arith.cmpi slt, %squeeze3A_1645, %sign3A_1651 : i32
      %sign3A_1653 = arith.extui %sign3A_1652 : i1 to i32
      %sign3A_1654 = arith.subi %sign3A_1650, %sign3A_1653 : i32
      %sign3A_1655 = arith.constant 0 : i32
      %sign3A_1656 = arith.cmpi sgt, %jit3A_1646, %sign3A_1655 : i32
      %sign3A_1657 = arith.extui %sign3A_1656 : i1 to i32
      %sign3A_1658 = arith.constant 0 : i32
      %sign3A_1659 = arith.cmpi slt, %jit3A_1646, %sign3A_1658 : i32
      %sign3A_1660 = arith.extui %sign3A_1659 : i1 to i32
      %sign3A_1661 = arith.subi %sign3A_1657, %sign3A_1660 : i32
      %ne3A_1662 = arith.cmpi ne, %sign3A_1654, %sign3A_1661 : i32
      %rem3A_1663 = arith.remsi %squeeze3A_1645, %jit3A_1646 : i32
      %ne3A_1664 = arith.constant 0 : i32
      %ne3A_1665 = arith.cmpi ne, %rem3A_1663, %ne3A_1664 : i32
      %and3A_1666 = arith.andi %ne3A_1662, %ne3A_1665 : i1
      %sub3A_1667 = arith.constant 1 : i32
      %sub3A_1668 = arith.subi %div3A_1647, %sub3A_1667 : i32
      %select_n3A_1669 = arith.select %and3A_1666, %sub3A_1668, %div3A_1647 : i32
      %mul3A_1670 = arith.constant 128 : i32
      %mul3A_1671 = arith.muli %select_n3A_1669, %mul3A_1670 : i32
      %multiple_of3A_1672 = tpu.assume_multiple %mul3A_1671, 128 : i32
      %dma_start3A_1673 = arith.constant 0 : i32
      %dma_start3A_1674 = arith.constant 640 : i32
      %dma_start3A_1675 = tpu.memref_slice %arg8[%dma_start3A_1673, %dma_start3A_1674] : memref<16x2048xf32, #tpu.memory_space<vmem>> -> memref<16x128xf32, #tpu.memory_space<vmem>>
      %dma_start3A_1676 = arith.constant 0 : i32
      %dma_start3A_1677 = tpu.memref_slice %arg3[%dma_start3A_1676, %multiple_of3A_1672] : memref<16x1000001xf32, #tpu.memory_space<hbm>> -> memref<16x128xf32, #tpu.memory_space<hbm>>
      %dma_start3A_1678 = arith.constant 0 : i32
      %dma_start3A_1679 = arith.constant 640 : i32
      %dma_start3A_1680 = tpu.memref_slice %arg8[%dma_start3A_1678, %dma_start3A_1679] : memref<16x2048xf32, #tpu.memory_space<vmem>> -> memref<16x128xf32, #tpu.memory_space<vmem>>
      %dma_start3A_1681 = arith.constant 0 : i32
      %dma_start3A_1682 = tpu.memref_slice %arg3[%dma_start3A_1681, %multiple_of3A_1672] : memref<16x1000001xf32, #tpu.memory_space<hbm>> -> memref<16x128xf32, #tpu.memory_space<hbm>>
      tpu.enqueue_dma source(%dma_start3A_1682 : memref<16x128xf32, #tpu.memory_space<hbm>>) target(%dma_start3A_1680 : memref<16x128xf32, #tpu.memory_space<vmem>>) target_semaphore(%arg12 : memref<!tpu.dma_semaphore, #tpu.memory_space<semaphore_mem>>)
      %slice3A_1683 = vector.extract_strided_slice %get3A_1448 {offsets = [6], sizes = [1], strides = [1]} : vector<16xi32> to vector<1xi32>
      %squeeze3A_1684 = vector.extract %slice3A_1683[0] : i32 from vector<1xi32>
      %jit3A_1685 = arith.constant 128 : i32
      %div3A_1686 = arith.divsi %squeeze3A_1684, %jit3A_1685 : i32
      %sign3A_1687 = arith.constant 0 : i32
      %sign3A_1688 = arith.cmpi sgt, %squeeze3A_1684, %sign3A_1687 : i32
      %sign3A_1689 = arith.extui %sign3A_1688 : i1 to i32
      %sign3A_1690 = arith.constant 0 : i32
      %sign3A_1691 = arith.cmpi slt, %squeeze3A_1684, %sign3A_1690 : i32
      %sign3A_1692 = arith.extui %sign3A_1691 : i1 to i32
      %sign3A_1693 = arith.subi %sign3A_1689, %sign3A_1692 : i32
      %sign3A_1694 = arith.constant 0 : i32
      %sign3A_1695 = arith.cmpi sgt, %jit3A_1685, %sign3A_1694 : i32
      %sign3A_1696 = arith.extui %sign3A_1695 : i1 to i32
      %sign3A_1697 = arith.constant 0 : i32
      %sign3A_1698 = arith.cmpi slt, %jit3A_1685, %sign3A_1697 : i32
      %sign3A_1699 = arith.extui %sign3A_1698 : i1 to i32
      %sign3A_1700 = arith.subi %sign3A_1696, %sign3A_1699 : i32
      %ne3A_1701 = arith.cmpi ne, %sign3A_1693, %sign3A_1700 : i32
      %rem3A_1702 = arith.remsi %squeeze3A_1684, %jit3A_1685 : i32
      %ne3A_1703 = arith.constant 0 : i32
      %ne3A_1704 = arith.cmpi ne, %rem3A_1702, %ne3A_1703 : i32
      %and3A_1705 = arith.andi %ne3A_1701, %ne3A_1704 : i1
      %sub3A_1706 = arith.constant 1 : i32
      %sub3A_1707 = arith.subi %div3A_1686, %sub3A_1706 : i32
      %select_n3A_1708 = arith.select %and3A_1705, %sub3A_1707, %div3A_1686 : i32
      %mul3A_1709 = arith.constant 128 : i32
      %mul3A_1710 = arith.muli %select_n3A_1708, %mul3A_1709 : i32
      %multiple_of3A_1711 = tpu.assume_multiple %mul3A_1710, 128 : i32
      %dma_start3A_1712 = arith.constant 0 : i32
      %dma_start3A_1713 = arith.constant 768 : i32
      %dma_start3A_1714 = tpu.memref_slice %arg8[%dma_start3A_1712, %dma_start3A_1713] : memref<16x2048xf32, #tpu.memory_space<vmem>> -> memref<16x128xf32, #tpu.memory_space<vmem>>
      %dma_start3A_1715 = arith.constant 0 : i32
      %dma_start3A_1716 = tpu.memref_slice %arg3[%dma_start3A_1715, %multiple_of3A_1711] : memref<16x1000001xf32, #tpu.memory_space<hbm>> -> memref<16x128xf32, #tpu.memory_space<hbm>>
      %dma_start3A_1717 = arith.constant 0 : i32
      %dma_start3A_1718 = arith.constant 768 : i32
      %dma_start3A_1719 = tpu.memref_slice %arg8[%dma_start3A_1717, %dma_start3A_1718] : memref<16x2048xf32, #tpu.memory_space<vmem>> -> memref<16x128xf32, #tpu.memory_space<vmem>>
      %dma_start3A_1720 = arith.constant 0 : i32
      %dma_start3A_1721 = tpu.memref_slice %arg3[%dma_start3A_1720, %multiple_of3A_1711] : memref<16x1000001xf32, #tpu.memory_space<hbm>> -> memref<16x128xf32, #tpu.memory_space<hbm>>
      tpu.enqueue_dma source(%dma_start3A_1721 : memref<16x128xf32, #tpu.memory_space<hbm>>) target(%dma_start3A_1719 : memref<16x128xf32, #tpu.memory_space<vmem>>) target_semaphore(%arg12 : memref<!tpu.dma_semaphore, #tpu.memory_space<semaphore_mem>>)
      %slice3A_1722 = vector.extract_strided_slice %get3A_1448 {offsets = [7], sizes = [1], strides = [1]} : vector<16xi32> to vector<1xi32>
      %squeeze3A_1723 = vector.extract %slice3A_1722[0] : i32 from vector<1xi32>
      %jit3A_1724 = arith.constant 128 : i32
      %div3A_1725 = arith.divsi %squeeze3A_1723, %jit3A_1724 : i32
      %sign3A_1726 = arith.constant 0 : i32
      %sign3A_1727 = arith.cmpi sgt, %squeeze3A_1723, %sign3A_1726 : i32
      %sign3A_1728 = arith.extui %sign3A_1727 : i1 to i32
      %sign3A_1729 = arith.constant 0 : i32
      %sign3A_1730 = arith.cmpi slt, %squeeze3A_1723, %sign3A_1729 : i32
      %sign3A_1731 = arith.extui %sign3A_1730 : i1 to i32
      %sign3A_1732 = arith.subi %sign3A_1728, %sign3A_1731 : i32
      %sign3A_1733 = arith.constant 0 : i32
      %sign3A_1734 = arith.cmpi sgt, %jit3A_1724, %sign3A_1733 : i32
      %sign3A_1735 = arith.extui %sign3A_1734 : i1 to i32
      %sign3A_1736 = arith.constant 0 : i32
      %sign3A_1737 = arith.cmpi slt, %jit3A_1724, %sign3A_1736 : i32
      %sign3A_1738 = arith.extui %sign3A_1737 : i1 to i32
      %sign3A_1739 = arith.subi %sign3A_1735, %sign3A_1738 : i32
      %ne3A_1740 = arith.cmpi ne, %sign3A_1732, %sign3A_1739 : i32
      %rem3A_1741 = arith.remsi %squeeze3A_1723, %jit3A_1724 : i32
      %ne3A_1742 = arith.constant 0 : i32
      %ne3A_1743 = arith.cmpi ne, %rem3A_1741, %ne3A_1742 : i32
      %and3A_1744 = arith.andi %ne3A_1740, %ne3A_1743 : i1
      %sub3A_1745 = arith.constant 1 : i32
      %sub3A_1746 = arith.subi %div3A_1725, %sub3A_1745 : i32
      %select_n3A_1747 = arith.select %and3A_1744, %sub3A_1746, %div3A_1725 : i32
      %mul3A_1748 = arith.constant 128 : i32
      %mul3A_1749 = arith.muli %select_n3A_1747, %mul3A_1748 : i32
      %multiple_of3A_1750 = tpu.assume_multiple %mul3A_1749, 128 : i32
      %dma_start3A_1751 = arith.constant 0 : i32
      %dma_start3A_1752 = arith.constant 896 : i32
      %dma_start3A_1753 = tpu.memref_slice %arg8[%dma_start3A_1751, %dma_start3A_1752] : memref<16x2048xf32, #tpu.memory_space<vmem>> -> memref<16x128xf32, #tpu.memory_space<vmem>>
      %dma_start3A_1754 = arith.constant 0 : i32
      %dma_start3A_1755 = tpu.memref_slice %arg3[%dma_start3A_1754, %multiple_of3A_1750] : memref<16x1000001xf32, #tpu.memory_space<hbm>> -> memref<16x128xf32, #tpu.memory_space<hbm>>
      %dma_start3A_1756 = arith.constant 0 : i32
      %dma_start3A_1757 = arith.constant 896 : i32
      %dma_start3A_1758 = tpu.memref_slice %arg8[%dma_start3A_1756, %dma_start3A_1757] : memref<16x2048xf32, #tpu.memory_space<vmem>> -> memref<16x128xf32, #tpu.memory_space<vmem>>
      %dma_start3A_1759 = arith.constant 0 : i32
      %dma_start3A_1760 = tpu.memref_slice %arg3[%dma_start3A_1759, %multiple_of3A_1750] : memref<16x1000001xf32, #tpu.memory_space<hbm>> -> memref<16x128xf32, #tpu.memory_space<hbm>>
      tpu.enqueue_dma source(%dma_start3A_1760 : memref<16x128xf32, #tpu.memory_space<hbm>>) target(%dma_start3A_1758 : memref<16x128xf32, #tpu.memory_space<vmem>>) target_semaphore(%arg12 : memref<!tpu.dma_semaphore, #tpu.memory_space<semaphore_mem>>)
      %slice3A_1761 = vector.extract_strided_slice %get3A_1448 {offsets = [8], sizes = [1], strides = [1]} : vector<16xi32> to vector<1xi32>
      %squeeze3A_1762 = vector.extract %slice3A_1761[0] : i32 from vector<1xi32>
      %jit3A_1763 = arith.constant 128 : i32
      %div3A_1764 = arith.divsi %squeeze3A_1762, %jit3A_1763 : i32
      %sign3A_1765 = arith.constant 0 : i32
      %sign3A_1766 = arith.cmpi sgt, %squeeze3A_1762, %sign3A_1765 : i32
      %sign3A_1767 = arith.extui %sign3A_1766 : i1 to i32
      %sign3A_1768 = arith.constant 0 : i32
      %sign3A_1769 = arith.cmpi slt, %squeeze3A_1762, %sign3A_1768 : i32
      %sign3A_1770 = arith.extui %sign3A_1769 : i1 to i32
      %sign3A_1771 = arith.subi %sign3A_1767, %sign3A_1770 : i32
      %sign3A_1772 = arith.constant 0 : i32
      %sign3A_1773 = arith.cmpi sgt, %jit3A_1763, %sign3A_1772 : i32
      %sign3A_1774 = arith.extui %sign3A_1773 : i1 to i32
      %sign3A_1775 = arith.constant 0 : i32
      %sign3A_1776 = arith.cmpi slt, %jit3A_1763, %sign3A_1775 : i32
      %sign3A_1777 = arith.extui %sign3A_1776 : i1 to i32
      %sign3A_1778 = arith.subi %sign3A_1774, %sign3A_1777 : i32
      %ne3A_1779 = arith.cmpi ne, %sign3A_1771, %sign3A_1778 : i32
      %rem3A_1780 = arith.remsi %squeeze3A_1762, %jit3A_1763 : i32
      %ne3A_1781 = arith.constant 0 : i32
      %ne3A_1782 = arith.cmpi ne, %rem3A_1780, %ne3A_1781 : i32
      %and3A_1783 = arith.andi %ne3A_1779, %ne3A_1782 : i1
      %sub3A_1784 = arith.constant 1 : i32
      %sub3A_1785 = arith.subi %div3A_1764, %sub3A_1784 : i32
      %select_n3A_1786 = arith.select %and3A_1783, %sub3A_1785, %div3A_1764 : i32
      %mul3A_1787 = arith.constant 128 : i32
      %mul3A_1788 = arith.muli %select_n3A_1786, %mul3A_1787 : i32
      %multiple_of3A_1789 = tpu.assume_multiple %mul3A_1788, 128 : i32
      %dma_start3A_1790 = arith.constant 0 : i32
      %dma_start3A_1791 = arith.constant 1024 : i32
      %dma_start3A_1792 = tpu.memref_slice %arg8[%dma_start3A_1790, %dma_start3A_1791] : memref<16x2048xf32, #tpu.memory_space<vmem>> -> memref<16x128xf32, #tpu.memory_space<vmem>>
      %dma_start3A_1793 = arith.constant 0 : i32
      %dma_start3A_1794 = tpu.memref_slice %arg3[%dma_start3A_1793, %multiple_of3A_1789] : memref<16x1000001xf32, #tpu.memory_space<hbm>> -> memref<16x128xf32, #tpu.memory_space<hbm>>
      %dma_start3A_1795 = arith.constant 0 : i32
      %dma_start3A_1796 = arith.constant 1024 : i32
      %dma_start3A_1797 = tpu.memref_slice %arg8[%dma_start3A_1795, %dma_start3A_1796] : memref<16x2048xf32, #tpu.memory_space<vmem>> -> memref<16x128xf32, #tpu.memory_space<vmem>>
      %dma_start3A_1798 = arith.constant 0 : i32
      %dma_start3A_1799 = tpu.memref_slice %arg3[%dma_start3A_1798, %multiple_of3A_1789] : memref<16x1000001xf32, #tpu.memory_space<hbm>> -> memref<16x128xf32, #tpu.memory_space<hbm>>
      tpu.enqueue_dma source(%dma_start3A_1799 : memref<16x128xf32, #tpu.memory_space<hbm>>) target(%dma_start3A_1797 : memref<16x128xf32, #tpu.memory_space<vmem>>) target_semaphore(%arg12 : memref<!tpu.dma_semaphore, #tpu.memory_space<semaphore_mem>>)
      %slice3A_1800 = vector.extract_strided_slice %get3A_1448 {offsets = [9], sizes = [1], strides = [1]} : vector<16xi32> to vector<1xi32>
      %squeeze3A_1801 = vector.extract %slice3A_1800[0] : i32 from vector<1xi32>
      %jit3A_1802 = arith.constant 128 : i32
      %div3A_1803 = arith.divsi %squeeze3A_1801, %jit3A_1802 : i32
      %sign3A_1804 = arith.constant 0 : i32
      %sign3A_1805 = arith.cmpi sgt, %squeeze3A_1801, %sign3A_1804 : i32
      %sign3A_1806 = arith.extui %sign3A_1805 : i1 to i32
      %sign3A_1807 = arith.constant 0 : i32
      %sign3A_1808 = arith.cmpi slt, %squeeze3A_1801, %sign3A_1807 : i32
      %sign3A_1809 = arith.extui %sign3A_1808 : i1 to i32
      %sign3A_1810 = arith.subi %sign3A_1806, %sign3A_1809 : i32
      %sign3A_1811 = arith.constant 0 : i32
      %sign3A_1812 = arith.cmpi sgt, %jit3A_1802, %sign3A_1811 : i32
      %sign3A_1813 = arith.extui %sign3A_1812 : i1 to i32
      %sign3A_1814 = arith.constant 0 : i32
      %sign3A_1815 = arith.cmpi slt, %jit3A_1802, %sign3A_1814 : i32
      %sign3A_1816 = arith.extui %sign3A_1815 : i1 to i32
      %sign3A_1817 = arith.subi %sign3A_1813, %sign3A_1816 : i32
      %ne3A_1818 = arith.cmpi ne, %sign3A_1810, %sign3A_1817 : i32
      %rem3A_1819 = arith.remsi %squeeze3A_1801, %jit3A_1802 : i32
      %ne3A_1820 = arith.constant 0 : i32
      %ne3A_1821 = arith.cmpi ne, %rem3A_1819, %ne3A_1820 : i32
      %and3A_1822 = arith.andi %ne3A_1818, %ne3A_1821 : i1
      %sub3A_1823 = arith.constant 1 : i32
      %sub3A_1824 = arith.subi %div3A_1803, %sub3A_1823 : i32
      %select_n3A_1825 = arith.select %and3A_1822, %sub3A_1824, %div3A_1803 : i32
      %mul3A_1826 = arith.constant 128 : i32
      %mul3A_1827 = arith.muli %select_n3A_1825, %mul3A_1826 : i32
      %multiple_of3A_1828 = tpu.assume_multiple %mul3A_1827, 128 : i32
      %dma_start3A_1829 = arith.constant 0 : i32
      %dma_start3A_1830 = arith.constant 1152 : i32
      %dma_start3A_1831 = tpu.memref_slice %arg8[%dma_start3A_1829, %dma_start3A_1830] : memref<16x2048xf32, #tpu.memory_space<vmem>> -> memref<16x128xf32, #tpu.memory_space<vmem>>
      %dma_start3A_1832 = arith.constant 0 : i32
      %dma_start3A_1833 = tpu.memref_slice %arg3[%dma_start3A_1832, %multiple_of3A_1828] : memref<16x1000001xf32, #tpu.memory_space<hbm>> -> memref<16x128xf32, #tpu.memory_space<hbm>>
      %dma_start3A_1834 = arith.constant 0 : i32
      %dma_start3A_1835 = arith.constant 1152 : i32
      %dma_start3A_1836 = tpu.memref_slice %arg8[%dma_start3A_1834, %dma_start3A_1835] : memref<16x2048xf32, #tpu.memory_space<vmem>> -> memref<16x128xf32, #tpu.memory_space<vmem>>
      %dma_start3A_1837 = arith.constant 0 : i32
      %dma_start3A_1838 = tpu.memref_slice %arg3[%dma_start3A_1837, %multiple_of3A_1828] : memref<16x1000001xf32, #tpu.memory_space<hbm>> -> memref<16x128xf32, #tpu.memory_space<hbm>>
      tpu.enqueue_dma source(%dma_start3A_1838 : memref<16x128xf32, #tpu.memory_space<hbm>>) target(%dma_start3A_1836 : memref<16x128xf32, #tpu.memory_space<vmem>>) target_semaphore(%arg12 : memref<!tpu.dma_semaphore, #tpu.memory_space<semaphore_mem>>)
      %slice3A_1839 = vector.extract_strided_slice %get3A_1448 {offsets = [10], sizes = [1], strides = [1]} : vector<16xi32> to vector<1xi32>
      %squeeze3A_1840 = vector.extract %slice3A_1839[0] : i32 from vector<1xi32>
      %jit3A_1841 = arith.constant 128 : i32
      %div3A_1842 = arith.divsi %squeeze3A_1840, %jit3A_1841 : i32
      %sign3A_1843 = arith.constant 0 : i32
      %sign3A_1844 = arith.cmpi sgt, %squeeze3A_1840, %sign3A_1843 : i32
      %sign3A_1845 = arith.extui %sign3A_1844 : i1 to i32
      %sign3A_1846 = arith.constant 0 : i32
      %sign3A_1847 = arith.cmpi slt, %squeeze3A_1840, %sign3A_1846 : i32
      %sign3A_1848 = arith.extui %sign3A_1847 : i1 to i32
      %sign3A_1849 = arith.subi %sign3A_1845, %sign3A_1848 : i32
      %sign3A_1850 = arith.constant 0 : i32
      %sign3A_1851 = arith.cmpi sgt, %jit3A_1841, %sign3A_1850 : i32
      %sign3A_1852 = arith.extui %sign3A_1851 : i1 to i32
      %sign3A_1853 = arith.constant 0 : i32
      %sign3A_1854 = arith.cmpi slt, %jit3A_1841, %sign3A_1853 : i32
      %sign3A_1855 = arith.extui %sign3A_1854 : i1 to i32
      %sign3A_1856 = arith.subi %sign3A_1852, %sign3A_1855 : i32
      %ne3A_1857 = arith.cmpi ne, %sign3A_1849, %sign3A_1856 : i32
      %rem3A_1858 = arith.remsi %squeeze3A_1840, %jit3A_1841 : i32
      %ne3A_1859 = arith.constant 0 : i32
      %ne3A_1860 = arith.cmpi ne, %rem3A_1858, %ne3A_1859 : i32
      %and3A_1861 = arith.andi %ne3A_1857, %ne3A_1860 : i1
      %sub3A_1862 = arith.constant 1 : i32
      %sub3A_1863 = arith.subi %div3A_1842, %sub3A_1862 : i32
      %select_n3A_1864 = arith.select %and3A_1861, %sub3A_1863, %div3A_1842 : i32
      %mul3A_1865 = arith.constant 128 : i32
      %mul3A_1866 = arith.muli %select_n3A_1864, %mul3A_1865 : i32
      %multiple_of3A_1867 = tpu.assume_multiple %mul3A_1866, 128 : i32
      %dma_start3A_1868 = arith.constant 0 : i32
      %dma_start3A_1869 = arith.constant 1280 : i32
      %dma_start3A_1870 = tpu.memref_slice %arg8[%dma_start3A_1868, %dma_start3A_1869] : memref<16x2048xf32, #tpu.memory_space<vmem>> -> memref<16x128xf32, #tpu.memory_space<vmem>>
      %dma_start3A_1871 = arith.constant 0 : i32
      %dma_start3A_1872 = tpu.memref_slice %arg3[%dma_start3A_1871, %multiple_of3A_1867] : memref<16x1000001xf32, #tpu.memory_space<hbm>> -> memref<16x128xf32, #tpu.memory_space<hbm>>
      %dma_start3A_1873 = arith.constant 0 : i32
      %dma_start3A_1874 = arith.constant 1280 : i32
      %dma_start3A_1875 = tpu.memref_slice %arg8[%dma_start3A_1873, %dma_start3A_1874] : memref<16x2048xf32, #tpu.memory_space<vmem>> -> memref<16x128xf32, #tpu.memory_space<vmem>>
      %dma_start3A_1876 = arith.constant 0 : i32
      %dma_start3A_1877 = tpu.memref_slice %arg3[%dma_start3A_1876, %multiple_of3A_1867] : memref<16x1000001xf32, #tpu.memory_space<hbm>> -> memref<16x128xf32, #tpu.memory_space<hbm>>
      tpu.enqueue_dma source(%dma_start3A_1877 : memref<16x128xf32, #tpu.memory_space<hbm>>) target(%dma_start3A_1875 : memref<16x128xf32, #tpu.memory_space<vmem>>) target_semaphore(%arg12 : memref<!tpu.dma_semaphore, #tpu.memory_space<semaphore_mem>>)
      %slice3A_1878 = vector.extract_strided_slice %get3A_1448 {offsets = [11], sizes = [1], strides = [1]} : vector<16xi32> to vector<1xi32>
      %squeeze3A_1879 = vector.extract %slice3A_1878[0] : i32 from vector<1xi32>
      %jit3A_1880 = arith.constant 128 : i32
      %div3A_1881 = arith.divsi %squeeze3A_1879, %jit3A_1880 : i32
      %sign3A_1882 = arith.constant 0 : i32
      %sign3A_1883 = arith.cmpi sgt, %squeeze3A_1879, %sign3A_1882 : i32
      %sign3A_1884 = arith.extui %sign3A_1883 : i1 to i32
      %sign3A_1885 = arith.constant 0 : i32
      %sign3A_1886 = arith.cmpi slt, %squeeze3A_1879, %sign3A_1885 : i32
      %sign3A_1887 = arith.extui %sign3A_1886 : i1 to i32
      %sign3A_1888 = arith.subi %sign3A_1884, %sign3A_1887 : i32
      %sign3A_1889 = arith.constant 0 : i32
      %sign3A_1890 = arith.cmpi sgt, %jit3A_1880, %sign3A_1889 : i32
      %sign3A_1891 = arith.extui %sign3A_1890 : i1 to i32
      %sign3A_1892 = arith.constant 0 : i32
      %sign3A_1893 = arith.cmpi slt, %jit3A_1880, %sign3A_1892 : i32
      %sign3A_1894 = arith.extui %sign3A_1893 : i1 to i32
      %sign3A_1895 = arith.subi %sign3A_1891, %sign3A_1894 : i32
      %ne3A_1896 = arith.cmpi ne, %sign3A_1888, %sign3A_1895 : i32
      %rem3A_1897 = arith.remsi %squeeze3A_1879, %jit3A_1880 : i32
      %ne3A_1898 = arith.constant 0 : i32
      %ne3A_1899 = arith.cmpi ne, %rem3A_1897, %ne3A_1898 : i32
      %and3A_1900 = arith.andi %ne3A_1896, %ne3A_1899 : i1
      %sub3A_1901 = arith.constant 1 : i32
      %sub3A_1902 = arith.subi %div3A_1881, %sub3A_1901 : i32
      %select_n3A_1903 = arith.select %and3A_1900, %sub3A_1902, %div3A_1881 : i32
      %mul3A_1904 = arith.constant 128 : i32
      %mul3A_1905 = arith.muli %select_n3A_1903, %mul3A_1904 : i32
      %multiple_of3A_1906 = tpu.assume_multiple %mul3A_1905, 128 : i32
      %dma_start3A_1907 = arith.constant 0 : i32
      %dma_start3A_1908 = arith.constant 1408 : i32
      %dma_start3A_1909 = tpu.memref_slice %arg8[%dma_start3A_1907, %dma_start3A_1908] : memref<16x2048xf32, #tpu.memory_space<vmem>> -> memref<16x128xf32, #tpu.memory_space<vmem>>
      %dma_start3A_1910 = arith.constant 0 : i32
      %dma_start3A_1911 = tpu.memref_slice %arg3[%dma_start3A_1910, %multiple_of3A_1906] : memref<16x1000001xf32, #tpu.memory_space<hbm>> -> memref<16x128xf32, #tpu.memory_space<hbm>>
      %dma_start3A_1912 = arith.constant 0 : i32
      %dma_start3A_1913 = arith.constant 1408 : i32
      %dma_start3A_1914 = tpu.memref_slice %arg8[%dma_start3A_1912, %dma_start3A_1913] : memref<16x2048xf32, #tpu.memory_space<vmem>> -> memref<16x128xf32, #tpu.memory_space<vmem>>
      %dma_start3A_1915 = arith.constant 0 : i32
      %dma_start3A_1916 = tpu.memref_slice %arg3[%dma_start3A_1915, %multiple_of3A_1906] : memref<16x1000001xf32, #tpu.memory_space<hbm>> -> memref<16x128xf32, #tpu.memory_space<hbm>>
      tpu.enqueue_dma source(%dma_start3A_1916 : memref<16x128xf32, #tpu.memory_space<hbm>>) target(%dma_start3A_1914 : memref<16x128xf32, #tpu.memory_space<vmem>>) target_semaphore(%arg12 : memref<!tpu.dma_semaphore, #tpu.memory_space<semaphore_mem>>)
      %slice3A_1917 = vector.extract_strided_slice %get3A_1448 {offsets = [12], sizes = [1], strides = [1]} : vector<16xi32> to vector<1xi32>
      %squeeze3A_1918 = vector.extract %slice3A_1917[0] : i32 from vector<1xi32>
      %jit3A_1919 = arith.constant 128 : i32
      %div3A_1920 = arith.divsi %squeeze3A_1918, %jit3A_1919 : i32
      %sign3A_1921 = arith.constant 0 : i32
      %sign3A_1922 = arith.cmpi sgt, %squeeze3A_1918, %sign3A_1921 : i32
      %sign3A_1923 = arith.extui %sign3A_1922 : i1 to i32
      %sign3A_1924 = arith.constant 0 : i32
      %sign3A_1925 = arith.cmpi slt, %squeeze3A_1918, %sign3A_1924 : i32
      %sign3A_1926 = arith.extui %sign3A_1925 : i1 to i32
      %sign3A_1927 = arith.subi %sign3A_1923, %sign3A_1926 : i32
      %sign3A_1928 = arith.constant 0 : i32
      %sign3A_1929 = arith.cmpi sgt, %jit3A_1919, %sign3A_1928 : i32
      %sign3A_1930 = arith.extui %sign3A_1929 : i1 to i32
      %sign3A_1931 = arith.constant 0 : i32
      %sign3A_1932 = arith.cmpi slt, %jit3A_1919, %sign3A_1931 : i32
      %sign3A_1933 = arith.extui %sign3A_1932 : i1 to i32
      %sign3A_1934 = arith.subi %sign3A_1930, %sign3A_1933 : i32
      %ne3A_1935 = arith.cmpi ne, %sign3A_1927, %sign3A_1934 : i32
      %rem3A_1936 = arith.remsi %squeeze3A_1918, %jit3A_1919 : i32
      %ne3A_1937 = arith.constant 0 : i32
      %ne3A_1938 = arith.cmpi ne, %rem3A_1936, %ne3A_1937 : i32
      %and3A_1939 = arith.andi %ne3A_1935, %ne3A_1938 : i1
      %sub3A_1940 = arith.constant 1 : i32
      %sub3A_1941 = arith.subi %div3A_1920, %sub3A_1940 : i32
      %select_n3A_1942 = arith.select %and3A_1939, %sub3A_1941, %div3A_1920 : i32
      %mul3A_1943 = arith.constant 128 : i32
      %mul3A_1944 = arith.muli %select_n3A_1942, %mul3A_1943 : i32
      %multiple_of3A_1945 = tpu.assume_multiple %mul3A_1944, 128 : i32
      %dma_start3A_1946 = arith.constant 0 : i32
      %dma_start3A_1947 = arith.constant 1536 : i32
      %dma_start3A_1948 = tpu.memref_slice %arg8[%dma_start3A_1946, %dma_start3A_1947] : memref<16x2048xf32, #tpu.memory_space<vmem>> -> memref<16x128xf32, #tpu.memory_space<vmem>>
      %dma_start3A_1949 = arith.constant 0 : i32
      %dma_start3A_1950 = tpu.memref_slice %arg3[%dma_start3A_1949, %multiple_of3A_1945] : memref<16x1000001xf32, #tpu.memory_space<hbm>> -> memref<16x128xf32, #tpu.memory_space<hbm>>
      %dma_start3A_1951 = arith.constant 0 : i32
      %dma_start3A_1952 = arith.constant 1536 : i32
      %dma_start3A_1953 = tpu.memref_slice %arg8[%dma_start3A_1951, %dma_start3A_1952] : memref<16x2048xf32, #tpu.memory_space<vmem>> -> memref<16x128xf32, #tpu.memory_space<vmem>>
      %dma_start3A_1954 = arith.constant 0 : i32
      %dma_start3A_1955 = tpu.memref_slice %arg3[%dma_start3A_1954, %multiple_of3A_1945] : memref<16x1000001xf32, #tpu.memory_space<hbm>> -> memref<16x128xf32, #tpu.memory_space<hbm>>
      tpu.enqueue_dma source(%dma_start3A_1955 : memref<16x128xf32, #tpu.memory_space<hbm>>) target(%dma_start3A_1953 : memref<16x128xf32, #tpu.memory_space<vmem>>) target_semaphore(%arg12 : memref<!tpu.dma_semaphore, #tpu.memory_space<semaphore_mem>>)
      %slice3A_1956 = vector.extract_strided_slice %get3A_1448 {offsets = [13], sizes = [1], strides = [1]} : vector<16xi32> to vector<1xi32>
      %squeeze3A_1957 = vector.extract %slice3A_1956[0] : i32 from vector<1xi32>
      %jit3A_1958 = arith.constant 128 : i32
      %div3A_1959 = arith.divsi %squeeze3A_1957, %jit3A_1958 : i32
      %sign3A_1960 = arith.constant 0 : i32
      %sign3A_1961 = arith.cmpi sgt, %squeeze3A_1957, %sign3A_1960 : i32
      %sign3A_1962 = arith.extui %sign3A_1961 : i1 to i32
      %sign3A_1963 = arith.constant 0 : i32
      %sign3A_1964 = arith.cmpi slt, %squeeze3A_1957, %sign3A_1963 : i32
      %sign3A_1965 = arith.extui %sign3A_1964 : i1 to i32
      %sign3A_1966 = arith.subi %sign3A_1962, %sign3A_1965 : i32
      %sign3A_1967 = arith.constant 0 : i32
      %sign3A_1968 = arith.cmpi sgt, %jit3A_1958, %sign3A_1967 : i32
      %sign3A_1969 = arith.extui %sign3A_1968 : i1 to i32
      %sign3A_1970 = arith.constant 0 : i32
      %sign3A_1971 = arith.cmpi slt, %jit3A_1958, %sign3A_1970 : i32
      %sign3A_1972 = arith.extui %sign3A_1971 : i1 to i32
      %sign3A_1973 = arith.subi %sign3A_1969, %sign3A_1972 : i32
      %ne3A_1974 = arith.cmpi ne, %sign3A_1966, %sign3A_1973 : i32
      %rem3A_1975 = arith.remsi %squeeze3A_1957, %jit3A_1958 : i32
      %ne3A_1976 = arith.constant 0 : i32
      %ne3A_1977 = arith.cmpi ne, %rem3A_1975, %ne3A_1976 : i32
      %and3A_1978 = arith.andi %ne3A_1974, %ne3A_1977 : i1
      %sub3A_1979 = arith.constant 1 : i32
      %sub3A_1980 = arith.subi %div3A_1959, %sub3A_1979 : i32
      %select_n3A_1981 = arith.select %and3A_1978, %sub3A_1980, %div3A_1959 : i32
      %mul3A_1982 = arith.constant 128 : i32
      %mul3A_1983 = arith.muli %select_n3A_1981, %mul3A_1982 : i32
      %multiple_of3A_1984 = tpu.assume_multiple %mul3A_1983, 128 : i32
      %dma_start3A_1985 = arith.constant 0 : i32
      %dma_start3A_1986 = arith.constant 1664 : i32
      %dma_start3A_1987 = tpu.memref_slice %arg8[%dma_start3A_1985, %dma_start3A_1986] : memref<16x2048xf32, #tpu.memory_space<vmem>> -> memref<16x128xf32, #tpu.memory_space<vmem>>
      %dma_start3A_1988 = arith.constant 0 : i32
      %dma_start3A_1989 = tpu.memref_slice %arg3[%dma_start3A_1988, %multiple_of3A_1984] : memref<16x1000001xf32, #tpu.memory_space<hbm>> -> memref<16x128xf32, #tpu.memory_space<hbm>>
      %dma_start3A_1990 = arith.constant 0 : i32
      %dma_start3A_1991 = arith.constant 1664 : i32
      %dma_start3A_1992 = tpu.memref_slice %arg8[%dma_start3A_1990, %dma_start3A_1991] : memref<16x2048xf32, #tpu.memory_space<vmem>> -> memref<16x128xf32, #tpu.memory_space<vmem>>
      %dma_start3A_1993 = arith.constant 0 : i32
      %dma_start3A_1994 = tpu.memref_slice %arg3[%dma_start3A_1993, %multiple_of3A_1984] : memref<16x1000001xf32, #tpu.memory_space<hbm>> -> memref<16x128xf32, #tpu.memory_space<hbm>>
      tpu.enqueue_dma source(%dma_start3A_1994 : memref<16x128xf32, #tpu.memory_space<hbm>>) target(%dma_start3A_1992 : memref<16x128xf32, #tpu.memory_space<vmem>>) target_semaphore(%arg12 : memref<!tpu.dma_semaphore, #tpu.memory_space<semaphore_mem>>)
      %slice3A_1995 = vector.extract_strided_slice %get3A_1448 {offsets = [14], sizes = [1], strides = [1]} : vector<16xi32> to vector<1xi32>
      %squeeze3A_1996 = vector.extract %slice3A_1995[0] : i32 from vector<1xi32>
      %jit3A_1997 = arith.constant 128 : i32
      %div3A_1998 = arith.divsi %squeeze3A_1996, %jit3A_1997 : i32
      %sign3A_1999 = arith.constant 0 : i32
      %sign3A_2000 = arith.cmpi sgt, %squeeze3A_1996, %sign3A_1999 : i32
      %sign3A_2001 = arith.extui %sign3A_2000 : i1 to i32
      %sign3A_2002 = arith.constant 0 : i32
      %sign3A_2003 = arith.cmpi slt, %squeeze3A_1996, %sign3A_2002 : i32
      %sign3A_2004 = arith.extui %sign3A_2003 : i1 to i32
      %sign3A_2005 = arith.subi %sign3A_2001, %sign3A_2004 : i32
      %sign3A_2006 = arith.constant 0 : i32
      %sign3A_2007 = arith.cmpi sgt, %jit3A_1997, %sign3A_2006 : i32
      %sign3A_2008 = arith.extui %sign3A_2007 : i1 to i32
      %sign3A_2009 = arith.constant 0 : i32
      %sign3A_2010 = arith.cmpi slt, %jit3A_1997, %sign3A_2009 : i32
      %sign3A_2011 = arith.extui %sign3A_2010 : i1 to i32
      %sign3A_2012 = arith.subi %sign3A_2008, %sign3A_2011 : i32
      %ne3A_2013 = arith.cmpi ne, %sign3A_2005, %sign3A_2012 : i32
      %rem3A_2014 = arith.remsi %squeeze3A_1996, %jit3A_1997 : i32
      %ne3A_2015 = arith.constant 0 : i32
      %ne3A_2016 = arith.cmpi ne, %rem3A_2014, %ne3A_2015 : i32
      %and3A_2017 = arith.andi %ne3A_2013, %ne3A_2016 : i1
      %sub3A_2018 = arith.constant 1 : i32
      %sub3A_2019 = arith.subi %div3A_1998, %sub3A_2018 : i32
      %select_n3A_2020 = arith.select %and3A_2017, %sub3A_2019, %div3A_1998 : i32
      %mul3A_2021 = arith.constant 128 : i32
      %mul3A_2022 = arith.muli %select_n3A_2020, %mul3A_2021 : i32
      %multiple_of3A_2023 = tpu.assume_multiple %mul3A_2022, 128 : i32
      %dma_start3A_2024 = arith.constant 0 : i32
      %dma_start3A_2025 = arith.constant 1792 : i32
      %dma_start3A_2026 = tpu.memref_slice %arg8[%dma_start3A_2024, %dma_start3A_2025] : memref<16x2048xf32, #tpu.memory_space<vmem>> -> memref<16x128xf32, #tpu.memory_space<vmem>>
      %dma_start3A_2027 = arith.constant 0 : i32
      %dma_start3A_2028 = tpu.memref_slice %arg3[%dma_start3A_2027, %multiple_of3A_2023] : memref<16x1000001xf32, #tpu.memory_space<hbm>> -> memref<16x128xf32, #tpu.memory_space<hbm>>
      %dma_start3A_2029 = arith.constant 0 : i32
      %dma_start3A_2030 = arith.constant 1792 : i32
      %dma_start3A_2031 = tpu.memref_slice %arg8[%dma_start3A_2029, %dma_start3A_2030] : memref<16x2048xf32, #tpu.memory_space<vmem>> -> memref<16x128xf32, #tpu.memory_space<vmem>>
      %dma_start3A_2032 = arith.constant 0 : i32
      %dma_start3A_2033 = tpu.memref_slice %arg3[%dma_start3A_2032, %multiple_of3A_2023] : memref<16x1000001xf32, #tpu.memory_space<hbm>> -> memref<16x128xf32, #tpu.memory_space<hbm>>
      tpu.enqueue_dma source(%dma_start3A_2033 : memref<16x128xf32, #tpu.memory_space<hbm>>) target(%dma_start3A_2031 : memref<16x128xf32, #tpu.memory_space<vmem>>) target_semaphore(%arg12 : memref<!tpu.dma_semaphore, #tpu.memory_space<semaphore_mem>>)
      %slice3A_2034 = vector.extract_strided_slice %get3A_1448 {offsets = [15], sizes = [1], strides = [1]} : vector<16xi32> to vector<1xi32>
      %squeeze3A_2035 = vector.extract %slice3A_2034[0] : i32 from vector<1xi32>
      %jit3A_2036 = arith.constant 128 : i32
      %div3A_2037 = arith.divsi %squeeze3A_2035, %jit3A_2036 : i32
      %sign3A_2038 = arith.constant 0 : i32
      %sign3A_2039 = arith.cmpi sgt, %squeeze3A_2035, %sign3A_2038 : i32
      %sign3A_2040 = arith.extui %sign3A_2039 : i1 to i32
      %sign3A_2041 = arith.constant 0 : i32
      %sign3A_2042 = arith.cmpi slt, %squeeze3A_2035, %sign3A_2041 : i32
      %sign3A_2043 = arith.extui %sign3A_2042 : i1 to i32
      %sign3A_2044 = arith.subi %sign3A_2040, %sign3A_2043 : i32
      %sign3A_2045 = arith.constant 0 : i32
      %sign3A_2046 = arith.cmpi sgt, %jit3A_2036, %sign3A_2045 : i32
      %sign3A_2047 = arith.extui %sign3A_2046 : i1 to i32
      %sign3A_2048 = arith.constant 0 : i32
      %sign3A_2049 = arith.cmpi slt, %jit3A_2036, %sign3A_2048 : i32
      %sign3A_2050 = arith.extui %sign3A_2049 : i1 to i32
      %sign3A_2051 = arith.subi %sign3A_2047, %sign3A_2050 : i32
      %ne3A_2052 = arith.cmpi ne, %sign3A_2044, %sign3A_2051 : i32
      %rem3A_2053 = arith.remsi %squeeze3A_2035, %jit3A_2036 : i32
      %ne3A_2054 = arith.constant 0 : i32
      %ne3A_2055 = arith.cmpi ne, %rem3A_2053, %ne3A_2054 : i32
      %and3A_2056 = arith.andi %ne3A_2052, %ne3A_2055 : i1
      %sub3A_2057 = arith.constant 1 : i32
      %sub3A_2058 = arith.subi %div3A_2037, %sub3A_2057 : i32
      %select_n3A_2059 = arith.select %and3A_2056, %sub3A_2058, %div3A_2037 : i32
      %mul3A_2060 = arith.constant 128 : i32
      %mul3A_2061 = arith.muli %select_n3A_2059, %mul3A_2060 : i32
      %multiple_of3A_2062 = tpu.assume_multiple %mul3A_2061, 128 : i32
      %dma_start3A_2063 = arith.constant 0 : i32
      %dma_start3A_2064 = arith.constant 1920 : i32
      %dma_start3A_2065 = tpu.memref_slice %arg8[%dma_start3A_2063, %dma_start3A_2064] : memref<16x2048xf32, #tpu.memory_space<vmem>> -> memref<16x128xf32, #tpu.memory_space<vmem>>
      %dma_start3A_2066 = arith.constant 0 : i32
      %dma_start3A_2067 = tpu.memref_slice %arg3[%dma_start3A_2066, %multiple_of3A_2062] : memref<16x1000001xf32, #tpu.memory_space<hbm>> -> memref<16x128xf32, #tpu.memory_space<hbm>>
      %dma_start3A_2068 = arith.constant 0 : i32
      %dma_start3A_2069 = arith.constant 1920 : i32
      %dma_start3A_2070 = tpu.memref_slice %arg8[%dma_start3A_2068, %dma_start3A_2069] : memref<16x2048xf32, #tpu.memory_space<vmem>> -> memref<16x128xf32, #tpu.memory_space<vmem>>
      %dma_start3A_2071 = arith.constant 0 : i32
      %dma_start3A_2072 = tpu.memref_slice %arg3[%dma_start3A_2071, %multiple_of3A_2062] : memref<16x1000001xf32, #tpu.memory_space<hbm>> -> memref<16x128xf32, #tpu.memory_space<hbm>>
      tpu.enqueue_dma source(%dma_start3A_2072 : memref<16x128xf32, #tpu.memory_space<hbm>>) target(%dma_start3A_2070 : memref<16x128xf32, #tpu.memory_space<vmem>>) target_semaphore(%arg12 : memref<!tpu.dma_semaphore, #tpu.memory_space<semaphore_mem>>)
      %dma_wait3A_2073 = arith.constant 0 : i32
      %dma_wait3A_2074 = arith.constant 0 : i32
      %dma_wait3A_2075 = tpu.memref_slice %arg3[%dma_wait3A_2073, %dma_wait3A_2074] : memref<16x1000001xf32, #tpu.memory_space<hbm>> -> memref<16x2048xf32, #tpu.memory_space<hbm>>
      %dma_wait3A_2076 = arith.constant 0 : i32
      %dma_wait3A_2077 = arith.constant 0 : i32
      %dma_wait3A_2078 = tpu.memref_slice %arg3[%dma_wait3A_2076, %dma_wait3A_2077] : memref<16x1000001xf32, #tpu.memory_space<hbm>> -> memref<16x2048xf32, #tpu.memory_space<hbm>>
      tpu.wait_dma2 semaphore(%arg10 : memref<!tpu.dma_semaphore, #tpu.memory_space<semaphore_mem>>) src(%dma_wait3A_2078 : memref<16x2048xf32, #tpu.memory_space<hbm>>) dst(%arg6 : memref<16x2048xf32, #tpu.memory_space<vmem>>)
      %mul3A_2079 = arith.constant 16 : i32
      %mul3A_2080 = arith.muli %mul3A_1442, %mul3A_2079 : i32
      %get3A_2081 = arith.index_cast %mul3A_2080 : i32 to index
      %get3A_2082 = tpu.vector_load %arg5[%get3A_2081] {strides = array<i32>} : memref<512xi32, #tpu.memory_space<vmem>>, vector<16xi32>,
      %mul3A_2083 = arith.constant 128 : i32
      %mul3A_2084 = vector.broadcast %mul3A_2083 : i32 to vector<16xi32>
      %mul3A_2085 = arith.muli %iota3A, %mul3A_2084 : vector<16xi32>
      %jit3A_2086 = arith.constant 128 : i32
      %div3A_2087 = vector.broadcast %jit3A_2086 : i32 to vector<16xi32>
      %div3A_2088 = arith.divsi %get3A_2082, %div3A_2087 : vector<16xi32>
      %sign3A_2089 = arith.constant 0 : i32
      %sign3A_2090 = vector.broadcast %sign3A_2089 : i32 to vector<16xi32>
      %sign3A_2091 = arith.cmpi sgt, %get3A_2082, %sign3A_2090 : vector<16xi32>
      %sign3A_2092 = arith.extui %sign3A_2091 : vector<16xi1> to vector<16xi32>
      %sign3A_2093 = arith.constant 0 : i32
      %sign3A_2094 = vector.broadcast %sign3A_2093 : i32 to vector<16xi32>
      %sign3A_2095 = arith.cmpi slt, %get3A_2082, %sign3A_2094 : vector<16xi32>
      %sign3A_2096 = arith.extui %sign3A_2095 : vector<16xi1> to vector<16xi32>
      %sign3A_2097 = arith.subi %sign3A_2092, %sign3A_2096 : vector<16xi32>
      %sign3A_2098 = arith.constant 0 : i32
      %sign3A_2099 = arith.cmpi sgt, %jit3A_2086, %sign3A_2098 : i32
      %sign3A_2100 = arith.extui %sign3A_2099 : i1 to i32
      %sign3A_2101 = arith.constant 0 : i32
      %sign3A_2102 = arith.cmpi slt, %jit3A_2086, %sign3A_2101 : i32
      %sign3A_2103 = arith.extui %sign3A_2102 : i1 to i32
      %sign3A_2104 = arith.subi %sign3A_2100, %sign3A_2103 : i32
      %ne3A_2105 = vector.broadcast %sign3A_2104 : i32 to vector<16xi32>
      %ne3A_2106 = arith.cmpi ne, %sign3A_2097, %ne3A_2105 : vector<16xi32>
      %rem3A_2107 = vector.broadcast %jit3A_2086 : i32 to vector<16xi32>
      %rem3A_2108 = arith.remsi %get3A_2082, %rem3A_2107 : vector<16xi32>
      %ne3A_2109 = arith.constant 0 : i32
      %ne3A_2110 = vector.broadcast %ne3A_2109 : i32 to vector<16xi32>
      %ne3A_2111 = arith.cmpi ne, %rem3A_2108, %ne3A_2110 : vector<16xi32>
      %and3A_2112 = arith.andi %ne3A_2106, %ne3A_2111 : vector<16xi1>
      %sub3A_2113 = arith.constant 1 : i32
      %sub3A_2114 = vector.broadcast %sub3A_2113 : i32 to vector<16xi32>
      %sub3A_2115 = arith.subi %div3A_2088, %sub3A_2114 : vector<16xi32>
      %select_n3A_2116 = arith.select %and3A_2112, %sub3A_2115, %div3A_2088 : vector<16xi1>, vector<16xi32>
      %mul3A_2117 = arith.constant 128 : i32
      %mul3A_2118 = vector.broadcast %mul3A_2117 : i32 to vector<16xi32>
      %mul3A_2119 = arith.muli %select_n3A_2116, %mul3A_2118 : vector<16xi32>
      %sub3A_2120 = arith.subi %get3A_2082, %mul3A_2119 : vector<16xi32>
      %add3A_2121 = arith.addi %mul3A_2085, %sub3A_2120 : vector<16xi32>
      %mul3A_2122 = arith.constant 16 : i32
      %mul3A_2123 = arith.muli %mul3A_1442, %mul3A_2122 : i32
      %add3A_2124 = vector.broadcast %mul3A_2123 : i32 to vector<16xi32>
      %add3A_2125 = arith.addi %add3A_2124, %iota3A : vector<16xi32>
      %broadcast_in_dim3A_2126 = arith.constant 0 : i32
      %broadcast_in_dim3A_2127 = vector.broadcast %broadcast_in_dim3A_2126 : i32 to vector<16xi32>
      %gather3A_2128 = tpu.vector_load_idx %arg6[%broadcast_in_dim3A_2127, %add3A_2121] : memref<16x2048xf32, #tpu.memory_space<vmem>>[vector<16xi32>, vector<16xi32>], vector<16xf32>,
      tpu.vector_store_idx %arg9[%broadcast_in_dim3A_2127, %add3A_2125], %gather3A_2128 : memref<16x512xf32, #tpu.memory_space<vmem>>[vector<16xi32>, vector<16xi32>], vector<16xf32>,
      %broadcast_in_dim3A_2129 = arith.constant 1 : i32
      %broadcast_in_dim3A_2130 = vector.broadcast %broadcast_in_dim3A_2129 : i32 to vector<16xi32>
      %gather3A_2131 = tpu.vector_load_idx %arg6[%broadcast_in_dim3A_2130, %add3A_2121] : memref<16x2048xf32, #tpu.memory_space<vmem>>[vector<16xi32>, vector<16xi32>], vector<16xf32>,
      tpu.vector_store_idx %arg9[%broadcast_in_dim3A_2130, %add3A_2125], %gather3A_2131 : memref<16x512xf32, #tpu.memory_space<vmem>>[vector<16xi32>, vector<16xi32>], vector<16xf32>,
      %broadcast_in_dim3A_2132 = arith.constant 2 : i32
      %broadcast_in_dim3A_2133 = vector.broadcast %broadcast_in_dim3A_2132 : i32 to vector<16xi32>
      %gather3A_2134 = tpu.vector_load_idx %arg6[%broadcast_in_dim3A_2133, %add3A_2121] : memref<16x2048xf32, #tpu.memory_space<vmem>>[vector<16xi32>, vector<16xi32>], vector<16xf32>,
      tpu.vector_store_idx %arg9[%broadcast_in_dim3A_2133, %add3A_2125], %gather3A_2134 : memref<16x512xf32, #tpu.memory_space<vmem>>[vector<16xi32>, vector<16xi32>], vector<16xf32>,
      %broadcast_in_dim3A_2135 = arith.constant 3 : i32
      %broadcast_in_dim3A_2136 = vector.broadcast %broadcast_in_dim3A_2135 : i32 to vector<16xi32>
      %gather3A_2137 = tpu.vector_load_idx %arg6[%broadcast_in_dim3A_2136, %add3A_2121] : memref<16x2048xf32, #tpu.memory_space<vmem>>[vector<16xi32>, vector<16xi32>], vector<16xf32>,
      tpu.vector_store_idx %arg9[%broadcast_in_dim3A_2136, %add3A_2125], %gather3A_2137 : memref<16x512xf32, #tpu.memory_space<vmem>>[vector<16xi32>, vector<16xi32>], vector<16xf32>,
      %broadcast_in_dim3A_2138 = arith.constant 4 : i32
      %broadcast_in_dim3A_2139 = vector.broadcast %broadcast_in_dim3A_2138 : i32 to vector<16xi32>
      %gather3A_2140 = tpu.vector_load_idx %arg6[%broadcast_in_dim3A_2139, %add3A_2121] : memref<16x2048xf32, #tpu.memory_space<vmem>>[vector<16xi32>, vector<16xi32>], vector<16xf32>,
      tpu.vector_store_idx %arg9[%broadcast_in_dim3A_2139, %add3A_2125], %gather3A_2140 : memref<16x512xf32, #tpu.memory_space<vmem>>[vector<16xi32>, vector<16xi32>], vector<16xf32>,
      %broadcast_in_dim3A_2141 = arith.constant 5 : i32
      %broadcast_in_dim3A_2142 = vector.broadcast %broadcast_in_dim3A_2141 : i32 to vector<16xi32>
      %gather3A_2143 = tpu.vector_load_idx %arg6[%broadcast_in_dim3A_2142, %add3A_2121] : memref<16x2048xf32, #tpu.memory_space<vmem>>[vector<16xi32>, vector<16xi32>], vector<16xf32>,
      tpu.vector_store_idx %arg9[%broadcast_in_dim3A_2142, %add3A_2125], %gather3A_2143 : memref<16x512xf32, #tpu.memory_space<vmem>>[vector<16xi32>, vector<16xi32>], vector<16xf32>,
      %broadcast_in_dim3A_2144 = arith.constant 6 : i32
      %broadcast_in_dim3A_2145 = vector.broadcast %broadcast_in_dim3A_2144 : i32 to vector<16xi32>
      %gather3A_2146 = tpu.vector_load_idx %arg6[%broadcast_in_dim3A_2145, %add3A_2121] : memref<16x2048xf32, #tpu.memory_space<vmem>>[vector<16xi32>, vector<16xi32>], vector<16xf32>,
      tpu.vector_store_idx %arg9[%broadcast_in_dim3A_2145, %add3A_2125], %gather3A_2146 : memref<16x512xf32, #tpu.memory_space<vmem>>[vector<16xi32>, vector<16xi32>], vector<16xf32>,
      %broadcast_in_dim3A_2147 = arith.constant 7 : i32
      %broadcast_in_dim3A_2148 = vector.broadcast %broadcast_in_dim3A_2147 : i32 to vector<16xi32>
      %gather3A_2149 = tpu.vector_load_idx %arg6[%broadcast_in_dim3A_2148, %add3A_2121] : memref<16x2048xf32, #tpu.memory_space<vmem>>[vector<16xi32>, vector<16xi32>], vector<16xf32>,
      tpu.vector_store_idx %arg9[%broadcast_in_dim3A_2148, %add3A_2125], %gather3A_2149 : memref<16x512xf32, #tpu.memory_space<vmem>>[vector<16xi32>, vector<16xi32>], vector<16xf32>,
      %broadcast_in_dim3A_2150 = arith.constant 8 : i32
      %broadcast_in_dim3A_2151 = vector.broadcast %broadcast_in_dim3A_2150 : i32 to vector<16xi32>
      %gather3A_2152 = tpu.vector_load_idx %arg6[%broadcast_in_dim3A_2151, %add3A_2121] : memref<16x2048xf32, #tpu.memory_space<vmem>>[vector<16xi32>, vector<16xi32>], vector<16xf32>,
      tpu.vector_store_idx %arg9[%broadcast_in_dim3A_2151, %add3A_2125], %gather3A_2152 : memref<16x512xf32, #tpu.memory_space<vmem>>[vector<16xi32>, vector<16xi32>], vector<16xf32>,
      %broadcast_in_dim3A_2153 = arith.constant 9 : i32
      %broadcast_in_dim3A_2154 = vector.broadcast %broadcast_in_dim3A_2153 : i32 to vector<16xi32>
      %gather3A_2155 = tpu.vector_load_idx %arg6[%broadcast_in_dim3A_2154, %add3A_2121] : memref<16x2048xf32, #tpu.memory_space<vmem>>[vector<16xi32>, vector<16xi32>], vector<16xf32>,
      tpu.vector_store_idx %arg9[%broadcast_in_dim3A_2154, %add3A_2125], %gather3A_2155 : memref<16x512xf32, #tpu.memory_space<vmem>>[vector<16xi32>, vector<16xi32>], vector<16xf32>,
      %broadcast_in_dim3A_2156 = arith.constant 10 : i32
      %broadcast_in_dim3A_2157 = vector.broadcast %broadcast_in_dim3A_2156 : i32 to vector<16xi32>
      %gather3A_2158 = tpu.vector_load_idx %arg6[%broadcast_in_dim3A_2157, %add3A_2121] : memref<16x2048xf32, #tpu.memory_space<vmem>>[vector<16xi32>, vector<16xi32>], vector<16xf32>,
      tpu.vector_store_idx %arg9[%broadcast_in_dim3A_2157, %add3A_2125], %gather3A_2158 : memref<16x512xf32, #tpu.memory_space<vmem>>[vector<16xi32>, vector<16xi32>], vector<16xf32>,
      %broadcast_in_dim3A_2159 = arith.constant 11 : i32
      %broadcast_in_dim3A_2160 = vector.broadcast %broadcast_in_dim3A_2159 : i32 to vector<16xi32>
      %gather3A_2161 = tpu.vector_load_idx %arg6[%broadcast_in_dim3A_2160, %add3A_2121] : memref<16x2048xf32, #tpu.memory_space<vmem>>[vector<16xi32>, vector<16xi32>], vector<16xf32>,
      tpu.vector_store_idx %arg9[%broadcast_in_dim3A_2160, %add3A_2125], %gather3A_2161 : memref<16x512xf32, #tpu.memory_space<vmem>>[vector<16xi32>, vector<16xi32>], vector<16xf32>,
      %broadcast_in_dim3A_2162 = arith.constant 12 : i32
      %broadcast_in_dim3A_2163 = vector.broadcast %broadcast_in_dim3A_2162 : i32 to vector<16xi32>
      %gather3A_2164 = tpu.vector_load_idx %arg6[%broadcast_in_dim3A_2163, %add3A_2121] : memref<16x2048xf32, #tpu.memory_space<vmem>>[vector<16xi32>, vector<16xi32>], vector<16xf32>,
      tpu.vector_store_idx %arg9[%broadcast_in_dim3A_2163, %add3A_2125], %gather3A_2164 : memref<16x512xf32, #tpu.memory_space<vmem>>[vector<16xi32>, vector<16xi32>], vector<16xf32>,
      %broadcast_in_dim3A_2165 = arith.constant 13 : i32
      %broadcast_in_dim3A_2166 = vector.broadcast %broadcast_in_dim3A_2165 : i32 to vector<16xi32>
      %gather3A_2167 = tpu.vector_load_idx %arg6[%broadcast_in_dim3A_2166, %add3A_2121] : memref<16x2048xf32, #tpu.memory_space<vmem>>[vector<16xi32>, vector<16xi32>], vector<16xf32>,
      tpu.vector_store_idx %arg9[%broadcast_in_dim3A_2166, %add3A_2125], %gather3A_2167 : memref<16x512xf32, #tpu.memory_space<vmem>>[vector<16xi32>, vector<16xi32>], vector<16xf32>,
      %broadcast_in_dim3A_2168 = arith.constant 14 : i32
      %broadcast_in_dim3A_2169 = vector.broadcast %broadcast_in_dim3A_2168 : i32 to vector<16xi32>
      %gather3A_2170 = tpu.vector_load_idx %arg6[%broadcast_in_dim3A_2169, %add3A_2121] : memref<16x2048xf32, #tpu.memory_space<vmem>>[vector<16xi32>, vector<16xi32>], vector<16xf32>,
      tpu.vector_store_idx %arg9[%broadcast_in_dim3A_2169, %add3A_2125], %gather3A_2170 : memref<16x512xf32, #tpu.memory_space<vmem>>[vector<16xi32>, vector<16xi32>], vector<16xf32>,
      %broadcast_in_dim3A_2171 = arith.constant 15 : i32
      %broadcast_in_dim3A_2172 = vector.broadcast %broadcast_in_dim3A_2171 : i32 to vector<16xi32>
      %gather3A_2173 = tpu.vector_load_idx %arg6[%broadcast_in_dim3A_2172, %add3A_2121] : memref<16x2048xf32, #tpu.memory_space<vmem>>[vector<16xi32>, vector<16xi32>], vector<16xf32>,
      tpu.vector_store_idx %arg9[%broadcast_in_dim3A_2172, %add3A_2125], %gather3A_2173 : memref<16x512xf32, #tpu.memory_space<vmem>>[vector<16xi32>, vector<16xi32>], vector<16xf32>,
      %add3A_2174 = arith.constant 3 : i32
      %add3A_2175 = arith.addi %mul3A_1442, %add3A_2174 : i32
      %mul3A_2176 = arith.constant 16 : i32
      %mul3A_2177 = arith.muli %add3A_2175, %mul3A_2176 : i32
      %get3A_2178 = arith.index_cast %mul3A_2177 : i32 to index
      %get3A_2179 = tpu.vector_load %arg5[%get3A_2178] {strides = array<i32>} : memref<512xi32, #tpu.memory_space<vmem>>, vector<16xi32>,
      %slice3A_2180 = vector.extract_strided_slice %get3A_2179 {offsets = [0], sizes = [1], strides = [1]} : vector<16xi32> to vector<1xi32>
      %squeeze3A_2181 = vector.extract %slice3A_2180[0] : i32 from vector<1xi32>
      %jit3A_2182 = arith.constant 128 : i32
      %div3A_2183 = arith.divsi %squeeze3A_2181, %jit3A_2182 : i32
      %sign3A_2184 = arith.constant 0 : i32
      %sign3A_2185 = arith.cmpi sgt, %squeeze3A_2181, %sign3A_2184 : i32
      %sign3A_2186 = arith.extui %sign3A_2185 : i1 to i32
      %sign3A_2187 = arith.constant 0 : i32
      %sign3A_2188 = arith.cmpi slt, %squeeze3A_2181, %sign3A_2187 : i32
      %sign3A_2189 = arith.extui %sign3A_2188 : i1 to i32
      %sign3A_2190 = arith.subi %sign3A_2186, %sign3A_2189 : i32
      %sign3A_2191 = arith.constant 0 : i32
      %sign3A_2192 = arith.cmpi sgt, %jit3A_2182, %sign3A_2191 : i32
      %sign3A_2193 = arith.extui %sign3A_2192 : i1 to i32
      %sign3A_2194 = arith.constant 0 : i32
      %sign3A_2195 = arith.cmpi slt, %jit3A_2182, %sign3A_2194 : i32
      %sign3A_2196 = arith.extui %sign3A_2195 : i1 to i32
      %sign3A_2197 = arith.subi %sign3A_2193, %sign3A_2196 : i32
      %ne3A_2198 = arith.cmpi ne, %sign3A_2190, %sign3A_2197 : i32
      %rem3A_2199 = arith.remsi %squeeze3A_2181, %jit3A_2182 : i32
      %ne3A_2200 = arith.constant 0 : i32
      %ne3A_2201 = arith.cmpi ne, %rem3A_2199, %ne3A_2200 : i32
      %and3A_2202 = arith.andi %ne3A_2198, %ne3A_2201 : i1
      %sub3A_2203 = arith.constant 1 : i32
      %sub3A_2204 = arith.subi %div3A_2183, %sub3A_2203 : i32
      %select_n3A_2205 = arith.select %and3A_2202, %sub3A_2204, %div3A_2183 : i32
      %mul3A_2206 = arith.constant 128 : i32
      %mul3A_2207 = arith.muli %select_n3A_2205, %mul3A_2206 : i32
      %multiple_of3A_2208 = tpu.assume_multiple %mul3A_2207, 128 : i32
      %dma_start3A_2209 = arith.constant 0 : i32
      %dma_start3A_2210 = arith.constant 0 : i32
      %dma_start3A_2211 = tpu.memref_slice %arg6[%dma_start3A_2209, %dma_start3A_2210] : memref<16x2048xf32, #tpu.memory_space<vmem>> -> memref<16x128xf32, #tpu.memory_space<vmem>>
      %dma_start3A_2212 = arith.constant 0 : i32
      %dma_start3A_2213 = tpu.memref_slice %arg3[%dma_start3A_2212, %multiple_of3A_2208] : memref<16x1000001xf32, #tpu.memory_space<hbm>> -> memref<16x128xf32, #tpu.memory_space<hbm>>
      %dma_start3A_2214 = arith.constant 0 : i32
      %dma_start3A_2215 = arith.constant 0 : i32
      %dma_start3A_2216 = tpu.memref_slice %arg6[%dma_start3A_2214, %dma_start3A_2215] : memref<16x2048xf32, #tpu.memory_space<vmem>> -> memref<16x128xf32, #tpu.memory_space<vmem>>
      %dma_start3A_2217 = arith.constant 0 : i32
      %dma_start3A_2218 = tpu.memref_slice %arg3[%dma_start3A_2217, %multiple_of3A_2208] : memref<16x1000001xf32, #tpu.memory_space<hbm>> -> memref<16x128xf32, #tpu.memory_space<hbm>>
      tpu.enqueue_dma source(%dma_start3A_2218 : memref<16x128xf32, #tpu.memory_space<hbm>>) target(%dma_start3A_2216 : memref<16x128xf32, #tpu.memory_space<vmem>>) target_semaphore(%arg10 : memref<!tpu.dma_semaphore, #tpu.memory_space<semaphore_mem>>)
      %slice3A_2219 = vector.extract_strided_slice %get3A_2179 {offsets = [1], sizes = [1], strides = [1]} : vector<16xi32> to vector<1xi32>
      %squeeze3A_2220 = vector.extract %slice3A_2219[0] : i32 from vector<1xi32>
      %jit3A_2221 = arith.constant 128 : i32
      %div3A_2222 = arith.divsi %squeeze3A_2220, %jit3A_2221 : i32
      %sign3A_2223 = arith.constant 0 : i32
      %sign3A_2224 = arith.cmpi sgt, %squeeze3A_2220, %sign3A_2223 : i32
      %sign3A_2225 = arith.extui %sign3A_2224 : i1 to i32
      %sign3A_2226 = arith.constant 0 : i32
      %sign3A_2227 = arith.cmpi slt, %squeeze3A_2220, %sign3A_2226 : i32
      %sign3A_2228 = arith.extui %sign3A_2227 : i1 to i32
      %sign3A_2229 = arith.subi %sign3A_2225, %sign3A_2228 : i32
      %sign3A_2230 = arith.constant 0 : i32
      %sign3A_2231 = arith.cmpi sgt, %jit3A_2221, %sign3A_2230 : i32
      %sign3A_2232 = arith.extui %sign3A_2231 : i1 to i32
      %sign3A_2233 = arith.constant 0 : i32
      %sign3A_2234 = arith.cmpi slt, %jit3A_2221, %sign3A_2233 : i32
      %sign3A_2235 = arith.extui %sign3A_2234 : i1 to i32
      %sign3A_2236 = arith.subi %sign3A_2232, %sign3A_2235 : i32
      %ne3A_2237 = arith.cmpi ne, %sign3A_2229, %sign3A_2236 : i32
      %rem3A_2238 = arith.remsi %squeeze3A_2220, %jit3A_2221 : i32
      %ne3A_2239 = arith.constant 0 : i32
      %ne3A_2240 = arith.cmpi ne, %rem3A_2238, %ne3A_2239 : i32
      %and3A_2241 = arith.andi %ne3A_2237, %ne3A_2240 : i1
      %sub3A_2242 = arith.constant 1 : i32
      %sub3A_2243 = arith.subi %div3A_2222, %sub3A_2242 : i32
      %select_n3A_2244 = arith.select %and3A_2241, %sub3A_2243, %div3A_2222 : i32
      %mul3A_2245 = arith.constant 128 : i32
      %mul3A_2246 = arith.muli %select_n3A_2244, %mul3A_2245 : i32
      %multiple_of3A_2247 = tpu.assume_multiple %mul3A_2246, 128 : i32
      %dma_start3A_2248 = arith.constant 0 : i32
      %dma_start3A_2249 = arith.constant 128 : i32
      %dma_start3A_2250 = tpu.memref_slice %arg6[%dma_start3A_2248, %dma_start3A_2249] : memref<16x2048xf32, #tpu.memory_space<vmem>> -> memref<16x128xf32, #tpu.memory_space<vmem>>
      %dma_start3A_2251 = arith.constant 0 : i32
      %dma_start3A_2252 = tpu.memref_slice %arg3[%dma_start3A_2251, %multiple_of3A_2247] : memref<16x1000001xf32, #tpu.memory_space<hbm>> -> memref<16x128xf32, #tpu.memory_space<hbm>>
      %dma_start3A_2253 = arith.constant 0 : i32
      %dma_start3A_2254 = arith.constant 128 : i32
      %dma_start3A_2255 = tpu.memref_slice %arg6[%dma_start3A_2253, %dma_start3A_2254] : memref<16x2048xf32, #tpu.memory_space<vmem>> -> memref<16x128xf32, #tpu.memory_space<vmem>>
      %dma_start3A_2256 = arith.constant 0 : i32
      %dma_start3A_2257 = tpu.memref_slice %arg3[%dma_start3A_2256, %multiple_of3A_2247] : memref<16x1000001xf32, #tpu.memory_space<hbm>> -> memref<16x128xf32, #tpu.memory_space<hbm>>
      tpu.enqueue_dma source(%dma_start3A_2257 : memref<16x128xf32, #tpu.memory_space<hbm>>) target(%dma_start3A_2255 : memref<16x128xf32, #tpu.memory_space<vmem>>) target_semaphore(%arg10 : memref<!tpu.dma_semaphore, #tpu.memory_space<semaphore_mem>>)
      %slice3A_2258 = vector.extract_strided_slice %get3A_2179 {offsets = [2], sizes = [1], strides = [1]} : vector<16xi32> to vector<1xi32>
      %squeeze3A_2259 = vector.extract %slice3A_2258[0] : i32 from vector<1xi32>
      %jit3A_2260 = arith.constant 128 : i32
      %div3A_2261 = arith.divsi %squeeze3A_2259, %jit3A_2260 : i32
      %sign3A_2262 = arith.constant 0 : i32
      %sign3A_2263 = arith.cmpi sgt, %squeeze3A_2259, %sign3A_2262 : i32
      %sign3A_2264 = arith.extui %sign3A_2263 : i1 to i32
      %sign3A_2265 = arith.constant 0 : i32
      %sign3A_2266 = arith.cmpi slt, %squeeze3A_2259, %sign3A_2265 : i32
      %sign3A_2267 = arith.extui %sign3A_2266 : i1 to i32
      %sign3A_2268 = arith.subi %sign3A_2264, %sign3A_2267 : i32
      %sign3A_2269 = arith.constant 0 : i32
      %sign3A_2270 = arith.cmpi sgt, %jit3A_2260, %sign3A_2269 : i32
      %sign3A_2271 = arith.extui %sign3A_2270 : i1 to i32
      %sign3A_2272 = arith.constant 0 : i32
      %sign3A_2273 = arith.cmpi slt, %jit3A_2260, %sign3A_2272 : i32
      %sign3A_2274 = arith.extui %sign3A_2273 : i1 to i32
      %sign3A_2275 = arith.subi %sign3A_2271, %sign3A_2274 : i32
      %ne3A_2276 = arith.cmpi ne, %sign3A_2268, %sign3A_2275 : i32
      %rem3A_2277 = arith.remsi %squeeze3A_2259, %jit3A_2260 : i32
      %ne3A_2278 = arith.constant 0 : i32
      %ne3A_2279 = arith.cmpi ne, %rem3A_2277, %ne3A_2278 : i32
      %and3A_2280 = arith.andi %ne3A_2276, %ne3A_2279 : i1
      %sub3A_2281 = arith.constant 1 : i32
      %sub3A_2282 = arith.subi %div3A_2261, %sub3A_2281 : i32
      %select_n3A_2283 = arith.select %and3A_2280, %sub3A_2282, %div3A_2261 : i32
      %mul3A_2284 = arith.constant 128 : i32
      %mul3A_2285 = arith.muli %select_n3A_2283, %mul3A_2284 : i32
      %multiple_of3A_2286 = tpu.assume_multiple %mul3A_2285, 128 : i32
      %dma_start3A_2287 = arith.constant 0 : i32
      %dma_start3A_2288 = arith.constant 256 : i32
      %dma_start3A_2289 = tpu.memref_slice %arg6[%dma_start3A_2287, %dma_start3A_2288] : memref<16x2048xf32, #tpu.memory_space<vmem>> -> memref<16x128xf32, #tpu.memory_space<vmem>>
      %dma_start3A_2290 = arith.constant 0 : i32
      %dma_start3A_2291 = tpu.memref_slice %arg3[%dma_start3A_2290, %multiple_of3A_2286] : memref<16x1000001xf32, #tpu.memory_space<hbm>> -> memref<16x128xf32, #tpu.memory_space<hbm>>
      %dma_start3A_2292 = arith.constant 0 : i32
      %dma_start3A_2293 = arith.constant 256 : i32
      %dma_start3A_2294 = tpu.memref_slice %arg6[%dma_start3A_2292, %dma_start3A_2293] : memref<16x2048xf32, #tpu.memory_space<vmem>> -> memref<16x128xf32, #tpu.memory_space<vmem>>
      %dma_start3A_2295 = arith.constant 0 : i32
      %dma_start3A_2296 = tpu.memref_slice %arg3[%dma_start3A_2295, %multiple_of3A_2286] : memref<16x1000001xf32, #tpu.memory_space<hbm>> -> memref<16x128xf32, #tpu.memory_space<hbm>>
      tpu.enqueue_dma source(%dma_start3A_2296 : memref<16x128xf32, #tpu.memory_space<hbm>>) target(%dma_start3A_2294 : memref<16x128xf32, #tpu.memory_space<vmem>>) target_semaphore(%arg10 : memref<!tpu.dma_semaphore, #tpu.memory_space<semaphore_mem>>)
      %slice3A_2297 = vector.extract_strided_slice %get3A_2179 {offsets = [3], sizes = [1], strides = [1]} : vector<16xi32> to vector<1xi32>
      %squeeze3A_2298 = vector.extract %slice3A_2297[0] : i32 from vector<1xi32>
      %jit3A_2299 = arith.constant 128 : i32
      %div3A_2300 = arith.divsi %squeeze3A_2298, %jit3A_2299 : i32
      %sign3A_2301 = arith.constant 0 : i32
      %sign3A_2302 = arith.cmpi sgt, %squeeze3A_2298, %sign3A_2301 : i32
      %sign3A_2303 = arith.extui %sign3A_2302 : i1 to i32
      %sign3A_2304 = arith.constant 0 : i32
      %sign3A_2305 = arith.cmpi slt, %squeeze3A_2298, %sign3A_2304 : i32
      %sign3A_2306 = arith.extui %sign3A_2305 : i1 to i32
      %sign3A_2307 = arith.subi %sign3A_2303, %sign3A_2306 : i32
      %sign3A_2308 = arith.constant 0 : i32
      %sign3A_2309 = arith.cmpi sgt, %jit3A_2299, %sign3A_2308 : i32
      %sign3A_2310 = arith.extui %sign3A_2309 : i1 to i32
      %sign3A_2311 = arith.constant 0 : i32
      %sign3A_2312 = arith.cmpi slt, %jit3A_2299, %sign3A_2311 : i32
      %sign3A_2313 = arith.extui %sign3A_2312 : i1 to i32
      %sign3A_2314 = arith.subi %sign3A_2310, %sign3A_2313 : i32
      %ne3A_2315 = arith.cmpi ne, %sign3A_2307, %sign3A_2314 : i32
      %rem3A_2316 = arith.remsi %squeeze3A_2298, %jit3A_2299 : i32
      %ne3A_2317 = arith.constant 0 : i32
      %ne3A_2318 = arith.cmpi ne, %rem3A_2316, %ne3A_2317 : i32
      %and3A_2319 = arith.andi %ne3A_2315, %ne3A_2318 : i1
      %sub3A_2320 = arith.constant 1 : i32
      %sub3A_2321 = arith.subi %div3A_2300, %sub3A_2320 : i32
      %select_n3A_2322 = arith.select %and3A_2319, %sub3A_2321, %div3A_2300 : i32
      %mul3A_2323 = arith.constant 128 : i32
      %mul3A_2324 = arith.muli %select_n3A_2322, %mul3A_2323 : i32
      %multiple_of3A_2325 = tpu.assume_multiple %mul3A_2324, 128 : i32
      %dma_start3A_2326 = arith.constant 0 : i32
      %dma_start3A_2327 = arith.constant 384 : i32
      %dma_start3A_2328 = tpu.memref_slice %arg6[%dma_start3A_2326, %dma_start3A_2327] : memref<16x2048xf32, #tpu.memory_space<vmem>> -> memref<16x128xf32, #tpu.memory_space<vmem>>
      %dma_start3A_2329 = arith.constant 0 : i32
      %dma_start3A_2330 = tpu.memref_slice %arg3[%dma_start3A_2329, %multiple_of3A_2325] : memref<16x1000001xf32, #tpu.memory_space<hbm>> -> memref<16x128xf32, #tpu.memory_space<hbm>>
      %dma_start3A_2331 = arith.constant 0 : i32
      %dma_start3A_2332 = arith.constant 384 : i32
      %dma_start3A_2333 = tpu.memref_slice %arg6[%dma_start3A_2331, %dma_start3A_2332] : memref<16x2048xf32, #tpu.memory_space<vmem>> -> memref<16x128xf32, #tpu.memory_space<vmem>>
      %dma_start3A_2334 = arith.constant 0 : i32
      %dma_start3A_2335 = tpu.memref_slice %arg3[%dma_start3A_2334, %multiple_of3A_2325] : memref<16x1000001xf32, #tpu.memory_space<hbm>> -> memref<16x128xf32, #tpu.memory_space<hbm>>
      tpu.enqueue_dma source(%dma_start3A_2335 : memref<16x128xf32, #tpu.memory_space<hbm>>) target(%dma_start3A_2333 : memref<16x128xf32, #tpu.memory_space<vmem>>) target_semaphore(%arg10 : memref<!tpu.dma_semaphore, #tpu.memory_space<semaphore_mem>>)
      %slice3A_2336 = vector.extract_strided_slice %get3A_2179 {offsets = [4], sizes = [1], strides = [1]} : vector<16xi32> to vector<1xi32>
      %squeeze3A_2337 = vector.extract %slice3A_2336[0] : i32 from vector<1xi32>
      %jit3A_2338 = arith.constant 128 : i32
      %div3A_2339 = arith.divsi %squeeze3A_2337, %jit3A_2338 : i32
      %sign3A_2340 = arith.constant 0 : i32
      %sign3A_2341 = arith.cmpi sgt, %squeeze3A_2337, %sign3A_2340 : i32
      %sign3A_2342 = arith.extui %sign3A_2341 : i1 to i32
      %sign3A_2343 = arith.constant 0 : i32
      %sign3A_2344 = arith.cmpi slt, %squeeze3A_2337, %sign3A_2343 : i32
      %sign3A_2345 = arith.extui %sign3A_2344 : i1 to i32
      %sign3A_2346 = arith.subi %sign3A_2342, %sign3A_2345 : i32
      %sign3A_2347 = arith.constant 0 : i32
      %sign3A_2348 = arith.cmpi sgt, %jit3A_2338, %sign3A_2347 : i32
      %sign3A_2349 = arith.extui %sign3A_2348 : i1 to i32
      %sign3A_2350 = arith.constant 0 : i32
      %sign3A_2351 = arith.cmpi slt, %jit3A_2338, %sign3A_2350 : i32
      %sign3A_2352 = arith.extui %sign3A_2351 : i1 to i32
      %sign3A_2353 = arith.subi %sign3A_2349, %sign3A_2352 : i32
      %ne3A_2354 = arith.cmpi ne, %sign3A_2346, %sign3A_2353 : i32
      %rem3A_2355 = arith.remsi %squeeze3A_2337, %jit3A_2338 : i32
      %ne3A_2356 = arith.constant 0 : i32
      %ne3A_2357 = arith.cmpi ne, %rem3A_2355, %ne3A_2356 : i32
      %and3A_2358 = arith.andi %ne3A_2354, %ne3A_2357 : i1
      %sub3A_2359 = arith.constant 1 : i32
      %sub3A_2360 = arith.subi %div3A_2339, %sub3A_2359 : i32
      %select_n3A_2361 = arith.select %and3A_2358, %sub3A_2360, %div3A_2339 : i32
      %mul3A_2362 = arith.constant 128 : i32
      %mul3A_2363 = arith.muli %select_n3A_2361, %mul3A_2362 : i32
      %multiple_of3A_2364 = tpu.assume_multiple %mul3A_2363, 128 : i32
      %dma_start3A_2365 = arith.constant 0 : i32
      %dma_start3A_2366 = arith.constant 512 : i32
      %dma_start3A_2367 = tpu.memref_slice %arg6[%dma_start3A_2365, %dma_start3A_2366] : memref<16x2048xf32, #tpu.memory_space<vmem>> -> memref<16x128xf32, #tpu.memory_space<vmem>>
      %dma_start3A_2368 = arith.constant 0 : i32
      %dma_start3A_2369 = tpu.memref_slice %arg3[%dma_start3A_2368, %multiple_of3A_2364] : memref<16x1000001xf32, #tpu.memory_space<hbm>> -> memref<16x128xf32, #tpu.memory_space<hbm>>
      %dma_start3A_2370 = arith.constant 0 : i32
      %dma_start3A_2371 = arith.constant 512 : i32
      %dma_start3A_2372 = tpu.memref_slice %arg6[%dma_start3A_2370, %dma_start3A_2371] : memref<16x2048xf32, #tpu.memory_space<vmem>> -> memref<16x128xf32, #tpu.memory_space<vmem>>
      %dma_start3A_2373 = arith.constant 0 : i32
      %dma_start3A_2374 = tpu.memref_slice %arg3[%dma_start3A_2373, %multiple_of3A_2364] : memref<16x1000001xf32, #tpu.memory_space<hbm>> -> memref<16x128xf32, #tpu.memory_space<hbm>>
      tpu.enqueue_dma source(%dma_start3A_2374 : memref<16x128xf32, #tpu.memory_space<hbm>>) target(%dma_start3A_2372 : memref<16x128xf32, #tpu.memory_space<vmem>>) target_semaphore(%arg10 : memref<!tpu.dma_semaphore, #tpu.memory_space<semaphore_mem>>)
      %slice3A_2375 = vector.extract_strided_slice %get3A_2179 {offsets = [5], sizes = [1], strides = [1]} : vector<16xi32> to vector<1xi32>
      %squeeze3A_2376 = vector.extract %slice3A_2375[0] : i32 from vector<1xi32>
      %jit3A_2377 = arith.constant 128 : i32
      %div3A_2378 = arith.divsi %squeeze3A_2376, %jit3A_2377 : i32
      %sign3A_2379 = arith.constant 0 : i32
      %sign3A_2380 = arith.cmpi sgt, %squeeze3A_2376, %sign3A_2379 : i32
      %sign3A_2381 = arith.extui %sign3A_2380 : i1 to i32
      %sign3A_2382 = arith.constant 0 : i32
      %sign3A_2383 = arith.cmpi slt, %squeeze3A_2376, %sign3A_2382 : i32
      %sign3A_2384 = arith.extui %sign3A_2383 : i1 to i32
      %sign3A_2385 = arith.subi %sign3A_2381, %sign3A_2384 : i32
      %sign3A_2386 = arith.constant 0 : i32
      %sign3A_2387 = arith.cmpi sgt, %jit3A_2377, %sign3A_2386 : i32
      %sign3A_2388 = arith.extui %sign3A_2387 : i1 to i32
      %sign3A_2389 = arith.constant 0 : i32
      %sign3A_2390 = arith.cmpi slt, %jit3A_2377, %sign3A_2389 : i32
      %sign3A_2391 = arith.extui %sign3A_2390 : i1 to i32
      %sign3A_2392 = arith.subi %sign3A_2388, %sign3A_2391 : i32
      %ne3A_2393 = arith.cmpi ne, %sign3A_2385, %sign3A_2392 : i32
      %rem3A_2394 = arith.remsi %squeeze3A_2376, %jit3A_2377 : i32
      %ne3A_2395 = arith.constant 0 : i32
      %ne3A_2396 = arith.cmpi ne, %rem3A_2394, %ne3A_2395 : i32
      %and3A_2397 = arith.andi %ne3A_2393, %ne3A_2396 : i1
      %sub3A_2398 = arith.constant 1 : i32
      %sub3A_2399 = arith.subi %div3A_2378, %sub3A_2398 : i32
      %select_n3A_2400 = arith.select %and3A_2397, %sub3A_2399, %div3A_2378 : i32
      %mul3A_2401 = arith.constant 128 : i32
      %mul3A_2402 = arith.muli %select_n3A_2400, %mul3A_2401 : i32
      %multiple_of3A_2403 = tpu.assume_multiple %mul3A_2402, 128 : i32
      %dma_start3A_2404 = arith.constant 0 : i32
      %dma_start3A_2405 = arith.constant 640 : i32
      %dma_start3A_2406 = tpu.memref_slice %arg6[%dma_start3A_2404, %dma_start3A_2405] : memref<16x2048xf32, #tpu.memory_space<vmem>> -> memref<16x128xf32, #tpu.memory_space<vmem>>
      %dma_start3A_2407 = arith.constant 0 : i32
      %dma_start3A_2408 = tpu.memref_slice %arg3[%dma_start3A_2407, %multiple_of3A_2403] : memref<16x1000001xf32, #tpu.memory_space<hbm>> -> memref<16x128xf32, #tpu.memory_space<hbm>>
      %dma_start3A_2409 = arith.constant 0 : i32
      %dma_start3A_2410 = arith.constant 640 : i32
      %dma_start3A_2411 = tpu.memref_slice %arg6[%dma_start3A_2409, %dma_start3A_2410] : memref<16x2048xf32, #tpu.memory_space<vmem>> -> memref<16x128xf32, #tpu.memory_space<vmem>>
      %dma_start3A_2412 = arith.constant 0 : i32
      %dma_start3A_2413 = tpu.memref_slice %arg3[%dma_start3A_2412, %multiple_of3A_2403] : memref<16x1000001xf32, #tpu.memory_space<hbm>> -> memref<16x128xf32, #tpu.memory_space<hbm>>
      tpu.enqueue_dma source(%dma_start3A_2413 : memref<16x128xf32, #tpu.memory_space<hbm>>) target(%dma_start3A_2411 : memref<16x128xf32, #tpu.memory_space<vmem>>) target_semaphore(%arg10 : memref<!tpu.dma_semaphore, #tpu.memory_space<semaphore_mem>>)
      %slice3A_2414 = vector.extract_strided_slice %get3A_2179 {offsets = [6], sizes = [1], strides = [1]} : vector<16xi32> to vector<1xi32>
      %squeeze3A_2415 = vector.extract %slice3A_2414[0] : i32 from vector<1xi32>
      %jit3A_2416 = arith.constant 128 : i32
      %div3A_2417 = arith.divsi %squeeze3A_2415, %jit3A_2416 : i32
      %sign3A_2418 = arith.constant 0 : i32
      %sign3A_2419 = arith.cmpi sgt, %squeeze3A_2415, %sign3A_2418 : i32
      %sign3A_2420 = arith.extui %sign3A_2419 : i1 to i32
      %sign3A_2421 = arith.constant 0 : i32
      %sign3A_2422 = arith.cmpi slt, %squeeze3A_2415, %sign3A_2421 : i32
      %sign3A_2423 = arith.extui %sign3A_2422 : i1 to i32
      %sign3A_2424 = arith.subi %sign3A_2420, %sign3A_2423 : i32
      %sign3A_2425 = arith.constant 0 : i32
      %sign3A_2426 = arith.cmpi sgt, %jit3A_2416, %sign3A_2425 : i32
      %sign3A_2427 = arith.extui %sign3A_2426 : i1 to i32
      %sign3A_2428 = arith.constant 0 : i32
      %sign3A_2429 = arith.cmpi slt, %jit3A_2416, %sign3A_2428 : i32
      %sign3A_2430 = arith.extui %sign3A_2429 : i1 to i32
      %sign3A_2431 = arith.subi %sign3A_2427, %sign3A_2430 : i32
      %ne3A_2432 = arith.cmpi ne, %sign3A_2424, %sign3A_2431 : i32
      %rem3A_2433 = arith.remsi %squeeze3A_2415, %jit3A_2416 : i32
      %ne3A_2434 = arith.constant 0 : i32
      %ne3A_2435 = arith.cmpi ne, %rem3A_2433, %ne3A_2434 : i32
      %and3A_2436 = arith.andi %ne3A_2432, %ne3A_2435 : i1
      %sub3A_2437 = arith.constant 1 : i32
      %sub3A_2438 = arith.subi %div3A_2417, %sub3A_2437 : i32
      %select_n3A_2439 = arith.select %and3A_2436, %sub3A_2438, %div3A_2417 : i32
      %mul3A_2440 = arith.constant 128 : i32
      %mul3A_2441 = arith.muli %select_n3A_2439, %mul3A_2440 : i32
      %multiple_of3A_2442 = tpu.assume_multiple %mul3A_2441, 128 : i32
      %dma_start3A_2443 = arith.constant 0 : i32
      %dma_start3A_2444 = arith.constant 768 : i32
      %dma_start3A_2445 = tpu.memref_slice %arg6[%dma_start3A_2443, %dma_start3A_2444] : memref<16x2048xf32, #tpu.memory_space<vmem>> -> memref<16x128xf32, #tpu.memory_space<vmem>>
      %dma_start3A_2446 = arith.constant 0 : i32
      %dma_start3A_2447 = tpu.memref_slice %arg3[%dma_start3A_2446, %multiple_of3A_2442] : memref<16x1000001xf32, #tpu.memory_space<hbm>> -> memref<16x128xf32, #tpu.memory_space<hbm>>
      %dma_start3A_2448 = arith.constant 0 : i32
      %dma_start3A_2449 = arith.constant 768 : i32
      %dma_start3A_2450 = tpu.memref_slice %arg6[%dma_start3A_2448, %dma_start3A_2449] : memref<16x2048xf32, #tpu.memory_space<vmem>> -> memref<16x128xf32, #tpu.memory_space<vmem>>
      %dma_start3A_2451 = arith.constant 0 : i32
      %dma_start3A_2452 = tpu.memref_slice %arg3[%dma_start3A_2451, %multiple_of3A_2442] : memref<16x1000001xf32, #tpu.memory_space<hbm>> -> memref<16x128xf32, #tpu.memory_space<hbm>>
      tpu.enqueue_dma source(%dma_start3A_2452 : memref<16x128xf32, #tpu.memory_space<hbm>>) target(%dma_start3A_2450 : memref<16x128xf32, #tpu.memory_space<vmem>>) target_semaphore(%arg10 : memref<!tpu.dma_semaphore, #tpu.memory_space<semaphore_mem>>)
      %slice3A_2453 = vector.extract_strided_slice %get3A_2179 {offsets = [7], sizes = [1], strides = [1]} : vector<16xi32> to vector<1xi32>
      %squeeze3A_2454 = vector.extract %slice3A_2453[0] : i32 from vector<1xi32>
      %jit3A_2455 = arith.constant 128 : i32
      %div3A_2456 = arith.divsi %squeeze3A_2454, %jit3A_2455 : i32
      %sign3A_2457 = arith.constant 0 : i32
      %sign3A_2458 = arith.cmpi sgt, %squeeze3A_2454, %sign3A_2457 : i32
      %sign3A_2459 = arith.extui %sign3A_2458 : i1 to i32
      %sign3A_2460 = arith.constant 0 : i32
      %sign3A_2461 = arith.cmpi slt, %squeeze3A_2454, %sign3A_2460 : i32
      %sign3A_2462 = arith.extui %sign3A_2461 : i1 to i32
      %sign3A_2463 = arith.subi %sign3A_2459, %sign3A_2462 : i32
      %sign3A_2464 = arith.constant 0 : i32
      %sign3A_2465 = arith.cmpi sgt, %jit3A_2455, %sign3A_2464 : i32
      %sign3A_2466 = arith.extui %sign3A_2465 : i1 to i32
      %sign3A_2467 = arith.constant 0 : i32
      %sign3A_2468 = arith.cmpi slt, %jit3A_2455, %sign3A_2467 : i32
      %sign3A_2469 = arith.extui %sign3A_2468 : i1 to i32
      %sign3A_2470 = arith.subi %sign3A_2466, %sign3A_2469 : i32
      %ne3A_2471 = arith.cmpi ne, %sign3A_2463, %sign3A_2470 : i32
      %rem3A_2472 = arith.remsi %squeeze3A_2454, %jit3A_2455 : i32
      %ne3A_2473 = arith.constant 0 : i32
      %ne3A_2474 = arith.cmpi ne, %rem3A_2472, %ne3A_2473 : i32
      %and3A_2475 = arith.andi %ne3A_2471, %ne3A_2474 : i1
      %sub3A_2476 = arith.constant 1 : i32
      %sub3A_2477 = arith.subi %div3A_2456, %sub3A_2476 : i32
      %select_n3A_2478 = arith.select %and3A_2475, %sub3A_2477, %div3A_2456 : i32
      %mul3A_2479 = arith.constant 128 : i32
      %mul3A_2480 = arith.muli %select_n3A_2478, %mul3A_2479 : i32
      %multiple_of3A_2481 = tpu.assume_multiple %mul3A_2480, 128 : i32
      %dma_start3A_2482 = arith.constant 0 : i32
      %dma_start3A_2483 = arith.constant 896 : i32
      %dma_start3A_2484 = tpu.memref_slice %arg6[%dma_start3A_2482, %dma_start3A_2483] : memref<16x2048xf32, #tpu.memory_space<vmem>> -> memref<16x128xf32, #tpu.memory_space<vmem>>
      %dma_start3A_2485 = arith.constant 0 : i32
      %dma_start3A_2486 = tpu.memref_slice %arg3[%dma_start3A_2485, %multiple_of3A_2481] : memref<16x1000001xf32, #tpu.memory_space<hbm>> -> memref<16x128xf32, #tpu.memory_space<hbm>>
      %dma_start3A_2487 = arith.constant 0 : i32
      %dma_start3A_2488 = arith.constant 896 : i32
      %dma_start3A_2489 = tpu.memref_slice %arg6[%dma_start3A_2487, %dma_start3A_2488] : memref<16x2048xf32, #tpu.memory_space<vmem>> -> memref<16x128xf32, #tpu.memory_space<vmem>>
      %dma_start3A_2490 = arith.constant 0 : i32
      %dma_start3A_2491 = tpu.memref_slice %arg3[%dma_start3A_2490, %multiple_of3A_2481] : memref<16x1000001xf32, #tpu.memory_space<hbm>> -> memref<16x128xf32, #tpu.memory_space<hbm>>
      tpu.enqueue_dma source(%dma_start3A_2491 : memref<16x128xf32, #tpu.memory_space<hbm>>) target(%dma_start3A_2489 : memref<16x128xf32, #tpu.memory_space<vmem>>) target_semaphore(%arg10 : memref<!tpu.dma_semaphore, #tpu.memory_space<semaphore_mem>>)
      %slice3A_2492 = vector.extract_strided_slice %get3A_2179 {offsets = [8], sizes = [1], strides = [1]} : vector<16xi32> to vector<1xi32>
      %squeeze3A_2493 = vector.extract %slice3A_2492[0] : i32 from vector<1xi32>
      %jit3A_2494 = arith.constant 128 : i32
      %div3A_2495 = arith.divsi %squeeze3A_2493, %jit3A_2494 : i32
      %sign3A_2496 = arith.constant 0 : i32
      %sign3A_2497 = arith.cmpi sgt, %squeeze3A_2493, %sign3A_2496 : i32
      %sign3A_2498 = arith.extui %sign3A_2497 : i1 to i32
      %sign3A_2499 = arith.constant 0 : i32
      %sign3A_2500 = arith.cmpi slt, %squeeze3A_2493, %sign3A_2499 : i32
      %sign3A_2501 = arith.extui %sign3A_2500 : i1 to i32
      %sign3A_2502 = arith.subi %sign3A_2498, %sign3A_2501 : i32
      %sign3A_2503 = arith.constant 0 : i32
      %sign3A_2504 = arith.cmpi sgt, %jit3A_2494, %sign3A_2503 : i32
      %sign3A_2505 = arith.extui %sign3A_2504 : i1 to i32
      %sign3A_2506 = arith.constant 0 : i32
      %sign3A_2507 = arith.cmpi slt, %jit3A_2494, %sign3A_2506 : i32
      %sign3A_2508 = arith.extui %sign3A_2507 : i1 to i32
      %sign3A_2509 = arith.subi %sign3A_2505, %sign3A_2508 : i32
      %ne3A_2510 = arith.cmpi ne, %sign3A_2502, %sign3A_2509 : i32
      %rem3A_2511 = arith.remsi %squeeze3A_2493, %jit3A_2494 : i32
      %ne3A_2512 = arith.constant 0 : i32
      %ne3A_2513 = arith.cmpi ne, %rem3A_2511, %ne3A_2512 : i32
      %and3A_2514 = arith.andi %ne3A_2510, %ne3A_2513 : i1
      %sub3A_2515 = arith.constant 1 : i32
      %sub3A_2516 = arith.subi %div3A_2495, %sub3A_2515 : i32
      %select_n3A_2517 = arith.select %and3A_2514, %sub3A_2516, %div3A_2495 : i32
      %mul3A_2518 = arith.constant 128 : i32
      %mul3A_2519 = arith.muli %select_n3A_2517, %mul3A_2518 : i32
      %multiple_of3A_2520 = tpu.assume_multiple %mul3A_2519, 128 : i32
      %dma_start3A_2521 = arith.constant 0 : i32
      %dma_start3A_2522 = arith.constant 1024 : i32
      %dma_start3A_2523 = tpu.memref_slice %arg6[%dma_start3A_2521, %dma_start3A_2522] : memref<16x2048xf32, #tpu.memory_space<vmem>> -> memref<16x128xf32, #tpu.memory_space<vmem>>
      %dma_start3A_2524 = arith.constant 0 : i32
      %dma_start3A_2525 = tpu.memref_slice %arg3[%dma_start3A_2524, %multiple_of3A_2520] : memref<16x1000001xf32, #tpu.memory_space<hbm>> -> memref<16x128xf32, #tpu.memory_space<hbm>>
      %dma_start3A_2526 = arith.constant 0 : i32
      %dma_start3A_2527 = arith.constant 1024 : i32
      %dma_start3A_2528 = tpu.memref_slice %arg6[%dma_start3A_2526, %dma_start3A_2527] : memref<16x2048xf32, #tpu.memory_space<vmem>> -> memref<16x128xf32, #tpu.memory_space<vmem>>
      %dma_start3A_2529 = arith.constant 0 : i32
      %dma_start3A_2530 = tpu.memref_slice %arg3[%dma_start3A_2529, %multiple_of3A_2520] : memref<16x1000001xf32, #tpu.memory_space<hbm>> -> memref<16x128xf32, #tpu.memory_space<hbm>>
      tpu.enqueue_dma source(%dma_start3A_2530 : memref<16x128xf32, #tpu.memory_space<hbm>>) target(%dma_start3A_2528 : memref<16x128xf32, #tpu.memory_space<vmem>>) target_semaphore(%arg10 : memref<!tpu.dma_semaphore, #tpu.memory_space<semaphore_mem>>)
      %slice3A_2531 = vector.extract_strided_slice %get3A_2179 {offsets = [9], sizes = [1], strides = [1]} : vector<16xi32> to vector<1xi32>
      %squeeze3A_2532 = vector.extract %slice3A_2531[0] : i32 from vector<1xi32>
      %jit3A_2533 = arith.constant 128 : i32
      %div3A_2534 = arith.divsi %squeeze3A_2532, %jit3A_2533 : i32
      %sign3A_2535 = arith.constant 0 : i32
      %sign3A_2536 = arith.cmpi sgt, %squeeze3A_2532, %sign3A_2535 : i32
      %sign3A_2537 = arith.extui %sign3A_2536 : i1 to i32
      %sign3A_2538 = arith.constant 0 : i32
      %sign3A_2539 = arith.cmpi slt, %squeeze3A_2532, %sign3A_2538 : i32
      %sign3A_2540 = arith.extui %sign3A_2539 : i1 to i32
      %sign3A_2541 = arith.subi %sign3A_2537, %sign3A_2540 : i32
      %sign3A_2542 = arith.constant 0 : i32
      %sign3A_2543 = arith.cmpi sgt, %jit3A_2533, %sign3A_2542 : i32
      %sign3A_2544 = arith.extui %sign3A_2543 : i1 to i32
      %sign3A_2545 = arith.constant 0 : i32
      %sign3A_2546 = arith.cmpi slt, %jit3A_2533, %sign3A_2545 : i32
      %sign3A_2547 = arith.extui %sign3A_2546 : i1 to i32
      %sign3A_2548 = arith.subi %sign3A_2544, %sign3A_2547 : i32
      %ne3A_2549 = arith.cmpi ne, %sign3A_2541, %sign3A_2548 : i32
      %rem3A_2550 = arith.remsi %squeeze3A_2532, %jit3A_2533 : i32
      %ne3A_2551 = arith.constant 0 : i32
      %ne3A_2552 = arith.cmpi ne, %rem3A_2550, %ne3A_2551 : i32
      %and3A_2553 = arith.andi %ne3A_2549, %ne3A_2552 : i1
      %sub3A_2554 = arith.constant 1 : i32
      %sub3A_2555 = arith.subi %div3A_2534, %sub3A_2554 : i32
      %select_n3A_2556 = arith.select %and3A_2553, %sub3A_2555, %div3A_2534 : i32
      %mul3A_2557 = arith.constant 128 : i32
      %mul3A_2558 = arith.muli %select_n3A_2556, %mul3A_2557 : i32
      %multiple_of3A_2559 = tpu.assume_multiple %mul3A_2558, 128 : i32
      %dma_start3A_2560 = arith.constant 0 : i32
      %dma_start3A_2561 = arith.constant 1152 : i32
      %dma_start3A_2562 = tpu.memref_slice %arg6[%dma_start3A_2560, %dma_start3A_2561] : memref<16x2048xf32, #tpu.memory_space<vmem>> -> memref<16x128xf32, #tpu.memory_space<vmem>>
      %dma_start3A_2563 = arith.constant 0 : i32
      %dma_start3A_2564 = tpu.memref_slice %arg3[%dma_start3A_2563, %multiple_of3A_2559] : memref<16x1000001xf32, #tpu.memory_space<hbm>> -> memref<16x128xf32, #tpu.memory_space<hbm>>
      %dma_start3A_2565 = arith.constant 0 : i32
      %dma_start3A_2566 = arith.constant 1152 : i32
      %dma_start3A_2567 = tpu.memref_slice %arg6[%dma_start3A_2565, %dma_start3A_2566] : memref<16x2048xf32, #tpu.memory_space<vmem>> -> memref<16x128xf32, #tpu.memory_space<vmem>>
      %dma_start3A_2568 = arith.constant 0 : i32
      %dma_start3A_2569 = tpu.memref_slice %arg3[%dma_start3A_2568, %multiple_of3A_2559] : memref<16x1000001xf32, #tpu.memory_space<hbm>> -> memref<16x128xf32, #tpu.memory_space<hbm>>
      tpu.enqueue_dma source(%dma_start3A_2569 : memref<16x128xf32, #tpu.memory_space<hbm>>) target(%dma_start3A_2567 : memref<16x128xf32, #tpu.memory_space<vmem>>) target_semaphore(%arg10 : memref<!tpu.dma_semaphore, #tpu.memory_space<semaphore_mem>>)
      %slice3A_2570 = vector.extract_strided_slice %get3A_2179 {offsets = [10], sizes = [1], strides = [1]} : vector<16xi32> to vector<1xi32>
      %squeeze3A_2571 = vector.extract %slice3A_2570[0] : i32 from vector<1xi32>
      %jit3A_2572 = arith.constant 128 : i32
      %div3A_2573 = arith.divsi %squeeze3A_2571, %jit3A_2572 : i32
      %sign3A_2574 = arith.constant 0 : i32
      %sign3A_2575 = arith.cmpi sgt, %squeeze3A_2571, %sign3A_2574 : i32
      %sign3A_2576 = arith.extui %sign3A_2575 : i1 to i32
      %sign3A_2577 = arith.constant 0 : i32
      %sign3A_2578 = arith.cmpi slt, %squeeze3A_2571, %sign3A_2577 : i32
      %sign3A_2579 = arith.extui %sign3A_2578 : i1 to i32
      %sign3A_2580 = arith.subi %sign3A_2576, %sign3A_2579 : i32
      %sign3A_2581 = arith.constant 0 : i32
      %sign3A_2582 = arith.cmpi sgt, %jit3A_2572, %sign3A_2581 : i32
      %sign3A_2583 = arith.extui %sign3A_2582 : i1 to i32
      %sign3A_2584 = arith.constant 0 : i32
      %sign3A_2585 = arith.cmpi slt, %jit3A_2572, %sign3A_2584 : i32
      %sign3A_2586 = arith.extui %sign3A_2585 : i1 to i32
      %sign3A_2587 = arith.subi %sign3A_2583, %sign3A_2586 : i32
      %ne3A_2588 = arith.cmpi ne, %sign3A_2580, %sign3A_2587 : i32
      %rem3A_2589 = arith.remsi %squeeze3A_2571, %jit3A_2572 : i32
      %ne3A_2590 = arith.constant 0 : i32
      %ne3A_2591 = arith.cmpi ne, %rem3A_2589, %ne3A_2590 : i32
      %and3A_2592 = arith.andi %ne3A_2588, %ne3A_2591 : i1
      %sub3A_2593 = arith.constant 1 : i32
      %sub3A_2594 = arith.subi %div3A_2573, %sub3A_2593 : i32
      %select_n3A_2595 = arith.select %and3A_2592, %sub3A_2594, %div3A_2573 : i32
      %mul3A_2596 = arith.constant 128 : i32
      %mul3A_2597 = arith.muli %select_n3A_2595, %mul3A_2596 : i32
      %multiple_of3A_2598 = tpu.assume_multiple %mul3A_2597, 128 : i32
      %dma_start3A_2599 = arith.constant 0 : i32
      %dma_start3A_2600 = arith.constant 1280 : i32
      %dma_start3A_2601 = tpu.memref_slice %arg6[%dma_start3A_2599, %dma_start3A_2600] : memref<16x2048xf32, #tpu.memory_space<vmem>> -> memref<16x128xf32, #tpu.memory_space<vmem>>
      %dma_start3A_2602 = arith.constant 0 : i32
      %dma_start3A_2603 = tpu.memref_slice %arg3[%dma_start3A_2602, %multiple_of3A_2598] : memref<16x1000001xf32, #tpu.memory_space<hbm>> -> memref<16x128xf32, #tpu.memory_space<hbm>>
      %dma_start3A_2604 = arith.constant 0 : i32
      %dma_start3A_2605 = arith.constant 1280 : i32
      %dma_start3A_2606 = tpu.memref_slice %arg6[%dma_start3A_2604, %dma_start3A_2605] : memref<16x2048xf32, #tpu.memory_space<vmem>> -> memref<16x128xf32, #tpu.memory_space<vmem>>
      %dma_start3A_2607 = arith.constant 0 : i32
      %dma_start3A_2608 = tpu.memref_slice %arg3[%dma_start3A_2607, %multiple_of3A_2598] : memref<16x1000001xf32, #tpu.memory_space<hbm>> -> memref<16x128xf32, #tpu.memory_space<hbm>>
      tpu.enqueue_dma source(%dma_start3A_2608 : memref<16x128xf32, #tpu.memory_space<hbm>>) target(%dma_start3A_2606 : memref<16x128xf32, #tpu.memory_space<vmem>>) target_semaphore(%arg10 : memref<!tpu.dma_semaphore, #tpu.memory_space<semaphore_mem>>)
      %slice3A_2609 = vector.extract_strided_slice %get3A_2179 {offsets = [11], sizes = [1], strides = [1]} : vector<16xi32> to vector<1xi32>
      %squeeze3A_2610 = vector.extract %slice3A_2609[0] : i32 from vector<1xi32>
      %jit3A_2611 = arith.constant 128 : i32
      %div3A_2612 = arith.divsi %squeeze3A_2610, %jit3A_2611 : i32
      %sign3A_2613 = arith.constant 0 : i32
      %sign3A_2614 = arith.cmpi sgt, %squeeze3A_2610, %sign3A_2613 : i32
      %sign3A_2615 = arith.extui %sign3A_2614 : i1 to i32
      %sign3A_2616 = arith.constant 0 : i32
      %sign3A_2617 = arith.cmpi slt, %squeeze3A_2610, %sign3A_2616 : i32
      %sign3A_2618 = arith.extui %sign3A_2617 : i1 to i32
      %sign3A_2619 = arith.subi %sign3A_2615, %sign3A_2618 : i32
      %sign3A_2620 = arith.constant 0 : i32
      %sign3A_2621 = arith.cmpi sgt, %jit3A_2611, %sign3A_2620 : i32
      %sign3A_2622 = arith.extui %sign3A_2621 : i1 to i32
      %sign3A_2623 = arith.constant 0 : i32
      %sign3A_2624 = arith.cmpi slt, %jit3A_2611, %sign3A_2623 : i32
      %sign3A_2625 = arith.extui %sign3A_2624 : i1 to i32
      %sign3A_2626 = arith.subi %sign3A_2622, %sign3A_2625 : i32
      %ne3A_2627 = arith.cmpi ne, %sign3A_2619, %sign3A_2626 : i32
      %rem3A_2628 = arith.remsi %squeeze3A_2610, %jit3A_2611 : i32
      %ne3A_2629 = arith.constant 0 : i32
      %ne3A_2630 = arith.cmpi ne, %rem3A_2628, %ne3A_2629 : i32
      %and3A_2631 = arith.andi %ne3A_2627, %ne3A_2630 : i1
      %sub3A_2632 = arith.constant 1 : i32
      %sub3A_2633 = arith.subi %div3A_2612, %sub3A_2632 : i32
      %select_n3A_2634 = arith.select %and3A_2631, %sub3A_2633, %div3A_2612 : i32
      %mul3A_2635 = arith.constant 128 : i32
      %mul3A_2636 = arith.muli %select_n3A_2634, %mul3A_2635 : i32
      %multiple_of3A_2637 = tpu.assume_multiple %mul3A_2636, 128 : i32
      %dma_start3A_2638 = arith.constant 0 : i32
      %dma_start3A_2639 = arith.constant 1408 : i32
      %dma_start3A_2640 = tpu.memref_slice %arg6[%dma_start3A_2638, %dma_start3A_2639] : memref<16x2048xf32, #tpu.memory_space<vmem>> -> memref<16x128xf32, #tpu.memory_space<vmem>>
      %dma_start3A_2641 = arith.constant 0 : i32
      %dma_start3A_2642 = tpu.memref_slice %arg3[%dma_start3A_2641, %multiple_of3A_2637] : memref<16x1000001xf32, #tpu.memory_space<hbm>> -> memref<16x128xf32, #tpu.memory_space<hbm>>
      %dma_start3A_2643 = arith.constant 0 : i32
      %dma_start3A_2644 = arith.constant 1408 : i32
      %dma_start3A_2645 = tpu.memref_slice %arg6[%dma_start3A_2643, %dma_start3A_2644] : memref<16x2048xf32, #tpu.memory_space<vmem>> -> memref<16x128xf32, #tpu.memory_space<vmem>>
      %dma_start3A_2646 = arith.constant 0 : i32
      %dma_start3A_2647 = tpu.memref_slice %arg3[%dma_start3A_2646, %multiple_of3A_2637] : memref<16x1000001xf32, #tpu.memory_space<hbm>> -> memref<16x128xf32, #tpu.memory_space<hbm>>
      tpu.enqueue_dma source(%dma_start3A_2647 : memref<16x128xf32, #tpu.memory_space<hbm>>) target(%dma_start3A_2645 : memref<16x128xf32, #tpu.memory_space<vmem>>) target_semaphore(%arg10 : memref<!tpu.dma_semaphore, #tpu.memory_space<semaphore_mem>>)
      %slice3A_2648 = vector.extract_strided_slice %get3A_2179 {offsets = [12], sizes = [1], strides = [1]} : vector<16xi32> to vector<1xi32>
      %squeeze3A_2649 = vector.extract %slice3A_2648[0] : i32 from vector<1xi32>
      %jit3A_2650 = arith.constant 128 : i32
      %div3A_2651 = arith.divsi %squeeze3A_2649, %jit3A_2650 : i32
      %sign3A_2652 = arith.constant 0 : i32
      %sign3A_2653 = arith.cmpi sgt, %squeeze3A_2649, %sign3A_2652 : i32
      %sign3A_2654 = arith.extui %sign3A_2653 : i1 to i32
      %sign3A_2655 = arith.constant 0 : i32
      %sign3A_2656 = arith.cmpi slt, %squeeze3A_2649, %sign3A_2655 : i32
      %sign3A_2657 = arith.extui %sign3A_2656 : i1 to i32
      %sign3A_2658 = arith.subi %sign3A_2654, %sign3A_2657 : i32
      %sign3A_2659 = arith.constant 0 : i32
      %sign3A_2660 = arith.cmpi sgt, %jit3A_2650, %sign3A_2659 : i32
      %sign3A_2661 = arith.extui %sign3A_2660 : i1 to i32
      %sign3A_2662 = arith.constant 0 : i32
      %sign3A_2663 = arith.cmpi slt, %jit3A_2650, %sign3A_2662 : i32
      %sign3A_2664 = arith.extui %sign3A_2663 : i1 to i32
      %sign3A_2665 = arith.subi %sign3A_2661, %sign3A_2664 : i32
      %ne3A_2666 = arith.cmpi ne, %sign3A_2658, %sign3A_2665 : i32
      %rem3A_2667 = arith.remsi %squeeze3A_2649, %jit3A_2650 : i32
      %ne3A_2668 = arith.constant 0 : i32
      %ne3A_2669 = arith.cmpi ne, %rem3A_2667, %ne3A_2668 : i32
      %and3A_2670 = arith.andi %ne3A_2666, %ne3A_2669 : i1
      %sub3A_2671 = arith.constant 1 : i32
      %sub3A_2672 = arith.subi %div3A_2651, %sub3A_2671 : i32
      %select_n3A_2673 = arith.select %and3A_2670, %sub3A_2672, %div3A_2651 : i32
      %mul3A_2674 = arith.constant 128 : i32
      %mul3A_2675 = arith.muli %select_n3A_2673, %mul3A_2674 : i32
      %multiple_of3A_2676 = tpu.assume_multiple %mul3A_2675, 128 : i32
      %dma_start3A_2677 = arith.constant 0 : i32
      %dma_start3A_2678 = arith.constant 1536 : i32
      %dma_start3A_2679 = tpu.memref_slice %arg6[%dma_start3A_2677, %dma_start3A_2678] : memref<16x2048xf32, #tpu.memory_space<vmem>> -> memref<16x128xf32, #tpu.memory_space<vmem>>
      %dma_start3A_2680 = arith.constant 0 : i32
      %dma_start3A_2681 = tpu.memref_slice %arg3[%dma_start3A_2680, %multiple_of3A_2676] : memref<16x1000001xf32, #tpu.memory_space<hbm>> -> memref<16x128xf32, #tpu.memory_space<hbm>>
      %dma_start3A_2682 = arith.constant 0 : i32
      %dma_start3A_2683 = arith.constant 1536 : i32
      %dma_start3A_2684 = tpu.memref_slice %arg6[%dma_start3A_2682, %dma_start3A_2683] : memref<16x2048xf32, #tpu.memory_space<vmem>> -> memref<16x128xf32, #tpu.memory_space<vmem>>
      %dma_start3A_2685 = arith.constant 0 : i32
      %dma_start3A_2686 = tpu.memref_slice %arg3[%dma_start3A_2685, %multiple_of3A_2676] : memref<16x1000001xf32, #tpu.memory_space<hbm>> -> memref<16x128xf32, #tpu.memory_space<hbm>>
      tpu.enqueue_dma source(%dma_start3A_2686 : memref<16x128xf32, #tpu.memory_space<hbm>>) target(%dma_start3A_2684 : memref<16x128xf32, #tpu.memory_space<vmem>>) target_semaphore(%arg10 : memref<!tpu.dma_semaphore, #tpu.memory_space<semaphore_mem>>)
      %slice3A_2687 = vector.extract_strided_slice %get3A_2179 {offsets = [13], sizes = [1], strides = [1]} : vector<16xi32> to vector<1xi32>
      %squeeze3A_2688 = vector.extract %slice3A_2687[0] : i32 from vector<1xi32>
      %jit3A_2689 = arith.constant 128 : i32
      %div3A_2690 = arith.divsi %squeeze3A_2688, %jit3A_2689 : i32
      %sign3A_2691 = arith.constant 0 : i32
      %sign3A_2692 = arith.cmpi sgt, %squeeze3A_2688, %sign3A_2691 : i32
      %sign3A_2693 = arith.extui %sign3A_2692 : i1 to i32
      %sign3A_2694 = arith.constant 0 : i32
      %sign3A_2695 = arith.cmpi slt, %squeeze3A_2688, %sign3A_2694 : i32
      %sign3A_2696 = arith.extui %sign3A_2695 : i1 to i32
      %sign3A_2697 = arith.subi %sign3A_2693, %sign3A_2696 : i32
      %sign3A_2698 = arith.constant 0 : i32
      %sign3A_2699 = arith.cmpi sgt, %jit3A_2689, %sign3A_2698 : i32
      %sign3A_2700 = arith.extui %sign3A_2699 : i1 to i32
      %sign3A_2701 = arith.constant 0 : i32
      %sign3A_2702 = arith.cmpi slt, %jit3A_2689, %sign3A_2701 : i32
      %sign3A_2703 = arith.extui %sign3A_2702 : i1 to i32
      %sign3A_2704 = arith.subi %sign3A_2700, %sign3A_2703 : i32
      %ne3A_2705 = arith.cmpi ne, %sign3A_2697, %sign3A_2704 : i32
      %rem3A_2706 = arith.remsi %squeeze3A_2688, %jit3A_2689 : i32
      %ne3A_2707 = arith.constant 0 : i32
      %ne3A_2708 = arith.cmpi ne, %rem3A_2706, %ne3A_2707 : i32
      %and3A_2709 = arith.andi %ne3A_2705, %ne3A_2708 : i1
      %sub3A_2710 = arith.constant 1 : i32
      %sub3A_2711 = arith.subi %div3A_2690, %sub3A_2710 : i32
      %select_n3A_2712 = arith.select %and3A_2709, %sub3A_2711, %div3A_2690 : i32
      %mul3A_2713 = arith.constant 128 : i32
      %mul3A_2714 = arith.muli %select_n3A_2712, %mul3A_2713 : i32
      %multiple_of3A_2715 = tpu.assume_multiple %mul3A_2714, 128 : i32
      %dma_start3A_2716 = arith.constant 0 : i32
      %dma_start3A_2717 = arith.constant 1664 : i32
      %dma_start3A_2718 = tpu.memref_slice %arg6[%dma_start3A_2716, %dma_start3A_2717] : memref<16x2048xf32, #tpu.memory_space<vmem>> -> memref<16x128xf32, #tpu.memory_space<vmem>>
      %dma_start3A_2719 = arith.constant 0 : i32
      %dma_start3A_2720 = tpu.memref_slice %arg3[%dma_start3A_2719, %multiple_of3A_2715] : memref<16x1000001xf32, #tpu.memory_space<hbm>> -> memref<16x128xf32, #tpu.memory_space<hbm>>
      %dma_start3A_2721 = arith.constant 0 : i32
      %dma_start3A_2722 = arith.constant 1664 : i32
      %dma_start3A_2723 = tpu.memref_slice %arg6[%dma_start3A_2721, %dma_start3A_2722] : memref<16x2048xf32, #tpu.memory_space<vmem>> -> memref<16x128xf32, #tpu.memory_space<vmem>>
      %dma_start3A_2724 = arith.constant 0 : i32
      %dma_start3A_2725 = tpu.memref_slice %arg3[%dma_start3A_2724, %multiple_of3A_2715] : memref<16x1000001xf32, #tpu.memory_space<hbm>> -> memref<16x128xf32, #tpu.memory_space<hbm>>
      tpu.enqueue_dma source(%dma_start3A_2725 : memref<16x128xf32, #tpu.memory_space<hbm>>) target(%dma_start3A_2723 : memref<16x128xf32, #tpu.memory_space<vmem>>) target_semaphore(%arg10 : memref<!tpu.dma_semaphore, #tpu.memory_space<semaphore_mem>>)
      %slice3A_2726 = vector.extract_strided_slice %get3A_2179 {offsets = [14], sizes = [1], strides = [1]} : vector<16xi32> to vector<1xi32>
      %squeeze3A_2727 = vector.extract %slice3A_2726[0] : i32 from vector<1xi32>
      %jit3A_2728 = arith.constant 128 : i32
      %div3A_2729 = arith.divsi %squeeze3A_2727, %jit3A_2728 : i32
      %sign3A_2730 = arith.constant 0 : i32
      %sign3A_2731 = arith.cmpi sgt, %squeeze3A_2727, %sign3A_2730 : i32
      %sign3A_2732 = arith.extui %sign3A_2731 : i1 to i32
      %sign3A_2733 = arith.constant 0 : i32
      %sign3A_2734 = arith.cmpi slt, %squeeze3A_2727, %sign3A_2733 : i32
      %sign3A_2735 = arith.extui %sign3A_2734 : i1 to i32
      %sign3A_2736 = arith.subi %sign3A_2732, %sign3A_2735 : i32
      %sign3A_2737 = arith.constant 0 : i32
      %sign3A_2738 = arith.cmpi sgt, %jit3A_2728, %sign3A_2737 : i32
      %sign3A_2739 = arith.extui %sign3A_2738 : i1 to i32
      %sign3A_2740 = arith.constant 0 : i32
      %sign3A_2741 = arith.cmpi slt, %jit3A_2728, %sign3A_2740 : i32
      %sign3A_2742 = arith.extui %sign3A_2741 : i1 to i32
      %sign3A_2743 = arith.subi %sign3A_2739, %sign3A_2742 : i32
      %ne3A_2744 = arith.cmpi ne, %sign3A_2736, %sign3A_2743 : i32
      %rem3A_2745 = arith.remsi %squeeze3A_2727, %jit3A_2728 : i32
      %ne3A_2746 = arith.constant 0 : i32
      %ne3A_2747 = arith.cmpi ne, %rem3A_2745, %ne3A_2746 : i32
      %and3A_2748 = arith.andi %ne3A_2744, %ne3A_2747 : i1
      %sub3A_2749 = arith.constant 1 : i32
      %sub3A_2750 = arith.subi %div3A_2729, %sub3A_2749 : i32
      %select_n3A_2751 = arith.select %and3A_2748, %sub3A_2750, %div3A_2729 : i32
      %mul3A_2752 = arith.constant 128 : i32
      %mul3A_2753 = arith.muli %select_n3A_2751, %mul3A_2752 : i32
      %multiple_of3A_2754 = tpu.assume_multiple %mul3A_2753, 128 : i32
      %dma_start3A_2755 = arith.constant 0 : i32
      %dma_start3A_2756 = arith.constant 1792 : i32
      %dma_start3A_2757 = tpu.memref_slice %arg6[%dma_start3A_2755, %dma_start3A_2756] : memref<16x2048xf32, #tpu.memory_space<vmem>> -> memref<16x128xf32, #tpu.memory_space<vmem>>
      %dma_start3A_2758 = arith.constant 0 : i32
      %dma_start3A_2759 = tpu.memref_slice %arg3[%dma_start3A_2758, %multiple_of3A_2754] : memref<16x1000001xf32, #tpu.memory_space<hbm>> -> memref<16x128xf32, #tpu.memory_space<hbm>>
      %dma_start3A_2760 = arith.constant 0 : i32
      %dma_start3A_2761 = arith.constant 1792 : i32
      %dma_start3A_2762 = tpu.memref_slice %arg6[%dma_start3A_2760, %dma_start3A_2761] : memref<16x2048xf32, #tpu.memory_space<vmem>> -> memref<16x128xf32, #tpu.memory_space<vmem>>
      %dma_start3A_2763 = arith.constant 0 : i32
      %dma_start3A_2764 = tpu.memref_slice %arg3[%dma_start3A_2763, %multiple_of3A_2754] : memref<16x1000001xf32, #tpu.memory_space<hbm>> -> memref<16x128xf32, #tpu.memory_space<hbm>>
      tpu.enqueue_dma source(%dma_start3A_2764 : memref<16x128xf32, #tpu.memory_space<hbm>>) target(%dma_start3A_2762 : memref<16x128xf32, #tpu.memory_space<vmem>>) target_semaphore(%arg10 : memref<!tpu.dma_semaphore, #tpu.memory_space<semaphore_mem>>)
      %slice3A_2765 = vector.extract_strided_slice %get3A_2179 {offsets = [15], sizes = [1], strides = [1]} : vector<16xi32> to vector<1xi32>
      %squeeze3A_2766 = vector.extract %slice3A_2765[0] : i32 from vector<1xi32>
      %jit3A_2767 = arith.constant 128 : i32
      %div3A_2768 = arith.divsi %squeeze3A_2766, %jit3A_2767 : i32
      %sign3A_2769 = arith.constant 0 : i32
      %sign3A_2770 = arith.cmpi sgt, %squeeze3A_2766, %sign3A_2769 : i32
      %sign3A_2771 = arith.extui %sign3A_2770 : i1 to i32
      %sign3A_2772 = arith.constant 0 : i32
      %sign3A_2773 = arith.cmpi slt, %squeeze3A_2766, %sign3A_2772 : i32
      %sign3A_2774 = arith.extui %sign3A_2773 : i1 to i32
      %sign3A_2775 = arith.subi %sign3A_2771, %sign3A_2774 : i32
      %sign3A_2776 = arith.constant 0 : i32
      %sign3A_2777 = arith.cmpi sgt, %jit3A_2767, %sign3A_2776 : i32
      %sign3A_2778 = arith.extui %sign3A_2777 : i1 to i32
      %sign3A_2779 = arith.constant 0 : i32
      %sign3A_2780 = arith.cmpi slt, %jit3A_2767, %sign3A_2779 : i32
      %sign3A_2781 = arith.extui %sign3A_2780 : i1 to i32
      %sign3A_2782 = arith.subi %sign3A_2778, %sign3A_2781 : i32
      %ne3A_2783 = arith.cmpi ne, %sign3A_2775, %sign3A_2782 : i32
      %rem3A_2784 = arith.remsi %squeeze3A_2766, %jit3A_2767 : i32
      %ne3A_2785 = arith.constant 0 : i32
      %ne3A_2786 = arith.cmpi ne, %rem3A_2784, %ne3A_2785 : i32
      %and3A_2787 = arith.andi %ne3A_2783, %ne3A_2786 : i1
      %sub3A_2788 = arith.constant 1 : i32
      %sub3A_2789 = arith.subi %div3A_2768, %sub3A_2788 : i32
      %select_n3A_2790 = arith.select %and3A_2787, %sub3A_2789, %div3A_2768 : i32
      %mul3A_2791 = arith.constant 128 : i32
      %mul3A_2792 = arith.muli %select_n3A_2790, %mul3A_2791 : i32
      %multiple_of3A_2793 = tpu.assume_multiple %mul3A_2792, 128 : i32
      %dma_start3A_2794 = arith.constant 0 : i32
      %dma_start3A_2795 = arith.constant 1920 : i32
      %dma_start3A_2796 = tpu.memref_slice %arg6[%dma_start3A_2794, %dma_start3A_2795] : memref<16x2048xf32, #tpu.memory_space<vmem>> -> memref<16x128xf32, #tpu.memory_space<vmem>>
      %dma_start3A_2797 = arith.constant 0 : i32
      %dma_start3A_2798 = tpu.memref_slice %arg3[%dma_start3A_2797, %multiple_of3A_2793] : memref<16x1000001xf32, #tpu.memory_space<hbm>> -> memref<16x128xf32, #tpu.memory_space<hbm>>
      %dma_start3A_2799 = arith.constant 0 : i32
      %dma_start3A_2800 = arith.constant 1920 : i32
      %dma_start3A_2801 = tpu.memref_slice %arg6[%dma_start3A_2799, %dma_start3A_2800] : memref<16x2048xf32, #tpu.memory_space<vmem>> -> memref<16x128xf32, #tpu.memory_space<vmem>>
      %dma_start3A_2802 = arith.constant 0 : i32
      %dma_start3A_2803 = tpu.memref_slice %arg3[%dma_start3A_2802, %multiple_of3A_2793] : memref<16x1000001xf32, #tpu.memory_space<hbm>> -> memref<16x128xf32, #tpu.memory_space<hbm>>
      tpu.enqueue_dma source(%dma_start3A_2803 : memref<16x128xf32, #tpu.memory_space<hbm>>) target(%dma_start3A_2801 : memref<16x128xf32, #tpu.memory_space<vmem>>) target_semaphore(%arg10 : memref<!tpu.dma_semaphore, #tpu.memory_space<semaphore_mem>>)
      %add3A_2804 = arith.constant 1 : i32
      %add3A_2805 = arith.addi %mul3A_1442, %add3A_2804 : i32
      %dma_wait3A_2806 = arith.constant 0 : i32
      %dma_wait3A_2807 = arith.constant 0 : i32
      %dma_wait3A_2808 = tpu.memref_slice %arg3[%dma_wait3A_2806, %dma_wait3A_2807] : memref<16x1000001xf32, #tpu.memory_space<hbm>> -> memref<16x2048xf32, #tpu.memory_space<hbm>>
      %dma_wait3A_2809 = arith.constant 0 : i32
      %dma_wait3A_2810 = arith.constant 0 : i32
      %dma_wait3A_2811 = tpu.memref_slice %arg3[%dma_wait3A_2809, %dma_wait3A_2810] : memref<16x1000001xf32, #tpu.memory_space<hbm>> -> memref<16x2048xf32, #tpu.memory_space<hbm>>
      tpu.wait_dma2 semaphore(%arg11 : memref<!tpu.dma_semaphore, #tpu.memory_space<semaphore_mem>>) src(%dma_wait3A_2811 : memref<16x2048xf32, #tpu.memory_space<hbm>>) dst(%arg7 : memref<16x2048xf32, #tpu.memory_space<vmem>>)
      %mul3A_2812 = arith.constant 16 : i32
      %mul3A_2813 = arith.muli %add3A_2805, %mul3A_2812 : i32
      %get3A_2814 = arith.index_cast %mul3A_2813 : i32 to index
      %get3A_2815 = tpu.vector_load %arg5[%get3A_2814] {strides = array<i32>} : memref<512xi32, #tpu.memory_space<vmem>>, vector<16xi32>,
      %mul3A_2816 = arith.constant 128 : i32
      %mul3A_2817 = vector.broadcast %mul3A_2816 : i32 to vector<16xi32>
      %mul3A_2818 = arith.muli %iota3A, %mul3A_2817 : vector<16xi32>
      %jit3A_2819 = arith.constant 128 : i32
      %div3A_2820 = vector.broadcast %jit3A_2819 : i32 to vector<16xi32>
      %div3A_2821 = arith.divsi %get3A_2815, %div3A_2820 : vector<16xi32>
      %sign3A_2822 = arith.constant 0 : i32
      %sign3A_2823 = vector.broadcast %sign3A_2822 : i32 to vector<16xi32>
      %sign3A_2824 = arith.cmpi sgt, %get3A_2815, %sign3A_2823 : vector<16xi32>
      %sign3A_2825 = arith.extui %sign3A_2824 : vector<16xi1> to vector<16xi32>
      %sign3A_2826 = arith.constant 0 : i32
      %sign3A_2827 = vector.broadcast %sign3A_2826 : i32 to vector<16xi32>
      %sign3A_2828 = arith.cmpi slt, %get3A_2815, %sign3A_2827 : vector<16xi32>
      %sign3A_2829 = arith.extui %sign3A_2828 : vector<16xi1> to vector<16xi32>
      %sign3A_2830 = arith.subi %sign3A_2825, %sign3A_2829 : vector<16xi32>
      %sign3A_2831 = arith.constant 0 : i32
      %sign3A_2832 = arith.cmpi sgt, %jit3A_2819, %sign3A_2831 : i32
      %sign3A_2833 = arith.extui %sign3A_2832 : i1 to i32
      %sign3A_2834 = arith.constant 0 : i32
      %sign3A_2835 = arith.cmpi slt, %jit3A_2819, %sign3A_2834 : i32
      %sign3A_2836 = arith.extui %sign3A_2835 : i1 to i32
      %sign3A_2837 = arith.subi %sign3A_2833, %sign3A_2836 : i32
      %ne3A_2838 = vector.broadcast %sign3A_2837 : i32 to vector<16xi32>
      %ne3A_2839 = arith.cmpi ne, %sign3A_2830, %ne3A_2838 : vector<16xi32>
      %rem3A_2840 = vector.broadcast %jit3A_2819 : i32 to vector<16xi32>
      %rem3A_2841 = arith.remsi %get3A_2815, %rem3A_2840 : vector<16xi32>
      %ne3A_2842 = arith.constant 0 : i32
      %ne3A_2843 = vector.broadcast %ne3A_2842 : i32 to vector<16xi32>
      %ne3A_2844 = arith.cmpi ne, %rem3A_2841, %ne3A_2843 : vector<16xi32>
      %and3A_2845 = arith.andi %ne3A_2839, %ne3A_2844 : vector<16xi1>
      %sub3A_2846 = arith.constant 1 : i32
      %sub3A_2847 = vector.broadcast %sub3A_2846 : i32 to vector<16xi32>
      %sub3A_2848 = arith.subi %div3A_2821, %sub3A_2847 : vector<16xi32>
      %select_n3A_2849 = arith.select %and3A_2845, %sub3A_2848, %div3A_2821 : vector<16xi1>, vector<16xi32>
      %mul3A_2850 = arith.constant 128 : i32
      %mul3A_2851 = vector.broadcast %mul3A_2850 : i32 to vector<16xi32>
      %mul3A_2852 = arith.muli %select_n3A_2849, %mul3A_2851 : vector<16xi32>
      %sub3A_2853 = arith.subi %get3A_2815, %mul3A_2852 : vector<16xi32>
      %add3A_2854 = arith.addi %mul3A_2818, %sub3A_2853 : vector<16xi32>
      %mul3A_2855 = arith.constant 16 : i32
      %mul3A_2856 = arith.muli %add3A_2805, %mul3A_2855 : i32
      %add3A_2857 = vector.broadcast %mul3A_2856 : i32 to vector<16xi32>
      %add3A_2858 = arith.addi %add3A_2857, %iota3A : vector<16xi32>
      %broadcast_in_dim3A_2859 = arith.constant 0 : i32
      %broadcast_in_dim3A_2860 = vector.broadcast %broadcast_in_dim3A_2859 : i32 to vector<16xi32>
      %gather3A_2861 = tpu.vector_load_idx %arg7[%broadcast_in_dim3A_2860, %add3A_2854] : memref<16x2048xf32, #tpu.memory_space<vmem>>[vector<16xi32>, vector<16xi32>], vector<16xf32>,
      tpu.vector_store_idx %arg9[%broadcast_in_dim3A_2860, %add3A_2858], %gather3A_2861 : memref<16x512xf32, #tpu.memory_space<vmem>>[vector<16xi32>, vector<16xi32>], vector<16xf32>,
      %broadcast_in_dim3A_2862 = arith.constant 1 : i32
      %broadcast_in_dim3A_2863 = vector.broadcast %broadcast_in_dim3A_2862 : i32 to vector<16xi32>
      %gather3A_2864 = tpu.vector_load_idx %arg7[%broadcast_in_dim3A_2863, %add3A_2854] : memref<16x2048xf32, #tpu.memory_space<vmem>>[vector<16xi32>, vector<16xi32>], vector<16xf32>,
      tpu.vector_store_idx %arg9[%broadcast_in_dim3A_2863, %add3A_2858], %gather3A_2864 : memref<16x512xf32, #tpu.memory_space<vmem>>[vector<16xi32>, vector<16xi32>], vector<16xf32>,
      %broadcast_in_dim3A_2865 = arith.constant 2 : i32
      %broadcast_in_dim3A_2866 = vector.broadcast %broadcast_in_dim3A_2865 : i32 to vector<16xi32>
      %gather3A_2867 = tpu.vector_load_idx %arg7[%broadcast_in_dim3A_2866, %add3A_2854] : memref<16x2048xf32, #tpu.memory_space<vmem>>[vector<16xi32>, vector<16xi32>], vector<16xf32>,
      tpu.vector_store_idx %arg9[%broadcast_in_dim3A_2866, %add3A_2858], %gather3A_2867 : memref<16x512xf32, #tpu.memory_space<vmem>>[vector<16xi32>, vector<16xi32>], vector<16xf32>,
      %broadcast_in_dim3A_2868 = arith.constant 3 : i32
      %broadcast_in_dim3A_2869 = vector.broadcast %broadcast_in_dim3A_2868 : i32 to vector<16xi32>
      %gather3A_2870 = tpu.vector_load_idx %arg7[%broadcast_in_dim3A_2869, %add3A_2854] : memref<16x2048xf32, #tpu.memory_space<vmem>>[vector<16xi32>, vector<16xi32>], vector<16xf32>,
      tpu.vector_store_idx %arg9[%broadcast_in_dim3A_2869, %add3A_2858], %gather3A_2870 : memref<16x512xf32, #tpu.memory_space<vmem>>[vector<16xi32>, vector<16xi32>], vector<16xf32>,
      %broadcast_in_dim3A_2871 = arith.constant 4 : i32
      %broadcast_in_dim3A_2872 = vector.broadcast %broadcast_in_dim3A_2871 : i32 to vector<16xi32>
      %gather3A_2873 = tpu.vector_load_idx %arg7[%broadcast_in_dim3A_2872, %add3A_2854] : memref<16x2048xf32, #tpu.memory_space<vmem>>[vector<16xi32>, vector<16xi32>], vector<16xf32>,
      tpu.vector_store_idx %arg9[%broadcast_in_dim3A_2872, %add3A_2858], %gather3A_2873 : memref<16x512xf32, #tpu.memory_space<vmem>>[vector<16xi32>, vector<16xi32>], vector<16xf32>,
      %broadcast_in_dim3A_2874 = arith.constant 5 : i32
      %broadcast_in_dim3A_2875 = vector.broadcast %broadcast_in_dim3A_2874 : i32 to vector<16xi32>
      %gather3A_2876 = tpu.vector_load_idx %arg7[%broadcast_in_dim3A_2875, %add3A_2854] : memref<16x2048xf32, #tpu.memory_space<vmem>>[vector<16xi32>, vector<16xi32>], vector<16xf32>,
      tpu.vector_store_idx %arg9[%broadcast_in_dim3A_2875, %add3A_2858], %gather3A_2876 : memref<16x512xf32, #tpu.memory_space<vmem>>[vector<16xi32>, vector<16xi32>], vector<16xf32>,
      %broadcast_in_dim3A_2877 = arith.constant 6 : i32
      %broadcast_in_dim3A_2878 = vector.broadcast %broadcast_in_dim3A_2877 : i32 to vector<16xi32>
      %gather3A_2879 = tpu.vector_load_idx %arg7[%broadcast_in_dim3A_2878, %add3A_2854] : memref<16x2048xf32, #tpu.memory_space<vmem>>[vector<16xi32>, vector<16xi32>], vector<16xf32>,
      tpu.vector_store_idx %arg9[%broadcast_in_dim3A_2878, %add3A_2858], %gather3A_2879 : memref<16x512xf32, #tpu.memory_space<vmem>>[vector<16xi32>, vector<16xi32>], vector<16xf32>,
      %broadcast_in_dim3A_2880 = arith.constant 7 : i32
      %broadcast_in_dim3A_2881 = vector.broadcast %broadcast_in_dim3A_2880 : i32 to vector<16xi32>
      %gather3A_2882 = tpu.vector_load_idx %arg7[%broadcast_in_dim3A_2881, %add3A_2854] : memref<16x2048xf32, #tpu.memory_space<vmem>>[vector<16xi32>, vector<16xi32>], vector<16xf32>,
      tpu.vector_store_idx %arg9[%broadcast_in_dim3A_2881, %add3A_2858], %gather3A_2882 : memref<16x512xf32, #tpu.memory_space<vmem>>[vector<16xi32>, vector<16xi32>], vector<16xf32>,
      %broadcast_in_dim3A_2883 = arith.constant 8 : i32
      %broadcast_in_dim3A_2884 = vector.broadcast %broadcast_in_dim3A_2883 : i32 to vector<16xi32>
      %gather3A_2885 = tpu.vector_load_idx %arg7[%broadcast_in_dim3A_2884, %add3A_2854] : memref<16x2048xf32, #tpu.memory_space<vmem>>[vector<16xi32>, vector<16xi32>], vector<16xf32>,
      tpu.vector_store_idx %arg9[%broadcast_in_dim3A_2884, %add3A_2858], %gather3A_2885 : memref<16x512xf32, #tpu.memory_space<vmem>>[vector<16xi32>, vector<16xi32>], vector<16xf32>,
      %broadcast_in_dim3A_2886 = arith.constant 9 : i32
      %broadcast_in_dim3A_2887 = vector.broadcast %broadcast_in_dim3A_2886 : i32 to vector<16xi32>
      %gather3A_2888 = tpu.vector_load_idx %arg7[%broadcast_in_dim3A_2887, %add3A_2854] : memref<16x2048xf32, #tpu.memory_space<vmem>>[vector<16xi32>, vector<16xi32>], vector<16xf32>,
      tpu.vector_store_idx %arg9[%broadcast_in_dim3A_2887, %add3A_2858], %gather3A_2888 : memref<16x512xf32, #tpu.memory_space<vmem>>[vector<16xi32>, vector<16xi32>], vector<16xf32>,
      %broadcast_in_dim3A_2889 = arith.constant 10 : i32
      %broadcast_in_dim3A_2890 = vector.broadcast %broadcast_in_dim3A_2889 : i32 to vector<16xi32>
      %gather3A_2891 = tpu.vector_load_idx %arg7[%broadcast_in_dim3A_2890, %add3A_2854] : memref<16x2048xf32, #tpu.memory_space<vmem>>[vector<16xi32>, vector<16xi32>], vector<16xf32>,
      tpu.vector_store_idx %arg9[%broadcast_in_dim3A_2890, %add3A_2858], %gather3A_2891 : memref<16x512xf32, #tpu.memory_space<vmem>>[vector<16xi32>, vector<16xi32>], vector<16xf32>,
      %broadcast_in_dim3A_2892 = arith.constant 11 : i32
      %broadcast_in_dim3A_2893 = vector.broadcast %broadcast_in_dim3A_2892 : i32 to vector<16xi32>
      %gather3A_2894 = tpu.vector_load_idx %arg7[%broadcast_in_dim3A_2893, %add3A_2854] : memref<16x2048xf32, #tpu.memory_space<vmem>>[vector<16xi32>, vector<16xi32>], vector<16xf32>,
      tpu.vector_store_idx %arg9[%broadcast_in_dim3A_2893, %add3A_2858], %gather3A_2894 : memref<16x512xf32, #tpu.memory_space<vmem>>[vector<16xi32>, vector<16xi32>], vector<16xf32>,
      %broadcast_in_dim3A_2895 = arith.constant 12 : i32
      %broadcast_in_dim3A_2896 = vector.broadcast %broadcast_in_dim3A_2895 : i32 to vector<16xi32>
      %gather3A_2897 = tpu.vector_load_idx %arg7[%broadcast_in_dim3A_2896, %add3A_2854] : memref<16x2048xf32, #tpu.memory_space<vmem>>[vector<16xi32>, vector<16xi32>], vector<16xf32>,
      tpu.vector_store_idx %arg9[%broadcast_in_dim3A_2896, %add3A_2858], %gather3A_2897 : memref<16x512xf32, #tpu.memory_space<vmem>>[vector<16xi32>, vector<16xi32>], vector<16xf32>,
      %broadcast_in_dim3A_2898 = arith.constant 13 : i32
      %broadcast_in_dim3A_2899 = vector.broadcast %broadcast_in_dim3A_2898 : i32 to vector<16xi32>
      %gather3A_2900 = tpu.vector_load_idx %arg7[%broadcast_in_dim3A_2899, %add3A_2854] : memref<16x2048xf32, #tpu.memory_space<vmem>>[vector<16xi32>, vector<16xi32>], vector<16xf32>,
      tpu.vector_store_idx %arg9[%broadcast_in_dim3A_2899, %add3A_2858], %gather3A_2900 : memref<16x512xf32, #tpu.memory_space<vmem>>[vector<16xi32>, vector<16xi32>], vector<16xf32>,
      %broadcast_in_dim3A_2901 = arith.constant 14 : i32
      %broadcast_in_dim3A_2902 = vector.broadcast %broadcast_in_dim3A_2901 : i32 to vector<16xi32>
      %gather3A_2903 = tpu.vector_load_idx %arg7[%broadcast_in_dim3A_2902, %add3A_2854] : memref<16x2048xf32, #tpu.memory_space<vmem>>[vector<16xi32>, vector<16xi32>], vector<16xf32>,
      tpu.vector_store_idx %arg9[%broadcast_in_dim3A_2902, %add3A_2858], %gather3A_2903 : memref<16x512xf32, #tpu.memory_space<vmem>>[vector<16xi32>, vector<16xi32>], vector<16xf32>,
      %broadcast_in_dim3A_2904 = arith.constant 15 : i32
      %broadcast_in_dim3A_2905 = vector.broadcast %broadcast_in_dim3A_2904 : i32 to vector<16xi32>
      %gather3A_2906 = tpu.vector_load_idx %arg7[%broadcast_in_dim3A_2905, %add3A_2854] : memref<16x2048xf32, #tpu.memory_space<vmem>>[vector<16xi32>, vector<16xi32>], vector<16xf32>,
      tpu.vector_store_idx %arg9[%broadcast_in_dim3A_2905, %add3A_2858], %gather3A_2906 : memref<16x512xf32, #tpu.memory_space<vmem>>[vector<16xi32>, vector<16xi32>], vector<16xf32>,
      %add3A_2907 = arith.constant 4 : i32
      %add3A_2908 = arith.addi %mul3A_1442, %add3A_2907 : i32
      %mul3A_2909 = arith.constant 16 : i32
      %mul3A_2910 = arith.muli %add3A_2908, %mul3A_2909 : i32
      %get3A_2911 = arith.index_cast %mul3A_2910 : i32 to index
      %get3A_2912 = tpu.vector_load %arg5[%get3A_2911] {strides = array<i32>} : memref<512xi32, #tpu.memory_space<vmem>>, vector<16xi32>,
      %slice3A_2913 = vector.extract_strided_slice %get3A_2912 {offsets = [0], sizes = [1], strides = [1]} : vector<16xi32> to vector<1xi32>
      %squeeze3A_2914 = vector.extract %slice3A_2913[0] : i32 from vector<1xi32>
      %jit3A_2915 = arith.constant 128 : i32
      %div3A_2916 = arith.divsi %squeeze3A_2914, %jit3A_2915 : i32
      %sign3A_2917 = arith.constant 0 : i32
      %sign3A_2918 = arith.cmpi sgt, %squeeze3A_2914, %sign3A_2917 : i32
      %sign3A_2919 = arith.extui %sign3A_2918 : i1 to i32
      %sign3A_2920 = arith.constant 0 : i32
      %sign3A_2921 = arith.cmpi slt, %squeeze3A_2914, %sign3A_2920 : i32
      %sign3A_2922 = arith.extui %sign3A_2921 : i1 to i32
      %sign3A_2923 = arith.subi %sign3A_2919, %sign3A_2922 : i32
      %sign3A_2924 = arith.constant 0 : i32
      %sign3A_2925 = arith.cmpi sgt, %jit3A_2915, %sign3A_2924 : i32
      %sign3A_2926 = arith.extui %sign3A_2925 : i1 to i32
      %sign3A_2927 = arith.constant 0 : i32
      %sign3A_2928 = arith.cmpi slt, %jit3A_2915, %sign3A_2927 : i32
      %sign3A_2929 = arith.extui %sign3A_2928 : i1 to i32
      %sign3A_2930 = arith.subi %sign3A_2926, %sign3A_2929 : i32
      %ne3A_2931 = arith.cmpi ne, %sign3A_2923, %sign3A_2930 : i32
      %rem3A_2932 = arith.remsi %squeeze3A_2914, %jit3A_2915 : i32
      %ne3A_2933 = arith.constant 0 : i32
      %ne3A_2934 = arith.cmpi ne, %rem3A_2932, %ne3A_2933 : i32
      %and3A_2935 = arith.andi %ne3A_2931, %ne3A_2934 : i1
      %sub3A_2936 = arith.constant 1 : i32
      %sub3A_2937 = arith.subi %div3A_2916, %sub3A_2936 : i32
      %select_n3A_2938 = arith.select %and3A_2935, %sub3A_2937, %div3A_2916 : i32
      %mul3A_2939 = arith.constant 128 : i32
      %mul3A_2940 = arith.muli %select_n3A_2938, %mul3A_2939 : i32
      %multiple_of3A_2941 = tpu.assume_multiple %mul3A_2940, 128 : i32
      %dma_start3A_2942 = arith.constant 0 : i32
      %dma_start3A_2943 = arith.constant 0 : i32
      %dma_start3A_2944 = tpu.memref_slice %arg7[%dma_start3A_2942, %dma_start3A_2943] : memref<16x2048xf32, #tpu.memory_space<vmem>> -> memref<16x128xf32, #tpu.memory_space<vmem>>
      %dma_start3A_2945 = arith.constant 0 : i32
      %dma_start3A_2946 = tpu.memref_slice %arg3[%dma_start3A_2945, %multiple_of3A_2941] : memref<16x1000001xf32, #tpu.memory_space<hbm>> -> memref<16x128xf32, #tpu.memory_space<hbm>>
      %dma_start3A_2947 = arith.constant 0 : i32
      %dma_start3A_2948 = arith.constant 0 : i32
      %dma_start3A_2949 = tpu.memref_slice %arg7[%dma_start3A_2947, %dma_start3A_2948] : memref<16x2048xf32, #tpu.memory_space<vmem>> -> memref<16x128xf32, #tpu.memory_space<vmem>>
      %dma_start3A_2950 = arith.constant 0 : i32
      %dma_start3A_2951 = tpu.memref_slice %arg3[%dma_start3A_2950, %multiple_of3A_2941] : memref<16x1000001xf32, #tpu.memory_space<hbm>> -> memref<16x128xf32, #tpu.memory_space<hbm>>
      tpu.enqueue_dma source(%dma_start3A_2951 : memref<16x128xf32, #tpu.memory_space<hbm>>) target(%dma_start3A_2949 : memref<16x128xf32, #tpu.memory_space<vmem>>) target_semaphore(%arg11 : memref<!tpu.dma_semaphore, #tpu.memory_space<semaphore_mem>>)
      %slice3A_2952 = vector.extract_strided_slice %get3A_2912 {offsets = [1], sizes = [1], strides = [1]} : vector<16xi32> to vector<1xi32>
      %squeeze3A_2953 = vector.extract %slice3A_2952[0] : i32 from vector<1xi32>
      %jit3A_2954 = arith.constant 128 : i32
      %div3A_2955 = arith.divsi %squeeze3A_2953, %jit3A_2954 : i32
      %sign3A_2956 = arith.constant 0 : i32
      %sign3A_2957 = arith.cmpi sgt, %squeeze3A_2953, %sign3A_2956 : i32
      %sign3A_2958 = arith.extui %sign3A_2957 : i1 to i32
      %sign3A_2959 = arith.constant 0 : i32
      %sign3A_2960 = arith.cmpi slt, %squeeze3A_2953, %sign3A_2959 : i32
      %sign3A_2961 = arith.extui %sign3A_2960 : i1 to i32
      %sign3A_2962 = arith.subi %sign3A_2958, %sign3A_2961 : i32
      %sign3A_2963 = arith.constant 0 : i32
      %sign3A_2964 = arith.cmpi sgt, %jit3A_2954, %sign3A_2963 : i32
      %sign3A_2965 = arith.extui %sign3A_2964 : i1 to i32
      %sign3A_2966 = arith.constant 0 : i32
      %sign3A_2967 = arith.cmpi slt, %jit3A_2954, %sign3A_2966 : i32
      %sign3A_2968 = arith.extui %sign3A_2967 : i1 to i32
      %sign3A_2969 = arith.subi %sign3A_2965, %sign3A_2968 : i32
      %ne3A_2970 = arith.cmpi ne, %sign3A_2962, %sign3A_2969 : i32
      %rem3A_2971 = arith.remsi %squeeze3A_2953, %jit3A_2954 : i32
      %ne3A_2972 = arith.constant 0 : i32
      %ne3A_2973 = arith.cmpi ne, %rem3A_2971, %ne3A_2972 : i32
      %and3A_2974 = arith.andi %ne3A_2970, %ne3A_2973 : i1
      %sub3A_2975 = arith.constant 1 : i32
      %sub3A_2976 = arith.subi %div3A_2955, %sub3A_2975 : i32
      %select_n3A_2977 = arith.select %and3A_2974, %sub3A_2976, %div3A_2955 : i32
      %mul3A_2978 = arith.constant 128 : i32
      %mul3A_2979 = arith.muli %select_n3A_2977, %mul3A_2978 : i32
      %multiple_of3A_2980 = tpu.assume_multiple %mul3A_2979, 128 : i32
      %dma_start3A_2981 = arith.constant 0 : i32
      %dma_start3A_2982 = arith.constant 128 : i32
      %dma_start3A_2983 = tpu.memref_slice %arg7[%dma_start3A_2981, %dma_start3A_2982] : memref<16x2048xf32, #tpu.memory_space<vmem>> -> memref<16x128xf32, #tpu.memory_space<vmem>>
      %dma_start3A_2984 = arith.constant 0 : i32
      %dma_start3A_2985 = tpu.memref_slice %arg3[%dma_start3A_2984, %multiple_of3A_2980] : memref<16x1000001xf32, #tpu.memory_space<hbm>> -> memref<16x128xf32, #tpu.memory_space<hbm>>
      %dma_start3A_2986 = arith.constant 0 : i32
      %dma_start3A_2987 = arith.constant 128 : i32
      %dma_start3A_2988 = tpu.memref_slice %arg7[%dma_start3A_2986, %dma_start3A_2987] : memref<16x2048xf32, #tpu.memory_space<vmem>> -> memref<16x128xf32, #tpu.memory_space<vmem>>
      %dma_start3A_2989 = arith.constant 0 : i32
      %dma_start3A_2990 = tpu.memref_slice %arg3[%dma_start3A_2989, %multiple_of3A_2980] : memref<16x1000001xf32, #tpu.memory_space<hbm>> -> memref<16x128xf32, #tpu.memory_space<hbm>>
      tpu.enqueue_dma source(%dma_start3A_2990 : memref<16x128xf32, #tpu.memory_space<hbm>>) target(%dma_start3A_2988 : memref<16x128xf32, #tpu.memory_space<vmem>>) target_semaphore(%arg11 : memref<!tpu.dma_semaphore, #tpu.memory_space<semaphore_mem>>)
      %slice3A_2991 = vector.extract_strided_slice %get3A_2912 {offsets = [2], sizes = [1], strides = [1]} : vector<16xi32> to vector<1xi32>
      %squeeze3A_2992 = vector.extract %slice3A_2991[0] : i32 from vector<1xi32>
      %jit3A_2993 = arith.constant 128 : i32
      %div3A_2994 = arith.divsi %squeeze3A_2992, %jit3A_2993 : i32
      %sign3A_2995 = arith.constant 0 : i32
      %sign3A_2996 = arith.cmpi sgt, %squeeze3A_2992, %sign3A_2995 : i32
      %sign3A_2997 = arith.extui %sign3A_2996 : i1 to i32
      %sign3A_2998 = arith.constant 0 : i32
      %sign3A_2999 = arith.cmpi slt, %squeeze3A_2992, %sign3A_2998 : i32
      %sign3A_3000 = arith.extui %sign3A_2999 : i1 to i32
      %sign3A_3001 = arith.subi %sign3A_2997, %sign3A_3000 : i32
      %sign3A_3002 = arith.constant 0 : i32
      %sign3A_3003 = arith.cmpi sgt, %jit3A_2993, %sign3A_3002 : i32
      %sign3A_3004 = arith.extui %sign3A_3003 : i1 to i32
      %sign3A_3005 = arith.constant 0 : i32
      %sign3A_3006 = arith.cmpi slt, %jit3A_2993, %sign3A_3005 : i32
      %sign3A_3007 = arith.extui %sign3A_3006 : i1 to i32
      %sign3A_3008 = arith.subi %sign3A_3004, %sign3A_3007 : i32
      %ne3A_3009 = arith.cmpi ne, %sign3A_3001, %sign3A_3008 : i32
      %rem3A_3010 = arith.remsi %squeeze3A_2992, %jit3A_2993 : i32
      %ne3A_3011 = arith.constant 0 : i32
      %ne3A_3012 = arith.cmpi ne, %rem3A_3010, %ne3A_3011 : i32
      %and3A_3013 = arith.andi %ne3A_3009, %ne3A_3012 : i1
      %sub3A_3014 = arith.constant 1 : i32
      %sub3A_3015 = arith.subi %div3A_2994, %sub3A_3014 : i32
      %select_n3A_3016 = arith.select %and3A_3013, %sub3A_3015, %div3A_2994 : i32
      %mul3A_3017 = arith.constant 128 : i32
      %mul3A_3018 = arith.muli %select_n3A_3016, %mul3A_3017 : i32
      %multiple_of3A_3019 = tpu.assume_multiple %mul3A_3018, 128 : i32
      %dma_start3A_3020 = arith.constant 0 : i32
      %dma_start3A_3021 = arith.constant 256 : i32
      %dma_start3A_3022 = tpu.memref_slice %arg7[%dma_start3A_3020, %dma_start3A_3021] : memref<16x2048xf32, #tpu.memory_space<vmem>> -> memref<16x128xf32, #tpu.memory_space<vmem>>
      %dma_start3A_3023 = arith.constant 0 : i32
      %dma_start3A_3024 = tpu.memref_slice %arg3[%dma_start3A_3023, %multiple_of3A_3019] : memref<16x1000001xf32, #tpu.memory_space<hbm>> -> memref<16x128xf32, #tpu.memory_space<hbm>>
      %dma_start3A_3025 = arith.constant 0 : i32
      %dma_start3A_3026 = arith.constant 256 : i32
      %dma_start3A_3027 = tpu.memref_slice %arg7[%dma_start3A_3025, %dma_start3A_3026] : memref<16x2048xf32, #tpu.memory_space<vmem>> -> memref<16x128xf32, #tpu.memory_space<vmem>>
      %dma_start3A_3028 = arith.constant 0 : i32
      %dma_start3A_3029 = tpu.memref_slice %arg3[%dma_start3A_3028, %multiple_of3A_3019] : memref<16x1000001xf32, #tpu.memory_space<hbm>> -> memref<16x128xf32, #tpu.memory_space<hbm>>
      tpu.enqueue_dma source(%dma_start3A_3029 : memref<16x128xf32, #tpu.memory_space<hbm>>) target(%dma_start3A_3027 : memref<16x128xf32, #tpu.memory_space<vmem>>) target_semaphore(%arg11 : memref<!tpu.dma_semaphore, #tpu.memory_space<semaphore_mem>>)
      %slice3A_3030 = vector.extract_strided_slice %get3A_2912 {offsets = [3], sizes = [1], strides = [1]} : vector<16xi32> to vector<1xi32>
      %squeeze3A_3031 = vector.extract %slice3A_3030[0] : i32 from vector<1xi32>
      %jit3A_3032 = arith.constant 128 : i32
      %div3A_3033 = arith.divsi %squeeze3A_3031, %jit3A_3032 : i32
      %sign3A_3034 = arith.constant 0 : i32
      %sign3A_3035 = arith.cmpi sgt, %squeeze3A_3031, %sign3A_3034 : i32
      %sign3A_3036 = arith.extui %sign3A_3035 : i1 to i32
      %sign3A_3037 = arith.constant 0 : i32
      %sign3A_3038 = arith.cmpi slt, %squeeze3A_3031, %sign3A_3037 : i32
      %sign3A_3039 = arith.extui %sign3A_3038 : i1 to i32
      %sign3A_3040 = arith.subi %sign3A_3036, %sign3A_3039 : i32
      %sign3A_3041 = arith.constant 0 : i32
      %sign3A_3042 = arith.cmpi sgt, %jit3A_3032, %sign3A_3041 : i32
      %sign3A_3043 = arith.extui %sign3A_3042 : i1 to i32
      %sign3A_3044 = arith.constant 0 : i32
      %sign3A_3045 = arith.cmpi slt, %jit3A_3032, %sign3A_3044 : i32
      %sign3A_3046 = arith.extui %sign3A_3045 : i1 to i32
      %sign3A_3047 = arith.subi %sign3A_3043, %sign3A_3046 : i32
      %ne3A_3048 = arith.cmpi ne, %sign3A_3040, %sign3A_3047 : i32
      %rem3A_3049 = arith.remsi %squeeze3A_3031, %jit3A_3032 : i32
      %ne3A_3050 = arith.constant 0 : i32
      %ne3A_3051 = arith.cmpi ne, %rem3A_3049, %ne3A_3050 : i32
      %and3A_3052 = arith.andi %ne3A_3048, %ne3A_3051 : i1
      %sub3A_3053 = arith.constant 1 : i32
      %sub3A_3054 = arith.subi %div3A_3033, %sub3A_3053 : i32
      %select_n3A_3055 = arith.select %and3A_3052, %sub3A_3054, %div3A_3033 : i32
      %mul3A_3056 = arith.constant 128 : i32
      %mul3A_3057 = arith.muli %select_n3A_3055, %mul3A_3056 : i32
      %multiple_of3A_3058 = tpu.assume_multiple %mul3A_3057, 128 : i32
      %dma_start3A_3059 = arith.constant 0 : i32
      %dma_start3A_3060 = arith.constant 384 : i32
      %dma_start3A_3061 = tpu.memref_slice %arg7[%dma_start3A_3059, %dma_start3A_3060] : memref<16x2048xf32, #tpu.memory_space<vmem>> -> memref<16x128xf32, #tpu.memory_space<vmem>>
      %dma_start3A_3062 = arith.constant 0 : i32
      %dma_start3A_3063 = tpu.memref_slice %arg3[%dma_start3A_3062, %multiple_of3A_3058] : memref<16x1000001xf32, #tpu.memory_space<hbm>> -> memref<16x128xf32, #tpu.memory_space<hbm>>
      %dma_start3A_3064 = arith.constant 0 : i32
      %dma_start3A_3065 = arith.constant 384 : i32
      %dma_start3A_3066 = tpu.memref_slice %arg7[%dma_start3A_3064, %dma_start3A_3065] : memref<16x2048xf32, #tpu.memory_space<vmem>> -> memref<16x128xf32, #tpu.memory_space<vmem>>
      %dma_start3A_3067 = arith.constant 0 : i32
      %dma_start3A_3068 = tpu.memref_slice %arg3[%dma_start3A_3067, %multiple_of3A_3058] : memref<16x1000001xf32, #tpu.memory_space<hbm>> -> memref<16x128xf32, #tpu.memory_space<hbm>>
      tpu.enqueue_dma source(%dma_start3A_3068 : memref<16x128xf32, #tpu.memory_space<hbm>>) target(%dma_start3A_3066 : memref<16x128xf32, #tpu.memory_space<vmem>>) target_semaphore(%arg11 : memref<!tpu.dma_semaphore, #tpu.memory_space<semaphore_mem>>)
      %slice3A_3069 = vector.extract_strided_slice %get3A_2912 {offsets = [4], sizes = [1], strides = [1]} : vector<16xi32> to vector<1xi32>
      %squeeze3A_3070 = vector.extract %slice3A_3069[0] : i32 from vector<1xi32>
      %jit3A_3071 = arith.constant 128 : i32
      %div3A_3072 = arith.divsi %squeeze3A_3070, %jit3A_3071 : i32
      %sign3A_3073 = arith.constant 0 : i32
      %sign3A_3074 = arith.cmpi sgt, %squeeze3A_3070, %sign3A_3073 : i32
      %sign3A_3075 = arith.extui %sign3A_3074 : i1 to i32
      %sign3A_3076 = arith.constant 0 : i32
      %sign3A_3077 = arith.cmpi slt, %squeeze3A_3070, %sign3A_3076 : i32
      %sign3A_3078 = arith.extui %sign3A_3077 : i1 to i32
      %sign3A_3079 = arith.subi %sign3A_3075, %sign3A_3078 : i32
      %sign3A_3080 = arith.constant 0 : i32
      %sign3A_3081 = arith.cmpi sgt, %jit3A_3071, %sign3A_3080 : i32
      %sign3A_3082 = arith.extui %sign3A_3081 : i1 to i32
      %sign3A_3083 = arith.constant 0 : i32
      %sign3A_3084 = arith.cmpi slt, %jit3A_3071, %sign3A_3083 : i32
      %sign3A_3085 = arith.extui %sign3A_3084 : i1 to i32
      %sign3A_3086 = arith.subi %sign3A_3082, %sign3A_3085 : i32
      %ne3A_3087 = arith.cmpi ne, %sign3A_3079, %sign3A_3086 : i32
      %rem3A_3088 = arith.remsi %squeeze3A_3070, %jit3A_3071 : i32
      %ne3A_3089 = arith.constant 0 : i32
      %ne3A_3090 = arith.cmpi ne, %rem3A_3088, %ne3A_3089 : i32
      %and3A_3091 = arith.andi %ne3A_3087, %ne3A_3090 : i1
      %sub3A_3092 = arith.constant 1 : i32
      %sub3A_3093 = arith.subi %div3A_3072, %sub3A_3092 : i32
      %select_n3A_3094 = arith.select %and3A_3091, %sub3A_3093, %div3A_3072 : i32
      %mul3A_3095 = arith.constant 128 : i32
      %mul3A_3096 = arith.muli %select_n3A_3094, %mul3A_3095 : i32
      %multiple_of3A_3097 = tpu.assume_multiple %mul3A_3096, 128 : i32
      %dma_start3A_3098 = arith.constant 0 : i32
      %dma_start3A_3099 = arith.constant 512 : i32
      %dma_start3A_3100 = tpu.memref_slice %arg7[%dma_start3A_3098, %dma_start3A_3099] : memref<16x2048xf32, #tpu.memory_space<vmem>> -> memref<16x128xf32, #tpu.memory_space<vmem>>
      %dma_start3A_3101 = arith.constant 0 : i32
      %dma_start3A_3102 = tpu.memref_slice %arg3[%dma_start3A_3101, %multiple_of3A_3097] : memref<16x1000001xf32, #tpu.memory_space<hbm>> -> memref<16x128xf32, #tpu.memory_space<hbm>>
      %dma_start3A_3103 = arith.constant 0 : i32
      %dma_start3A_3104 = arith.constant 512 : i32
      %dma_start3A_3105 = tpu.memref_slice %arg7[%dma_start3A_3103, %dma_start3A_3104] : memref<16x2048xf32, #tpu.memory_space<vmem>> -> memref<16x128xf32, #tpu.memory_space<vmem>>
      %dma_start3A_3106 = arith.constant 0 : i32
      %dma_start3A_3107 = tpu.memref_slice %arg3[%dma_start3A_3106, %multiple_of3A_3097] : memref<16x1000001xf32, #tpu.memory_space<hbm>> -> memref<16x128xf32, #tpu.memory_space<hbm>>
      tpu.enqueue_dma source(%dma_start3A_3107 : memref<16x128xf32, #tpu.memory_space<hbm>>) target(%dma_start3A_3105 : memref<16x128xf32, #tpu.memory_space<vmem>>) target_semaphore(%arg11 : memref<!tpu.dma_semaphore, #tpu.memory_space<semaphore_mem>>)
      %slice3A_3108 = vector.extract_strided_slice %get3A_2912 {offsets = [5], sizes = [1], strides = [1]} : vector<16xi32> to vector<1xi32>
      %squeeze3A_3109 = vector.extract %slice3A_3108[0] : i32 from vector<1xi32>
      %jit3A_3110 = arith.constant 128 : i32
      %div3A_3111 = arith.divsi %squeeze3A_3109, %jit3A_3110 : i32
      %sign3A_3112 = arith.constant 0 : i32
      %sign3A_3113 = arith.cmpi sgt, %squeeze3A_3109, %sign3A_3112 : i32
      %sign3A_3114 = arith.extui %sign3A_3113 : i1 to i32
      %sign3A_3115 = arith.constant 0 : i32
      %sign3A_3116 = arith.cmpi slt, %squeeze3A_3109, %sign3A_3115 : i32
      %sign3A_3117 = arith.extui %sign3A_3116 : i1 to i32
      %sign3A_3118 = arith.subi %sign3A_3114, %sign3A_3117 : i32
      %sign3A_3119 = arith.constant 0 : i32
      %sign3A_3120 = arith.cmpi sgt, %jit3A_3110, %sign3A_3119 : i32
      %sign3A_3121 = arith.extui %sign3A_3120 : i1 to i32
      %sign3A_3122 = arith.constant 0 : i32
      %sign3A_3123 = arith.cmpi slt, %jit3A_3110, %sign3A_3122 : i32
      %sign3A_3124 = arith.extui %sign3A_3123 : i1 to i32
      %sign3A_3125 = arith.subi %sign3A_3121, %sign3A_3124 : i32
      %ne3A_3126 = arith.cmpi ne, %sign3A_3118, %sign3A_3125 : i32
      %rem3A_3127 = arith.remsi %squeeze3A_3109, %jit3A_3110 : i32
      %ne3A_3128 = arith.constant 0 : i32
      %ne3A_3129 = arith.cmpi ne, %rem3A_3127, %ne3A_3128 : i32
      %and3A_3130 = arith.andi %ne3A_3126, %ne3A_3129 : i1
      %sub3A_3131 = arith.constant 1 : i32
      %sub3A_3132 = arith.subi %div3A_3111, %sub3A_3131 : i32
      %select_n3A_3133 = arith.select %and3A_3130, %sub3A_3132, %div3A_3111 : i32
      %mul3A_3134 = arith.constant 128 : i32
      %mul3A_3135 = arith.muli %select_n3A_3133, %mul3A_3134 : i32
      %multiple_of3A_3136 = tpu.assume_multiple %mul3A_3135, 128 : i32
      %dma_start3A_3137 = arith.constant 0 : i32
      %dma_start3A_3138 = arith.constant 640 : i32
      %dma_start3A_3139 = tpu.memref_slice %arg7[%dma_start3A_3137, %dma_start3A_3138] : memref<16x2048xf32, #tpu.memory_space<vmem>> -> memref<16x128xf32, #tpu.memory_space<vmem>>
      %dma_start3A_3140 = arith.constant 0 : i32
      %dma_start3A_3141 = tpu.memref_slice %arg3[%dma_start3A_3140, %multiple_of3A_3136] : memref<16x1000001xf32, #tpu.memory_space<hbm>> -> memref<16x128xf32, #tpu.memory_space<hbm>>
      %dma_start3A_3142 = arith.constant 0 : i32
      %dma_start3A_3143 = arith.constant 640 : i32
      %dma_start3A_3144 = tpu.memref_slice %arg7[%dma_start3A_3142, %dma_start3A_3143] : memref<16x2048xf32, #tpu.memory_space<vmem>> -> memref<16x128xf32, #tpu.memory_space<vmem>>
      %dma_start3A_3145 = arith.constant 0 : i32
      %dma_start3A_3146 = tpu.memref_slice %arg3[%dma_start3A_3145, %multiple_of3A_3136] : memref<16x1000001xf32, #tpu.memory_space<hbm>> -> memref<16x128xf32, #tpu.memory_space<hbm>>
      tpu.enqueue_dma source(%dma_start3A_3146 : memref<16x128xf32, #tpu.memory_space<hbm>>) target(%dma_start3A_3144 : memref<16x128xf32, #tpu.memory_space<vmem>>) target_semaphore(%arg11 : memref<!tpu.dma_semaphore, #tpu.memory_space<semaphore_mem>>)
      %slice3A_3147 = vector.extract_strided_slice %get3A_2912 {offsets = [6], sizes = [1], strides = [1]} : vector<16xi32> to vector<1xi32>
      %squeeze3A_3148 = vector.extract %slice3A_3147[0] : i32 from vector<1xi32>
      %jit3A_3149 = arith.constant 128 : i32
      %div3A_3150 = arith.divsi %squeeze3A_3148, %jit3A_3149 : i32
      %sign3A_3151 = arith.constant 0 : i32
      %sign3A_3152 = arith.cmpi sgt, %squeeze3A_3148, %sign3A_3151 : i32
      %sign3A_3153 = arith.extui %sign3A_3152 : i1 to i32
      %sign3A_3154 = arith.constant 0 : i32
      %sign3A_3155 = arith.cmpi slt, %squeeze3A_3148, %sign3A_3154 : i32
      %sign3A_3156 = arith.extui %sign3A_3155 : i1 to i32
      %sign3A_3157 = arith.subi %sign3A_3153, %sign3A_3156 : i32
      %sign3A_3158 = arith.constant 0 : i32
      %sign3A_3159 = arith.cmpi sgt, %jit3A_3149, %sign3A_3158 : i32
      %sign3A_3160 = arith.extui %sign3A_3159 : i1 to i32
      %sign3A_3161 = arith.constant 0 : i32
      %sign3A_3162 = arith.cmpi slt, %jit3A_3149, %sign3A_3161 : i32
      %sign3A_3163 = arith.extui %sign3A_3162 : i1 to i32
      %sign3A_3164 = arith.subi %sign3A_3160, %sign3A_3163 : i32
      %ne3A_3165 = arith.cmpi ne, %sign3A_3157, %sign3A_3164 : i32
      %rem3A_3166 = arith.remsi %squeeze3A_3148, %jit3A_3149 : i32
      %ne3A_3167 = arith.constant 0 : i32
      %ne3A_3168 = arith.cmpi ne, %rem3A_3166, %ne3A_3167 : i32
      %and3A_3169 = arith.andi %ne3A_3165, %ne3A_3168 : i1
      %sub3A_3170 = arith.constant 1 : i32
      %sub3A_3171 = arith.subi %div3A_3150, %sub3A_3170 : i32
      %select_n3A_3172 = arith.select %and3A_3169, %sub3A_3171, %div3A_3150 : i32
      %mul3A_3173 = arith.constant 128 : i32
      %mul3A_3174 = arith.muli %select_n3A_3172, %mul3A_3173 : i32
      %multiple_of3A_3175 = tpu.assume_multiple %mul3A_3174, 128 : i32
      %dma_start3A_3176 = arith.constant 0 : i32
      %dma_start3A_3177 = arith.constant 768 : i32
      %dma_start3A_3178 = tpu.memref_slice %arg7[%dma_start3A_3176, %dma_start3A_3177] : memref<16x2048xf32, #tpu.memory_space<vmem>> -> memref<16x128xf32, #tpu.memory_space<vmem>>
      %dma_start3A_3179 = arith.constant 0 : i32
      %dma_start3A_3180 = tpu.memref_slice %arg3[%dma_start3A_3179, %multiple_of3A_3175] : memref<16x1000001xf32, #tpu.memory_space<hbm>> -> memref<16x128xf32, #tpu.memory_space<hbm>>
      %dma_start3A_3181 = arith.constant 0 : i32
      %dma_start3A_3182 = arith.constant 768 : i32
      %dma_start3A_3183 = tpu.memref_slice %arg7[%dma_start3A_3181, %dma_start3A_3182] : memref<16x2048xf32, #tpu.memory_space<vmem>> -> memref<16x128xf32, #tpu.memory_space<vmem>>
      %dma_start3A_3184 = arith.constant 0 : i32
      %dma_start3A_3185 = tpu.memref_slice %arg3[%dma_start3A_3184, %multiple_of3A_3175] : memref<16x1000001xf32, #tpu.memory_space<hbm>> -> memref<16x128xf32, #tpu.memory_space<hbm>>
      tpu.enqueue_dma source(%dma_start3A_3185 : memref<16x128xf32, #tpu.memory_space<hbm>>) target(%dma_start3A_3183 : memref<16x128xf32, #tpu.memory_space<vmem>>) target_semaphore(%arg11 : memref<!tpu.dma_semaphore, #tpu.memory_space<semaphore_mem>>)
      %slice3A_3186 = vector.extract_strided_slice %get3A_2912 {offsets = [7], sizes = [1], strides = [1]} : vector<16xi32> to vector<1xi32>
      %squeeze3A_3187 = vector.extract %slice3A_3186[0] : i32 from vector<1xi32>
      %jit3A_3188 = arith.constant 128 : i32
      %div3A_3189 = arith.divsi %squeeze3A_3187, %jit3A_3188 : i32
      %sign3A_3190 = arith.constant 0 : i32
      %sign3A_3191 = arith.cmpi sgt, %squeeze3A_3187, %sign3A_3190 : i32
      %sign3A_3192 = arith.extui %sign3A_3191 : i1 to i32
      %sign3A_3193 = arith.constant 0 : i32
      %sign3A_3194 = arith.cmpi slt, %squeeze3A_3187, %sign3A_3193 : i32
      %sign3A_3195 = arith.extui %sign3A_3194 : i1 to i32
      %sign3A_3196 = arith.subi %sign3A_3192, %sign3A_3195 : i32
      %sign3A_3197 = arith.constant 0 : i32
      %sign3A_3198 = arith.cmpi sgt, %jit3A_3188, %sign3A_3197 : i32
      %sign3A_3199 = arith.extui %sign3A_3198 : i1 to i32
      %sign3A_3200 = arith.constant 0 : i32
      %sign3A_3201 = arith.cmpi slt, %jit3A_3188, %sign3A_3200 : i32
      %sign3A_3202 = arith.extui %sign3A_3201 : i1 to i32
      %sign3A_3203 = arith.subi %sign3A_3199, %sign3A_3202 : i32
      %ne3A_3204 = arith.cmpi ne, %sign3A_3196, %sign3A_3203 : i32
      %rem3A_3205 = arith.remsi %squeeze3A_3187, %jit3A_3188 : i32
      %ne3A_3206 = arith.constant 0 : i32
      %ne3A_3207 = arith.cmpi ne, %rem3A_3205, %ne3A_3206 : i32
      %and3A_3208 = arith.andi %ne3A_3204, %ne3A_3207 : i1
      %sub3A_3209 = arith.constant 1 : i32
      %sub3A_3210 = arith.subi %div3A_3189, %sub3A_3209 : i32
      %select_n3A_3211 = arith.select %and3A_3208, %sub3A_3210, %div3A_3189 : i32
      %mul3A_3212 = arith.constant 128 : i32
      %mul3A_3213 = arith.muli %select_n3A_3211, %mul3A_3212 : i32
      %multiple_of3A_3214 = tpu.assume_multiple %mul3A_3213, 128 : i32
      %dma_start3A_3215 = arith.constant 0 : i32
      %dma_start3A_3216 = arith.constant 896 : i32
      %dma_start3A_3217 = tpu.memref_slice %arg7[%dma_start3A_3215, %dma_start3A_3216] : memref<16x2048xf32, #tpu.memory_space<vmem>> -> memref<16x128xf32, #tpu.memory_space<vmem>>
      %dma_start3A_3218 = arith.constant 0 : i32
      %dma_start3A_3219 = tpu.memref_slice %arg3[%dma_start3A_3218, %multiple_of3A_3214] : memref<16x1000001xf32, #tpu.memory_space<hbm>> -> memref<16x128xf32, #tpu.memory_space<hbm>>
      %dma_start3A_3220 = arith.constant 0 : i32
      %dma_start3A_3221 = arith.constant 896 : i32
      %dma_start3A_3222 = tpu.memref_slice %arg7[%dma_start3A_3220, %dma_start3A_3221] : memref<16x2048xf32, #tpu.memory_space<vmem>> -> memref<16x128xf32, #tpu.memory_space<vmem>>
      %dma_start3A_3223 = arith.constant 0 : i32
      %dma_start3A_3224 = tpu.memref_slice %arg3[%dma_start3A_3223, %multiple_of3A_3214] : memref<16x1000001xf32, #tpu.memory_space<hbm>> -> memref<16x128xf32, #tpu.memory_space<hbm>>
      tpu.enqueue_dma source(%dma_start3A_3224 : memref<16x128xf32, #tpu.memory_space<hbm>>) target(%dma_start3A_3222 : memref<16x128xf32, #tpu.memory_space<vmem>>) target_semaphore(%arg11 : memref<!tpu.dma_semaphore, #tpu.memory_space<semaphore_mem>>)
      %slice3A_3225 = vector.extract_strided_slice %get3A_2912 {offsets = [8], sizes = [1], strides = [1]} : vector<16xi32> to vector<1xi32>
      %squeeze3A_3226 = vector.extract %slice3A_3225[0] : i32 from vector<1xi32>
      %jit3A_3227 = arith.constant 128 : i32
      %div3A_3228 = arith.divsi %squeeze3A_3226, %jit3A_3227 : i32
      %sign3A_3229 = arith.constant 0 : i32
      %sign3A_3230 = arith.cmpi sgt, %squeeze3A_3226, %sign3A_3229 : i32
      %sign3A_3231 = arith.extui %sign3A_3230 : i1 to i32
      %sign3A_3232 = arith.constant 0 : i32
      %sign3A_3233 = arith.cmpi slt, %squeeze3A_3226, %sign3A_3232 : i32
      %sign3A_3234 = arith.extui %sign3A_3233 : i1 to i32
      %sign3A_3235 = arith.subi %sign3A_3231, %sign3A_3234 : i32
      %sign3A_3236 = arith.constant 0 : i32
      %sign3A_3237 = arith.cmpi sgt, %jit3A_3227, %sign3A_3236 : i32
      %sign3A_3238 = arith.extui %sign3A_3237 : i1 to i32
      %sign3A_3239 = arith.constant 0 : i32
      %sign3A_3240 = arith.cmpi slt, %jit3A_3227, %sign3A_3239 : i32
      %sign3A_3241 = arith.extui %sign3A_3240 : i1 to i32
      %sign3A_3242 = arith.subi %sign3A_3238, %sign3A_3241 : i32
      %ne3A_3243 = arith.cmpi ne, %sign3A_3235, %sign3A_3242 : i32
      %rem3A_3244 = arith.remsi %squeeze3A_3226, %jit3A_3227 : i32
      %ne3A_3245 = arith.constant 0 : i32
      %ne3A_3246 = arith.cmpi ne, %rem3A_3244, %ne3A_3245 : i32
      %and3A_3247 = arith.andi %ne3A_3243, %ne3A_3246 : i1
      %sub3A_3248 = arith.constant 1 : i32
      %sub3A_3249 = arith.subi %div3A_3228, %sub3A_3248 : i32
      %select_n3A_3250 = arith.select %and3A_3247, %sub3A_3249, %div3A_3228 : i32
      %mul3A_3251 = arith.constant 128 : i32
      %mul3A_3252 = arith.muli %select_n3A_3250, %mul3A_3251 : i32
      %multiple_of3A_3253 = tpu.assume_multiple %mul3A_3252, 128 : i32
      %dma_start3A_3254 = arith.constant 0 : i32
      %dma_start3A_3255 = arith.constant 1024 : i32
      %dma_start3A_3256 = tpu.memref_slice %arg7[%dma_start3A_3254, %dma_start3A_3255] : memref<16x2048xf32, #tpu.memory_space<vmem>> -> memref<16x128xf32, #tpu.memory_space<vmem>>
      %dma_start3A_3257 = arith.constant 0 : i32
      %dma_start3A_3258 = tpu.memref_slice %arg3[%dma_start3A_3257, %multiple_of3A_3253] : memref<16x1000001xf32, #tpu.memory_space<hbm>> -> memref<16x128xf32, #tpu.memory_space<hbm>>
      %dma_start3A_3259 = arith.constant 0 : i32
      %dma_start3A_3260 = arith.constant 1024 : i32
      %dma_start3A_3261 = tpu.memref_slice %arg7[%dma_start3A_3259, %dma_start3A_3260] : memref<16x2048xf32, #tpu.memory_space<vmem>> -> memref<16x128xf32, #tpu.memory_space<vmem>>
      %dma_start3A_3262 = arith.constant 0 : i32
      %dma_start3A_3263 = tpu.memref_slice %arg3[%dma_start3A_3262, %multiple_of3A_3253] : memref<16x1000001xf32, #tpu.memory_space<hbm>> -> memref<16x128xf32, #tpu.memory_space<hbm>>
      tpu.enqueue_dma source(%dma_start3A_3263 : memref<16x128xf32, #tpu.memory_space<hbm>>) target(%dma_start3A_3261 : memref<16x128xf32, #tpu.memory_space<vmem>>) target_semaphore(%arg11 : memref<!tpu.dma_semaphore, #tpu.memory_space<semaphore_mem>>)
      %slice3A_3264 = vector.extract_strided_slice %get3A_2912 {offsets = [9], sizes = [1], strides = [1]} : vector<16xi32> to vector<1xi32>
      %squeeze3A_3265 = vector.extract %slice3A_3264[0] : i32 from vector<1xi32>
      %jit3A_3266 = arith.constant 128 : i32
      %div3A_3267 = arith.divsi %squeeze3A_3265, %jit3A_3266 : i32
      %sign3A_3268 = arith.constant 0 : i32
      %sign3A_3269 = arith.cmpi sgt, %squeeze3A_3265, %sign3A_3268 : i32
      %sign3A_3270 = arith.extui %sign3A_3269 : i1 to i32
      %sign3A_3271 = arith.constant 0 : i32
      %sign3A_3272 = arith.cmpi slt, %squeeze3A_3265, %sign3A_3271 : i32
      %sign3A_3273 = arith.extui %sign3A_3272 : i1 to i32
      %sign3A_3274 = arith.subi %sign3A_3270, %sign3A_3273 : i32
      %sign3A_3275 = arith.constant 0 : i32
      %sign3A_3276 = arith.cmpi sgt, %jit3A_3266, %sign3A_3275 : i32
      %sign3A_3277 = arith.extui %sign3A_3276 : i1 to i32
      %sign3A_3278 = arith.constant 0 : i32
      %sign3A_3279 = arith.cmpi slt, %jit3A_3266, %sign3A_3278 : i32
      %sign3A_3280 = arith.extui %sign3A_3279 : i1 to i32
      %sign3A_3281 = arith.subi %sign3A_3277, %sign3A_3280 : i32
      %ne3A_3282 = arith.cmpi ne, %sign3A_3274, %sign3A_3281 : i32
      %rem3A_3283 = arith.remsi %squeeze3A_3265, %jit3A_3266 : i32
      %ne3A_3284 = arith.constant 0 : i32
      %ne3A_3285 = arith.cmpi ne, %rem3A_3283, %ne3A_3284 : i32
      %and3A_3286 = arith.andi %ne3A_3282, %ne3A_3285 : i1
      %sub3A_3287 = arith.constant 1 : i32
      %sub3A_3288 = arith.subi %div3A_3267, %sub3A_3287 : i32
      %select_n3A_3289 = arith.select %and3A_3286, %sub3A_3288, %div3A_3267 : i32
      %mul3A_3290 = arith.constant 128 : i32
      %mul3A_3291 = arith.muli %select_n3A_3289, %mul3A_3290 : i32
      %multiple_of3A_3292 = tpu.assume_multiple %mul3A_3291, 128 : i32
      %dma_start3A_3293 = arith.constant 0 : i32
      %dma_start3A_3294 = arith.constant 1152 : i32
      %dma_start3A_3295 = tpu.memref_slice %arg7[%dma_start3A_3293, %dma_start3A_3294] : memref<16x2048xf32, #tpu.memory_space<vmem>> -> memref<16x128xf32, #tpu.memory_space<vmem>>
      %dma_start3A_3296 = arith.constant 0 : i32
      %dma_start3A_3297 = tpu.memref_slice %arg3[%dma_start3A_3296, %multiple_of3A_3292] : memref<16x1000001xf32, #tpu.memory_space<hbm>> -> memref<16x128xf32, #tpu.memory_space<hbm>>
      %dma_start3A_3298 = arith.constant 0 : i32
      %dma_start3A_3299 = arith.constant 1152 : i32
      %dma_start3A_3300 = tpu.memref_slice %arg7[%dma_start3A_3298, %dma_start3A_3299] : memref<16x2048xf32, #tpu.memory_space<vmem>> -> memref<16x128xf32, #tpu.memory_space<vmem>>
      %dma_start3A_3301 = arith.constant 0 : i32
      %dma_start3A_3302 = tpu.memref_slice %arg3[%dma_start3A_3301, %multiple_of3A_3292] : memref<16x1000001xf32, #tpu.memory_space<hbm>> -> memref<16x128xf32, #tpu.memory_space<hbm>>
      tpu.enqueue_dma source(%dma_start3A_3302 : memref<16x128xf32, #tpu.memory_space<hbm>>) target(%dma_start3A_3300 : memref<16x128xf32, #tpu.memory_space<vmem>>) target_semaphore(%arg11 : memref<!tpu.dma_semaphore, #tpu.memory_space<semaphore_mem>>)
      %slice3A_3303 = vector.extract_strided_slice %get3A_2912 {offsets = [10], sizes = [1], strides = [1]} : vector<16xi32> to vector<1xi32>
      %squeeze3A_3304 = vector.extract %slice3A_3303[0] : i32 from vector<1xi32>
      %jit3A_3305 = arith.constant 128 : i32
      %div3A_3306 = arith.divsi %squeeze3A_3304, %jit3A_3305 : i32
      %sign3A_3307 = arith.constant 0 : i32
      %sign3A_3308 = arith.cmpi sgt, %squeeze3A_3304, %sign3A_3307 : i32
      %sign3A_3309 = arith.extui %sign3A_3308 : i1 to i32
      %sign3A_3310 = arith.constant 0 : i32
      %sign3A_3311 = arith.cmpi slt, %squeeze3A_3304, %sign3A_3310 : i32
      %sign3A_3312 = arith.extui %sign3A_3311 : i1 to i32
      %sign3A_3313 = arith.subi %sign3A_3309, %sign3A_3312 : i32
      %sign3A_3314 = arith.constant 0 : i32
      %sign3A_3315 = arith.cmpi sgt, %jit3A_3305, %sign3A_3314 : i32
      %sign3A_3316 = arith.extui %sign3A_3315 : i1 to i32
      %sign3A_3317 = arith.constant 0 : i32
      %sign3A_3318 = arith.cmpi slt, %jit3A_3305, %sign3A_3317 : i32
      %sign3A_3319 = arith.extui %sign3A_3318 : i1 to i32
      %sign3A_3320 = arith.subi %sign3A_3316, %sign3A_3319 : i32
      %ne3A_3321 = arith.cmpi ne, %sign3A_3313, %sign3A_3320 : i32
      %rem3A_3322 = arith.remsi %squeeze3A_3304, %jit3A_3305 : i32
      %ne3A_3323 = arith.constant 0 : i32
      %ne3A_3324 = arith.cmpi ne, %rem3A_3322, %ne3A_3323 : i32
      %and3A_3325 = arith.andi %ne3A_3321, %ne3A_3324 : i1
      %sub3A_3326 = arith.constant 1 : i32
      %sub3A_3327 = arith.subi %div3A_3306, %sub3A_3326 : i32
      %select_n3A_3328 = arith.select %and3A_3325, %sub3A_3327, %div3A_3306 : i32
      %mul3A_3329 = arith.constant 128 : i32
      %mul3A_3330 = arith.muli %select_n3A_3328, %mul3A_3329 : i32
      %multiple_of3A_3331 = tpu.assume_multiple %mul3A_3330, 128 : i32
      %dma_start3A_3332 = arith.constant 0 : i32
      %dma_start3A_3333 = arith.constant 1280 : i32
      %dma_start3A_3334 = tpu.memref_slice %arg7[%dma_start3A_3332, %dma_start3A_3333] : memref<16x2048xf32, #tpu.memory_space<vmem>> -> memref<16x128xf32, #tpu.memory_space<vmem>>
      %dma_start3A_3335 = arith.constant 0 : i32
      %dma_start3A_3336 = tpu.memref_slice %arg3[%dma_start3A_3335, %multiple_of3A_3331] : memref<16x1000001xf32, #tpu.memory_space<hbm>> -> memref<16x128xf32, #tpu.memory_space<hbm>>
      %dma_start3A_3337 = arith.constant 0 : i32
      %dma_start3A_3338 = arith.constant 1280 : i32
      %dma_start3A_3339 = tpu.memref_slice %arg7[%dma_start3A_3337, %dma_start3A_3338] : memref<16x2048xf32, #tpu.memory_space<vmem>> -> memref<16x128xf32, #tpu.memory_space<vmem>>
      %dma_start3A_3340 = arith.constant 0 : i32
      %dma_start3A_3341 = tpu.memref_slice %arg3[%dma_start3A_3340, %multiple_of3A_3331] : memref<16x1000001xf32, #tpu.memory_space<hbm>> -> memref<16x128xf32, #tpu.memory_space<hbm>>
      tpu.enqueue_dma source(%dma_start3A_3341 : memref<16x128xf32, #tpu.memory_space<hbm>>) target(%dma_start3A_3339 : memref<16x128xf32, #tpu.memory_space<vmem>>) target_semaphore(%arg11 : memref<!tpu.dma_semaphore, #tpu.memory_space<semaphore_mem>>)
      %slice3A_3342 = vector.extract_strided_slice %get3A_2912 {offsets = [11], sizes = [1], strides = [1]} : vector<16xi32> to vector<1xi32>
      %squeeze3A_3343 = vector.extract %slice3A_3342[0] : i32 from vector<1xi32>
      %jit3A_3344 = arith.constant 128 : i32
      %div3A_3345 = arith.divsi %squeeze3A_3343, %jit3A_3344 : i32
      %sign3A_3346 = arith.constant 0 : i32
      %sign3A_3347 = arith.cmpi sgt, %squeeze3A_3343, %sign3A_3346 : i32
      %sign3A_3348 = arith.extui %sign3A_3347 : i1 to i32
      %sign3A_3349 = arith.constant 0 : i32
      %sign3A_3350 = arith.cmpi slt, %squeeze3A_3343, %sign3A_3349 : i32
      %sign3A_3351 = arith.extui %sign3A_3350 : i1 to i32
      %sign3A_3352 = arith.subi %sign3A_3348, %sign3A_3351 : i32
      %sign3A_3353 = arith.constant 0 : i32
      %sign3A_3354 = arith.cmpi sgt, %jit3A_3344, %sign3A_3353 : i32
      %sign3A_3355 = arith.extui %sign3A_3354 : i1 to i32
      %sign3A_3356 = arith.constant 0 : i32
      %sign3A_3357 = arith.cmpi slt, %jit3A_3344, %sign3A_3356 : i32
      %sign3A_3358 = arith.extui %sign3A_3357 : i1 to i32
      %sign3A_3359 = arith.subi %sign3A_3355, %sign3A_3358 : i32
      %ne3A_3360 = arith.cmpi ne, %sign3A_3352, %sign3A_3359 : i32
      %rem3A_3361 = arith.remsi %squeeze3A_3343, %jit3A_3344 : i32
      %ne3A_3362 = arith.constant 0 : i32
      %ne3A_3363 = arith.cmpi ne, %rem3A_3361, %ne3A_3362 : i32
      %and3A_3364 = arith.andi %ne3A_3360, %ne3A_3363 : i1
      %sub3A_3365 = arith.constant 1 : i32
      %sub3A_3366 = arith.subi %div3A_3345, %sub3A_3365 : i32
      %select_n3A_3367 = arith.select %and3A_3364, %sub3A_3366, %div3A_3345 : i32
      %mul3A_3368 = arith.constant 128 : i32
      %mul3A_3369 = arith.muli %select_n3A_3367, %mul3A_3368 : i32
      %multiple_of3A_3370 = tpu.assume_multiple %mul3A_3369, 128 : i32
      %dma_start3A_3371 = arith.constant 0 : i32
      %dma_start3A_3372 = arith.constant 1408 : i32
      %dma_start3A_3373 = tpu.memref_slice %arg7[%dma_start3A_3371, %dma_start3A_3372] : memref<16x2048xf32, #tpu.memory_space<vmem>> -> memref<16x128xf32, #tpu.memory_space<vmem>>
      %dma_start3A_3374 = arith.constant 0 : i32
      %dma_start3A_3375 = tpu.memref_slice %arg3[%dma_start3A_3374, %multiple_of3A_3370] : memref<16x1000001xf32, #tpu.memory_space<hbm>> -> memref<16x128xf32, #tpu.memory_space<hbm>>
      %dma_start3A_3376 = arith.constant 0 : i32
      %dma_start3A_3377 = arith.constant 1408 : i32
      %dma_start3A_3378 = tpu.memref_slice %arg7[%dma_start3A_3376, %dma_start3A_3377] : memref<16x2048xf32, #tpu.memory_space<vmem>> -> memref<16x128xf32, #tpu.memory_space<vmem>>
      %dma_start3A_3379 = arith.constant 0 : i32
      %dma_start3A_3380 = tpu.memref_slice %arg3[%dma_start3A_3379, %multiple_of3A_3370] : memref<16x1000001xf32, #tpu.memory_space<hbm>> -> memref<16x128xf32, #tpu.memory_space<hbm>>
      tpu.enqueue_dma source(%dma_start3A_3380 : memref<16x128xf32, #tpu.memory_space<hbm>>) target(%dma_start3A_3378 : memref<16x128xf32, #tpu.memory_space<vmem>>) target_semaphore(%arg11 : memref<!tpu.dma_semaphore, #tpu.memory_space<semaphore_mem>>)
      %slice3A_3381 = vector.extract_strided_slice %get3A_2912 {offsets = [12], sizes = [1], strides = [1]} : vector<16xi32> to vector<1xi32>
      %squeeze3A_3382 = vector.extract %slice3A_3381[0] : i32 from vector<1xi32>
      %jit3A_3383 = arith.constant 128 : i32
      %div3A_3384 = arith.divsi %squeeze3A_3382, %jit3A_3383 : i32
      %sign3A_3385 = arith.constant 0 : i32
      %sign3A_3386 = arith.cmpi sgt, %squeeze3A_3382, %sign3A_3385 : i32
      %sign3A_3387 = arith.extui %sign3A_3386 : i1 to i32
      %sign3A_3388 = arith.constant 0 : i32
      %sign3A_3389 = arith.cmpi slt, %squeeze3A_3382, %sign3A_3388 : i32
      %sign3A_3390 = arith.extui %sign3A_3389 : i1 to i32
      %sign3A_3391 = arith.subi %sign3A_3387, %sign3A_3390 : i32
      %sign3A_3392 = arith.constant 0 : i32
      %sign3A_3393 = arith.cmpi sgt, %jit3A_3383, %sign3A_3392 : i32
      %sign3A_3394 = arith.extui %sign3A_3393 : i1 to i32
      %sign3A_3395 = arith.constant 0 : i32
      %sign3A_3396 = arith.cmpi slt, %jit3A_3383, %sign3A_3395 : i32
      %sign3A_3397 = arith.extui %sign3A_3396 : i1 to i32
      %sign3A_3398 = arith.subi %sign3A_3394, %sign3A_3397 : i32
      %ne3A_3399 = arith.cmpi ne, %sign3A_3391, %sign3A_3398 : i32
      %rem3A_3400 = arith.remsi %squeeze3A_3382, %jit3A_3383 : i32
      %ne3A_3401 = arith.constant 0 : i32
      %ne3A_3402 = arith.cmpi ne, %rem3A_3400, %ne3A_3401 : i32
      %and3A_3403 = arith.andi %ne3A_3399, %ne3A_3402 : i1
      %sub3A_3404 = arith.constant 1 : i32
      %sub3A_3405 = arith.subi %div3A_3384, %sub3A_3404 : i32
      %select_n3A_3406 = arith.select %and3A_3403, %sub3A_3405, %div3A_3384 : i32
      %mul3A_3407 = arith.constant 128 : i32
      %mul3A_3408 = arith.muli %select_n3A_3406, %mul3A_3407 : i32
      %multiple_of3A_3409 = tpu.assume_multiple %mul3A_3408, 128 : i32
      %dma_start3A_3410 = arith.constant 0 : i32
      %dma_start3A_3411 = arith.constant 1536 : i32
      %dma_start3A_3412 = tpu.memref_slice %arg7[%dma_start3A_3410, %dma_start3A_3411] : memref<16x2048xf32, #tpu.memory_space<vmem>> -> memref<16x128xf32, #tpu.memory_space<vmem>>
      %dma_start3A_3413 = arith.constant 0 : i32
      %dma_start3A_3414 = tpu.memref_slice %arg3[%dma_start3A_3413, %multiple_of3A_3409] : memref<16x1000001xf32, #tpu.memory_space<hbm>> -> memref<16x128xf32, #tpu.memory_space<hbm>>
      %dma_start3A_3415 = arith.constant 0 : i32
      %dma_start3A_3416 = arith.constant 1536 : i32
      %dma_start3A_3417 = tpu.memref_slice %arg7[%dma_start3A_3415, %dma_start3A_3416] : memref<16x2048xf32, #tpu.memory_space<vmem>> -> memref<16x128xf32, #tpu.memory_space<vmem>>
      %dma_start3A_3418 = arith.constant 0 : i32
      %dma_start3A_3419 = tpu.memref_slice %arg3[%dma_start3A_3418, %multiple_of3A_3409] : memref<16x1000001xf32, #tpu.memory_space<hbm>> -> memref<16x128xf32, #tpu.memory_space<hbm>>
      tpu.enqueue_dma source(%dma_start3A_3419 : memref<16x128xf32, #tpu.memory_space<hbm>>) target(%dma_start3A_3417 : memref<16x128xf32, #tpu.memory_space<vmem>>) target_semaphore(%arg11 : memref<!tpu.dma_semaphore, #tpu.memory_space<semaphore_mem>>)
      %slice3A_3420 = vector.extract_strided_slice %get3A_2912 {offsets = [13], sizes = [1], strides = [1]} : vector<16xi32> to vector<1xi32>
      %squeeze3A_3421 = vector.extract %slice3A_3420[0] : i32 from vector<1xi32>
      %jit3A_3422 = arith.constant 128 : i32
      %div3A_3423 = arith.divsi %squeeze3A_3421, %jit3A_3422 : i32
      %sign3A_3424 = arith.constant 0 : i32
      %sign3A_3425 = arith.cmpi sgt, %squeeze3A_3421, %sign3A_3424 : i32
      %sign3A_3426 = arith.extui %sign3A_3425 : i1 to i32
      %sign3A_3427 = arith.constant 0 : i32
      %sign3A_3428 = arith.cmpi slt, %squeeze3A_3421, %sign3A_3427 : i32
      %sign3A_3429 = arith.extui %sign3A_3428 : i1 to i32
      %sign3A_3430 = arith.subi %sign3A_3426, %sign3A_3429 : i32
      %sign3A_3431 = arith.constant 0 : i32
      %sign3A_3432 = arith.cmpi sgt, %jit3A_3422, %sign3A_3431 : i32
      %sign3A_3433 = arith.extui %sign3A_3432 : i1 to i32
      %sign3A_3434 = arith.constant 0 : i32
      %sign3A_3435 = arith.cmpi slt, %jit3A_3422, %sign3A_3434 : i32
      %sign3A_3436 = arith.extui %sign3A_3435 : i1 to i32
      %sign3A_3437 = arith.subi %sign3A_3433, %sign3A_3436 : i32
      %ne3A_3438 = arith.cmpi ne, %sign3A_3430, %sign3A_3437 : i32
      %rem3A_3439 = arith.remsi %squeeze3A_3421, %jit3A_3422 : i32
      %ne3A_3440 = arith.constant 0 : i32
      %ne3A_3441 = arith.cmpi ne, %rem3A_3439, %ne3A_3440 : i32
      %and3A_3442 = arith.andi %ne3A_3438, %ne3A_3441 : i1
      %sub3A_3443 = arith.constant 1 : i32
      %sub3A_3444 = arith.subi %div3A_3423, %sub3A_3443 : i32
      %select_n3A_3445 = arith.select %and3A_3442, %sub3A_3444, %div3A_3423 : i32
      %mul3A_3446 = arith.constant 128 : i32
      %mul3A_3447 = arith.muli %select_n3A_3445, %mul3A_3446 : i32
      %multiple_of3A_3448 = tpu.assume_multiple %mul3A_3447, 128 : i32
      %dma_start3A_3449 = arith.constant 0 : i32
      %dma_start3A_3450 = arith.constant 1664 : i32
      %dma_start3A_3451 = tpu.memref_slice %arg7[%dma_start3A_3449, %dma_start3A_3450] : memref<16x2048xf32, #tpu.memory_space<vmem>> -> memref<16x128xf32, #tpu.memory_space<vmem>>
      %dma_start3A_3452 = arith.constant 0 : i32
      %dma_start3A_3453 = tpu.memref_slice %arg3[%dma_start3A_3452, %multiple_of3A_3448] : memref<16x1000001xf32, #tpu.memory_space<hbm>> -> memref<16x128xf32, #tpu.memory_space<hbm>>
      %dma_start3A_3454 = arith.constant 0 : i32
      %dma_start3A_3455 = arith.constant 1664 : i32
      %dma_start3A_3456 = tpu.memref_slice %arg7[%dma_start3A_3454, %dma_start3A_3455] : memref<16x2048xf32, #tpu.memory_space<vmem>> -> memref<16x128xf32, #tpu.memory_space<vmem>>
      %dma_start3A_3457 = arith.constant 0 : i32
      %dma_start3A_3458 = tpu.memref_slice %arg3[%dma_start3A_3457, %multiple_of3A_3448] : memref<16x1000001xf32, #tpu.memory_space<hbm>> -> memref<16x128xf32, #tpu.memory_space<hbm>>
      tpu.enqueue_dma source(%dma_start3A_3458 : memref<16x128xf32, #tpu.memory_space<hbm>>) target(%dma_start3A_3456 : memref<16x128xf32, #tpu.memory_space<vmem>>) target_semaphore(%arg11 : memref<!tpu.dma_semaphore, #tpu.memory_space<semaphore_mem>>)
      %slice3A_3459 = vector.extract_strided_slice %get3A_2912 {offsets = [14], sizes = [1], strides = [1]} : vector<16xi32> to vector<1xi32>
      %squeeze3A_3460 = vector.extract %slice3A_3459[0] : i32 from vector<1xi32>
      %jit3A_3461 = arith.constant 128 : i32
      %div3A_3462 = arith.divsi %squeeze3A_3460, %jit3A_3461 : i32
      %sign3A_3463 = arith.constant 0 : i32
      %sign3A_3464 = arith.cmpi sgt, %squeeze3A_3460, %sign3A_3463 : i32
      %sign3A_3465 = arith.extui %sign3A_3464 : i1 to i32
      %sign3A_3466 = arith.constant 0 : i32
      %sign3A_3467 = arith.cmpi slt, %squeeze3A_3460, %sign3A_3466 : i32
      %sign3A_3468 = arith.extui %sign3A_3467 : i1 to i32
      %sign3A_3469 = arith.subi %sign3A_3465, %sign3A_3468 : i32
      %sign3A_3470 = arith.constant 0 : i32
      %sign3A_3471 = arith.cmpi sgt, %jit3A_3461, %sign3A_3470 : i32
      %sign3A_3472 = arith.extui %sign3A_3471 : i1 to i32
      %sign3A_3473 = arith.constant 0 : i32
      %sign3A_3474 = arith.cmpi slt, %jit3A_3461, %sign3A_3473 : i32
      %sign3A_3475 = arith.extui %sign3A_3474 : i1 to i32
      %sign3A_3476 = arith.subi %sign3A_3472, %sign3A_3475 : i32
      %ne3A_3477 = arith.cmpi ne, %sign3A_3469, %sign3A_3476 : i32
      %rem3A_3478 = arith.remsi %squeeze3A_3460, %jit3A_3461 : i32
      %ne3A_3479 = arith.constant 0 : i32
      %ne3A_3480 = arith.cmpi ne, %rem3A_3478, %ne3A_3479 : i32
      %and3A_3481 = arith.andi %ne3A_3477, %ne3A_3480 : i1
      %sub3A_3482 = arith.constant 1 : i32
      %sub3A_3483 = arith.subi %div3A_3462, %sub3A_3482 : i32
      %select_n3A_3484 = arith.select %and3A_3481, %sub3A_3483, %div3A_3462 : i32
      %mul3A_3485 = arith.constant 128 : i32
      %mul3A_3486 = arith.muli %select_n3A_3484, %mul3A_3485 : i32
      %multiple_of3A_3487 = tpu.assume_multiple %mul3A_3486, 128 : i32
      %dma_start3A_3488 = arith.constant 0 : i32
      %dma_start3A_3489 = arith.constant 1792 : i32
      %dma_start3A_3490 = tpu.memref_slice %arg7[%dma_start3A_3488, %dma_start3A_3489] : memref<16x2048xf32, #tpu.memory_space<vmem>> -> memref<16x128xf32, #tpu.memory_space<vmem>>
      %dma_start3A_3491 = arith.constant 0 : i32
      %dma_start3A_3492 = tpu.memref_slice %arg3[%dma_start3A_3491, %multiple_of3A_3487] : memref<16x1000001xf32, #tpu.memory_space<hbm>> -> memref<16x128xf32, #tpu.memory_space<hbm>>
      %dma_start3A_3493 = arith.constant 0 : i32
      %dma_start3A_3494 = arith.constant 1792 : i32
      %dma_start3A_3495 = tpu.memref_slice %arg7[%dma_start3A_3493, %dma_start3A_3494] : memref<16x2048xf32, #tpu.memory_space<vmem>> -> memref<16x128xf32, #tpu.memory_space<vmem>>
      %dma_start3A_3496 = arith.constant 0 : i32
      %dma_start3A_3497 = tpu.memref_slice %arg3[%dma_start3A_3496, %multiple_of3A_3487] : memref<16x1000001xf32, #tpu.memory_space<hbm>> -> memref<16x128xf32, #tpu.memory_space<hbm>>
      tpu.enqueue_dma source(%dma_start3A_3497 : memref<16x128xf32, #tpu.memory_space<hbm>>) target(%dma_start3A_3495 : memref<16x128xf32, #tpu.memory_space<vmem>>) target_semaphore(%arg11 : memref<!tpu.dma_semaphore, #tpu.memory_space<semaphore_mem>>)
      %slice3A_3498 = vector.extract_strided_slice %get3A_2912 {offsets = [15], sizes = [1], strides = [1]} : vector<16xi32> to vector<1xi32>
      %squeeze3A_3499 = vector.extract %slice3A_3498[0] : i32 from vector<1xi32>
      %jit3A_3500 = arith.constant 128 : i32
      %div3A_3501 = arith.divsi %squeeze3A_3499, %jit3A_3500 : i32
      %sign3A_3502 = arith.constant 0 : i32
      %sign3A_3503 = arith.cmpi sgt, %squeeze3A_3499, %sign3A_3502 : i32
      %sign3A_3504 = arith.extui %sign3A_3503 : i1 to i32
      %sign3A_3505 = arith.constant 0 : i32
      %sign3A_3506 = arith.cmpi slt, %squeeze3A_3499, %sign3A_3505 : i32
      %sign3A_3507 = arith.extui %sign3A_3506 : i1 to i32
      %sign3A_3508 = arith.subi %sign3A_3504, %sign3A_3507 : i32
      %sign3A_3509 = arith.constant 0 : i32
      %sign3A_3510 = arith.cmpi sgt, %jit3A_3500, %sign3A_3509 : i32
      %sign3A_3511 = arith.extui %sign3A_3510 : i1 to i32
      %sign3A_3512 = arith.constant 0 : i32
      %sign3A_3513 = arith.cmpi slt, %jit3A_3500, %sign3A_3512 : i32
      %sign3A_3514 = arith.extui %sign3A_3513 : i1 to i32
      %sign3A_3515 = arith.subi %sign3A_3511, %sign3A_3514 : i32
      %ne3A_3516 = arith.cmpi ne, %sign3A_3508, %sign3A_3515 : i32
      %rem3A_3517 = arith.remsi %squeeze3A_3499, %jit3A_3500 : i32
      %ne3A_3518 = arith.constant 0 : i32
      %ne3A_3519 = arith.cmpi ne, %rem3A_3517, %ne3A_3518 : i32
      %and3A_3520 = arith.andi %ne3A_3516, %ne3A_3519 : i1
      %sub3A_3521 = arith.constant 1 : i32
      %sub3A_3522 = arith.subi %div3A_3501, %sub3A_3521 : i32
      %select_n3A_3523 = arith.select %and3A_3520, %sub3A_3522, %div3A_3501 : i32
      %mul3A_3524 = arith.constant 128 : i32
      %mul3A_3525 = arith.muli %select_n3A_3523, %mul3A_3524 : i32
      %multiple_of3A_3526 = tpu.assume_multiple %mul3A_3525, 128 : i32
      %dma_start3A_3527 = arith.constant 0 : i32
      %dma_start3A_3528 = arith.constant 1920 : i32
      %dma_start3A_3529 = tpu.memref_slice %arg7[%dma_start3A_3527, %dma_start3A_3528] : memref<16x2048xf32, #tpu.memory_space<vmem>> -> memref<16x128xf32, #tpu.memory_space<vmem>>
      %dma_start3A_3530 = arith.constant 0 : i32
      %dma_start3A_3531 = tpu.memref_slice %arg3[%dma_start3A_3530, %multiple_of3A_3526] : memref<16x1000001xf32, #tpu.memory_space<hbm>> -> memref<16x128xf32, #tpu.memory_space<hbm>>
      %dma_start3A_3532 = arith.constant 0 : i32
      %dma_start3A_3533 = arith.constant 1920 : i32
      %dma_start3A_3534 = tpu.memref_slice %arg7[%dma_start3A_3532, %dma_start3A_3533] : memref<16x2048xf32, #tpu.memory_space<vmem>> -> memref<16x128xf32, #tpu.memory_space<vmem>>
      %dma_start3A_3535 = arith.constant 0 : i32
      %dma_start3A_3536 = tpu.memref_slice %arg3[%dma_start3A_3535, %multiple_of3A_3526] : memref<16x1000001xf32, #tpu.memory_space<hbm>> -> memref<16x128xf32, #tpu.memory_space<hbm>>
      tpu.enqueue_dma source(%dma_start3A_3536 : memref<16x128xf32, #tpu.memory_space<hbm>>) target(%dma_start3A_3534 : memref<16x128xf32, #tpu.memory_space<vmem>>) target_semaphore(%arg11 : memref<!tpu.dma_semaphore, #tpu.memory_space<semaphore_mem>>)
      %add3A_3537 = arith.constant 2 : i32
      %add3A_3538 = arith.addi %mul3A_1442, %add3A_3537 : i32
      %dma_wait3A_3539 = arith.constant 0 : i32
      %dma_wait3A_3540 = arith.constant 0 : i32
      %dma_wait3A_3541 = tpu.memref_slice %arg3[%dma_wait3A_3539, %dma_wait3A_3540] : memref<16x1000001xf32, #tpu.memory_space<hbm>> -> memref<16x2048xf32, #tpu.memory_space<hbm>>
      %dma_wait3A_3542 = arith.constant 0 : i32
      %dma_wait3A_3543 = arith.constant 0 : i32
      %dma_wait3A_3544 = tpu.memref_slice %arg3[%dma_wait3A_3542, %dma_wait3A_3543] : memref<16x1000001xf32, #tpu.memory_space<hbm>> -> memref<16x2048xf32, #tpu.memory_space<hbm>>
      tpu.wait_dma2 semaphore(%arg12 : memref<!tpu.dma_semaphore, #tpu.memory_space<semaphore_mem>>) src(%dma_wait3A_3544 : memref<16x2048xf32, #tpu.memory_space<hbm>>) dst(%arg8 : memref<16x2048xf32, #tpu.memory_space<vmem>>)
      %mul3A_3545 = arith.constant 16 : i32
      %mul3A_3546 = arith.muli %add3A_3538, %mul3A_3545 : i32
      %get3A_3547 = arith.index_cast %mul3A_3546 : i32 to index
      %get3A_3548 = tpu.vector_load %arg5[%get3A_3547] {strides = array<i32>} : memref<512xi32, #tpu.memory_space<vmem>>, vector<16xi32>,
      %mul3A_3549 = arith.constant 128 : i32
      %mul3A_3550 = vector.broadcast %mul3A_3549 : i32 to vector<16xi32>
      %mul3A_3551 = arith.muli %iota3A, %mul3A_3550 : vector<16xi32>
      %jit3A_3552 = arith.constant 128 : i32
      %div3A_3553 = vector.broadcast %jit3A_3552 : i32 to vector<16xi32>
      %div3A_3554 = arith.divsi %get3A_3548, %div3A_3553 : vector<16xi32>
      %sign3A_3555 = arith.constant 0 : i32
      %sign3A_3556 = vector.broadcast %sign3A_3555 : i32 to vector<16xi32>
      %sign3A_3557 = arith.cmpi sgt, %get3A_3548, %sign3A_3556 : vector<16xi32>
      %sign3A_3558 = arith.extui %sign3A_3557 : vector<16xi1> to vector<16xi32>
      %sign3A_3559 = arith.constant 0 : i32
      %sign3A_3560 = vector.broadcast %sign3A_3559 : i32 to vector<16xi32>
      %sign3A_3561 = arith.cmpi slt, %get3A_3548, %sign3A_3560 : vector<16xi32>
      %sign3A_3562 = arith.extui %sign3A_3561 : vector<16xi1> to vector<16xi32>
      %sign3A_3563 = arith.subi %sign3A_3558, %sign3A_3562 : vector<16xi32>
      %sign3A_3564 = arith.constant 0 : i32
      %sign3A_3565 = arith.cmpi sgt, %jit3A_3552, %sign3A_3564 : i32
      %sign3A_3566 = arith.extui %sign3A_3565 : i1 to i32
      %sign3A_3567 = arith.constant 0 : i32
      %sign3A_3568 = arith.cmpi slt, %jit3A_3552, %sign3A_3567 : i32
      %sign3A_3569 = arith.extui %sign3A_3568 : i1 to i32
      %sign3A_3570 = arith.subi %sign3A_3566, %sign3A_3569 : i32
      %ne3A_3571 = vector.broadcast %sign3A_3570 : i32 to vector<16xi32>
      %ne3A_3572 = arith.cmpi ne, %sign3A_3563, %ne3A_3571 : vector<16xi32>
      %rem3A_3573 = vector.broadcast %jit3A_3552 : i32 to vector<16xi32>
      %rem3A_3574 = arith.remsi %get3A_3548, %rem3A_3573 : vector<16xi32>
      %ne3A_3575 = arith.constant 0 : i32
      %ne3A_3576 = vector.broadcast %ne3A_3575 : i32 to vector<16xi32>
      %ne3A_3577 = arith.cmpi ne, %rem3A_3574, %ne3A_3576 : vector<16xi32>
      %and3A_3578 = arith.andi %ne3A_3572, %ne3A_3577 : vector<16xi1>
      %sub3A_3579 = arith.constant 1 : i32
      %sub3A_3580 = vector.broadcast %sub3A_3579 : i32 to vector<16xi32>
      %sub3A_3581 = arith.subi %div3A_3554, %sub3A_3580 : vector<16xi32>
      %select_n3A_3582 = arith.select %and3A_3578, %sub3A_3581, %div3A_3554 : vector<16xi1>, vector<16xi32>
      %mul3A_3583 = arith.constant 128 : i32
      %mul3A_3584 = vector.broadcast %mul3A_3583 : i32 to vector<16xi32>
      %mul3A_3585 = arith.muli %select_n3A_3582, %mul3A_3584 : vector<16xi32>
      %sub3A_3586 = arith.subi %get3A_3548, %mul3A_3585 : vector<16xi32>
      %add3A_3587 = arith.addi %mul3A_3551, %sub3A_3586 : vector<16xi32>
      %mul3A_3588 = arith.constant 16 : i32
      %mul3A_3589 = arith.muli %add3A_3538, %mul3A_3588 : i32
      %add3A_3590 = vector.broadcast %mul3A_3589 : i32 to vector<16xi32>
      %add3A_3591 = arith.addi %add3A_3590, %iota3A : vector<16xi32>
      %broadcast_in_dim3A_3592 = arith.constant 0 : i32
      %broadcast_in_dim3A_3593 = vector.broadcast %broadcast_in_dim3A_3592 : i32 to vector<16xi32>
      %gather3A_3594 = tpu.vector_load_idx %arg8[%broadcast_in_dim3A_3593, %add3A_3587] : memref<16x2048xf32, #tpu.memory_space<vmem>>[vector<16xi32>, vector<16xi32>], vector<16xf32>,
      tpu.vector_store_idx %arg9[%broadcast_in_dim3A_3593, %add3A_3591], %gather3A_3594 : memref<16x512xf32, #tpu.memory_space<vmem>>[vector<16xi32>, vector<16xi32>], vector<16xf32>,
      %broadcast_in_dim3A_3595 = arith.constant 1 : i32
      %broadcast_in_dim3A_3596 = vector.broadcast %broadcast_in_dim3A_3595 : i32 to vector<16xi32>
      %gather3A_3597 = tpu.vector_load_idx %arg8[%broadcast_in_dim3A_3596, %add3A_3587] : memref<16x2048xf32, #tpu.memory_space<vmem>>[vector<16xi32>, vector<16xi32>], vector<16xf32>,
      tpu.vector_store_idx %arg9[%broadcast_in_dim3A_3596, %add3A_3591], %gather3A_3597 : memref<16x512xf32, #tpu.memory_space<vmem>>[vector<16xi32>, vector<16xi32>], vector<16xf32>,
      %broadcast_in_dim3A_3598 = arith.constant 2 : i32
      %broadcast_in_dim3A_3599 = vector.broadcast %broadcast_in_dim3A_3598 : i32 to vector<16xi32>
      %gather3A_3600 = tpu.vector_load_idx %arg8[%broadcast_in_dim3A_3599, %add3A_3587] : memref<16x2048xf32, #tpu.memory_space<vmem>>[vector<16xi32>, vector<16xi32>], vector<16xf32>,
      tpu.vector_store_idx %arg9[%broadcast_in_dim3A_3599, %add3A_3591], %gather3A_3600 : memref<16x512xf32, #tpu.memory_space<vmem>>[vector<16xi32>, vector<16xi32>], vector<16xf32>,
      %broadcast_in_dim3A_3601 = arith.constant 3 : i32
      %broadcast_in_dim3A_3602 = vector.broadcast %broadcast_in_dim3A_3601 : i32 to vector<16xi32>
      %gather3A_3603 = tpu.vector_load_idx %arg8[%broadcast_in_dim3A_3602, %add3A_3587] : memref<16x2048xf32, #tpu.memory_space<vmem>>[vector<16xi32>, vector<16xi32>], vector<16xf32>,
      tpu.vector_store_idx %arg9[%broadcast_in_dim3A_3602, %add3A_3591], %gather3A_3603 : memref<16x512xf32, #tpu.memory_space<vmem>>[vector<16xi32>, vector<16xi32>], vector<16xf32>,
      %broadcast_in_dim3A_3604 = arith.constant 4 : i32
      %broadcast_in_dim3A_3605 = vector.broadcast %broadcast_in_dim3A_3604 : i32 to vector<16xi32>
      %gather3A_3606 = tpu.vector_load_idx %arg8[%broadcast_in_dim3A_3605, %add3A_3587] : memref<16x2048xf32, #tpu.memory_space<vmem>>[vector<16xi32>, vector<16xi32>], vector<16xf32>,
      tpu.vector_store_idx %arg9[%broadcast_in_dim3A_3605, %add3A_3591], %gather3A_3606 : memref<16x512xf32, #tpu.memory_space<vmem>>[vector<16xi32>, vector<16xi32>], vector<16xf32>,
      %broadcast_in_dim3A_3607 = arith.constant 5 : i32
      %broadcast_in_dim3A_3608 = vector.broadcast %broadcast_in_dim3A_3607 : i32 to vector<16xi32>
      %gather3A_3609 = tpu.vector_load_idx %arg8[%broadcast_in_dim3A_3608, %add3A_3587] : memref<16x2048xf32, #tpu.memory_space<vmem>>[vector<16xi32>, vector<16xi32>], vector<16xf32>,
      tpu.vector_store_idx %arg9[%broadcast_in_dim3A_3608, %add3A_3591], %gather3A_3609 : memref<16x512xf32, #tpu.memory_space<vmem>>[vector<16xi32>, vector<16xi32>], vector<16xf32>,
      %broadcast_in_dim3A_3610 = arith.constant 6 : i32
      %broadcast_in_dim3A_3611 = vector.broadcast %broadcast_in_dim3A_3610 : i32 to vector<16xi32>
      %gather3A_3612 = tpu.vector_load_idx %arg8[%broadcast_in_dim3A_3611, %add3A_3587] : memref<16x2048xf32, #tpu.memory_space<vmem>>[vector<16xi32>, vector<16xi32>], vector<16xf32>,
      tpu.vector_store_idx %arg9[%broadcast_in_dim3A_3611, %add3A_3591], %gather3A_3612 : memref<16x512xf32, #tpu.memory_space<vmem>>[vector<16xi32>, vector<16xi32>], vector<16xf32>,
      %broadcast_in_dim3A_3613 = arith.constant 7 : i32
      %broadcast_in_dim3A_3614 = vector.broadcast %broadcast_in_dim3A_3613 : i32 to vector<16xi32>
      %gather3A_3615 = tpu.vector_load_idx %arg8[%broadcast_in_dim3A_3614, %add3A_3587] : memref<16x2048xf32, #tpu.memory_space<vmem>>[vector<16xi32>, vector<16xi32>], vector<16xf32>,
      tpu.vector_store_idx %arg9[%broadcast_in_dim3A_3614, %add3A_3591], %gather3A_3615 : memref<16x512xf32, #tpu.memory_space<vmem>>[vector<16xi32>, vector<16xi32>], vector<16xf32>,
      %broadcast_in_dim3A_3616 = arith.constant 8 : i32
      %broadcast_in_dim3A_3617 = vector.broadcast %broadcast_in_dim3A_3616 : i32 to vector<16xi32>
      %gather3A_3618 = tpu.vector_load_idx %arg8[%broadcast_in_dim3A_3617, %add3A_3587] : memref<16x2048xf32, #tpu.memory_space<vmem>>[vector<16xi32>, vector<16xi32>], vector<16xf32>,
      tpu.vector_store_idx %arg9[%broadcast_in_dim3A_3617, %add3A_3591], %gather3A_3618 : memref<16x512xf32, #tpu.memory_space<vmem>>[vector<16xi32>, vector<16xi32>], vector<16xf32>,
      %broadcast_in_dim3A_3619 = arith.constant 9 : i32
      %broadcast_in_dim3A_3620 = vector.broadcast %broadcast_in_dim3A_3619 : i32 to vector<16xi32>
      %gather3A_3621 = tpu.vector_load_idx %arg8[%broadcast_in_dim3A_3620, %add3A_3587] : memref<16x2048xf32, #tpu.memory_space<vmem>>[vector<16xi32>, vector<16xi32>], vector<16xf32>,
      tpu.vector_store_idx %arg9[%broadcast_in_dim3A_3620, %add3A_3591], %gather3A_3621 : memref<16x512xf32, #tpu.memory_space<vmem>>[vector<16xi32>, vector<16xi32>], vector<16xf32>,
      %broadcast_in_dim3A_3622 = arith.constant 10 : i32
      %broadcast_in_dim3A_3623 = vector.broadcast %broadcast_in_dim3A_3622 : i32 to vector<16xi32>
      %gather3A_3624 = tpu.vector_load_idx %arg8[%broadcast_in_dim3A_3623, %add3A_3587] : memref<16x2048xf32, #tpu.memory_space<vmem>>[vector<16xi32>, vector<16xi32>], vector<16xf32>,
      tpu.vector_store_idx %arg9[%broadcast_in_dim3A_3623, %add3A_3591], %gather3A_3624 : memref<16x512xf32, #tpu.memory_space<vmem>>[vector<16xi32>, vector<16xi32>], vector<16xf32>,
      %broadcast_in_dim3A_3625 = arith.constant 11 : i32
      %broadcast_in_dim3A_3626 = vector.broadcast %broadcast_in_dim3A_3625 : i32 to vector<16xi32>
      %gather3A_3627 = tpu.vector_load_idx %arg8[%broadcast_in_dim3A_3626, %add3A_3587] : memref<16x2048xf32, #tpu.memory_space<vmem>>[vector<16xi32>, vector<16xi32>], vector<16xf32>,
      tpu.vector_store_idx %arg9[%broadcast_in_dim3A_3626, %add3A_3591], %gather3A_3627 : memref<16x512xf32, #tpu.memory_space<vmem>>[vector<16xi32>, vector<16xi32>], vector<16xf32>,
      %broadcast_in_dim3A_3628 = arith.constant 12 : i32
      %broadcast_in_dim3A_3629 = vector.broadcast %broadcast_in_dim3A_3628 : i32 to vector<16xi32>
      %gather3A_3630 = tpu.vector_load_idx %arg8[%broadcast_in_dim3A_3629, %add3A_3587] : memref<16x2048xf32, #tpu.memory_space<vmem>>[vector<16xi32>, vector<16xi32>], vector<16xf32>,
      tpu.vector_store_idx %arg9[%broadcast_in_dim3A_3629, %add3A_3591], %gather3A_3630 : memref<16x512xf32, #tpu.memory_space<vmem>>[vector<16xi32>, vector<16xi32>], vector<16xf32>,
      %broadcast_in_dim3A_3631 = arith.constant 13 : i32
      %broadcast_in_dim3A_3632 = vector.broadcast %broadcast_in_dim3A_3631 : i32 to vector<16xi32>
      %gather3A_3633 = tpu.vector_load_idx %arg8[%broadcast_in_dim3A_3632, %add3A_3587] : memref<16x2048xf32, #tpu.memory_space<vmem>>[vector<16xi32>, vector<16xi32>], vector<16xf32>,
      tpu.vector_store_idx %arg9[%broadcast_in_dim3A_3632, %add3A_3591], %gather3A_3633 : memref<16x512xf32, #tpu.memory_space<vmem>>[vector<16xi32>, vector<16xi32>], vector<16xf32>,
      %broadcast_in_dim3A_3634 = arith.constant 14 : i32
      %broadcast_in_dim3A_3635 = vector.broadcast %broadcast_in_dim3A_3634 : i32 to vector<16xi32>
      %gather3A_3636 = tpu.vector_load_idx %arg8[%broadcast_in_dim3A_3635, %add3A_3587] : memref<16x2048xf32, #tpu.memory_space<vmem>>[vector<16xi32>, vector<16xi32>], vector<16xf32>,
      tpu.vector_store_idx %arg9[%broadcast_in_dim3A_3635, %add3A_3591], %gather3A_3636 : memref<16x512xf32, #tpu.memory_space<vmem>>[vector<16xi32>, vector<16xi32>], vector<16xf32>,
      %broadcast_in_dim3A_3637 = arith.constant 15 : i32
      %broadcast_in_dim3A_3638 = vector.broadcast %broadcast_in_dim3A_3637 : i32 to vector<16xi32>
      %gather3A_3639 = tpu.vector_load_idx %arg8[%broadcast_in_dim3A_3638, %add3A_3587] : memref<16x2048xf32, #tpu.memory_space<vmem>>[vector<16xi32>, vector<16xi32>], vector<16xf32>,
      tpu.vector_store_idx %arg9[%broadcast_in_dim3A_3638, %add3A_3591], %gather3A_3639 : memref<16x512xf32, #tpu.memory_space<vmem>>[vector<16xi32>, vector<16xi32>], vector<16xf32>,
    }
    %scan3A_1246 = arith.constant 10 : i32
    %dma_wait3A = arith.constant 0 : i32
    %dma_wait3A_1247 = arith.constant 0 : i32
    %dma_wait3A_1248 = tpu.memref_slice %arg3[%dma_wait3A, %dma_wait3A_1247] : memref<16x1000001xf32, #tpu.memory_space<hbm>> -> memref<16x2048xf32, #tpu.memory_space<hbm>>
    %dma_wait3A_1249 = arith.constant 0 : i32
    %dma_wait3A_1250 = arith.constant 0 : i32
    %dma_wait3A_1251 = tpu.memref_slice %arg3[%dma_wait3A_1249, %dma_wait3A_1250] : memref<16x1000001xf32, #tpu.memory_space<hbm>> -> memref<16x2048xf32, #tpu.memory_space<hbm>>
    tpu.wait_dma2 semaphore(%arg10 : memref<!tpu.dma_semaphore, #tpu.memory_space<semaphore_mem>>) src(%dma_wait3A_1251 : memref<16x2048xf32, #tpu.memory_space<hbm>>) dst(%arg6 : memref<16x2048xf32, #tpu.memory_space<vmem>>)
    %get3A_1252 = arith.constant 480 : index
    %get3A_1253 = tpu.vector_load %arg5[%get3A_1252] {strides = array<i32>} : memref<512xi32, #tpu.memory_space<vmem>>, vector<16xi32>,
    %mul3A_1254 = arith.constant 128 : i32
    %mul3A_1255 = vector.broadcast %mul3A_1254 : i32 to vector<16xi32>
    %mul3A_1256 = arith.muli %iota3A, %mul3A_1255 : vector<16xi32>
    %jit3A_1257 = arith.constant 128 : i32
    %div3A_1258 = vector.broadcast %jit3A_1257 : i32 to vector<16xi32>
    %div3A_1259 = arith.divsi %get3A_1253, %div3A_1258 : vector<16xi32>
    %sign3A_1260 = arith.constant 0 : i32
    %sign3A_1261 = vector.broadcast %sign3A_1260 : i32 to vector<16xi32>
    %sign3A_1262 = arith.cmpi sgt, %get3A_1253, %sign3A_1261 : vector<16xi32>
    %sign3A_1263 = arith.extui %sign3A_1262 : vector<16xi1> to vector<16xi32>
    %sign3A_1264 = arith.constant 0 : i32
    %sign3A_1265 = vector.broadcast %sign3A_1264 : i32 to vector<16xi32>
    %sign3A_1266 = arith.cmpi slt, %get3A_1253, %sign3A_1265 : vector<16xi32>
    %sign3A_1267 = arith.extui %sign3A_1266 : vector<16xi1> to vector<16xi32>
    %sign3A_1268 = arith.subi %sign3A_1263, %sign3A_1267 : vector<16xi32>
    %sign3A_1269 = arith.constant 0 : i32
    %sign3A_1270 = arith.cmpi sgt, %jit3A_1257, %sign3A_1269 : i32
    %sign3A_1271 = arith.extui %sign3A_1270 : i1 to i32
    %sign3A_1272 = arith.constant 0 : i32
    %sign3A_1273 = arith.cmpi slt, %jit3A_1257, %sign3A_1272 : i32
    %sign3A_1274 = arith.extui %sign3A_1273 : i1 to i32
    %sign3A_1275 = arith.subi %sign3A_1271, %sign3A_1274 : i32
    %ne3A_1276 = vector.broadcast %sign3A_1275 : i32 to vector<16xi32>
    %ne3A_1277 = arith.cmpi ne, %sign3A_1268, %ne3A_1276 : vector<16xi32>
    %rem3A_1278 = vector.broadcast %jit3A_1257 : i32 to vector<16xi32>
    %rem3A_1279 = arith.remsi %get3A_1253, %rem3A_1278 : vector<16xi32>
    %ne3A_1280 = arith.constant 0 : i32
    %ne3A_1281 = vector.broadcast %ne3A_1280 : i32 to vector<16xi32>
    %ne3A_1282 = arith.cmpi ne, %rem3A_1279, %ne3A_1281 : vector<16xi32>
    %and3A_1283 = arith.andi %ne3A_1277, %ne3A_1282 : vector<16xi1>
    %sub3A_1284 = arith.constant 1 : i32
    %sub3A_1285 = vector.broadcast %sub3A_1284 : i32 to vector<16xi32>
    %sub3A_1286 = arith.subi %div3A_1259, %sub3A_1285 : vector<16xi32>
    %select_n3A_1287 = arith.select %and3A_1283, %sub3A_1286, %div3A_1259 : vector<16xi1>, vector<16xi32>
    %mul3A_1288 = arith.constant 128 : i32
    %mul3A_1289 = vector.broadcast %mul3A_1288 : i32 to vector<16xi32>
    %mul3A_1290 = arith.muli %select_n3A_1287, %mul3A_1289 : vector<16xi32>
    %sub3A_1291 = arith.subi %get3A_1253, %mul3A_1290 : vector<16xi32>
    %add3A_1292 = arith.addi %mul3A_1256, %sub3A_1291 : vector<16xi32>
    %add3A_1293 = arith.constant 480 : i32
    %add3A_1294 = vector.broadcast %add3A_1293 : i32 to vector<16xi32>
    %add3A_1295 = arith.addi %add3A_1294, %iota3A : vector<16xi32>
    %broadcast_in_dim3A = arith.constant 0 : i32
    %broadcast_in_dim3A_1296 = vector.broadcast %broadcast_in_dim3A : i32 to vector<16xi32>
    %gather3A = tpu.vector_load_idx %arg6[%broadcast_in_dim3A_1296, %add3A_1292] : memref<16x2048xf32, #tpu.memory_space<vmem>>[vector<16xi32>, vector<16xi32>], vector<16xf32>,
    tpu.vector_store_idx %arg9[%broadcast_in_dim3A_1296, %add3A_1295], %gather3A : memref<16x512xf32, #tpu.memory_space<vmem>>[vector<16xi32>, vector<16xi32>], vector<16xf32>,
    %broadcast_in_dim3A_1297 = arith.constant 1 : i32
    %broadcast_in_dim3A_1298 = vector.broadcast %broadcast_in_dim3A_1297 : i32 to vector<16xi32>
    %gather3A_1299 = tpu.vector_load_idx %arg6[%broadcast_in_dim3A_1298, %add3A_1292] : memref<16x2048xf32, #tpu.memory_space<vmem>>[vector<16xi32>, vector<16xi32>], vector<16xf32>,
    tpu.vector_store_idx %arg9[%broadcast_in_dim3A_1298, %add3A_1295], %gather3A_1299 : memref<16x512xf32, #tpu.memory_space<vmem>>[vector<16xi32>, vector<16xi32>], vector<16xf32>,
    %broadcast_in_dim3A_1300 = arith.constant 2 : i32
    %broadcast_in_dim3A_1301 = vector.broadcast %broadcast_in_dim3A_1300 : i32 to vector<16xi32>
    %gather3A_1302 = tpu.vector_load_idx %arg6[%broadcast_in_dim3A_1301, %add3A_1292] : memref<16x2048xf32, #tpu.memory_space<vmem>>[vector<16xi32>, vector<16xi32>], vector<16xf32>,
    tpu.vector_store_idx %arg9[%broadcast_in_dim3A_1301, %add3A_1295], %gather3A_1302 : memref<16x512xf32, #tpu.memory_space<vmem>>[vector<16xi32>, vector<16xi32>], vector<16xf32>,
    %broadcast_in_dim3A_1303 = arith.constant 3 : i32
    %broadcast_in_dim3A_1304 = vector.broadcast %broadcast_in_dim3A_1303 : i32 to vector<16xi32>
    %gather3A_1305 = tpu.vector_load_idx %arg6[%broadcast_in_dim3A_1304, %add3A_1292] : memref<16x2048xf32, #tpu.memory_space<vmem>>[vector<16xi32>, vector<16xi32>], vector<16xf32>,
    tpu.vector_store_idx %arg9[%broadcast_in_dim3A_1304, %add3A_1295], %gather3A_1305 : memref<16x512xf32, #tpu.memory_space<vmem>>[vector<16xi32>, vector<16xi32>], vector<16xf32>,
    %broadcast_in_dim3A_1306 = arith.constant 4 : i32
    %broadcast_in_dim3A_1307 = vector.broadcast %broadcast_in_dim3A_1306 : i32 to vector<16xi32>
    %gather3A_1308 = tpu.vector_load_idx %arg6[%broadcast_in_dim3A_1307, %add3A_1292] : memref<16x2048xf32, #tpu.memory_space<vmem>>[vector<16xi32>, vector<16xi32>], vector<16xf32>,
    tpu.vector_store_idx %arg9[%broadcast_in_dim3A_1307, %add3A_1295], %gather3A_1308 : memref<16x512xf32, #tpu.memory_space<vmem>>[vector<16xi32>, vector<16xi32>], vector<16xf32>,
    %broadcast_in_dim3A_1309 = arith.constant 5 : i32
    %broadcast_in_dim3A_1310 = vector.broadcast %broadcast_in_dim3A_1309 : i32 to vector<16xi32>
    %gather3A_1311 = tpu.vector_load_idx %arg6[%broadcast_in_dim3A_1310, %add3A_1292] : memref<16x2048xf32, #tpu.memory_space<vmem>>[vector<16xi32>, vector<16xi32>], vector<16xf32>,
    tpu.vector_store_idx %arg9[%broadcast_in_dim3A_1310, %add3A_1295], %gather3A_1311 : memref<16x512xf32, #tpu.memory_space<vmem>>[vector<16xi32>, vector<16xi32>], vector<16xf32>,
    %broadcast_in_dim3A_1312 = arith.constant 6 : i32
    %broadcast_in_dim3A_1313 = vector.broadcast %broadcast_in_dim3A_1312 : i32 to vector<16xi32>
    %gather3A_1314 = tpu.vector_load_idx %arg6[%broadcast_in_dim3A_1313, %add3A_1292] : memref<16x2048xf32, #tpu.memory_space<vmem>>[vector<16xi32>, vector<16xi32>], vector<16xf32>,
    tpu.vector_store_idx %arg9[%broadcast_in_dim3A_1313, %add3A_1295], %gather3A_1314 : memref<16x512xf32, #tpu.memory_space<vmem>>[vector<16xi32>, vector<16xi32>], vector<16xf32>,
    %broadcast_in_dim3A_1315 = arith.constant 7 : i32
    %broadcast_in_dim3A_1316 = vector.broadcast %broadcast_in_dim3A_1315 : i32 to vector<16xi32>
    %gather3A_1317 = tpu.vector_load_idx %arg6[%broadcast_in_dim3A_1316, %add3A_1292] : memref<16x2048xf32, #tpu.memory_space<vmem>>[vector<16xi32>, vector<16xi32>], vector<16xf32>,
    tpu.vector_store_idx %arg9[%broadcast_in_dim3A_1316, %add3A_1295], %gather3A_1317 : memref<16x512xf32, #tpu.memory_space<vmem>>[vector<16xi32>, vector<16xi32>], vector<16xf32>,
    %broadcast_in_dim3A_1318 = arith.constant 8 : i32
    %broadcast_in_dim3A_1319 = vector.broadcast %broadcast_in_dim3A_1318 : i32 to vector<16xi32>
    %gather3A_1320 = tpu.vector_load_idx %arg6[%broadcast_in_dim3A_1319, %add3A_1292] : memref<16x2048xf32, #tpu.memory_space<vmem>>[vector<16xi32>, vector<16xi32>], vector<16xf32>,
    tpu.vector_store_idx %arg9[%broadcast_in_dim3A_1319, %add3A_1295], %gather3A_1320 : memref<16x512xf32, #tpu.memory_space<vmem>>[vector<16xi32>, vector<16xi32>], vector<16xf32>,
    %broadcast_in_dim3A_1321 = arith.constant 9 : i32
    %broadcast_in_dim3A_1322 = vector.broadcast %broadcast_in_dim3A_1321 : i32 to vector<16xi32>
    %gather3A_1323 = tpu.vector_load_idx %arg6[%broadcast_in_dim3A_1322, %add3A_1292] : memref<16x2048xf32, #tpu.memory_space<vmem>>[vector<16xi32>, vector<16xi32>], vector<16xf32>,
    tpu.vector_store_idx %arg9[%broadcast_in_dim3A_1322, %add3A_1295], %gather3A_1323 : memref<16x512xf32, #tpu.memory_space<vmem>>[vector<16xi32>, vector<16xi32>], vector<16xf32>,
    %broadcast_in_dim3A_1324 = arith.constant 10 : i32
    %broadcast_in_dim3A_1325 = vector.broadcast %broadcast_in_dim3A_1324 : i32 to vector<16xi32>
    %gather3A_1326 = tpu.vector_load_idx %arg6[%broadcast_in_dim3A_1325, %add3A_1292] : memref<16x2048xf32, #tpu.memory_space<vmem>>[vector<16xi32>, vector<16xi32>], vector<16xf32>,
    tpu.vector_store_idx %arg9[%broadcast_in_dim3A_1325, %add3A_1295], %gather3A_1326 : memref<16x512xf32, #tpu.memory_space<vmem>>[vector<16xi32>, vector<16xi32>], vector<16xf32>,
    %broadcast_in_dim3A_1327 = arith.constant 11 : i32
    %broadcast_in_dim3A_1328 = vector.broadcast %broadcast_in_dim3A_1327 : i32 to vector<16xi32>
    %gather3A_1329 = tpu.vector_load_idx %arg6[%broadcast_in_dim3A_1328, %add3A_1292] : memref<16x2048xf32, #tpu.memory_space<vmem>>[vector<16xi32>, vector<16xi32>], vector<16xf32>,
    tpu.vector_store_idx %arg9[%broadcast_in_dim3A_1328, %add3A_1295], %gather3A_1329 : memref<16x512xf32, #tpu.memory_space<vmem>>[vector<16xi32>, vector<16xi32>], vector<16xf32>,
    %broadcast_in_dim3A_1330 = arith.constant 12 : i32
    %broadcast_in_dim3A_1331 = vector.broadcast %broadcast_in_dim3A_1330 : i32 to vector<16xi32>
    %gather3A_1332 = tpu.vector_load_idx %arg6[%broadcast_in_dim3A_1331, %add3A_1292] : memref<16x2048xf32, #tpu.memory_space<vmem>>[vector<16xi32>, vector<16xi32>], vector<16xf32>,
    tpu.vector_store_idx %arg9[%broadcast_in_dim3A_1331, %add3A_1295], %gather3A_1332 : memref<16x512xf32, #tpu.memory_space<vmem>>[vector<16xi32>, vector<16xi32>], vector<16xf32>,
    %broadcast_in_dim3A_1333 = arith.constant 13 : i32
    %broadcast_in_dim3A_1334 = vector.broadcast %broadcast_in_dim3A_1333 : i32 to vector<16xi32>
    %gather3A_1335 = tpu.vector_load_idx %arg6[%broadcast_in_dim3A_1334, %add3A_1292] : memref<16x2048xf32, #tpu.memory_space<vmem>>[vector<16xi32>, vector<16xi32>], vector<16xf32>,
    tpu.vector_store_idx %arg9[%broadcast_in_dim3A_1334, %add3A_1295], %gather3A_1335 : memref<16x512xf32, #tpu.memory_space<vmem>>[vector<16xi32>, vector<16xi32>], vector<16xf32>,
    %broadcast_in_dim3A_1336 = arith.constant 14 : i32
    %broadcast_in_dim3A_1337 = vector.broadcast %broadcast_in_dim3A_1336 : i32 to vector<16xi32>
    %gather3A_1338 = tpu.vector_load_idx %arg6[%broadcast_in_dim3A_1337, %add3A_1292] : memref<16x2048xf32, #tpu.memory_space<vmem>>[vector<16xi32>, vector<16xi32>], vector<16xf32>,
    tpu.vector_store_idx %arg9[%broadcast_in_dim3A_1337, %add3A_1295], %gather3A_1338 : memref<16x512xf32, #tpu.memory_space<vmem>>[vector<16xi32>, vector<16xi32>], vector<16xf32>,
    %broadcast_in_dim3A_1339 = arith.constant 15 : i32
    %broadcast_in_dim3A_1340 = vector.broadcast %broadcast_in_dim3A_1339 : i32 to vector<16xi32>
    %gather3A_1341 = tpu.vector_load_idx %arg6[%broadcast_in_dim3A_1340, %add3A_1292] : memref<16x2048xf32, #tpu.memory_space<vmem>>[vector<16xi32>, vector<16xi32>], vector<16xf32>,
    tpu.vector_store_idx %arg9[%broadcast_in_dim3A_1340, %add3A_1295], %gather3A_1341 : memref<16x512xf32, #tpu.memory_space<vmem>>[vector<16xi32>, vector<16xi32>], vector<16xf32>,
    %dma_wait3A_1342 = arith.constant 0 : i32
    %dma_wait3A_1343 = arith.constant 0 : i32
    %dma_wait3A_1344 = tpu.memref_slice %arg3[%dma_wait3A_1342, %dma_wait3A_1343] : memref<16x1000001xf32, #tpu.memory_space<hbm>> -> memref<16x2048xf32, #tpu.memory_space<hbm>>
    %dma_wait3A_1345 = arith.constant 0 : i32
    %dma_wait3A_1346 = arith.constant 0 : i32
    %dma_wait3A_1347 = tpu.memref_slice %arg3[%dma_wait3A_1345, %dma_wait3A_1346] : memref<16x1000001xf32, #tpu.memory_space<hbm>> -> memref<16x2048xf32, #tpu.memory_space<hbm>>
    tpu.wait_dma2 semaphore(%arg11 : memref<!tpu.dma_semaphore, #tpu.memory_space<semaphore_mem>>) src(%dma_wait3A_1347 : memref<16x2048xf32, #tpu.memory_space<hbm>>) dst(%arg7 : memref<16x2048xf32, #tpu.memory_space<vmem>>)
    %get3A_1348 = arith.constant 496 : index
    %get3A_1349 = tpu.vector_load %arg5[%get3A_1348] {strides = array<i32>} : memref<512xi32, #tpu.memory_space<vmem>>, vector<16xi32>,
    %mul3A_1350 = arith.constant 128 : i32
    %mul3A_1351 = vector.broadcast %mul3A_1350 : i32 to vector<16xi32>
    %mul3A_1352 = arith.muli %iota3A, %mul3A_1351 : vector<16xi32>
    %jit3A_1353 = arith.constant 128 : i32
    %div3A_1354 = vector.broadcast %jit3A_1353 : i32 to vector<16xi32>
    %div3A_1355 = arith.divsi %get3A_1349, %div3A_1354 : vector<16xi32>
    %sign3A_1356 = arith.constant 0 : i32
    %sign3A_1357 = vector.broadcast %sign3A_1356 : i32 to vector<16xi32>
    %sign3A_1358 = arith.cmpi sgt, %get3A_1349, %sign3A_1357 : vector<16xi32>
    %sign3A_1359 = arith.extui %sign3A_1358 : vector<16xi1> to vector<16xi32>
    %sign3A_1360 = arith.constant 0 : i32
    %sign3A_1361 = vector.broadcast %sign3A_1360 : i32 to vector<16xi32>
    %sign3A_1362 = arith.cmpi slt, %get3A_1349, %sign3A_1361 : vector<16xi32>
    %sign3A_1363 = arith.extui %sign3A_1362 : vector<16xi1> to vector<16xi32>
    %sign3A_1364 = arith.subi %sign3A_1359, %sign3A_1363 : vector<16xi32>
    %sign3A_1365 = arith.constant 0 : i32
    %sign3A_1366 = arith.cmpi sgt, %jit3A_1353, %sign3A_1365 : i32
    %sign3A_1367 = arith.extui %sign3A_1366 : i1 to i32
    %sign3A_1368 = arith.constant 0 : i32
    %sign3A_1369 = arith.cmpi slt, %jit3A_1353, %sign3A_1368 : i32
    %sign3A_1370 = arith.extui %sign3A_1369 : i1 to i32
    %sign3A_1371 = arith.subi %sign3A_1367, %sign3A_1370 : i32
    %ne3A_1372 = vector.broadcast %sign3A_1371 : i32 to vector<16xi32>
    %ne3A_1373 = arith.cmpi ne, %sign3A_1364, %ne3A_1372 : vector<16xi32>
    %rem3A_1374 = vector.broadcast %jit3A_1353 : i32 to vector<16xi32>
    %rem3A_1375 = arith.remsi %get3A_1349, %rem3A_1374 : vector<16xi32>
    %ne3A_1376 = arith.constant 0 : i32
    %ne3A_1377 = vector.broadcast %ne3A_1376 : i32 to vector<16xi32>
    %ne3A_1378 = arith.cmpi ne, %rem3A_1375, %ne3A_1377 : vector<16xi32>
    %and3A_1379 = arith.andi %ne3A_1373, %ne3A_1378 : vector<16xi1>
    %sub3A_1380 = arith.constant 1 : i32
    %sub3A_1381 = vector.broadcast %sub3A_1380 : i32 to vector<16xi32>
    %sub3A_1382 = arith.subi %div3A_1355, %sub3A_1381 : vector<16xi32>
    %select_n3A_1383 = arith.select %and3A_1379, %sub3A_1382, %div3A_1355 : vector<16xi1>, vector<16xi32>
    %mul3A_1384 = arith.constant 128 : i32
    %mul3A_1385 = vector.broadcast %mul3A_1384 : i32 to vector<16xi32>
    %mul3A_1386 = arith.muli %select_n3A_1383, %mul3A_1385 : vector<16xi32>
    %sub3A_1387 = arith.subi %get3A_1349, %mul3A_1386 : vector<16xi32>
    %add3A_1388 = arith.addi %mul3A_1352, %sub3A_1387 : vector<16xi32>
    %add3A_1389 = arith.constant 496 : i32
    %add3A_1390 = vector.broadcast %add3A_1389 : i32 to vector<16xi32>
    %add3A_1391 = arith.addi %add3A_1390, %iota3A : vector<16xi32>
    %broadcast_in_dim3A_1392 = arith.constant 0 : i32
    %broadcast_in_dim3A_1393 = vector.broadcast %broadcast_in_dim3A_1392 : i32 to vector<16xi32>
    %gather3A_1394 = tpu.vector_load_idx %arg7[%broadcast_in_dim3A_1393, %add3A_1388] : memref<16x2048xf32, #tpu.memory_space<vmem>>[vector<16xi32>, vector<16xi32>], vector<16xf32>,
    tpu.vector_store_idx %arg9[%broadcast_in_dim3A_1393, %add3A_1391], %gather3A_1394 : memref<16x512xf32, #tpu.memory_space<vmem>>[vector<16xi32>, vector<16xi32>], vector<16xf32>,
    %broadcast_in_dim3A_1395 = arith.constant 1 : i32
    %broadcast_in_dim3A_1396 = vector.broadcast %broadcast_in_dim3A_1395 : i32 to vector<16xi32>
    %gather3A_1397 = tpu.vector_load_idx %arg7[%broadcast_in_dim3A_1396, %add3A_1388] : memref<16x2048xf32, #tpu.memory_space<vmem>>[vector<16xi32>, vector<16xi32>], vector<16xf32>,
    tpu.vector_store_idx %arg9[%broadcast_in_dim3A_1396, %add3A_1391], %gather3A_1397 : memref<16x512xf32, #tpu.memory_space<vmem>>[vector<16xi32>, vector<16xi32>], vector<16xf32>,
    %broadcast_in_dim3A_1398 = arith.constant 2 : i32
    %broadcast_in_dim3A_1399 = vector.broadcast %broadcast_in_dim3A_1398 : i32 to vector<16xi32>
    %gather3A_1400 = tpu.vector_load_idx %arg7[%broadcast_in_dim3A_1399, %add3A_1388] : memref<16x2048xf32, #tpu.memory_space<vmem>>[vector<16xi32>, vector<16xi32>], vector<16xf32>,
    tpu.vector_store_idx %arg9[%broadcast_in_dim3A_1399, %add3A_1391], %gather3A_1400 : memref<16x512xf32, #tpu.memory_space<vmem>>[vector<16xi32>, vector<16xi32>], vector<16xf32>,
    %broadcast_in_dim3A_1401 = arith.constant 3 : i32
    %broadcast_in_dim3A_1402 = vector.broadcast %broadcast_in_dim3A_1401 : i32 to vector<16xi32>
    %gather3A_1403 = tpu.vector_load_idx %arg7[%broadcast_in_dim3A_1402, %add3A_1388] : memref<16x2048xf32, #tpu.memory_space<vmem>>[vector<16xi32>, vector<16xi32>], vector<16xf32>,
    tpu.vector_store_idx %arg9[%broadcast_in_dim3A_1402, %add3A_1391], %gather3A_1403 : memref<16x512xf32, #tpu.memory_space<vmem>>[vector<16xi32>, vector<16xi32>], vector<16xf32>,
    %broadcast_in_dim3A_1404 = arith.constant 4 : i32
    %broadcast_in_dim3A_1405 = vector.broadcast %broadcast_in_dim3A_1404 : i32 to vector<16xi32>
    %gather3A_1406 = tpu.vector_load_idx %arg7[%broadcast_in_dim3A_1405, %add3A_1388] : memref<16x2048xf32, #tpu.memory_space<vmem>>[vector<16xi32>, vector<16xi32>], vector<16xf32>,
    tpu.vector_store_idx %arg9[%broadcast_in_dim3A_1405, %add3A_1391], %gather3A_1406 : memref<16x512xf32, #tpu.memory_space<vmem>>[vector<16xi32>, vector<16xi32>], vector<16xf32>,
    %broadcast_in_dim3A_1407 = arith.constant 5 : i32
    %broadcast_in_dim3A_1408 = vector.broadcast %broadcast_in_dim3A_1407 : i32 to vector<16xi32>
    %gather3A_1409 = tpu.vector_load_idx %arg7[%broadcast_in_dim3A_1408, %add3A_1388] : memref<16x2048xf32, #tpu.memory_space<vmem>>[vector<16xi32>, vector<16xi32>], vector<16xf32>,
    tpu.vector_store_idx %arg9[%broadcast_in_dim3A_1408, %add3A_1391], %gather3A_1409 : memref<16x512xf32, #tpu.memory_space<vmem>>[vector<16xi32>, vector<16xi32>], vector<16xf32>,
    %broadcast_in_dim3A_1410 = arith.constant 6 : i32
    %broadcast_in_dim3A_1411 = vector.broadcast %broadcast_in_dim3A_1410 : i32 to vector<16xi32>
    %gather3A_1412 = tpu.vector_load_idx %arg7[%broadcast_in_dim3A_1411, %add3A_1388] : memref<16x2048xf32, #tpu.memory_space<vmem>>[vector<16xi32>, vector<16xi32>], vector<16xf32>,
    tpu.vector_store_idx %arg9[%broadcast_in_dim3A_1411, %add3A_1391], %gather3A_1412 : memref<16x512xf32, #tpu.memory_space<vmem>>[vector<16xi32>, vector<16xi32>], vector<16xf32>,
    %broadcast_in_dim3A_1413 = arith.constant 7 : i32
    %broadcast_in_dim3A_1414 = vector.broadcast %broadcast_in_dim3A_1413 : i32 to vector<16xi32>
    %gather3A_1415 = tpu.vector_load_idx %arg7[%broadcast_in_dim3A_1414, %add3A_1388] : memref<16x2048xf32, #tpu.memory_space<vmem>>[vector<16xi32>, vector<16xi32>], vector<16xf32>,
    tpu.vector_store_idx %arg9[%broadcast_in_dim3A_1414, %add3A_1391], %gather3A_1415 : memref<16x512xf32, #tpu.memory_space<vmem>>[vector<16xi32>, vector<16xi32>], vector<16xf32>,
    %broadcast_in_dim3A_1416 = arith.constant 8 : i32
    %broadcast_in_dim3A_1417 = vector.broadcast %broadcast_in_dim3A_1416 : i32 to vector<16xi32>
    %gather3A_1418 = tpu.vector_load_idx %arg7[%broadcast_in_dim3A_1417, %add3A_1388] : memref<16x2048xf32, #tpu.memory_space<vmem>>[vector<16xi32>, vector<16xi32>], vector<16xf32>,
    tpu.vector_store_idx %arg9[%broadcast_in_dim3A_1417, %add3A_1391], %gather3A_1418 : memref<16x512xf32, #tpu.memory_space<vmem>>[vector<16xi32>, vector<16xi32>], vector<16xf32>,
    %broadcast_in_dim3A_1419 = arith.constant 9 : i32
    %broadcast_in_dim3A_1420 = vector.broadcast %broadcast_in_dim3A_1419 : i32 to vector<16xi32>
    %gather3A_1421 = tpu.vector_load_idx %arg7[%broadcast_in_dim3A_1420, %add3A_1388] : memref<16x2048xf32, #tpu.memory_space<vmem>>[vector<16xi32>, vector<16xi32>], vector<16xf32>,
    tpu.vector_store_idx %arg9[%broadcast_in_dim3A_1420, %add3A_1391], %gather3A_1421 : memref<16x512xf32, #tpu.memory_space<vmem>>[vector<16xi32>, vector<16xi32>], vector<16xf32>,
    %broadcast_in_dim3A_1422 = arith.constant 10 : i32
    %broadcast_in_dim3A_1423 = vector.broadcast %broadcast_in_dim3A_1422 : i32 to vector<16xi32>
    %gather3A_1424 = tpu.vector_load_idx %arg7[%broadcast_in_dim3A_1423, %add3A_1388] : memref<16x2048xf32, #tpu.memory_space<vmem>>[vector<16xi32>, vector<16xi32>], vector<16xf32>,
    tpu.vector_store_idx %arg9[%broadcast_in_dim3A_1423, %add3A_1391], %gather3A_1424 : memref<16x512xf32, #tpu.memory_space<vmem>>[vector<16xi32>, vector<16xi32>], vector<16xf32>,
    %broadcast_in_dim3A_1425 = arith.constant 11 : i32
    %broadcast_in_dim3A_1426 = vector.broadcast %broadcast_in_dim3A_1425 : i32 to vector<16xi32>
    %gather3A_1427 = tpu.vector_load_idx %arg7[%broadcast_in_dim3A_1426, %add3A_1388] : memref<16x2048xf32, #tpu.memory_space<vmem>>[vector<16xi32>, vector<16xi32>], vector<16xf32>,
    tpu.vector_store_idx %arg9[%broadcast_in_dim3A_1426, %add3A_1391], %gather3A_1427 : memref<16x512xf32, #tpu.memory_space<vmem>>[vector<16xi32>, vector<16xi32>], vector<16xf32>,
    %broadcast_in_dim3A_1428 = arith.constant 12 : i32
    %broadcast_in_dim3A_1429 = vector.broadcast %broadcast_in_dim3A_1428 : i32 to vector<16xi32>
    %gather3A_1430 = tpu.vector_load_idx %arg7[%broadcast_in_dim3A_1429, %add3A_1388] : memref<16x2048xf32, #tpu.memory_space<vmem>>[vector<16xi32>, vector<16xi32>], vector<16xf32>,
    tpu.vector_store_idx %arg9[%broadcast_in_dim3A_1429, %add3A_1391], %gather3A_1430 : memref<16x512xf32, #tpu.memory_space<vmem>>[vector<16xi32>, vector<16xi32>], vector<16xf32>,
    %broadcast_in_dim3A_1431 = arith.constant 13 : i32
    %broadcast_in_dim3A_1432 = vector.broadcast %broadcast_in_dim3A_1431 : i32 to vector<16xi32>
    %gather3A_1433 = tpu.vector_load_idx %arg7[%broadcast_in_dim3A_1432, %add3A_1388] : memref<16x2048xf32, #tpu.memory_space<vmem>>[vector<16xi32>, vector<16xi32>], vector<16xf32>,
    tpu.vector_store_idx %arg9[%broadcast_in_dim3A_1432, %add3A_1391], %gather3A_1433 : memref<16x512xf32, #tpu.memory_space<vmem>>[vector<16xi32>, vector<16xi32>], vector<16xf32>,
    %broadcast_in_dim3A_1434 = arith.constant 14 : i32
    %broadcast_in_dim3A_1435 = vector.broadcast %broadcast_in_dim3A_1434 : i32 to vector<16xi32>
    %gather3A_1436 = tpu.vector_load_idx %arg7[%broadcast_in_dim3A_1435, %add3A_1388] : memref<16x2048xf32, #tpu.memory_space<vmem>>[vector<16xi32>, vector<16xi32>], vector<16xf32>,
    tpu.vector_store_idx %arg9[%broadcast_in_dim3A_1435, %add3A_1391], %gather3A_1436 : memref<16x512xf32, #tpu.memory_space<vmem>>[vector<16xi32>, vector<16xi32>], vector<16xf32>,
    %broadcast_in_dim3A_1437 = arith.constant 15 : i32
    %broadcast_in_dim3A_1438 = vector.broadcast %broadcast_in_dim3A_1437 : i32 to vector<16xi32>
    %gather3A_1439 = tpu.vector_load_idx %arg7[%broadcast_in_dim3A_1438, %add3A_1388] : memref<16x2048xf32, #tpu.memory_space<vmem>>[vector<16xi32>, vector<16xi32>], vector<16xf32>,
    tpu.vector_store_idx %arg9[%broadcast_in_dim3A_1438, %add3A_1391], %gather3A_1439 : memref<16x512xf32, #tpu.memory_space<vmem>>[vector<16xi32>, vector<16xi32>], vector<16xf32>,
    "tpu.region"() ({
      %run_scoped3A = tpu.sem_alloc : memref<!tpu.dma_semaphore, #tpu.memory_space<semaphore_mem>>
      %dma_start3A_1440 = arith.constant 0 : i32
      %dma_start3A_1441 = tpu.memref_slice %arg4[%dma_start3A_1440, %mul3A_2] : memref<16x16384xf32, #tpu.memory_space<hbm>> -> memref<16x512xf32, #tpu.memory_space<hbm>>
      %dma_start3A_1442 = arith.constant 0 : i32
      %dma_start3A_1443 = tpu.memref_slice %arg4[%dma_start3A_1442, %mul3A_2] : memref<16x16384xf32, #tpu.memory_space<hbm>> -> memref<16x512xf32, #tpu.memory_space<hbm>>
      tpu.enqueue_dma source(%arg9 : memref<16x512xf32, #tpu.memory_space<vmem>>) target(%dma_start3A_1443 : memref<16x512xf32, #tpu.memory_space<hbm>>) target_semaphore(%run_scoped3A : memref<!tpu.dma_semaphore, #tpu.memory_space<semaphore_mem>>)
      %dma_wait3A_1444 = arith.constant 0 : i32
      %dma_wait3A_1445 = tpu.memref_slice %arg4[%dma_wait3A_1444, %mul3A_2] : memref<16x16384xf32, #tpu.memory_space<hbm>> -> memref<16x512xf32, #tpu.memory_space<hbm>>
      %dma_wait3A_1446 = arith.constant 0 : i32
      %dma_wait3A_1447 = tpu.memref_slice %arg4[%dma_wait3A_1446, %mul3A_2] : memref<16x16384xf32, #tpu.memory_space<hbm>> -> memref<16x512xf32, #tpu.memory_space<hbm>>
      tpu.wait_dma2 semaphore(%run_scoped3A : memref<!tpu.dma_semaphore, #tpu.memory_space<semaphore_mem>>) src(%arg9 : memref<16x512xf32, #tpu.memory_space<vmem>>) dst(%dma_wait3A_1447 : memref<16x512xf32, #tpu.memory_space<hbm>>)
      tpu.yield
    }) : () -> ()
    return
  }
}

</mosaic_0001>

<sc_bundles>
// kernel: kernel.3.cloned.1.call-start
scs
__scs_entry_jumppad:
0x0: {  	(pc) =	sbr.rel $0x88, $3  }
0x1: {  	(tag) =	ssettag $0x0;
	lr =	simm.s32 $0x1  }
0x2: {  	[smem:$0x3F9F] =	sst lr;
	_ =	strace $0xD0000000  }
0x3: {  	_ = 	snop  }
0x4: {  	_ = 	snop  }
0x5: {  	_ = 	snop  }
0x6: {  	_ = 	snop  }
0x7: {  	_ = 	snop  }
__scs_overlays_trampoline_lowered:
0x8: {  	[smem:$0x3FAE] =	sst s0  }
0x9: {  	[smem:$0x3FAF] =	sst s1  }
0xa: {  	[smem:$0x3FB0] =	sst s2  }
0xb: {  	[smem:$0x3FB1] =	sst s3  }
0xc: {  	[smem:$0x3FB2] =	sst s4  }
0xd: {  	[smem:$0x3FB3] =	sst s5  }
0xe: {  	[smem:$0x3FB4] =	sst s6  }
0xf: {  	[smem:$0x3FB5] =	sst s7  }
0x10: {  	[smem:$0x3FB6] =	sst s8  }
0x11: {  	[smem:$0x3FB7] =	sst s9;
	s0 =	simm.s32 @!p0 $0x0  }
0x12: {  	s1 =	sld [smem:$0x3F9D];
	s0 =	simm.s32 @p0 $0x1  }
0x13: {  	[smem:$0x3FB8] =	sst s0;
	s0 =	simm.s32 @!p1 $0x0  }
0x14: {  	s2 =	sld [smem:$0x3F9C];
	s0 =	simm.s32 @p1 $0x1  }
0x15: {  	[smem:$0x3FB9] =	sst s0;
	s0 =	simm.s32 @!p2 $0x0  }
0x16: {  	s3 =	sld [smem:$0x3FDB];
	s0 =	simm.s32 @p2 $0x1  }
0x17: {  	s4 =	simm.s32 $0x1BF5;
	[smem:$0x3FBB] =	sst s0  }
0x18: {  	s0 =	sld [smem:$0x3F9E];
	_ =	swait.ge [sflag:s4], $0x0  }
0x19: {  	s7 =	sld [smem:$0x3F9F]  }
0x1a: {  	s8 =	sadd.s32 $0xFFFFE003, lr  }
0x1b: {  	s9 =	sadd.s32 $0xFFFFFEF7, lr;
	s5 =	simm.s32 $0xFFFFFFFF;
	p2 =	slt.u32 s8, $0xFFFFF086  }
0x1c: {  	p1 =	slt.u32 s9, $0xF7A;
	s5 =	simm.s32 @!p2 $0x0  }
0x1d: {  	s5 =	simm.s32 @p1 $0x1;
	p0 =	seq.s32 s7, s2  }
0x1e: {  	s7 =	smul.u32 @!p0 $0xF7A, s2;
	p2 =	seq.s32 @!p0 s5, $0x0  }
0x1f: {  	s9 =	smul.u32 $0xF7A, s1;
	s8 =	simm.s32 @!p0 $0x1BF5;
	p2 =	por !p2, p0  }
0x20: {  	[sflag:s8] =	ssyncset.s32 @!p0 $0xFFFFF086;
	s6 =	sadd.s32 @!p0 s3, s7;
	s7 =	simm.s32 @!p0 $0x108  }
0x21: {  	s3 =	sadd.s32 s3, s9;
	s6 =	sadd.s32 @!p0 $0x88, s6;
	s7 =	simm.s32 @p2 $0x1082  }
0x22: {  	[simem:s7], [sflag:s8] =	dma.local @!p0 [hbm:s6], $0xF7A  }
0x23: {  	s9 =	sor.u32 $0xD0000000, s2;
	s6 =	simm.s32 $0x108;
	_ =	swait.ge @!p0 [sflag:s8], $0x0  }
0x24: {  	s3 =	sadd.s32 $0x88, s3;
	s6 =	simm.s32 @!p1 $0x1082;
	[sflag:s4] =	ssyncset.s32 $0xFFFFF086  }
0x25: {  	[simem:s6], [sflag:s4] =	dma.local [hbm:s3], $0xF7A  }
0x26: {  	[smem:$0x3F9F] =	sst s1;
	(tag) =	ssettag s2;
	_ =	strace s9  }
0x27: {  	s1 =	sld [smem:$0x3FAF]  }
0x28: {  	s2 =	sld [smem:$0x3FB0]  }
0x29: {  	s4 =	sld [smem:$0x3FB2]  }
0x2a: {  	p0 =	seq.s32 s5, $0x0;
	s5 =	sld [smem:$0x3FB3]  }
0x2b: {  	s6 =	sld [smem:$0x3FB4]  }
0x2c: {  	s7 =	sld [smem:$0x3FB5]  }
0x2d: {  	s3 =	simm.s32 $0x108;
	s8 =	sld [smem:$0x3FB6]  }
0x2e: {  	s3 =	simm.s32 @!p0 $0x1082;
	s9 =	sld [smem:$0x3FB7]  }
0x2f: {  	lr =	sadd.s32 s0, s3;
	s0 =	sld [smem:$0x3FAE]  }
0x30: {  	s3 =	sld [smem:$0x3FB1]  }
0x31: {  	[smem:$0x3FBA] =	sst s10  }
0x32: {  	s10 =	sld [smem:$0x3FB8];
	_ =	sdelay $0x3  }
0x33: {  	p0 =	seq.s32 s10, $0x1;
	s10 =	sld [smem:$0x3FBA];
	_ =	sdelay $0x3  }
0x34: {  	[smem:$0x3FBA] =	sst s10  }
0x35: {  	s10 =	sld [smem:$0x3FB9];
	_ =	sdelay $0x3  }
0x36: {  	p1 =	seq.s32 s10, $0x1;
	s10 =	sld [smem:$0x3FBA];
	_ =	sdelay $0x3  }
0x37: {  	[smem:$0x3FBA] =	sst s10  }
0x38: {  	s10 =	sld [smem:$0x3FBB]  }
0x39: {  	_ = 	snop;
	(pc) =	sbr.ind lr, $3  }
0x3a: {  	_ = 	snop  }
0x3b: {  	_ = 	snop  }
0x3c: {  	p2 =	seq.s32 s10, $0x1;
	s10 =	sld [smem:$0x3FBA]  }
0x3d: {  	_ =	shalt  }
0x3e: {  	_ =	shalt  }
0x3f: {  	_ =	shalt  }
0x40: {  	_ =	shalt  }
0x41: {  	_ =	shalt  }
0x42: {  	_ =	shalt  }
0x43: {  	_ =	shalt  }
0x44: {  	_ =	shalt  }
0x45: {  	_ =	shalt  }
0x46: {  	_ =	shalt  }
0x47: {  	_ =	shalt  }
0x48: {  	_ =	shalt  }
0x49: {  	_ =	shalt  }
0x4a: {  	_ =	shalt  }
0x4b: {  	_ =	shalt  }
0x4c: {  	_ =	shalt  }
0x4d: {  	_ =	shalt  }
0x4e: {  	_ =	shalt  }
0x4f: {  	_ =	shalt  }
0x50: {  	_ =	shalt  }
0x51: {  	_ =	shalt  }
0x52: {  	_ =	shalt  }
0x53: {  	_ =	shalt  }
0x54: {  	_ =	shalt  }
0x55: {  	_ =	shalt  }
0x56: {  	_ =	shalt  }
0x57: {  	_ =	shalt  }
0x58: {  	_ =	shalt  }
0x59: {  	_ =	shalt  }
0x5a: {  	_ =	shalt  }
0x5b: {  	_ =	shalt  }
0x5c: {  	_ =	shalt  }
0x5d: {  	_ =	shalt  }
0x5e: {  	_ =	shalt  }
0x5f: {  	_ =	shalt  }
0x60: {  	_ =	shalt  }
0x61: {  	_ =	shalt  }
0x62: {  	_ =	shalt  }
0x63: {  	_ =	shalt  }
0x64: {  	_ =	shalt  }
0x65: {  	_ =	shalt  }
0x66: {  	_ =	shalt  }
0x67: {  	_ =	shalt  }
0x68: {  	_ =	shalt  }
0x69: {  	_ =	shalt  }
0x6a: {  	_ =	shalt  }
0x6b: {  	_ =	shalt  }
0x6c: {  	_ =	shalt  }
0x6d: {  	_ =	shalt  }
0x6e: {  	_ =	shalt  }
0x6f: {  	_ =	shalt  }
0x70: {  	_ =	shalt  }
0x71: {  	_ =	shalt  }
0x72: {  	_ =	shalt  }
0x73: {  	_ =	shalt  }
0x74: {  	_ =	shalt  }
0x75: {  	_ =	shalt  }
0x76: {  	_ =	shalt  }
0x77: {  	_ =	shalt  }
0x78: {  	_ =	shalt  }
0x79: {  	_ =	shalt  }
0x7a: {  	_ =	shalt  }
0x7b: {  	_ =	shalt  }
0x7c: {  	_ =	shalt  }
0x7d: {  	_ =	shalt  }
0x7e: {  	_ =	shalt  }
0x7f: {  	_ =	shalt  }
0x80: {  	_ =	shalt  }
0x81: {  	_ =	shalt  }
0x82: {  	_ =	shalt  }
0x83: {  	_ =	shalt  }
0x84: {  	_ =	shalt  }
0x85: {  	_ =	shalt  }
0x86: {  	_ =	shalt  }
0x87: {  	_ =	shalt  }
.Lfunc_end0:
.L_simem_size_0:
called_computation_lowered:
.L_overlay_start_0:
0x88: {  	s2 =	sld [smem:$0x3FD9]  }
0x89: {  	s3 =	sld [smem:$0x3FFE];
	_ =	sdelay $0x1  }
0x8a: {  	s1 =	srdreg.scid  }
0x8b: {  	s0 =	sand.u32 $0x1, s1  }
0x8c: {  	s18 =	sshll.u32 s0, $0xA;
	s2 =	sadd.s32 s3, s2  }
0x8d: {  	s2 =	sadd.s32 s2, s18  }
0x8e: {  	[smem:$0x3FC6] =	sst s2  }
0x8f: {  	_ = 	snop  }
0x90: {  	s2 =	sld [smem:$0x3FC9]  }
0x91: {  	s19 =	sld [smem:$0x3FC8]  }
0x92: {  	s4 =	sld [smem:$0x3FD0];
	(tm) =	ssettm $0x1  }
0x93: {  	s5 =	sld [smem:$0x3FFB];
	_ =	sdelay $0x3  }
0x94: {  	_ =	strace s5  }
0x95: {  	s5 =	sld [smem:$0x3FFC];
	_ =	sdelay $0x3  }
0x96: {  	_ =	strace s5  }
0x97: {  	s5 =	sld [smem:$0x3FFD];
	_ =	sdelay $0x3  }
0x98: {  	_ =	strace s5  }
0x99: {  	_ =	strace $0x8FFFFFFF  }
0x9a: {  	s20 =	sld [smem:$0x3FDB];
	_ =	sdelay $0x1  }
0x9b: {  	s6 =	simm.s32 $_scs_section_size  }
0x9c: {  	s7 =	simm.s32 $_size__tile_overlayer_lowered;
	s8 =	simm.s32 $_tile_overlayer_lowered  }
0x9d: {  	s23 =	simm.s32 $0x1BFF;
	s22 =	sshll.u32 s8, $0x1;
	s5 =	sadd.s32 s6, s20  }
0x9e: {  	s9 =	simm.s32 $0x0;
	s21 =	sshll.u32 s7, $0x1;
	s7 =	sadd.s32 s22, s5  }
0x9f: {  	[timem:s9], [sflag:s23] =	dma.local [hbm:s7], s21  }
0xa0: {  	_ =	swait.ge [sflag:s23], s21  }
0xa1: {  	s6 =	ssub.s32 $0x0, s21;
	[sflag:s23] =	ssyncset.done $0x0  }
0xa2: {  	[sflag:s23] =	ssyncadd.s32 s6;
	_ =	sdelay $0x1  }
0xa3: {  	s24 =	simm.s32 $0x1B8B  }
0xa4: {  	_ =	swait.ge [sflag:s24], $0x1  }
0xa5: {  	[sflag:s24] =	ssyncset.done $0x0  }
0xa6: {  	s25 =	simm.s32 $0x1B8E;
	[sflag:s24] =	ssyncadd.s32 $0xFFFFFFFF  }
0xa7: {  	s26 =	simm.s32 $execute0_lowered;
	[smem:$0x3FD2] =	sst s25  }
0xa8: {  	s6 =	sshll.u32 s26, $0x1;
	_ =	strace $0x80000046;
	[dreg:$0x1] =	wrdreg $0xFFFFFFFF  }
0xa9: {  	s28 =	simm.s32 $_size_execute0_lowered;
	s5 =	sadd.s32 s5, s6;
	[dreg:$0x0] =	wrdreg $0x0  }
0xaa: {  	s6 =	sshll.u32 s28, $0x1;
	[dreg:$0x2] =	wrdreg s5  }
0xab: {  	[dreg:$0x3] =	wrdreg s6  }
0xac: {  	[dreg:$0x4] =	wrdreg $0xC0  }
0xad: {  	_ =	task [dreg:s9], $0x5FFFF  }
0xae: {  	[dreg:$0x1] =	wrdreg $0xFFFFFFFF  }
0xaf: {  	[dreg:$0x0] =	wrdreg $0x60  }
0xb0: {  	[dreg:$0x2] =	wrdreg s2  }
0xb1: {  	[dreg:$0x3] =	wrdreg s19  }
0xb2: {  	[dreg:$0x4] =	wrdreg s4  }
0xb3: {  	[dreg:$0x5] =	wrdreg $0x9  }
0xb4: {  	_ =	task.clear_ibuf [dreg:s9], $0x6FFFF;
	_ =	strace $0x90000046  }
0xb5: {  	s29 =	simm.s32 $0x9;
	_ =	strace $0x80000048  }
0xb6: {  	_ =	swait.ge [sflag:s29], $0x1  }
0xb7: {  	[sflag:s29] =	ssyncadd.s32 $0xFFFFFFFF  }
0xb8: {  	_ =	strace $0x90000048  }
0xb9: {  	_ =	sfence  }
0xba: {  	s30 =	sld [smem:$0x0];
	_ =	sdelay $0x2  }
0xbb: {  	s31 =	sshll.u32 s1, $0xD;
	s1 =	sshrl.u32 s1, $0x2  }
0xbc: {  	s3 =	sand.u32 $0x4000, s31;
	s1 =	sadd.s32 s1, s30  }
0xbd: {  	s0 =	sor.u32 s3, s0;
	s1 =	sshll.u32 s1, $0x11  }
0xbe: {  	s0 =	sor.u32 s1, s0  }
0xbf: {  	s0 =	sadd.s32 $0x8F2B, s0  }
0xc0: {  	[sflag:s0] =	ssyncadd.remote.s32 $0x1  }
0xc1: {  	_ =	sfence.sel $0xFFFF  }
0xc2: {  	[dreg:$0x0] =	wrdreg $0xFFFFFFFF;
	(pc) =	sbr.abs _section_cstart, $3  }
0xc3: {  	[dreg:$0x1] =	wrdreg $0xFFFFFFFF  }
0xc4: {  	_ =	task.clear_ibuf [dreg:s9], $0x2FFFF;
	_ =	strace $0x9FFFFFFF  }
0xc5: {  	(tm) =	ssettm $0x7FFFFFFF  }
tec
execute0_lowered:
.L_overlay_start_1:
0x0: {  	(tag) =	ssettag $0x1  }
0x1: {  	s0 =	rddreg [dreg:$0x0]  }
0x2: {  	s1 =	rddreg [dreg:$0x1]  }
0x3: {  	s3 =	rddreg [dreg:$0x2];
	s2 =	simm.s32 $0x0  }
0x4: {  	s4 =	simm.s32 $0x14200;
	[smem:$0x7FF] =	sst s2  }
0x5: {  	s14 =	simm.s32 $0x10600;
	_ =	strace $0x80000047;
	[dreg:$0x4] =	wrdreg s4  }
0x6: {  	s15 =	simm.s32 $0x14600;
	[dreg:$0x5] =	wrdreg s14  }
0x7: {  	s16 =	simm.s32 $0x10A00;
	[dreg:$0x6] =	wrdreg s15  }
0x8: {  	s17 =	simm.s32 $0x14A00;
	[dreg:$0x7] =	wrdreg s16  }
0x9: {  	s5 =	srdreg.scid;
	s18 =	simm.s32 $0x10E00;
	[dreg:$0x8] =	wrdreg s17  }
0xa: {  	s8 =	stileid.u32;
	s19 =	simm.s32 $0x14E00;
	[dreg:$0x9] =	wrdreg s18  }
0xb: {  	s21 =	simm.s32 $0x11200;
	s22 =	simm.s32 $0x15200;
	[dreg:$0xa] =	wrdreg s19  }
0xc: {  	s23 =	simm.s32 $0x11600;
	s24 =	simm.s32 $0x15600;
	[dreg:$0xb] =	wrdreg s21  }
0xd: {  	s25 =	simm.s32 $0x11A00;
	s26 =	simm.s32 $0x15A00;
	[dreg:$0xc] =	wrdreg s22  }
0xe: {  	s9 =	simm.s32 $0x200;
	s10 =	simm.s32 $0x16200;
	[dreg:$0xd] =	wrdreg s23  }
0xf: {  	s29 =	simm.s32 $0x4200;
	s11 =	simm.s32 $0x12600;
	[dreg:$0xe] =	wrdreg s24  }
0x10: {  	s12 =	simm.s32 $0x16600;
	s28 =	simm.s32 $0x4600;
	[dreg:$0xf] =	wrdreg s25  }
0x11: {  	s13 =	simm.s32 $0x12A00;
	s30 =	simm.s32 $0xA00;
	[dreg:$0x10] =	wrdreg s26  }
0x12: {  	s31 =	simm.s32 $0x2A00;
	s5 =	sand.u32 $0x1, s5;
	[dreg:$0x14] =	wrdreg s10  }
0x13: {  	s20 =	sshll.u32 s8, $0xA;
	s8 =	simm.s32 $0x1;
	[dreg:$0x15] =	wrdreg s11  }
0x14: {  	s6 =	ssub.s32 $0x2, s5;
	s5 =	sshll.u32 s5, $0x9;
	[dreg:$0x16] =	wrdreg s12  }
0x15: {  	s25 =	simm.s32 $0x4;
	[dreg:$0x17] =	wrdreg s13;
	s14 =	simm.s32 $0x16A00  }
0x16: {  	s26 =	simm.s32 $0x600;
	s15 =	simm.s32 $0x12E00;
	[dreg:$0x18] =	wrdreg s14  }
0x17: {  	s16 =	simm.s32 $0x16E00;
	s17 =	simm.s32 $0x13200;
	[dreg:$0x19] =	wrdreg s15  }
0x18: {  	s18 =	simm.s32 $0x17200;
	s19 =	simm.s32 $0x13600;
	[dreg:$0x1a] =	wrdreg s16  }
0x19: {  	s10 =	simm.s32 $0x1600;
	s11 =	simm.s32 $0x5600;
	[dreg:$0x1b] =	wrdreg s17  }
0x1a: {  	s21 =	simm.s32 $0x13A00;
	s12 =	simm.s32 $0x1A00;
	[dreg:$0x1c] =	wrdreg s18  }
0x1b: {  	s22 =	simm.s32 $0x17A00;
	s13 =	simm.s32 $0x5A00;
	[dreg:$0x1d] =	wrdreg s19  }
0x1c: {  	s23 =	simm.s32 $0x13E00;
	s24 =	simm.s32 $0x17E00;
	[dreg:$0x1f] =	wrdreg s21  }
0x1d: {  	s7 =	sshrl.u32 s6, $0x1;
	s5 =	sor.u32 s5, s20;
	[smem:$0x7FA] =	sst s22  }
0x1e: {  	v0 =	vimm.s32 $0x0;
	v1 =	vlaneseq.u32;
	s20 =	simm.s32 $0x17600;
	s15 =	simm.s32 $0x1E00;
	[smem:$0x7FB] =	sst s23  }
0x1f: {  	v2 =	vmul.u32 $0x400, v1;
	v3 =	vor.u32 $0xC60, v1;
	v4 =	vor.u32 $0xCE0, v1;
	s16 =	simm.s32 $0x5E00;
	[smem:$0x7FC] =	sst s24;
	s17 =	simm.s32 $0x6200  }
0x20: {  	v5 =	vor.u32 $0xD60, v1;
	v6 =	vor.u32 $0xDE0, v1;
	v7 =	vor.u32 $0xE60, v1;
	s18 =	simm.s32 $0x2600;
	s19 =	simm.s32 $0x6600;
	s14 =	simm.s32 $0x8200  }
0x21: {  	v8 =	vor.u32 $0xEE0, v1;
	v9 =	vor.u32 $0xF60, v1;
	v10 =	vor.u32 $0xFE0, v1;
	s21 =	simm.s32 $0x18200;
	s24 =	simm.s32 $0x0;
	[dreg:$0x1e] =	wrdreg s20  }
0x22: {  	v11 =	vor.u32 $0x1C60, v1;
	v12 =	vor.u32 $0x1CE0, v1;
	v13 =	vor.u32 $0x1D60, v1;
	s6 =	ssub.s32 s6, s7;
	s3 =	sadd.s32 s3, s5;
	[smem:$0x7FD] =	sst s24  }
0x23: {  	v14 =	vor.u32 $0x1DE0, v1;
	v15 =	vor.u32 $0x1E60, v1;
	v16 =	vor.u32 $0x1EE0, v1;
	s7 =	sshrl.u32 s5, $0x3;
	s5 =	simm.s32 $0x11E00;
	[smem:$0x7F8] =	sst s3  }
0x24: {  	v17 =	vor.u32 $0x1F60, v1;
	v18 =	vor.u32 $0x1FE0, v1;
	v19 =	vor.u32 $0xC70, v1;
	s22 =	simm.s32 $0x2;
	s0 =	sadd.s32 s0, s7;
	[dreg:$0x11] =	wrdreg s5  }
0x25: {  	v20 =	vor.u32 $0xCF0, v1;
	v21 =	vor.u32 $0xD70, v1;
	v22 =	vor.u32 $0xDF0, v1;
	s23 =	simm.s32 $0x3;
	s4 =	smax.u32 s6, $0x1;
	[smem:$0x7F7] =	sst s0  }
0x26: {  	v23 =	vor.u32 $0xE70, v1;
	v24 =	vor.u32 $0xEF0, v1;
	v25 =	vor.u32 $0xF70, v1;
	s20 =	simm.s32 $0x10200;
	s6 =	simm.s32 $0x15E00;
	[smem:$0x7F9] =	sst s4  }
0x27: {  	v26 =	vor.u32 $0xFF0, v1;
	v27 =	vor.u32 $0x1C70, v1;
	v28 =	vor.u32 $0x1CF0, v1;
	s7 =	simm.s32 $0x12200;
	s3 =	simm.s32 $0x4A00;
	[dreg:$0x12] =	wrdreg s6  }
0x28: {  	v29 =	vor.u32 $0x1D70, v1;
	v30 =	vor.u32 $0x1DF0, v1;
	v31 =	vor.u32 $0x1E70, v1;
	s5 =	simm.s32 $0x4E00;
	[dreg:$0x13] =	wrdreg s7;
	s4 =	simm.s32 $0xE00  }
0x29: {  	v32 =	vor.u32 $0x1EF0, v1;
	v33 =	vor.u32 $0x1F70, v1;
	v34 =	vor.u32 $0x1FF0, v1;
	s6 =	simm.s32 $0x1200;
	s7 =	simm.s32 $0x5200;
	s0 =	simm.s32 $0x2200  }
.LBB2_1:
0x2a: {  	s24 =	sld [smem:$0x7F7];
	_ =	sdelay $0x2  }
0x2b: {  	[tilespmem:s2], [sflag:$0x4] =	stream.linear.gather [hbm4b:s24+s2], $0x200, $0x38;
	[tilespmem:$0x1A200] =	vst v63  }
0x2c: {  	_ =	swait.ge [sflag:s25], $0x200  }
0x2d: {  	[sflag:s25] =	ssyncset.done $0x0  }
0x2e: {  	[sflag:s25] =	ssyncadd.s32 $0xFFFFFE00  }
0x2f: {  	v35 =	vld [tilespmem:$0x0];
	_ =	sdelay $0x4  }
0x30: {  	(v2sf) =	vpush v35, $0x0;
	_ =	sdelay $0xc  }
0x31: {  	(v2sf) =	vpush v35, $0x1;
	_ =	sdelay $0x1  }
0x32: {  	s24 =	spop (v2sf)  }
0x33: {  	s25 =	sand.u32 $0x7F, s24  }
0x34: {  	p1 =	slt.s32 s24, $0x1;
	p0 =	sne.s32 s25, $0x0;
	s25 =	sshra.s32 s24, $0x1F  }
0x35: {  	s25 =	sshrl.u32 s25, $0x19;
	p0 =	por !p1, !p0  }
0x36: {  	s24 =	sadd.s32 s25, s24;
	p0 =	por !p0, !p0;
	s25 =	simm.s32 $0x1  }
0x37: {  	s24 =	sshrl.u32 s24, $0x7;
	s25 =	simm.s32 @!p0 $0x0  }
0x38: {  	s24 =	ssub.s32 s24, s25  }
0x39: {  	s24 =	sshll.u32 s24, $0x7  }
0x3a: {  	s24 =	sand.u32 $0x1FFFFF80, s24  }
0x3b: {  	(v2sf) =	vpush v35, $0x2;
	s24 =	sadd.s32 s1, s24  }
0x3c: {  	[tilespmem:s9], [sflag:$0x1] =	stream.linear.gather [hbm4b:s24+s2], $0x400, $0x38;
	[tilespmem:$0x1A200] =	vst v63  }
0x3d: {  	s24 =	sadd.s32 $0xF4280, s24  }
0x3e: {  	[tilespmem:s29], [sflag:$0x1] =	stream.linear.gather [hbm4b:s24+s2], $0x400, $0x38;
	[tilespmem:$0x1A200] =	vst v63  }
0x3f: {  	s24 =	spop (v2sf)  }
0x40: {  	s29 =	sand.u32 $0x7F, s24  }
0x41: {  	p6 =	slt.s32 s24, $0x1;
	p5 =	sne.s32 s29, $0x0;
	s29 =	sshra.s32 s24, $0x1F  }
0x42: {  	s25 =	sshrl.u32 s29, $0x19;
	p0 =	por !p6, !p5  }
0x43: {  	s24 =	sadd.s32 s25, s24;
	p0 =	por !p0, !p0;
	s25 =	simm.s32 $0x1  }
0x44: {  	s24 =	sshrl.u32 s24, $0x7;
	s25 =	simm.s32 @!p0 $0x0  }
0x45: {  	s24 =	ssub.s32 s24, s25  }
0x46: {  	s24 =	sshll.u32 s24, $0x7  }
0x47: {  	s24 =	sand.u32 $0x1FFFFF80, s24  }
0x48: {  	s24 =	sadd.s32 s1, s24  }
0x49: {  	(v2sf) =	vpush v35, $0x3;
	[tilespmem:s26], [sflag:$0x1] =	stream.linear.gather [hbm4b:s24+s2], $0x400, $0x38;
	[tilespmem:$0x1A200] =	vst v63  }
0x4a: {  	s24 =	sadd.s32 $0xF4280, s24;
	s26 =	spop (v2sf)  }
0x4b: {  	[tilespmem:s28], [sflag:$0x1] =	stream.linear.gather [hbm4b:s24+s2], $0x400, $0x38;
	[tilespmem:$0x1A200] =	vst v63  }
0x4c: {  	s28 =	sand.u32 $0x7F, s26  }
0x4d: {  	s29 =	sshra.s32 s26, $0x1F;
	p2 =	slt.s32 s26, $0x1;
	p1 =	sne.s32 s28, $0x0  }
0x4e: {  	s25 =	sshrl.u32 s29, $0x19;
	p0 =	por !p2, !p1  }
0x4f: {  	s24 =	sadd.s32 s25, s26;
	s25 =	simm.s32 $0x1;
	p0 =	por !p0, !p0  }
0x50: {  	s24 =	sshrl.u32 s24, $0x7;
	s25 =	simm.s32 @!p0 $0x0  }
0x51: {  	(v2sf) =	vpush v35, $0x4;
	s24 =	ssub.s32 s24, s25  }
0x52: {  	s24 =	sshll.u32 s24, $0x7  }
0x53: {  	s24 =	sand.u32 $0x1FFFFF80, s24  }
0x54: {  	s24 =	sadd.s32 s1, s24  }
0x55: {  	[tilespmem:s30], [sflag:$0x1] =	stream.linear.gather [hbm4b:s24+s2], $0x400, $0x38;
	[tilespmem:$0x1A200] =	vst v63  }
0x56: {  	s24 =	sadd.s32 $0xF4280, s24  }
0x57: {  	[tilespmem:s3], [sflag:$0x1] =	stream.linear.gather [hbm4b:s24+s2], $0x400, $0x38;
	[tilespmem:$0x1A200] =	vst v63  }
0x58: {  	s3 =	spop (v2sf)  }
0x59: {  	s26 =	sand.u32 $0x7F, s3  }
0x5a: {  	s28 =	sshra.s32 s3, $0x1F;
	p4 =	slt.s32 s3, $0x1;
	p3 =	sne.s32 s26, $0x0  }
0x5b: {  	s25 =	sshrl.u32 s28, $0x19;
	p0 =	por !p4, !p3  }
0x5c: {  	(v2sf) =	vpush v35, $0x5;
	s24 =	sadd.s32 s25, s3;
	s25 =	simm.s32 $0x1;
	p0 =	por !p0, !p0  }
0x5d: {  	s24 =	sshrl.u32 s24, $0x7;
	s25 =	simm.s32 @!p0 $0x0  }
0x5e: {  	s24 =	ssub.s32 s24, s25  }
0x5f: {  	s24 =	sshll.u32 s24, $0x7  }
0x60: {  	s29 =	spop (v2sf);
	s24 =	sand.u32 $0x1FFFFF80, s24  }
0x61: {  	s3 =	sand.u32 $0x7F, s29;
	s24 =	sadd.s32 s1, s24  }
0x62: {  	[tilespmem:s4], [sflag:$0x1] =	stream.linear.gather [hbm4b:s24+s2], $0x400, $0x38;
	[tilespmem:$0x1A200] =	vst v63  }
0x63: {  	p6 =	slt.s32 s29, $0x1;
	p5 =	sne.s32 s3, $0x0;
	s4 =	sshra.s32 s29, $0x1F  }
0x64: {  	p0 =	por !p6, !p5;
	s24 =	sadd.s32 $0xF4280, s24;
	s25 =	sshrl.u32 s4, $0x19  }
0x65: {  	[tilespmem:s5], [sflag:$0x1] =	stream.linear.gather [hbm4b:s24+s2], $0x400, $0x38;
	[tilespmem:$0x1A200] =	vst v63  }
0x66: {  	p0 =	por !p0, !p0;
	s24 =	sadd.s32 s25, s29;
	s25 =	simm.s32 $0x1  }
0x67: {  	s24 =	sshrl.u32 s24, $0x7;
	s25 =	simm.s32 @!p0 $0x0  }
0x68: {  	s24 =	ssub.s32 s24, s25  }
0x69: {  	s24 =	sshll.u32 s24, $0x7  }
0x6a: {  	s24 =	sand.u32 $0x1FFFFF80, s24  }
0x6b: {  	(v2sf) =	vpush v35, $0x6;
	s5 =	spop (v2sf);
	s24 =	sadd.s32 s1, s24  }
0x6c: {  	[tilespmem:s6], [sflag:$0x1] =	stream.linear.gather [hbm4b:s24+s2], $0x400, $0x38;
	[tilespmem:$0x1A200] =	vst v63  }
0x6d: {  	s24 =	sadd.s32 $0xF4280, s24;
	s6 =	sand.u32 $0x7F, s5  }
0x6e: {  	[tilespmem:s7], [sflag:$0x1] =	stream.linear.gather [hbm4b:s24+s2], $0x400, $0x38;
	[tilespmem:$0x1A200] =	vst v63  }
0x6f: {  	p2 =	slt.s32 s5, $0x1;
	p1 =	sne.s32 s6, $0x0;
	s7 =	sshra.s32 s5, $0x1F  }
0x70: {  	p0 =	por !p2, !p1;
	s25 =	sshrl.u32 s7, $0x19  }
0x71: {  	p0 =	por !p0, !p0;
	s24 =	sadd.s32 s25, s5;
	s25 =	simm.s32 $0x1  }
0x72: {  	(v2sf) =	vpush v35, $0x7;
	s24 =	sshrl.u32 s24, $0x7;
	s25 =	simm.s32 @!p0 $0x0  }
0x73: {  	s24 =	ssub.s32 s24, s25  }
0x74: {  	s24 =	sshll.u32 s24, $0x7  }
0x75: {  	s24 =	sand.u32 $0x1FFFFF80, s24  }
0x76: {  	s24 =	sadd.s32 s1, s24  }
0x77: {  	[tilespmem:s10], [sflag:$0x1] =	stream.linear.gather [hbm4b:s24+s2], $0x400, $0x38;
	[tilespmem:$0x1A200] =	vst v63  }
0x78: {  	s24 =	sadd.s32 $0xF4280, s24  }
0x79: {  	[tilespmem:s11], [sflag:$0x1] =	stream.linear.gather [hbm4b:s24+s2], $0x400, $0x38;
	[tilespmem:$0x1A200] =	vst v63  }
0x7a: {  	s11 =	spop (v2sf)  }
0x7b: {  	(v2sf) =	vpush v35, $0x8;
	s26 =	sand.u32 $0x7F, s11  }
0x7c: {  	s28 =	sshra.s32 s11, $0x1F;
	p4 =	slt.s32 s11, $0x1;
	p3 =	sne.s32 s26, $0x0  }
0x7d: {  	s25 =	sshrl.u32 s28, $0x19;
	p0 =	por !p4, !p3  }
0x7e: {  	s24 =	sadd.s32 s25, s11;
	s25 =	simm.s32 $0x1;
	p0 =	por !p0, !p0  }
0x7f: {  	s24 =	sshrl.u32 s24, $0x7;
	s25 =	simm.s32 @!p0 $0x0  }
0x80: {  	s24 =	ssub.s32 s24, s25  }
0x81: {  	s29 =	spop (v2sf);
	s24 =	sshll.u32 s24, $0x7  }
0x82: {  	s3 =	sand.u32 $0x7F, s29;
	s4 =	sshra.s32 s29, $0x1F;
	s24 =	sand.u32 $0x1FFFFF80, s24  }
0x83: {  	p6 =	slt.s32 s29, $0x1;
	p5 =	sne.s32 s3, $0x0;
	s24 =	sadd.s32 s1, s24  }
0x84: {  	(v2sf) =	vpush v35, $0x9;
	[tilespmem:s12], [sflag:$0x1] =	stream.linear.gather [hbm4b:s24+s2], $0x400, $0x38;
	[tilespmem:$0x1A200] =	vst v63  }
0x85: {  	p0 =	por !p6, !p5;
	s25 =	sshrl.u32 s4, $0x19;
	s24 =	sadd.s32 $0xF4280, s24  }
0x86: {  	[tilespmem:s13], [sflag:$0x1] =	stream.linear.gather [hbm4b:s24+s2], $0x400, $0x38;
	[tilespmem:$0x1A200] =	vst v63  }
0x87: {  	p0 =	por !p0, !p0;
	s24 =	sadd.s32 s25, s29;
	s25 =	simm.s32 $0x1  }
0x88: {  	s24 =	sshrl.u32 s24, $0x7;
	s25 =	simm.s32 @!p0 $0x0  }
0x89: {  	s24 =	ssub.s32 s24, s25  }
0x8a: {  	s24 =	sshll.u32 s24, $0x7;
	s5 =	spop (v2sf)  }
0x8b: {  	s24 =	sand.u32 $0x1FFFFF80, s24;
	s6 =	sand.u32 $0x7F, s5;
	s7 =	sshra.s32 s5, $0x1F  }
0x8c: {  	p2 =	slt.s32 s5, $0x1;
	s24 =	sadd.s32 s1, s24;
	p1 =	sne.s32 s6, $0x0  }
0x8d: {  	(v2sf) =	vpush v35, $0xA;
	[tilespmem:s15], [sflag:$0x1] =	stream.linear.gather [hbm4b:s24+s2], $0x400, $0x38;
	[tilespmem:$0x1A200] =	vst v63  }
0x8e: {  	s25 =	sshrl.u32 s7, $0x19;
	s24 =	sadd.s32 $0xF4280, s24;
	p0 =	por !p2, !p1  }
0x8f: {  	[tilespmem:s16], [sflag:$0x1] =	stream.linear.gather [hbm4b:s24+s2], $0x400, $0x38;
	[tilespmem:$0x1A200] =	vst v63  }
0x90: {  	p0 =	por !p0, !p0;
	s24 =	sadd.s32 s25, s5;
	s25 =	simm.s32 $0x1  }
0x91: {  	s24 =	sshrl.u32 s24, $0x7;
	s25 =	simm.s32 @!p0 $0x0  }
0x92: {  	s24 =	ssub.s32 s24, s25  }
0x93: {  	s10 =	spop (v2sf);
	s24 =	sshll.u32 s24, $0x7  }
0x94: {  	s11 =	sand.u32 $0x7F, s10;
	s12 =	sshra.s32 s10, $0x1F;
	s24 =	sand.u32 $0x1FFFFF80, s24  }
0x95: {  	p4 =	slt.s32 s10, $0x1;
	p3 =	sne.s32 s11, $0x0;
	s24 =	sadd.s32 s1, s24  }
0x96: {  	(v2sf) =	vpush v35, $0xB;
	[tilespmem:s0], [sflag:$0x1] =	stream.linear.gather [hbm4b:s24+s2], $0x400, $0x38;
	[tilespmem:$0x1A200] =	vst v63  }
0x97: {  	p0 =	por !p4, !p3;
	s25 =	sshrl.u32 s12, $0x19;
	s24 =	sadd.s32 $0xF4280, s24  }
0x98: {  	[tilespmem:s17], [sflag:$0x1] =	stream.linear.gather [hbm4b:s24+s2], $0x400, $0x38;
	[tilespmem:$0x1A200] =	vst v63  }
0x99: {  	p0 =	por !p0, !p0;
	s24 =	sadd.s32 s25, s10;
	s25 =	simm.s32 $0x1  }
0x9a: {  	s24 =	sshrl.u32 s24, $0x7;
	s25 =	simm.s32 @!p0 $0x0  }
0x9b: {  	s24 =	ssub.s32 s24, s25  }
0x9c: {  	s13 =	spop (v2sf);
	s24 =	sshll.u32 s24, $0x7  }
0x9d: {  	s15 =	sand.u32 $0x7F, s13;
	s16 =	sshra.s32 s13, $0x1F;
	s24 =	sand.u32 $0x1FFFFF80, s24  }
0x9e: {  	p6 =	slt.s32 s13, $0x1;
	p5 =	sne.s32 s15, $0x0;
	s24 =	sadd.s32 s1, s24  }
0x9f: {  	(v2sf) =	vpush v35, $0xC;
	[tilespmem:s18], [sflag:$0x1] =	stream.linear.gather [hbm4b:s24+s2], $0x400, $0x38;
	[tilespmem:$0x1A200] =	vst v63  }
0xa0: {  	s25 =	sshrl.u32 s16, $0x19;
	p0 =	por !p6, !p5;
	s24 =	sadd.s32 $0xF4280, s24  }
0xa1: {  	[tilespmem:s19], [sflag:$0x1] =	stream.linear.gather [hbm4b:s24+s2], $0x400, $0x38;
	[tilespmem:$0x1A200] =	vst v63  }
0xa2: {  	p0 =	por !p0, !p0;
	s24 =	sadd.s32 s25, s13;
	s25 =	simm.s32 $0x1  }
0xa3: {  	s24 =	sshrl.u32 s24, $0x7;
	s25 =	simm.s32 @!p0 $0x0  }
0xa4: {  	s24 =	ssub.s32 s24, s25  }
0xa5: {  	s17 =	simm.s32 $0x6A00;
	s18 =	spop (v2sf);
	s24 =	sshll.u32 s24, $0x7  }
0xa6: {  	s26 =	sshra.s32 s18, $0x1F;
	s19 =	sand.u32 $0x7F, s18;
	s24 =	sand.u32 $0x1FFFFF80, s24  }
0xa7: {  	p2 =	slt.s32 s18, $0x1;
	p1 =	sne.s32 s19, $0x0;
	s24 =	sadd.s32 s1, s24  }
0xa8: {  	(v2sf) =	vpush v35, $0xD;
	[tilespmem:s31], [sflag:$0x1] =	stream.linear.gather [hbm4b:s24+s2], $0x400, $0x38;
	[tilespmem:$0x1A200] =	vst v63  }
0xa9: {  	s25 =	sshrl.u32 s26, $0x19;
	p0 =	por !p2, !p1;
	s24 =	sadd.s32 $0xF4280, s24  }
0xaa: {  	[tilespmem:s17], [sflag:$0x1] =	stream.linear.gather [hbm4b:s24+s2], $0x400, $0x38;
	[tilespmem:$0x1A200] =	vst v63  }
0xab: {  	p0 =	por !p0, !p0;
	s24 =	sadd.s32 s25, s18;
	s25 =	simm.s32 $0x1  }
0xac: {  	s24 =	sshrl.u32 s24, $0x7;
	s25 =	simm.s32 @!p0 $0x0  }
0xad: {  	s28 =	simm.s32 $0x2E00;
	s24 =	ssub.s32 s24, s25  }
0xae: {  	s29 =	simm.s32 $0x6E00;
	s31 =	spop (v2sf);
	s24 =	sshll.u32 s24, $0x7  }
0xaf: {  	s0 =	sand.u32 $0x7F, s31;
	s3 =	sshra.s32 s31, $0x1F;
	s24 =	sand.u32 $0x1FFFFF80, s24  }
0xb0: {  	p4 =	slt.s32 s31, $0x1;
	p3 =	sne.s32 s0, $0x0;
	s24 =	sadd.s32 s1, s24  }
0xb1: {  	(v2sf) =	vpush v35, $0xE;
	[tilespmem:s28], [sflag:$0x1] =	stream.linear.gather [hbm4b:s24+s2], $0x400, $0x38;
	[tilespmem:$0x1A200] =	vst v63  }
0xb2: {  	s25 =	sshrl.u32 s3, $0x19;
	p0 =	por !p4, !p3;
	s24 =	sadd.s32 $0xF4280, s24  }
0xb3: {  	[tilespmem:s29], [sflag:$0x1] =	stream.linear.gather [hbm4b:s24+s2], $0x400, $0x38;
	[tilespmem:$0x1A200] =	vst v63  }
0xb4: {  	p0 =	por !p0, !p0;
	s24 =	sadd.s32 s25, s31;
	s25 =	simm.s32 $0x1  }
0xb5: {  	s24 =	sshrl.u32 s24, $0x7;
	s25 =	simm.s32 @!p0 $0x0  }
0xb6: {  	s4 =	simm.s32 $0x3200;
	s24 =	ssub.s32 s24, s25  }
0xb7: {  	s5 =	simm.s32 $0x7200;
	s6 =	spop (v2sf);
	s24 =	sshll.u32 s24, $0x7  }
0xb8: {  	s7 =	sand.u32 $0x7F, s6;
	s10 =	sshra.s32 s6, $0x1F;
	s24 =	sand.u32 $0x1FFFFF80, s24  }
0xb9: {  	p6 =	slt.s32 s6, $0x1;
	p5 =	sne.s32 s7, $0x0;
	s24 =	sadd.s32 s1, s24  }
0xba: {  	(v2sf) =	vpush v35, $0xF;
	[tilespmem:s4], [sflag:$0x1] =	stream.linear.gather [hbm4b:s24+s2], $0x400, $0x38;
	[tilespmem:$0x1A200] =	vst v63  }
0xbb: {  	p0 =	por !p6, !p5;
	s25 =	sshrl.u32 s10, $0x19;
	s24 =	sadd.s32 $0xF4280, s24  }
0xbc: {  	[tilespmem:s5], [sflag:$0x1] =	stream.linear.gather [hbm4b:s24+s2], $0x400, $0x38;
	[tilespmem:$0x1A200] =	vst v63  }
0xbd: {  	p0 =	por !p0, !p0;
	s24 =	sadd.s32 s25, s6;
	s25 =	simm.s32 $0x1  }
0xbe: {  	s24 =	sshrl.u32 s24, $0x7;
	s25 =	simm.s32 @!p0 $0x0  }
0xbf: {  	s11 =	simm.s32 $0x3600;
	s24 =	ssub.s32 s24, s25  }
0xc0: {  	s12 =	simm.s32 $0x7600;
	s13 =	spop (v2sf);
	s24 =	sshll.u32 s24, $0x7  }
0xc1: {  	s15 =	sand.u32 $0x7F, s13;
	s16 =	sshra.s32 s13, $0x1F;
	s24 =	sand.u32 $0x1FFFFF80, s24  }
0xc2: {  	p2 =	slt.s32 s13, $0x1;
	p1 =	sne.s32 s15, $0x0;
	s24 =	sadd.s32 s1, s24  }
0xc3: {  	[tilespmem:s11], [sflag:$0x1] =	stream.linear.gather [hbm4b:s24+s2], $0x400, $0x38;
	[tilespmem:$0x1A200] =	vst v63  }
0xc4: {  	s25 =	sshrl.u32 s16, $0x19;
	p0 =	por !p2, !p1;
	s24 =	sadd.s32 $0xF4280, s24  }
0xc5: {  	[tilespmem:s12], [sflag:$0x1] =	stream.linear.gather [hbm4b:s24+s2], $0x400, $0x38;
	[tilespmem:$0x1A200] =	vst v63  }
0xc6: {  	p0 =	por !p0, !p0;
	s24 =	sadd.s32 s25, s13;
	s25 =	simm.s32 $0x1  }
0xc7: {  	s24 =	sshrl.u32 s24, $0x7;
	s25 =	simm.s32 @!p0 $0x0  }
0xc8: {  	s17 =	simm.s32 $0x3A00;
	s24 =	ssub.s32 s24, s25  }
0xc9: {  	s18 =	simm.s32 $0x7A00;
	s19 =	spop (v2sf);
	s24 =	sshll.u32 s24, $0x7  }
0xca: {  	s26 =	sand.u32 $0x7F, s19;
	s28 =	sshra.s32 s19, $0x1F;
	s24 =	sand.u32 $0x1FFFFF80, s24  }
0xcb: {  	p4 =	slt.s32 s19, $0x1;
	p3 =	sne.s32 s26, $0x0;
	s24 =	sadd.s32 s1, s24  }
0xcc: {  	[tilespmem:s17], [sflag:$0x1] =	stream.linear.gather [hbm4b:s24+s2], $0x400, $0x38;
	[tilespmem:$0x1A200] =	vst v63  }
0xcd: {  	p0 =	por !p4, !p3;
	s25 =	sshrl.u32 s28, $0x19;
	s24 =	sadd.s32 $0xF4280, s24  }
0xce: {  	[tilespmem:s18], [sflag:$0x1] =	stream.linear.gather [hbm4b:s24+s2], $0x400, $0x38;
	[tilespmem:$0x1A200] =	vst v63  }
0xcf: {  	p0 =	por !p0, !p0;
	s24 =	sadd.s32 s25, s19;
	s25 =	simm.s32 $0x1  }
0xd0: {  	s24 =	sshrl.u32 s24, $0x7;
	s25 =	simm.s32 @!p0 $0x0  }
0xd1: {  	s24 =	ssub.s32 s24, s25  }
0xd2: {  	s24 =	sshll.u32 s24, $0x7  }
0xd3: {  	s24 =	sand.u32 $0x1FFFFF80, s24  }
0xd4: {  	s29 =	simm.s32 $0x3E00;
	s24 =	sadd.s32 s1, s24  }
0xd5: {  	[tilespmem:s29], [sflag:$0x1] =	stream.linear.gather [hbm4b:s24+s2], $0x400, $0x38;
	[tilespmem:$0x1A200] =	vst v63  }
0xd6: {  	s31 =	simm.s32 $0x7E00;
	s24 =	sadd.s32 $0xF4280, s24  }
0xd7: {  	[tilespmem:s31], [sflag:$0x1] =	stream.linear.gather [hbm4b:s24+s2], $0x400, $0x38;
	[tilespmem:$0x1A200] =	vst v63  }
0xd8: {  	v63 =	vld [tilespmem:$0x10];
	_ =	sdelay $0x4  }
0xd9: {  	(v2sf) =	vpush v63, $0x0;
	_ =	sdelay $0x6  }
0xda: {  	(v2sf) =	vpush v63, $0x1;
	_ =	sdelay $0x7  }
0xdb: {  	s0 =	spop (v2sf)  }
0xdc: {  	(v2sf) =	vpush v63, $0x2;
	s3 =	sand.u32 $0x7F, s0  }
0xdd: {  	s4 =	sshra.s32 s0, $0x1F;
	p6 =	slt.s32 s0, $0x1;
	p5 =	sne.s32 s3, $0x0  }
0xde: {  	s25 =	sshrl.u32 s4, $0x19;
	p0 =	por !p6, !p5  }
0xdf: {  	s24 =	sadd.s32 s25, s0;
	s25 =	simm.s32 $0x1;
	p0 =	por !p0, !p0  }
0xe0: {  	s24 =	sshrl.u32 s24, $0x7;
	s25 =	simm.s32 @!p0 $0x0  }
0xe1: {  	s24 =	ssub.s32 s24, s25  }
0xe2: {  	s5 =	simm.s32 $0xC200;
	s6 =	spop (v2sf);
	s24 =	sshll.u32 s24, $0x7  }
0xe3: {  	s7 =	sand.u32 $0x7F, s6;
	s10 =	sshra.s32 s6, $0x1F;
	s24 =	sand.u32 $0x1FFFFF80, s24  }
0xe4: {  	p2 =	slt.s32 s6, $0x1;
	p1 =	sne.s32 s7, $0x0;
	s24 =	sadd.s32 s1, s24  }
0xe5: {  	(v2sf) =	vpush v63, $0x3;
	[tilespmem:s14], [sflag:$0x2] =	stream.linear.gather [hbm4b:s24+s2], $0x400, $0x38;
	[tilespmem:$0x1A200] =	vst v63  }
0xe6: {  	p0 =	por !p2, !p1;
	s25 =	sshrl.u32 s10, $0x19;
	s24 =	sadd.s32 $0xF4280, s24  }
0xe7: {  	[tilespmem:s5], [sflag:$0x2] =	stream.linear.gather [hbm4b:s24+s2], $0x400, $0x38;
	[tilespmem:$0x1A200] =	vst v63  }
0xe8: {  	p0 =	por !p0, !p0;
	s24 =	sadd.s32 s25, s6;
	s25 =	simm.s32 $0x1  }
0xe9: {  	s24 =	sshrl.u32 s24, $0x7;
	s25 =	simm.s32 @!p0 $0x0  }
0xea: {  	s11 =	simm.s32 $0x8600;
	s24 =	ssub.s32 s24, s25  }
0xeb: {  	s12 =	simm.s32 $0xC600;
	s24 =	sshll.u32 s24, $0x7;
	s13 =	spop (v2sf)  }
0xec: {  	s24 =	sand.u32 $0x1FFFFF80, s24;
	s15 =	sand.u32 $0x7F, s13;
	s16 =	sshra.s32 s13, $0x1F  }
0xed: {  	p4 =	slt.s32 s13, $0x1;
	s24 =	sadd.s32 s1, s24;
	p3 =	sne.s32 s15, $0x0  }
0xee: {  	(v2sf) =	vpush v63, $0x4;
	[tilespmem:s11], [sflag:$0x2] =	stream.linear.gather [hbm4b:s24+s2], $0x400, $0x38;
	[tilespmem:$0x1A200] =	vst v63  }
0xef: {  	s25 =	sshrl.u32 s16, $0x19;
	s24 =	sadd.s32 $0xF4280, s24;
	p0 =	por !p4, !p3  }
0xf0: {  	[tilespmem:s12], [sflag:$0x2] =	stream.linear.gather [hbm4b:s24+s2], $0x400, $0x38;
	[tilespmem:$0x1A200] =	vst v63  }
0xf1: {  	p0 =	por !p0, !p0;
	s24 =	sadd.s32 s25, s13;
	s25 =	simm.s32 $0x1  }
0xf2: {  	s24 =	sshrl.u32 s24, $0x7;
	s25 =	simm.s32 @!p0 $0x0  }
0xf3: {  	s17 =	simm.s32 $0x8A00;
	s24 =	ssub.s32 s24, s25  }
0xf4: {  	s18 =	simm.s32 $0xCA00;
	s19 =	spop (v2sf);
	s24 =	sshll.u32 s24, $0x7  }
0xf5: {  	s26 =	sand.u32 $0x7F, s19;
	s28 =	sshra.s32 s19, $0x1F;
	s24 =	sand.u32 $0x1FFFFF80, s24  }
0xf6: {  	p6 =	slt.s32 s19, $0x1;
	p5 =	sne.s32 s26, $0x0;
	s24 =	sadd.s32 s1, s24  }
0xf7: {  	(v2sf) =	vpush v63, $0x5;
	[tilespmem:s17], [sflag:$0x2] =	stream.linear.gather [hbm4b:s24+s2], $0x400, $0x38;
	[tilespmem:$0x1A200] =	vst v63  }
0xf8: {  	p0 =	por !p6, !p5;
	s25 =	sshrl.u32 s28, $0x19;
	s24 =	sadd.s32 $0xF4280, s24  }
0xf9: {  	[tilespmem:s18], [sflag:$0x2] =	stream.linear.gather [hbm4b:s24+s2], $0x400, $0x38;
	[tilespmem:$0x1A200] =	vst v63  }
0xfa: {  	p0 =	por !p0, !p0;
	s24 =	sadd.s32 s25, s19;
	s25 =	simm.s32 $0x1  }
0xfb: {  	s24 =	sshrl.u32 s24, $0x7;
	s25 =	simm.s32 @!p0 $0x0  }
0xfc: {  	s29 =	simm.s32 $0x8E00;
	s24 =	ssub.s32 s24, s25  }
0xfd: {  	s31 =	simm.s32 $0xCE00;
	s3 =	spop (v2sf);
	s24 =	sshll.u32 s24, $0x7  }
0xfe: {  	s4 =	sand.u32 $0x7F, s3;
	s5 =	sshra.s32 s3, $0x1F;
	s24 =	sand.u32 $0x1FFFFF80, s24  }
0xff: {  	p2 =	slt.s32 s3, $0x1;
	p1 =	sne.s32 s4, $0x0;
	s24 =	sadd.s32 s1, s24  }
0x100: {  	(v2sf) =	vpush v63, $0x6;
	[tilespmem:s29], [sflag:$0x2] =	stream.linear.gather [hbm4b:s24+s2], $0x400, $0x38;
	[tilespmem:$0x1A200] =	vst v63  }
0x101: {  	s25 =	sshrl.u32 s5, $0x19;
	p0 =	por !p2, !p1;
	s24 =	sadd.s32 $0xF4280, s24  }
0x102: {  	[tilespmem:s31], [sflag:$0x2] =	stream.linear.gather [hbm4b:s24+s2], $0x400, $0x38;
	[tilespmem:$0x1A200] =	vst v63  }
0x103: {  	p0 =	por !p0, !p0;
	s24 =	sadd.s32 s25, s3;
	s25 =	simm.s32 $0x1  }
0x104: {  	s24 =	sshrl.u32 s24, $0x7;
	s25 =	simm.s32 @!p0 $0x0  }
0x105: {  	s7 =	simm.s32 $0xD200;
	s24 =	ssub.s32 s24, s25  }
0x106: {  	s6 =	simm.s32 $0x9200;
	s10 =	spop (v2sf);
	s24 =	sshll.u32 s24, $0x7  }
0x107: {  	s11 =	sand.u32 $0x7F, s10;
	s12 =	sshra.s32 s10, $0x1F;
	s24 =	sand.u32 $0x1FFFFF80, s24  }
0x108: {  	p4 =	slt.s32 s10, $0x1;
	p3 =	sne.s32 s11, $0x0;
	s24 =	sadd.s32 s1, s24  }
0x109: {  	(v2sf) =	vpush v63, $0x7;
	[tilespmem:s6], [sflag:$0x2] =	stream.linear.gather [hbm4b:s24+s2], $0x400, $0x38;
	[tilespmem:$0x1A200] =	vst v63  }
0x10a: {  	p0 =	por !p4, !p3;
	s25 =	sshrl.u32 s12, $0x19;
	s24 =	sadd.s32 $0xF4280, s24  }
0x10b: {  	[tilespmem:s7], [sflag:$0x2] =	stream.linear.gather [hbm4b:s24+s2], $0x400, $0x38;
	[tilespmem:$0x1A200] =	vst v63  }
0x10c: {  	p0 =	por !p0, !p0;
	s24 =	sadd.s32 s25, s10;
	s25 =	simm.s32 $0x1  }
0x10d: {  	s24 =	sshrl.u32 s24, $0x7;
	s25 =	simm.s32 @!p0 $0x0  }
0x10e: {  	s15 =	simm.s32 $0xD600;
	s24 =	ssub.s32 s24, s25  }
0x10f: {  	s13 =	simm.s32 $0x9600;
	s16 =	spop (v2sf);
	s24 =	sshll.u32 s24, $0x7  }
0x110: {  	s17 =	sand.u32 $0x7F, s16;
	s18 =	sshra.s32 s16, $0x1F;
	s24 =	sand.u32 $0x1FFFFF80, s24  }
0x111: {  	p6 =	slt.s32 s16, $0x1;
	p5 =	sne.s32 s17, $0x0;
	s24 =	sadd.s32 s1, s24  }
0x112: {  	[tilespmem:s13], [sflag:$0x2] =	stream.linear.gather [hbm4b:s24+s2], $0x400, $0x38;
	[tilespmem:$0x1A200] =	vst v63  }
0x113: {  	(v2sf) =	vpush v63, $0x8;
	s25 =	sshrl.u32 s18, $0x19;
	p0 =	por !p6, !p5;
	s24 =	sadd.s32 $0xF4280, s24  }
0x114: {  	[tilespmem:s15], [sflag:$0x2] =	stream.linear.gather [hbm4b:s24+s2], $0x400, $0x38;
	[tilespmem:$0x1A200] =	vst v63  }
0x115: {  	p0 =	por !p0, !p0;
	s24 =	sadd.s32 s25, s16;
	s25 =	simm.s32 $0x1  }
0x116: {  	s24 =	sshrl.u32 s24, $0x7;
	s25 =	simm.s32 @!p0 $0x0  }
0x117: {  	s24 =	ssub.s32 s24, s25  }
0x118: {  	s26 =	spop (v2sf);
	s24 =	sshll.u32 s24, $0x7  }
0x119: {  	s19 =	simm.s32 $0x9A00;
	s28 =	sand.u32 $0x7F, s26;
	s24 =	sand.u32 $0x1FFFFF80, s24  }
0x11a: {  	s29 =	sshra.s32 s26, $0x1F;
	p2 =	slt.s32 s26, $0x1;
	s24 =	sadd.s32 s1, s24  }
0x11b: {  	[tilespmem:s19], [sflag:$0x2] =	stream.linear.gather [hbm4b:s24+s2], $0x400, $0x38;
	[tilespmem:$0x1A200] =	vst v63  }
0x11c: {  	(v2sf) =	vpush v63, $0x9;
	p1 =	sne.s32 s28, $0x0;
	s25 =	simm.s32 $0xDA00;
	s24 =	sadd.s32 $0xF4280, s24  }
0x11d: {  	[tilespmem:s25], [sflag:$0x2] =	stream.linear.gather [hbm4b:s24+s2], $0x400, $0x38;
	[tilespmem:$0x1A200] =	vst v63  }
0x11e: {  	p0 =	por !p2, !p1;
	s25 =	sshrl.u32 s29, $0x19  }
0x11f: {  	p0 =	por !p0, !p0;
	s24 =	sadd.s32 s25, s26;
	s25 =	simm.s32 $0x1  }
0x120: {  	s24 =	sshrl.u32 s24, $0x7;
	s25 =	simm.s32 @!p0 $0x0  }
0x121: {  	s31 =	simm.s32 $0x9E00;
	s24 =	ssub.s32 s24, s25  }
0x122: {  	s3 =	simm.s32 $0xDE00;
	s4 =	spop (v2sf);
	s24 =	sshll.u32 s24, $0x7  }
0x123: {  	s5 =	sand.u32 $0x7F, s4;
	s6 =	sshra.s32 s4, $0x1F;
	s24 =	sand.u32 $0x1FFFFF80, s24  }
0x124: {  	p4 =	slt.s32 s4, $0x1;
	p3 =	sne.s32 s5, $0x0;
	s24 =	sadd.s32 s1, s24  }
0x125: {  	(v2sf) =	vpush v63, $0xA;
	[tilespmem:s31], [sflag:$0x2] =	stream.linear.gather [hbm4b:s24+s2], $0x400, $0x38;
	[tilespmem:$0x1A200] =	vst v63  }
0x126: {  	s25 =	sshrl.u32 s6, $0x19;
	p0 =	por !p4, !p3;
	s24 =	sadd.s32 $0xF4280, s24  }
0x127: {  	[tilespmem:s3], [sflag:$0x2] =	stream.linear.gather [hbm4b:s24+s2], $0x400, $0x38;
	[tilespmem:$0x1A200] =	vst v63  }
0x128: {  	p0 =	por !p0, !p0;
	s24 =	sadd.s32 s25, s4;
	s25 =	simm.s32 $0x1  }
0x129: {  	s24 =	sshrl.u32 s24, $0x7;
	s25 =	simm.s32 @!p0 $0x0  }
0x12a: {  	s7 =	simm.s32 $0xA200;
	s24 =	ssub.s32 s24, s25  }
0x12b: {  	s10 =	simm.s32 $0xE200;
	s11 =	spop (v2sf);
	s24 =	sshll.u32 s24, $0x7  }
0x12c: {  	s12 =	sand.u32 $0x7F, s11;
	s13 =	sshra.s32 s11, $0x1F;
	s24 =	sand.u32 $0x1FFFFF80, s24  }
0x12d: {  	p6 =	slt.s32 s11, $0x1;
	p5 =	sne.s32 s12, $0x0;
	s24 =	sadd.s32 s1, s24  }
0x12e: {  	(v2sf) =	vpush v63, $0xB;
	[tilespmem:s7], [sflag:$0x2] =	stream.linear.gather [hbm4b:s24+s2], $0x400, $0x38;
	[tilespmem:$0x1A200] =	vst v63  }
0x12f: {  	p0 =	por !p6, !p5;
	s25 =	sshrl.u32 s13, $0x19;
	s24 =	sadd.s32 $0xF4280, s24  }
0x130: {  	[tilespmem:s10], [sflag:$0x2] =	stream.linear.gather [hbm4b:s24+s2], $0x400, $0x38;
	[tilespmem:$0x1A200] =	vst v63  }
0x131: {  	p0 =	por !p0, !p0;
	s24 =	sadd.s32 s25, s11;
	s25 =	simm.s32 $0x1  }
0x132: {  	s24 =	sshrl.u32 s24, $0x7;
	s25 =	simm.s32 @!p0 $0x0  }
0x133: {  	s15 =	simm.s32 $0xA600;
	s24 =	ssub.s32 s24, s25  }
0x134: {  	s16 =	simm.s32 $0xE600;
	s17 =	spop (v2sf);
	s24 =	sshll.u32 s24, $0x7  }
0x135: {  	s18 =	sand.u32 $0x7F, s17;
	s19 =	sshra.s32 s17, $0x1F;
	s24 =	sand.u32 $0x1FFFFF80, s24  }
0x136: {  	p2 =	slt.s32 s17, $0x1;
	p1 =	sne.s32 s18, $0x0;
	s24 =	sadd.s32 s1, s24  }
0x137: {  	(v2sf) =	vpush v63, $0xC;
	[tilespmem:s15], [sflag:$0x2] =	stream.linear.gather [hbm4b:s24+s2], $0x400, $0x38;
	[tilespmem:$0x1A200] =	vst v63  }
0x138: {  	p0 =	por !p2, !p1;
	s25 =	sshrl.u32 s19, $0x19;
	s24 =	sadd.s32 $0xF4280, s24  }
0x139: {  	[tilespmem:s16], [sflag:$0x2] =	stream.linear.gather [hbm4b:s24+s2], $0x400, $0x38;
	[tilespmem:$0x1A200] =	vst v63  }
0x13a: {  	p0 =	por !p0, !p0;
	s24 =	sadd.s32 s25, s17;
	s25 =	simm.s32 $0x1  }
0x13b: {  	s24 =	sshrl.u32 s24, $0x7;
	s25 =	simm.s32 @!p0 $0x0  }
0x13c: {  	s28 =	simm.s32 $0xEA00;
	s24 =	ssub.s32 s24, s25  }
0x13d: {  	s26 =	simm.s32 $0xAA00;
	s29 =	spop (v2sf);
	s24 =	sshll.u32 s24, $0x7  }
0x13e: {  	s31 =	sand.u32 $0x7F, s29;
	s0 =	sshra.s32 s29, $0x1F;
	s24 =	sand.u32 $0x1FFFFF80, s24  }
0x13f: {  	p4 =	slt.s32 s29, $0x1;
	p3 =	sne.s32 s31, $0x0;
	s24 =	sadd.s32 s1, s24  }
0x140: {  	(v2sf) =	vpush v63, $0xD;
	[tilespmem:s26], [sflag:$0x2] =	stream.linear.gather [hbm4b:s24+s2], $0x400, $0x38;
	[tilespmem:$0x1A200] =	vst v63  }
0x141: {  	p0 =	por !p4, !p3;
	s25 =	sshrl.u32 s0, $0x19;
	s24 =	sadd.s32 $0xF4280, s24  }
0x142: {  	[tilespmem:s28], [sflag:$0x2] =	stream.linear.gather [hbm4b:s24+s2], $0x400, $0x38;
	[tilespmem:$0x1A200] =	vst v63  }
0x143: {  	p0 =	por !p0, !p0;
	s24 =	sadd.s32 s25, s29;
	s25 =	simm.s32 $0x1  }
0x144: {  	s24 =	sshrl.u32 s24, $0x7;
	s25 =	simm.s32 @!p0 $0x0  }
0x145: {  	s3 =	simm.s32 $0xAE00;
	s24 =	ssub.s32 s24, s25  }
0x146: {  	s4 =	simm.s32 $0xEE00;
	s5 =	spop (v2sf);
	s24 =	sshll.u32 s24, $0x7  }
0x147: {  	s6 =	sand.u32 $0x7F, s5;
	s7 =	sshra.s32 s5, $0x1F;
	s24 =	sand.u32 $0x1FFFFF80, s24  }
0x148: {  	p6 =	slt.s32 s5, $0x1;
	p5 =	sne.s32 s6, $0x0;
	s24 =	sadd.s32 s1, s24  }
0x149: {  	[tilespmem:s3], [sflag:$0x2] =	stream.linear.gather [hbm4b:s24+s2], $0x400, $0x38;
	[tilespmem:$0x1A200] =	vst v63  }
0x14a: {  	(v2sf) =	vpush v63, $0xE;
	p0 =	por !p6, !p5;
	s25 =	sshrl.u32 s7, $0x19;
	s24 =	sadd.s32 $0xF4280, s24  }
0x14b: {  	[tilespmem:s4], [sflag:$0x2] =	stream.linear.gather [hbm4b:s24+s2], $0x400, $0x38;
	[tilespmem:$0x1A200] =	vst v63  }
0x14c: {  	p0 =	por !p0, !p0;
	s24 =	sadd.s32 s25, s5;
	s25 =	simm.s32 $0x1  }
0x14d: {  	s24 =	sshrl.u32 s24, $0x7;
	s25 =	simm.s32 @!p0 $0x0  }
0x14e: {  	s10 =	simm.s32 $0xB200;
	s24 =	ssub.s32 s24, s25  }
0x14f: {  	s11 =	simm.s32 $0xF200;
	s12 =	spop (v2sf);
	s24 =	sshll.u32 s24, $0x7  }
0x150: {  	s13 =	sand.u32 $0x7F, s12;
	s15 =	sshra.s32 s12, $0x1F;
	s24 =	sand.u32 $0x1FFFFF80, s24  }
0x151: {  	p2 =	slt.s32 s12, $0x1;
	p1 =	sne.s32 s13, $0x0;
	s24 =	sadd.s32 s1, s24  }
0x152: {  	(v2sf) =	vpush v63, $0xF;
	[tilespmem:s10], [sflag:$0x2] =	stream.linear.gather [hbm4b:s24+s2], $0x400, $0x38;
	[tilespmem:$0x1A200] =	vst v63  }
0x153: {  	p0 =	por !p2, !p1;
	s25 =	sshrl.u32 s15, $0x19;
	s24 =	sadd.s32 $0xF4280, s24  }
0x154: {  	[tilespmem:s11], [sflag:$0x2] =	stream.linear.gather [hbm4b:s24+s2], $0x400, $0x38;
	[tilespmem:$0x1A200] =	vst v63  }
0x155: {  	p0 =	por !p0, !p0;
	s24 =	sadd.s32 s25, s12;
	s25 =	simm.s32 $0x1  }
0x156: {  	s24 =	sshrl.u32 s24, $0x7;
	s25 =	simm.s32 @!p0 $0x0  }
0x157: {  	s24 =	ssub.s32 s24, s25  }
0x158: {  	s18 =	simm.s32 $0xF600;
	s24 =	sshll.u32 s24, $0x7  }
0x159: {  	s16 =	simm.s32 $0xB600;
	s17 =	spop (v2sf);
	s24 =	sand.u32 $0x1FFFFF80, s24  }
0x15a: {  	s19 =	sand.u32 $0x7F, s17;
	s26 =	sshra.s32 s17, $0x1F;
	s24 =	sadd.s32 s1, s24  }
0x15b: {  	[tilespmem:s16], [sflag:$0x2] =	stream.linear.gather [hbm4b:s24+s2], $0x400, $0x38;
	[tilespmem:$0x1A200] =	vst v63  }
0x15c: {  	p4 =	slt.s32 s17, $0x1;
	p3 =	sne.s32 s19, $0x0;
	s24 =	sadd.s32 $0xF4280, s24  }
0x15d: {  	[tilespmem:s18], [sflag:$0x2] =	stream.linear.gather [hbm4b:s24+s2], $0x400, $0x38;
	[tilespmem:$0x1A200] =	vst v63  }
0x15e: {  	p0 =	por !p4, !p3;
	s24 =	sshrl.u32 s26, $0x19  }
0x15f: {  	p0 =	por !p0, !p0;
	s25 =	simm.s32 $0x1;
	s24 =	sadd.s32 s24, s17  }
0x160: {  	s30 =	simm.s32 $0xFE00;
	s25 =	simm.s32 @!p0 $0x0;
	s24 =	sshrl.u32 s24, $0x7  }
0x161: {  	s0 =	simm.s32 $0x2A00;
	s28 =	spop (v2sf);
	s24 =	ssub.s32 s24, s25  }
0x162: {  	s29 =	sand.u32 $0x7F, s28;
	s31 =	sshra.s32 s28, $0x1F;
	s24 =	sshll.u32 s24, $0x7  }
0x163: {  	p6 =	slt.s32 s28, $0x1;
	p5 =	sne.s32 s29, $0x0;
	s24 =	sand.u32 $0x1FFFFF80, s24  }
0x164: {  	p0 =	por !p6, !p5;
	s18 =	simm.s32 $0xBA00;
	s24 =	sadd.s32 s1, s24  }
0x165: {  	[tilespmem:s18], [sflag:$0x2] =	stream.linear.gather [hbm4b:s24+s2], $0x400, $0x38;
	[tilespmem:$0x1A200] =	vst v63  }
0x166: {  	s17 =	simm.s32 $0xFA00;
	s25 =	sshrl.u32 s31, $0x19;
	s24 =	sadd.s32 $0xF4280, s24  }
0x167: {  	[tilespmem:s17], [sflag:$0x2] =	stream.linear.gather [hbm4b:s24+s2], $0x400, $0x38;
	[tilespmem:$0x1A200] =	vst v63  }
0x168: {  	p0 =	por !p0, !p0;
	s24 =	sadd.s32 s25, s28;
	s25 =	simm.s32 $0x1  }
0x169: {  	s6 =	simm.s32 $0x1200;
	s24 =	sshrl.u32 s24, $0x7;
	s25 =	simm.s32 @!p0 $0x0  }
0x16a: {  	s13 =	simm.s32 $0x5A00;
	s7 =	simm.s32 $0x5200;
	s24 =	ssub.s32 s24, s25  }
0x16b: {  	s3 =	simm.s32 $0x4A00;
	s4 =	simm.s32 $0xE00;
	s24 =	sshll.u32 s24, $0x7  }
0x16c: {  	s5 =	simm.s32 $0x4E00;
	s15 =	simm.s32 $0x1E00;
	s24 =	sand.u32 $0x1FFFFF80, s24  }
0x16d: {  	s19 =	simm.s32 $0xBE00;
	s10 =	simm.s32 $0x1600;
	s24 =	sadd.s32 s1, s24  }
0x16e: {  	[tilespmem:s19], [sflag:$0x2] =	stream.linear.gather [hbm4b:s24+s2], $0x400, $0x38;
	[tilespmem:$0x1A200] =	vst v63  }
0x16f: {  	s11 =	simm.s32 $0x5600;
	s12 =	simm.s32 $0x1A00;
	s24 =	sadd.s32 $0xF4280, s24  }
0x170: {  	[tilespmem:s30], [sflag:$0x2] =	stream.linear.gather [hbm4b:s24+s2], $0x400, $0x38;
	[tilespmem:$0x1A200] =	vst v63  }
0x171: {  	s16 =	simm.s32 $0x5E00;
	s25 =	simm.s32 $0x20;
	s24 =	simm.s32 $0x20  }
.LBB2_2:
0x172: {  	v35 =	vld [tilespmem:s24+$0x0];
	_ =	sdelay $0x4  }
0x173: {  	(v2sf) =	vpush v35, $0x0;
	_ =	sdelay $0xc  }
0x174: {  	(v2sf) =	vpush v35, $0x1;
	_ =	sdelay $0x1  }
0x175: {  	s26 =	spop (v2sf)  }
0x176: {  	s28 =	sand.u32 $0x7F, s26  }
0x177: {  	s29 =	sshra.s32 s26, $0x1F;
	p0 =	slt.s32 s26, $0x1;
	p1 =	sne.s32 s28, $0x0  }
0x178: {  	s31 =	sshrl.u32 s29, $0x19;
	p0 =	por !p0, !p1  }
0x179: {  	s28 =	simm.s32 $0x1;
	s26 =	sadd.s32 s31, s26;
	p0 =	por !p0, !p0  }
0x17a: {  	s26 =	sshrl.u32 s26, $0x7;
	s28 =	simm.s32 @!p0 $0x0  }
0x17b: {  	s26 =	ssub.s32 s26, s28  }
0x17c: {  	s26 =	sshll.u32 s26, $0x7  }
0x17d: {  	s26 =	sand.u32 $0x1FFFFF80, s26  }
0x17e: {  	s26 =	sadd.s32 s1, s26  }
0x17f: {  	[tilespmem:s20], [sflag:$0x3] =	stream.linear.gather [hbm4b:s26+s2], $0x400, $0x38;
	[tilespmem:$0x1A200] =	vst v63  }
0x180: {  	(v2sf) =	vpush v35, $0x2;
	s31 =	rddreg [dreg:$0x4];
	s26 =	sadd.s32 $0xF4280, s26  }
0x181: {  	[tilespmem:s31], [sflag:$0x3] =	stream.linear.gather [hbm4b:s26+s2], $0x400, $0x38;
	[tilespmem:$0x1A200] =	vst v63  }
0x182: {  	s26 =	spop (v2sf)  }
0x183: {  	s31 =	sand.u32 $0x7F, s26  }
0x184: {  	s29 =	sshra.s32 s26, $0x1F;
	p3 =	slt.s32 s26, $0x1;
	p4 =	sne.s32 s31, $0x0  }
0x185: {  	s31 =	sshrl.u32 s29, $0x19;
	p0 =	por !p3, !p4  }
0x186: {  	s28 =	simm.s32 $0x1;
	s26 =	sadd.s32 s31, s26;
	p0 =	por !p0, !p0  }
0x187: {  	s26 =	sshrl.u32 s26, $0x7;
	s28 =	simm.s32 @!p0 $0x0  }
0x188: {  	s26 =	ssub.s32 s26, s28  }
0x189: {  	s26 =	sshll.u32 s26, $0x7  }
0x18a: {  	s26 =	sand.u32 $0x1FFFFF80, s26  }
0x18b: {  	s31 =	rddreg [dreg:$0x5];
	s26 =	sadd.s32 s1, s26  }
0x18c: {  	[tilespmem:s31], [sflag:$0x3] =	stream.linear.gather [hbm4b:s26+s2], $0x400, $0x38;
	[tilespmem:$0x1A200] =	vst v63  }
0x18d: {  	(v2sf) =	vpush v35, $0x3;
	s29 =	rddreg [dreg:$0x6];
	s26 =	sadd.s32 $0xF4280, s26  }
0x18e: {  	[tilespmem:s29], [sflag:$0x3] =	stream.linear.gather [hbm4b:s26+s2], $0x400, $0x38;
	[tilespmem:$0x1A200] =	vst v63  }
0x18f: {  	s26 =	spop (v2sf)  }
0x190: {  	s31 =	sand.u32 $0x7F, s26  }
0x191: {  	s29 =	sshra.s32 s26, $0x1F;
	p5 =	slt.s32 s26, $0x1;
	p6 =	sne.s32 s31, $0x0  }
0x192: {  	s31 =	sshrl.u32 s29, $0x19;
	p0 =	por !p5, !p6  }
0x193: {  	s28 =	simm.s32 $0x1;
	s26 =	sadd.s32 s31, s26;
	p0 =	por !p0, !p0  }
0x194: {  	s26 =	sshrl.u32 s26, $0x7;
	s28 =	simm.s32 @!p0 $0x0  }
0x195: {  	s26 =	ssub.s32 s26, s28  }
0x196: {  	s26 =	sshll.u32 s26, $0x7  }
0x197: {  	s26 =	sand.u32 $0x1FFFFF80, s26  }
0x198: {  	s31 =	rddreg [dreg:$0x7];
	s26 =	sadd.s32 s1, s26  }
0x199: {  	[tilespmem:s31], [sflag:$0x3] =	stream.linear.gather [hbm4b:s26+s2], $0x400, $0x38;
	[tilespmem:$0x1A200] =	vst v63  }
0x19a: {  	(v2sf) =	vpush v35, $0x4;
	s29 =	rddreg [dreg:$0x8];
	s26 =	sadd.s32 $0xF4280, s26  }
0x19b: {  	[tilespmem:s29], [sflag:$0x3] =	stream.linear.gather [hbm4b:s26+s2], $0x400, $0x38;
	[tilespmem:$0x1A200] =	vst v63  }
0x19c: {  	s26 =	spop (v2sf)  }
0x19d: {  	s31 =	sand.u32 $0x7F, s26  }
0x19e: {  	s29 =	sshra.s32 s26, $0x1F;
	p1 =	slt.s32 s26, $0x1;
	p2 =	sne.s32 s31, $0x0  }
0x19f: {  	s31 =	sshrl.u32 s29, $0x19;
	p0 =	por !p1, !p2  }
0x1a0: {  	s28 =	simm.s32 $0x1;
	s26 =	sadd.s32 s31, s26;
	p0 =	por !p0, !p0  }
0x1a1: {  	s26 =	sshrl.u32 s26, $0x7;
	s28 =	simm.s32 @!p0 $0x0  }
0x1a2: {  	s26 =	ssub.s32 s26, s28  }
0x1a3: {  	s26 =	sshll.u32 s26, $0x7  }
0x1a4: {  	s26 =	sand.u32 $0x1FFFFF80, s26  }
0x1a5: {  	s31 =	rddreg [dreg:$0x9];
	s26 =	sadd.s32 s1, s26  }
0x1a6: {  	[tilespmem:s31], [sflag:$0x3] =	stream.linear.gather [hbm4b:s26+s2], $0x400, $0x38;
	[tilespmem:$0x1A200] =	vst v63  }
0x1a7: {  	(v2sf) =	vpush v35, $0x5;
	s29 =	rddreg [dreg:$0xa];
	s26 =	sadd.s32 $0xF4280, s26  }
0x1a8: {  	[tilespmem:s29], [sflag:$0x3] =	stream.linear.gather [hbm4b:s26+s2], $0x400, $0x38;
	[tilespmem:$0x1A200] =	vst v63  }
0x1a9: {  	s26 =	spop (v2sf)  }
0x1aa: {  	s31 =	sand.u32 $0x7F, s26  }
0x1ab: {  	s29 =	sshra.s32 s26, $0x1F;
	p3 =	slt.s32 s26, $0x1;
	p4 =	sne.s32 s31, $0x0  }
0x1ac: {  	s31 =	sshrl.u32 s29, $0x19;
	p0 =	por !p3, !p4  }
0x1ad: {  	s28 =	simm.s32 $0x1;
	s26 =	sadd.s32 s31, s26;
	p0 =	por !p0, !p0  }
0x1ae: {  	s26 =	sshrl.u32 s26, $0x7;
	s28 =	simm.s32 @!p0 $0x0  }
0x1af: {  	s26 =	ssub.s32 s26, s28  }
0x1b0: {  	s26 =	sshll.u32 s26, $0x7  }
0x1b1: {  	s26 =	sand.u32 $0x1FFFFF80, s26  }
0x1b2: {  	s31 =	rddreg [dreg:$0xb];
	s26 =	sadd.s32 s1, s26  }
0x1b3: {  	[tilespmem:s31], [sflag:$0x3] =	stream.linear.gather [hbm4b:s26+s2], $0x400, $0x38;
	[tilespmem:$0x1A200] =	vst v63  }
0x1b4: {  	(v2sf) =	vpush v35, $0x6;
	s29 =	rddreg [dreg:$0xc];
	s26 =	sadd.s32 $0xF4280, s26  }
0x1b5: {  	[tilespmem:s29], [sflag:$0x3] =	stream.linear.gather [hbm4b:s26+s2], $0x400, $0x38;
	[tilespmem:$0x1A200] =	vst v63  }
0x1b6: {  	s26 =	spop (v2sf)  }
0x1b7: {  	s31 =	sand.u32 $0x7F, s26  }
0x1b8: {  	s29 =	sshra.s32 s26, $0x1F;
	p5 =	slt.s32 s26, $0x1;
	p6 =	sne.s32 s31, $0x0  }
0x1b9: {  	s31 =	sshrl.u32 s29, $0x19;
	p0 =	por !p5, !p6  }
0x1ba: {  	s28 =	simm.s32 $0x1;
	s26 =	sadd.s32 s31, s26;
	p0 =	por !p0, !p0  }
0x1bb: {  	s26 =	sshrl.u32 s26, $0x7;
	s28 =	simm.s32 @!p0 $0x0  }
0x1bc: {  	s26 =	ssub.s32 s26, s28  }
0x1bd: {  	s26 =	sshll.u32 s26, $0x7  }
0x1be: {  	s26 =	sand.u32 $0x1FFFFF80, s26  }
0x1bf: {  	s31 =	rddreg [dreg:$0xd];
	s26 =	sadd.s32 s1, s26  }
0x1c0: {  	[tilespmem:s31], [sflag:$0x3] =	stream.linear.gather [hbm4b:s26+s2], $0x400, $0x38;
	[tilespmem:$0x1A200] =	vst v63  }
0x1c1: {  	(v2sf) =	vpush v35, $0x7;
	s29 =	rddreg [dreg:$0xe];
	s26 =	sadd.s32 $0xF4280, s26  }
0x1c2: {  	[tilespmem:s29], [sflag:$0x3] =	stream.linear.gather [hbm4b:s26+s2], $0x400, $0x38;
	[tilespmem:$0x1A200] =	vst v63  }
0x1c3: {  	s26 =	spop (v2sf)  }
0x1c4: {  	s31 =	sand.u32 $0x7F, s26  }
0x1c5: {  	s29 =	sshra.s32 s26, $0x1F;
	p1 =	slt.s32 s26, $0x1;
	p2 =	sne.s32 s31, $0x0  }
0x1c6: {  	s31 =	sshrl.u32 s29, $0x19;
	p0 =	por !p1, !p2  }
0x1c7: {  	s28 =	simm.s32 $0x1;
	s26 =	sadd.s32 s31, s26;
	p0 =	por !p0, !p0  }
0x1c8: {  	s26 =	sshrl.u32 s26, $0x7;
	s28 =	simm.s32 @!p0 $0x0  }
0x1c9: {  	s26 =	ssub.s32 s26, s28  }
0x1ca: {  	s26 =	sshll.u32 s26, $0x7  }
0x1cb: {  	s26 =	sand.u32 $0x1FFFFF80, s26  }
0x1cc: {  	s31 =	rddreg [dreg:$0xf];
	s26 =	sadd.s32 s1, s26  }
0x1cd: {  	[tilespmem:s31], [sflag:$0x3] =	stream.linear.gather [hbm4b:s26+s2], $0x400, $0x38;
	[tilespmem:$0x1A200] =	vst v63  }
0x1ce: {  	(v2sf) =	vpush v35, $0x8;
	s29 =	rddreg [dreg:$0x10];
	s26 =	sadd.s32 $0xF4280, s26  }
0x1cf: {  	[tilespmem:s29], [sflag:$0x3] =	stream.linear.gather [hbm4b:s26+s2], $0x400, $0x38;
	[tilespmem:$0x1A200] =	vst v63  }
0x1d0: {  	s26 =	spop (v2sf)  }
0x1d1: {  	s31 =	sand.u32 $0x7F, s26  }
0x1d2: {  	s29 =	sshra.s32 s26, $0x1F;
	p3 =	slt.s32 s26, $0x1;
	p4 =	sne.s32 s31, $0x0  }
0x1d3: {  	s31 =	sshrl.u32 s29, $0x19;
	p0 =	por !p3, !p4  }
0x1d4: {  	s28 =	simm.s32 $0x1;
	s26 =	sadd.s32 s31, s26;
	p0 =	por !p0, !p0  }
0x1d5: {  	s26 =	sshrl.u32 s26, $0x7;
	s28 =	simm.s32 @!p0 $0x0  }
0x1d6: {  	s26 =	ssub.s32 s26, s28  }
0x1d7: {  	s26 =	sshll.u32 s26, $0x7  }
0x1d8: {  	s26 =	sand.u32 $0x1FFFFF80, s26  }
0x1d9: {  	s31 =	rddreg [dreg:$0x11];
	s26 =	sadd.s32 s1, s26  }
0x1da: {  	[tilespmem:s31], [sflag:$0x3] =	stream.linear.gather [hbm4b:s26+s2], $0x400, $0x38;
	[tilespmem:$0x1A200] =	vst v63  }
0x1db: {  	(v2sf) =	vpush v35, $0x9;
	s29 =	rddreg [dreg:$0x12];
	s26 =	sadd.s32 $0xF4280, s26  }
0x1dc: {  	[tilespmem:s29], [sflag:$0x3] =	stream.linear.gather [hbm4b:s26+s2], $0x400, $0x38;
	[tilespmem:$0x1A200] =	vst v63  }
0x1dd: {  	s26 =	spop (v2sf)  }
0x1de: {  	s31 =	sand.u32 $0x7F, s26  }
0x1df: {  	s29 =	sshra.s32 s26, $0x1F;
	p5 =	slt.s32 s26, $0x1;
	p6 =	sne.s32 s31, $0x0  }
0x1e0: {  	s31 =	sshrl.u32 s29, $0x19;
	p0 =	por !p5, !p6  }
0x1e1: {  	s28 =	simm.s32 $0x1;
	s26 =	sadd.s32 s31, s26;
	p0 =	por !p0, !p0  }
0x1e2: {  	s26 =	sshrl.u32 s26, $0x7;
	s28 =	simm.s32 @!p0 $0x0  }
0x1e3: {  	s26 =	ssub.s32 s26, s28  }
0x1e4: {  	s26 =	sshll.u32 s26, $0x7  }
0x1e5: {  	s26 =	sand.u32 $0x1FFFFF80, s26  }
0x1e6: {  	s31 =	rddreg [dreg:$0x13];
	s26 =	sadd.s32 s1, s26  }
0x1e7: {  	[tilespmem:s31], [sflag:$0x3] =	stream.linear.gather [hbm4b:s26+s2], $0x400, $0x38;
	[tilespmem:$0x1A200] =	vst v63  }
0x1e8: {  	(v2sf) =	vpush v35, $0xA;
	s29 =	rddreg [dreg:$0x14];
	s26 =	sadd.s32 $0xF4280, s26  }
0x1e9: {  	[tilespmem:s29], [sflag:$0x3] =	stream.linear.gather [hbm4b:s26+s2], $0x400, $0x38;
	[tilespmem:$0x1A200] =	vst v63  }
0x1ea: {  	s26 =	spop (v2sf)  }
0x1eb: {  	s31 =	sand.u32 $0x7F, s26  }
0x1ec: {  	s29 =	sshra.s32 s26, $0x1F;
	p1 =	slt.s32 s26, $0x1;
	p2 =	sne.s32 s31, $0x0  }
0x1ed: {  	s31 =	sshrl.u32 s29, $0x19;
	p0 =	por !p1, !p2  }
0x1ee: {  	s28 =	simm.s32 $0x1;
	s26 =	sadd.s32 s31, s26;
	p0 =	por !p0, !p0  }
0x1ef: {  	s26 =	sshrl.u32 s26, $0x7;
	s28 =	simm.s32 @!p0 $0x0  }
0x1f0: {  	s26 =	ssub.s32 s26, s28  }
0x1f1: {  	s26 =	sshll.u32 s26, $0x7  }
0x1f2: {  	s26 =	sand.u32 $0x1FFFFF80, s26  }
0x1f3: {  	s31 =	rddreg [dreg:$0x15];
	s26 =	sadd.s32 s1, s26  }
0x1f4: {  	[tilespmem:s31], [sflag:$0x3] =	stream.linear.gather [hbm4b:s26+s2], $0x400, $0x38;
	[tilespmem:$0x1A200] =	vst v63  }
0x1f5: {  	(v2sf) =	vpush v35, $0xB;
	s29 =	rddreg [dreg:$0x16];
	s26 =	sadd.s32 $0xF4280, s26  }
0x1f6: {  	[tilespmem:s29], [sflag:$0x3] =	stream.linear.gather [hbm4b:s26+s2], $0x400, $0x38;
	[tilespmem:$0x1A200] =	vst v63  }
0x1f7: {  	s26 =	spop (v2sf)  }
0x1f8: {  	s31 =	sand.u32 $0x7F, s26  }
0x1f9: {  	s29 =	sshra.s32 s26, $0x1F;
	p3 =	slt.s32 s26, $0x1;
	p4 =	sne.s32 s31, $0x0  }
0x1fa: {  	s31 =	sshrl.u32 s29, $0x19;
	p0 =	por !p3, !p4  }
0x1fb: {  	s28 =	simm.s32 $0x1;
	s26 =	sadd.s32 s31, s26;
	p0 =	por !p0, !p0  }
0x1fc: {  	s26 =	sshrl.u32 s26, $0x7;
	s28 =	simm.s32 @!p0 $0x0  }
0x1fd: {  	s26 =	ssub.s32 s26, s28  }
0x1fe: {  	s26 =	sshll.u32 s26, $0x7  }
0x1ff: {  	s26 =	sand.u32 $0x1FFFFF80, s26  }
0x200: {  	s31 =	rddreg [dreg:$0x17];
	s26 =	sadd.s32 s1, s26  }
0x201: {  	[tilespmem:s31], [sflag:$0x3] =	stream.linear.gather [hbm4b:s26+s2], $0x400, $0x38;
	[tilespmem:$0x1A200] =	vst v63  }
0x202: {  	(v2sf) =	vpush v35, $0xC;
	s29 =	rddreg [dreg:$0x18];
	s26 =	sadd.s32 $0xF4280, s26  }
0x203: {  	[tilespmem:s29], [sflag:$0x3] =	stream.linear.gather [hbm4b:s26+s2], $0x400, $0x38;
	[tilespmem:$0x1A200] =	vst v63  }
0x204: {  	s26 =	spop (v2sf)  }
0x205: {  	s31 =	sand.u32 $0x7F, s26  }
0x206: {  	s29 =	sshra.s32 s26, $0x1F;
	p5 =	slt.s32 s26, $0x1;
	p6 =	sne.s32 s31, $0x0  }
0x207: {  	s31 =	sshrl.u32 s29, $0x19;
	p0 =	por !p5, !p6  }
0x208: {  	s28 =	simm.s32 $0x1;
	s26 =	sadd.s32 s31, s26;
	p0 =	por !p0, !p0  }
0x209: {  	s26 =	sshrl.u32 s26, $0x7;
	s28 =	simm.s32 @!p0 $0x0  }
0x20a: {  	s26 =	ssub.s32 s26, s28  }
0x20b: {  	s26 =	sshll.u32 s26, $0x7  }
0x20c: {  	s26 =	sand.u32 $0x1FFFFF80, s26  }
0x20d: {  	s31 =	rddreg [dreg:$0x19];
	s26 =	sadd.s32 s1, s26  }
0x20e: {  	[tilespmem:s31], [sflag:$0x3] =	stream.linear.gather [hbm4b:s26+s2], $0x400, $0x38;
	[tilespmem:$0x1A200] =	vst v63  }
0x20f: {  	(v2sf) =	vpush v35, $0xD;
	s29 =	rddreg [dreg:$0x1a];
	s26 =	sadd.s32 $0xF4280, s26  }
0x210: {  	[tilespmem:s29], [sflag:$0x3] =	stream.linear.gather [hbm4b:s26+s2], $0x400, $0x38;
	[tilespmem:$0x1A200] =	vst v63  }
0x211: {  	s26 =	spop (v2sf)  }
0x212: {  	s31 =	sand.u32 $0x7F, s26  }
0x213: {  	s29 =	sshra.s32 s26, $0x1F;
	p1 =	slt.s32 s26, $0x1;
	p2 =	sne.s32 s31, $0x0  }
0x214: {  	s31 =	sshrl.u32 s29, $0x19;
	p0 =	por !p1, !p2  }
0x215: {  	s28 =	simm.s32 $0x1;
	s26 =	sadd.s32 s31, s26;
	p0 =	por !p0, !p0  }
0x216: {  	s26 =	sshrl.u32 s26, $0x7;
	s28 =	simm.s32 @!p0 $0x0  }
0x217: {  	s26 =	ssub.s32 s26, s28  }
0x218: {  	s26 =	sshll.u32 s26, $0x7  }
0x219: {  	s26 =	sand.u32 $0x1FFFFF80, s26  }
0x21a: {  	s31 =	rddreg [dreg:$0x1b];
	s26 =	sadd.s32 s1, s26  }
0x21b: {  	[tilespmem:s31], [sflag:$0x3] =	stream.linear.gather [hbm4b:s26+s2], $0x400, $0x38;
	[tilespmem:$0x1A200] =	vst v63  }
0x21c: {  	(v2sf) =	vpush v35, $0xE;
	s29 =	rddreg [dreg:$0x1c];
	s26 =	sadd.s32 $0xF4280, s26  }
0x21d: {  	[tilespmem:s29], [sflag:$0x3] =	stream.linear.gather [hbm4b:s26+s2], $0x400, $0x38;
	[tilespmem:$0x1A200] =	vst v63  }
0x21e: {  	s26 =	spop (v2sf)  }
0x21f: {  	s31 =	sand.u32 $0x7F, s26  }
0x220: {  	s29 =	sshra.s32 s26, $0x1F;
	p3 =	slt.s32 s26, $0x1;
	p4 =	sne.s32 s31, $0x0  }
0x221: {  	s31 =	sshrl.u32 s29, $0x19;
	p0 =	por !p3, !p4  }
0x222: {  	s28 =	simm.s32 $0x1;
	s26 =	sadd.s32 s31, s26;
	p0 =	por !p0, !p0  }
0x223: {  	s26 =	sshrl.u32 s26, $0x7;
	s28 =	simm.s32 @!p0 $0x0  }
0x224: {  	s26 =	ssub.s32 s26, s28  }
0x225: {  	s26 =	sshll.u32 s26, $0x7  }
0x226: {  	s26 =	sand.u32 $0x1FFFFF80, s26  }
0x227: {  	s31 =	rddreg [dreg:$0x1d];
	s26 =	sadd.s32 s1, s26  }
0x228: {  	[tilespmem:s31], [sflag:$0x3] =	stream.linear.gather [hbm4b:s26+s2], $0x400, $0x38;
	[tilespmem:$0x1A200] =	vst v63  }
0x229: {  	(v2sf) =	vpush v35, $0xF;
	s29 =	rddreg [dreg:$0x1e];
	s26 =	sadd.s32 $0xF4280, s26  }
0x22a: {  	[tilespmem:s29], [sflag:$0x3] =	stream.linear.gather [hbm4b:s26+s2], $0x400, $0x38;
	[tilespmem:$0x1A200] =	vst v63  }
0x22b: {  	s26 =	spop (v2sf)  }
0x22c: {  	s31 =	sand.u32 $0x7F, s26  }
0x22d: {  	s29 =	sshra.s32 s26, $0x1F;
	p5 =	slt.s32 s26, $0x1;
	p6 =	sne.s32 s31, $0x0  }
0x22e: {  	s31 =	sshrl.u32 s29, $0x19;
	p0 =	por !p5, !p6  }
0x22f: {  	s28 =	simm.s32 $0x1;
	s26 =	sadd.s32 s31, s26;
	p0 =	por !p0, !p0  }
0x230: {  	s26 =	sshrl.u32 s26, $0x7;
	s28 =	simm.s32 @!p0 $0x0  }
0x231: {  	s26 =	ssub.s32 s26, s28  }
0x232: {  	s26 =	sshll.u32 s26, $0x7  }
0x233: {  	s29 =	sld [smem:$0x7FA];
	s26 =	sand.u32 $0x1FFFFF80, s26  }
0x234: {  	s31 =	rddreg [dreg:$0x1f];
	s26 =	sadd.s32 s1, s26  }
0x235: {  	[tilespmem:s31], [sflag:$0x3] =	stream.linear.gather [hbm4b:s26+s2], $0x400, $0x38;
	[tilespmem:$0x1A200] =	vst v63  }
0x236: {  	s26 =	sadd.s32 $0xF4280, s26  }
0x237: {  	[tilespmem:s29], [sflag:$0x3] =	stream.linear.gather [hbm4b:s26+s2], $0x400, $0x38;
	[tilespmem:$0x1A200] =	vst v63  }
0x238: {  	s26 =	spop (v2sf)  }
0x239: {  	s31 =	sand.u32 $0x7F, s26  }
0x23a: {  	s29 =	sshra.s32 s26, $0x1F;
	p1 =	slt.s32 s26, $0x1;
	p2 =	sne.s32 s31, $0x0  }
0x23b: {  	s31 =	sshrl.u32 s29, $0x19;
	p0 =	por !p1, !p2  }
0x23c: {  	s28 =	simm.s32 $0x1;
	s26 =	sadd.s32 s31, s26;
	p0 =	por !p0, !p0  }
0x23d: {  	s26 =	sshrl.u32 s26, $0x7;
	s28 =	simm.s32 @!p0 $0x0  }
0x23e: {  	s26 =	ssub.s32 s26, s28  }
0x23f: {  	s31 =	sld [smem:$0x7FB];
	s26 =	sshll.u32 s26, $0x7  }
0x240: {  	s26 =	sand.u32 $0x1FFFFF80, s26  }
0x241: {  	s29 =	sld [smem:$0x7FC];
	s26 =	sadd.s32 s1, s26  }
0x242: {  	[tilespmem:s31], [sflag:$0x3] =	stream.linear.gather [hbm4b:s26+s2], $0x400, $0x38;
	[tilespmem:$0x1A200] =	vst v63  }
0x243: {  	s26 =	sadd.s32 $0xF4280, s26  }
0x244: {  	[tilespmem:s29], [sflag:$0x3] =	stream.linear.gather [hbm4b:s26+s2], $0x400, $0x38;
	[tilespmem:$0x1A200] =	vst v63  }
0x245: {  	_ =	swait.ge [sflag:s8], $0x8000  }
0x246: {  	[sflag:s8] =	ssyncset.done $0x0  }
0x247: {  	[sflag:s8] =	ssyncadd.s32 $0xFFFF8000  }
0x248: {  	v43 =	vld [tilespmem:s24+$0xFFFFFFE0];
	_ =	sdelay $0x4  }
0x249: {  	v36 =	vshra.s32 v43, $0x1F  }
0x24a: {  	v37 =	vand.u32 $0x7F, v43;
	v36 =	vshrl.u32 v36, $0x19  }
0x24b: {  	vm0 =	vlt.s32 v43, $0x1;
	vm1 =	vne.s32 v37, $0x0;
	v36 =	vadd.s32 v36, v43  }
0x24c: {  	vm0 =	vmand vm0, vm1;
	v36 =	vshrl.u32 v36, $0x7  }
0x24d: {  	v38 =	vsel vm0, $0x1, v0;
	v36 =	vsub.s32 $0x0, v36  }
0x24e: {  	v35 =	vshll.u32 v43, $0x3;
	v36 =	vadd.s32 v38, v36  }
0x24f: {  	v35 =	vadd.s32 v2, v35;
	v36 =	vshll.u32 v36, $0xA  }
0x250: {  	v35 =	vadd.s32 v35, v36  }
0x251: {  	v35 =	vand.u32 $0xFFFFFC00, v35  }
0x252: {  	v35 =	vor.u32 v37, v35  }
0x253: {  	s28 =	sadd.s32 $0xFFFFFFE0, s25  }
0x254: {  	v44 =	vmov s28  }
0x255: {  	v45 =	vor.u32 s28, v1;
	v36 =	vshll.u32 v44, $0x3  }
0x256: {  	v46 =	vand.u32 $0x1C00, v36;
	v37 =	vand.u32 $0x7F, v45  }
0x257: {  	v38 =	vor.u32 v37, v46;
	v39 =	vld.idx.msk [tilespmem:v35+s9+$0x0], $0xffff  }
0x258: {  	v40 =	vor.u32 $0x80, v35;
	_ =	sdelay $0x3  }
0x259: {  	[tilespmem:v38+s21+$0x0] =	vst.idx.msk $0xffff, v39  }
0x25a: {  	v47 =	vor.u32 $0x80, v38;
	v39 =	vld.idx.msk [tilespmem:v40+s9+$0x0], $0xffff  }
0x25b: {  	v41 =	vor.u32 $0x100, v35;
	_ =	sdelay $0x3  }
0x25c: {  	[tilespmem:v47+s21+$0x0] =	vst.idx.msk $0xffff, v39  }
0x25d: {  	v48 =	vor.u32 $0x100, v38;
	v39 =	vld.idx.msk [tilespmem:v41+s9+$0x0], $0xffff  }
0x25e: {  	v49 =	vor.u32 $0x180, v35;
	_ =	sdelay $0x3  }
0x25f: {  	[tilespmem:v48+s21+$0x0] =	vst.idx.msk $0xffff, v39  }
0x260: {  	v50 =	vor.u32 $0x180, v38;
	v39 =	vld.idx.msk [tilespmem:v49+s9+$0x0], $0xffff  }
0x261: {  	v51 =	vor.u32 $0x200, v35;
	_ =	sdelay $0x3  }
0x262: {  	[tilespmem:v50+s21+$0x0] =	vst.idx.msk $0xffff, v39  }
0x263: {  	v52 =	vor.u32 $0x200, v38;
	v39 =	vld.idx.msk [tilespmem:v51+s9+$0x0], $0xffff  }
0x264: {  	v53 =	vor.u32 $0x280, v35;
	_ =	sdelay $0x3  }
0x265: {  	[tilespmem:v52+s21+$0x0] =	vst.idx.msk $0xffff, v39  }
0x266: {  	v54 =	vor.u32 $0x280, v38;
	v39 =	vld.idx.msk [tilespmem:v53+s9+$0x0], $0xffff  }
0x267: {  	v55 =	vor.u32 $0x300, v35;
	_ =	sdelay $0x3  }
0x268: {  	[tilespmem:v54+s21+$0x0] =	vst.idx.msk $0xffff, v39  }
0x269: {  	v56 =	vor.u32 $0x300, v38;
	v39 =	vld.idx.msk [tilespmem:v55+s9+$0x0], $0xffff  }
0x26a: {  	v57 =	vor.u32 $0x380, v35;
	_ =	sdelay $0x3  }
0x26b: {  	v36 =	vor.u32 v37, v36;
	[tilespmem:v56+s21+$0x0] =	vst.idx.msk $0xffff, v39  }
0x26c: {  	v36 =	vor.u32 $0x380, v36;
	v58 =	vld.idx.msk [tilespmem:v57+s9+$0x0], $0xffff  }
0x26d: {  	v59 =	vadd.s32 $0x4000, v35;
	_ =	sdelay $0x3  }
0x26e: {  	[tilespmem:v36+s21+$0x0] =	vst.idx.msk $0xffff, v58  }
0x26f: {  	v60 =	vadd.s32 $0x1000, v38;
	v36 =	vld.idx.msk [tilespmem:v59+s9+$0x0], $0xffff  }
0x270: {  	v61 =	vadd.s32 $0x4080, v35;
	_ =	sdelay $0x3  }
0x271: {  	[tilespmem:v60+s21+$0x0] =	vst.idx.msk $0xffff, v36  }
0x272: {  	v62 =	vadd.s32 $0x1080, v38;
	v36 =	vld.idx.msk [tilespmem:v61+s9+$0x0], $0xffff  }
0x273: {  	v63 =	vadd.s32 $0x4100, v35;
	_ =	sdelay $0x3  }
0x274: {  	[tilespmem:v62+s21+$0x0] =	vst.idx.msk $0xffff, v36  }
0x275: {  	v42 =	vadd.s32 $0x1100, v38;
	v36 =	vld.idx.msk [tilespmem:v63+s9+$0x0], $0xffff  }
0x276: {  	v43 =	vadd.s32 $0x4180, v35;
	_ =	sdelay $0x3  }
0x277: {  	[tilespmem:v42+s21+$0x0] =	vst.idx.msk $0xffff, v36  }
0x278: {  	v44 =	vadd.s32 $0x1180, v38;
	v36 =	vld.idx.msk [tilespmem:v43+s9+$0x0], $0xffff  }
0x279: {  	v45 =	vadd.s32 $0x4200, v35;
	_ =	sdelay $0x3  }
0x27a: {  	[tilespmem:v44+s21+$0x0] =	vst.idx.msk $0xffff, v36  }
0x27b: {  	v46 =	vadd.s32 $0x1200, v38;
	v36 =	vld.idx.msk [tilespmem:v45+s9+$0x0], $0xffff  }
0x27c: {  	v47 =	vadd.s32 $0x4280, v35;
	_ =	sdelay $0x3  }
0x27d: {  	[tilespmem:v46+s21+$0x0] =	vst.idx.msk $0xffff, v36  }
0x27e: {  	v48 =	vadd.s32 $0x1280, v38;
	v36 =	vld.idx.msk [tilespmem:v47+s9+$0x0], $0xffff  }
0x27f: {  	v49 =	vadd.s32 $0x4300, v35;
	_ =	sdelay $0x3  }
0x280: {  	[tilespmem:v48+s21+$0x0] =	vst.idx.msk $0xffff, v36  }
0x281: {  	v50 =	vadd.s32 $0x1300, v38;
	v36 =	vld.idx.msk [tilespmem:v49+s9+$0x0], $0xffff  }
0x282: {  	v35 =	vadd.s32 $0x4380, v35;
	_ =	sdelay $0x3  }
0x283: {  	[tilespmem:v50+s21+$0x0] =	vst.idx.msk $0xffff, v36  }
0x284: {  	v51 =	vadd.s32 $0x1380, v38;
	v35 =	vld.idx.msk [tilespmem:v35+s9+$0x0], $0xffff;
	_ =	sdelay $0x4  }
0x285: {  	[tilespmem:v51+s21+$0x0] =	vst.idx.msk $0xffff, v35  }
0x286: {  	v35 =	vld [tilespmem:s24+$0x10];
	_ =	sdelay $0x4  }
0x287: {  	(v2sf) =	vpush v35, $0x0;
	_ =	sdelay $0xc  }
0x288: {  	(v2sf) =	vpush v35, $0x1;
	_ =	sdelay $0x1  }
0x289: {  	s26 =	spop (v2sf)  }
0x28a: {  	s31 =	sand.u32 $0x7F, s26  }
0x28b: {  	p4 =	slt.s32 s26, $0x1;
	p3 =	sne.s32 s31, $0x0;
	s31 =	sshra.s32 s26, $0x1F  }
0x28c: {  	s28 =	sshrl.u32 s31, $0x19;
	p0 =	por !p4, !p3  }
0x28d: {  	s26 =	sadd.s32 s28, s26;
	p0 =	por !p0, !p0;
	s28 =	simm.s32 $0x1  }
0x28e: {  	s26 =	sshrl.u32 s26, $0x7;
	s28 =	simm.s32 @!p0 $0x0  }
0x28f: {  	s26 =	ssub.s32 s26, s28  }
0x290: {  	s26 =	sshll.u32 s26, $0x7  }
0x291: {  	s26 =	sand.u32 $0x1FFFFF80, s26  }
0x292: {  	s26 =	sadd.s32 s1, s26  }
0x293: {  	[tilespmem:s9], [sflag:$0x1] =	stream.linear.gather [hbm4b:s26+s2], $0x400, $0x38;
	[tilespmem:$0x1A200] =	vst v63  }
0x294: {  	s29 =	simm.s32 $0x4200;
	(v2sf) =	vpush v35, $0x2;
	s26 =	sadd.s32 $0xF4280, s26  }
0x295: {  	[tilespmem:s29], [sflag:$0x1] =	stream.linear.gather [hbm4b:s26+s2], $0x400, $0x38;
	[tilespmem:$0x1A200] =	vst v63  }
0x296: {  	s26 =	spop (v2sf)  }
0x297: {  	s31 =	sand.u32 $0x7F, s26  }
0x298: {  	p6 =	slt.s32 s26, $0x1;
	p5 =	sne.s32 s31, $0x0;
	s31 =	sshra.s32 s26, $0x1F  }
0x299: {  	s28 =	sshrl.u32 s31, $0x19;
	p0 =	por !p6, !p5  }
0x29a: {  	s26 =	sadd.s32 s28, s26;
	p0 =	por !p0, !p0;
	s28 =	simm.s32 $0x1  }
0x29b: {  	s26 =	sshrl.u32 s26, $0x7;
	s28 =	simm.s32 @!p0 $0x0  }
0x29c: {  	s26 =	ssub.s32 s26, s28  }
0x29d: {  	s26 =	sshll.u32 s26, $0x7  }
0x29e: {  	s26 =	sand.u32 $0x1FFFFF80, s26  }
0x29f: {  	s31 =	simm.s32 $0x600;
	s26 =	sadd.s32 s1, s26  }
0x2a0: {  	[tilespmem:s31], [sflag:$0x1] =	stream.linear.gather [hbm4b:s26+s2], $0x400, $0x38;
	[tilespmem:$0x1A200] =	vst v63  }
0x2a1: {  	(v2sf) =	vpush v35, $0x3;
	s26 =	sadd.s32 $0xF4280, s26;
	s31 =	simm.s32 $0x4600  }
0x2a2: {  	[tilespmem:s31], [sflag:$0x1] =	stream.linear.gather [hbm4b:s26+s2], $0x400, $0x38;
	[tilespmem:$0x1A200] =	vst v63  }
0x2a3: {  	s26 =	spop (v2sf)  }
0x2a4: {  	s31 =	sand.u32 $0x7F, s26  }
0x2a5: {  	p2 =	slt.s32 s26, $0x1;
	p1 =	sne.s32 s31, $0x0;
	s31 =	sshra.s32 s26, $0x1F  }
0x2a6: {  	s28 =	sshrl.u32 s31, $0x19;
	p0 =	por !p2, !p1  }
0x2a7: {  	s26 =	sadd.s32 s28, s26;
	p0 =	por !p0, !p0;
	s28 =	simm.s32 $0x1  }
0x2a8: {  	s26 =	sshrl.u32 s26, $0x7;
	s28 =	simm.s32 @!p0 $0x0  }
0x2a9: {  	s26 =	ssub.s32 s26, s28  }
0x2aa: {  	s26 =	sshll.u32 s26, $0x7  }
0x2ab: {  	s26 =	sand.u32 $0x1FFFFF80, s26  }
0x2ac: {  	s31 =	simm.s32 $0xA00;
	s26 =	sadd.s32 s1, s26  }
0x2ad: {  	[tilespmem:s31], [sflag:$0x1] =	stream.linear.gather [hbm4b:s26+s2], $0x400, $0x38;
	[tilespmem:$0x1A200] =	vst v63  }
0x2ae: {  	(v2sf) =	vpush v35, $0x4;
	s26 =	sadd.s32 $0xF4280, s26  }
0x2af: {  	[tilespmem:s3], [sflag:$0x1] =	stream.linear.gather [hbm4b:s26+s2], $0x400, $0x38;
	[tilespmem:$0x1A200] =	vst v63  }
0x2b0: {  	s26 =	spop (v2sf)  }
0x2b1: {  	s31 =	sand.u32 $0x7F, s26  }
0x2b2: {  	p4 =	slt.s32 s26, $0x1;
	p3 =	sne.s32 s31, $0x0;
	s31 =	sshra.s32 s26, $0x1F  }
0x2b3: {  	s28 =	sshrl.u32 s31, $0x19;
	p0 =	por !p4, !p3  }
0x2b4: {  	s26 =	sadd.s32 s28, s26;
	p0 =	por !p0, !p0;
	s28 =	simm.s32 $0x1  }
0x2b5: {  	s26 =	sshrl.u32 s26, $0x7;
	s28 =	simm.s32 @!p0 $0x0  }
0x2b6: {  	s26 =	ssub.s32 s26, s28  }
0x2b7: {  	s26 =	sshll.u32 s26, $0x7  }
0x2b8: {  	s26 =	sand.u32 $0x1FFFFF80, s26  }
0x2b9: {  	s26 =	sadd.s32 s1, s26  }
0x2ba: {  	[tilespmem:s4], [sflag:$0x1] =	stream.linear.gather [hbm4b:s26+s2], $0x400, $0x38;
	[tilespmem:$0x1A200] =	vst v63  }
0x2bb: {  	(v2sf) =	vpush v35, $0x5;
	s26 =	sadd.s32 $0xF4280, s26  }
0x2bc: {  	[tilespmem:s5], [sflag:$0x1] =	stream.linear.gather [hbm4b:s26+s2], $0x400, $0x38;
	[tilespmem:$0x1A200] =	vst v63  }
0x2bd: {  	s26 =	spop (v2sf)  }
0x2be: {  	s31 =	sand.u32 $0x7F, s26  }
0x2bf: {  	p6 =	slt.s32 s26, $0x1;
	p5 =	sne.s32 s31, $0x0;
	s31 =	sshra.s32 s26, $0x1F  }
0x2c0: {  	s28 =	sshrl.u32 s31, $0x19;
	p0 =	por !p6, !p5  }
0x2c1: {  	s26 =	sadd.s32 s28, s26;
	p0 =	por !p0, !p0;
	s28 =	simm.s32 $0x1  }
0x2c2: {  	s26 =	sshrl.u32 s26, $0x7;
	s28 =	simm.s32 @!p0 $0x0  }
0x2c3: {  	s26 =	ssub.s32 s26, s28  }
0x2c4: {  	s26 =	sshll.u32 s26, $0x7  }
0x2c5: {  	s26 =	sand.u32 $0x1FFFFF80, s26  }
0x2c6: {  	s26 =	sadd.s32 s1, s26  }
0x2c7: {  	[tilespmem:s6], [sflag:$0x1] =	stream.linear.gather [hbm4b:s26+s2], $0x400, $0x38;
	[tilespmem:$0x1A200] =	vst v63  }
0x2c8: {  	(v2sf) =	vpush v35, $0x6;
	s26 =	sadd.s32 $0xF4280, s26  }
0x2c9: {  	[tilespmem:s7], [sflag:$0x1] =	stream.linear.gather [hbm4b:s26+s2], $0x400, $0x38;
	[tilespmem:$0x1A200] =	vst v63  }
0x2ca: {  	s26 =	spop (v2sf)  }
0x2cb: {  	s31 =	sand.u32 $0x7F, s26  }
0x2cc: {  	p2 =	slt.s32 s26, $0x1;
	p1 =	sne.s32 s31, $0x0;
	s31 =	sshra.s32 s26, $0x1F  }
0x2cd: {  	s28 =	sshrl.u32 s31, $0x19;
	p0 =	por !p2, !p1  }
0x2ce: {  	s26 =	sadd.s32 s28, s26;
	p0 =	por !p0, !p0;
	s28 =	simm.s32 $0x1  }
0x2cf: {  	s26 =	sshrl.u32 s26, $0x7;
	s28 =	simm.s32 @!p0 $0x0  }
0x2d0: {  	s26 =	ssub.s32 s26, s28  }
0x2d1: {  	s26 =	sshll.u32 s26, $0x7  }
0x2d2: {  	s26 =	sand.u32 $0x1FFFFF80, s26  }
0x2d3: {  	s26 =	sadd.s32 s1, s26  }
0x2d4: {  	[tilespmem:s10], [sflag:$0x1] =	stream.linear.gather [hbm4b:s26+s2], $0x400, $0x38;
	[tilespmem:$0x1A200] =	vst v63  }
0x2d5: {  	(v2sf) =	vpush v35, $0x7;
	s26 =	sadd.s32 $0xF4280, s26  }
0x2d6: {  	[tilespmem:s11], [sflag:$0x1] =	stream.linear.gather [hbm4b:s26+s2], $0x400, $0x38;
	[tilespmem:$0x1A200] =	vst v63  }
0x2d7: {  	s26 =	spop (v2sf)  }
0x2d8: {  	s31 =	sand.u32 $0x7F, s26  }
0x2d9: {  	p4 =	slt.s32 s26, $0x1;
	p3 =	sne.s32 s31, $0x0;
	s31 =	sshra.s32 s26, $0x1F  }
0x2da: {  	s28 =	sshrl.u32 s31, $0x19;
	p0 =	por !p4, !p3  }
0x2db: {  	s26 =	sadd.s32 s28, s26;
	p0 =	por !p0, !p0;
	s28 =	simm.s32 $0x1  }
0x2dc: {  	s26 =	sshrl.u32 s26, $0x7;
	s28 =	simm.s32 @!p0 $0x0  }
0x2dd: {  	s26 =	ssub.s32 s26, s28  }
0x2de: {  	s26 =	sshll.u32 s26, $0x7  }
0x2df: {  	s26 =	sand.u32 $0x1FFFFF80, s26  }
0x2e0: {  	s26 =	sadd.s32 s1, s26  }
0x2e1: {  	[tilespmem:s12], [sflag:$0x1] =	stream.linear.gather [hbm4b:s26+s2], $0x400, $0x38;
	[tilespmem:$0x1A200] =	vst v63  }
0x2e2: {  	(v2sf) =	vpush v35, $0x8;
	s26 =	sadd.s32 $0xF4280, s26  }
0x2e3: {  	[tilespmem:s13], [sflag:$0x1] =	stream.linear.gather [hbm4b:s26+s2], $0x400, $0x38;
	[tilespmem:$0x1A200] =	vst v63  }
0x2e4: {  	s26 =	spop (v2sf)  }
0x2e5: {  	s31 =	sand.u32 $0x7F, s26  }
0x2e6: {  	p6 =	slt.s32 s26, $0x1;
	p5 =	sne.s32 s31, $0x0;
	s31 =	sshra.s32 s26, $0x1F  }
0x2e7: {  	s28 =	sshrl.u32 s31, $0x19;
	p0 =	por !p6, !p5  }
0x2e8: {  	s26 =	sadd.s32 s28, s26;
	p0 =	por !p0, !p0;
	s28 =	simm.s32 $0x1  }
0x2e9: {  	s26 =	sshrl.u32 s26, $0x7;
	s28 =	simm.s32 @!p0 $0x0  }
0x2ea: {  	s26 =	ssub.s32 s26, s28  }
0x2eb: {  	s26 =	sshll.u32 s26, $0x7  }
0x2ec: {  	s26 =	sand.u32 $0x1FFFFF80, s26  }
0x2ed: {  	s26 =	sadd.s32 s1, s26  }
0x2ee: {  	[tilespmem:s15], [sflag:$0x1] =	stream.linear.gather [hbm4b:s26+s2], $0x400, $0x38;
	[tilespmem:$0x1A200] =	vst v63  }
0x2ef: {  	(v2sf) =	vpush v35, $0x9;
	s26 =	sadd.s32 $0xF4280, s26  }
0x2f0: {  	[tilespmem:s16], [sflag:$0x1] =	stream.linear.gather [hbm4b:s26+s2], $0x400, $0x38;
	[tilespmem:$0x1A200] =	vst v63  }
0x2f1: {  	s26 =	spop (v2sf)  }
0x2f2: {  	s31 =	sand.u32 $0x7F, s26  }
0x2f3: {  	p2 =	slt.s32 s26, $0x1;
	p1 =	sne.s32 s31, $0x0;
	s31 =	sshra.s32 s26, $0x1F  }
0x2f4: {  	s28 =	sshrl.u32 s31, $0x19;
	p0 =	por !p2, !p1  }
0x2f5: {  	s26 =	sadd.s32 s28, s26;
	p0 =	por !p0, !p0;
	s28 =	simm.s32 $0x1  }
0x2f6: {  	s26 =	sshrl.u32 s26, $0x7;
	s28 =	simm.s32 @!p0 $0x0  }
0x2f7: {  	s26 =	ssub.s32 s26, s28  }
0x2f8: {  	s26 =	sshll.u32 s26, $0x7  }
0x2f9: {  	s26 =	sand.u32 $0x1FFFFF80, s26  }
0x2fa: {  	s31 =	simm.s32 $0x2200;
	s26 =	sadd.s32 s1, s26  }
0x2fb: {  	[tilespmem:s31], [sflag:$0x1] =	stream.linear.gather [hbm4b:s26+s2], $0x400, $0x38;
	[tilespmem:$0x1A200] =	vst v63  }
0x2fc: {  	(v2sf) =	vpush v35, $0xA;
	s26 =	sadd.s32 $0xF4280, s26;
	s31 =	simm.s32 $0x6200  }
0x2fd: {  	[tilespmem:s31], [sflag:$0x1] =	stream.linear.gather [hbm4b:s26+s2], $0x400, $0x38;
	[tilespmem:$0x1A200] =	vst v63  }
0x2fe: {  	s26 =	spop (v2sf)  }
0x2ff: {  	s31 =	sand.u32 $0x7F, s26  }
0x300: {  	p4 =	slt.s32 s26, $0x1;
	p3 =	sne.s32 s31, $0x0;
	s31 =	sshra.s32 s26, $0x1F  }
0x301: {  	s28 =	sshrl.u32 s31, $0x19;
	p0 =	por !p4, !p3  }
0x302: {  	s26 =	sadd.s32 s28, s26;
	p0 =	por !p0, !p0;
	s28 =	simm.s32 $0x1  }
0x303: {  	s26 =	sshrl.u32 s26, $0x7;
	s28 =	simm.s32 @!p0 $0x0  }
0x304: {  	s26 =	ssub.s32 s26, s28  }
0x305: {  	s26 =	sshll.u32 s26, $0x7  }
0x306: {  	s26 =	sand.u32 $0x1FFFFF80, s26  }
0x307: {  	s31 =	simm.s32 $0x2600;
	s26 =	sadd.s32 s1, s26  }
0x308: {  	[tilespmem:s31], [sflag:$0x1] =	stream.linear.gather [hbm4b:s26+s2], $0x400, $0x38;
	[tilespmem:$0x1A200] =	vst v63  }
0x309: {  	(v2sf) =	vpush v35, $0xB;
	s26 =	sadd.s32 $0xF4280, s26;
	s31 =	simm.s32 $0x6600  }
0x30a: {  	[tilespmem:s31], [sflag:$0x1] =	stream.linear.gather [hbm4b:s26+s2], $0x400, $0x38;
	[tilespmem:$0x1A200] =	vst v63  }
0x30b: {  	s26 =	spop (v2sf)  }
0x30c: {  	s31 =	sand.u32 $0x7F, s26  }
0x30d: {  	p6 =	slt.s32 s26, $0x1;
	p5 =	sne.s32 s31, $0x0;
	s31 =	sshra.s32 s26, $0x1F  }
0x30e: {  	s28 =	sshrl.u32 s31, $0x19;
	p0 =	por !p6, !p5  }
0x30f: {  	s26 =	sadd.s32 s28, s26;
	p0 =	por !p0, !p0;
	s28 =	simm.s32 $0x1  }
0x310: {  	s26 =	sshrl.u32 s26, $0x7;
	s28 =	simm.s32 @!p0 $0x0  }
0x311: {  	s26 =	ssub.s32 s26, s28  }
0x312: {  	s26 =	sshll.u32 s26, $0x7  }
0x313: {  	s26 =	sand.u32 $0x1FFFFF80, s26  }
0x314: {  	s26 =	sadd.s32 s1, s26  }
0x315: {  	[tilespmem:s0], [sflag:$0x1] =	stream.linear.gather [hbm4b:s26+s2], $0x400, $0x38;
	[tilespmem:$0x1A200] =	vst v63  }
0x316: {  	(v2sf) =	vpush v35, $0xC;
	s31 =	simm.s32 $0x6A00;
	s26 =	sadd.s32 $0xF4280, s26  }
0x317: {  	[tilespmem:s31], [sflag:$0x1] =	stream.linear.gather [hbm4b:s26+s2], $0x400, $0x38;
	[tilespmem:$0x1A200] =	vst v63  }
0x318: {  	s26 =	spop (v2sf)  }
0x319: {  	s31 =	sand.u32 $0x7F, s26  }
0x31a: {  	p2 =	slt.s32 s26, $0x1;
	p1 =	sne.s32 s31, $0x0;
	s31 =	sshra.s32 s26, $0x1F  }
0x31b: {  	s28 =	sshrl.u32 s31, $0x19;
	p0 =	por !p2, !p1  }
0x31c: {  	s26 =	sadd.s32 s28, s26;
	p0 =	por !p0, !p0;
	s28 =	simm.s32 $0x1  }
0x31d: {  	s26 =	sshrl.u32 s26, $0x7;
	s28 =	simm.s32 @!p0 $0x0  }
0x31e: {  	s26 =	ssub.s32 s26, s28  }
0x31f: {  	s26 =	sshll.u32 s26, $0x7  }
0x320: {  	s26 =	sand.u32 $0x1FFFFF80, s26  }
0x321: {  	s31 =	simm.s32 $0x2E00;
	s26 =	sadd.s32 s1, s26  }
0x322: {  	[tilespmem:s31], [sflag:$0x1] =	stream.linear.gather [hbm4b:s26+s2], $0x400, $0x38;
	[tilespmem:$0x1A200] =	vst v63  }
0x323: {  	(v2sf) =	vpush v35, $0xD;
	s26 =	sadd.s32 $0xF4280, s26;
	s31 =	simm.s32 $0x6E00  }
0x324: {  	[tilespmem:s31], [sflag:$0x1] =	stream.linear.gather [hbm4b:s26+s2], $0x400, $0x38;
	[tilespmem:$0x1A200] =	vst v63  }
0x325: {  	s26 =	spop (v2sf)  }
0x326: {  	s31 =	sand.u32 $0x7F, s26  }
0x327: {  	p4 =	slt.s32 s26, $0x1;
	p3 =	sne.s32 s31, $0x0;
	s31 =	sshra.s32 s26, $0x1F  }
0x328: {  	s28 =	sshrl.u32 s31, $0x19;
	p0 =	por !p4, !p3  }
0x329: {  	s26 =	sadd.s32 s28, s26;
	p0 =	por !p0, !p0;
	s28 =	simm.s32 $0x1  }
0x32a: {  	s26 =	sshrl.u32 s26, $0x7;
	s28 =	simm.s32 @!p0 $0x0  }
0x32b: {  	s26 =	ssub.s32 s26, s28  }
0x32c: {  	s26 =	sshll.u32 s26, $0x7  }
0x32d: {  	s26 =	sand.u32 $0x1FFFFF80, s26  }
0x32e: {  	s31 =	simm.s32 $0x3200;
	s26 =	sadd.s32 s1, s26  }
0x32f: {  	[tilespmem:s31], [sflag:$0x1] =	stream.linear.gather [hbm4b:s26+s2], $0x400, $0x38;
	[tilespmem:$0x1A200] =	vst v63  }
0x330: {  	(v2sf) =	vpush v35, $0xE;
	s26 =	sadd.s32 $0xF4280, s26;
	s31 =	simm.s32 $0x7200  }
0x331: {  	[tilespmem:s31], [sflag:$0x1] =	stream.linear.gather [hbm4b:s26+s2], $0x400, $0x38;
	[tilespmem:$0x1A200] =	vst v63  }
0x332: {  	s26 =	spop (v2sf)  }
0x333: {  	s31 =	sand.u32 $0x7F, s26  }
0x334: {  	p6 =	slt.s32 s26, $0x1;
	p5 =	sne.s32 s31, $0x0;
	s31 =	sshra.s32 s26, $0x1F  }
0x335: {  	s28 =	sshrl.u32 s31, $0x19;
	p0 =	por !p6, !p5  }
0x336: {  	s26 =	sadd.s32 s28, s26;
	p0 =	por !p0, !p0;
	s28 =	simm.s32 $0x1  }
0x337: {  	s26 =	sshrl.u32 s26, $0x7;
	s28 =	simm.s32 @!p0 $0x0  }
0x338: {  	s26 =	ssub.s32 s26, s28  }
0x339: {  	s26 =	sshll.u32 s26, $0x7  }
0x33a: {  	s26 =	sand.u32 $0x1FFFFF80, s26  }
0x33b: {  	s31 =	simm.s32 $0x3600;
	s26 =	sadd.s32 s1, s26  }
0x33c: {  	[tilespmem:s31], [sflag:$0x1] =	stream.linear.gather [hbm4b:s26+s2], $0x400, $0x38;
	[tilespmem:$0x1A200] =	vst v63  }
0x33d: {  	(v2sf) =	vpush v35, $0xF;
	s26 =	sadd.s32 $0xF4280, s26;
	s31 =	simm.s32 $0x7600  }
0x33e: {  	[tilespmem:s31], [sflag:$0x1] =	stream.linear.gather [hbm4b:s26+s2], $0x400, $0x38;
	[tilespmem:$0x1A200] =	vst v63  }
0x33f: {  	s26 =	spop (v2sf)  }
0x340: {  	s31 =	sand.u32 $0x7F, s26  }
0x341: {  	p2 =	slt.s32 s26, $0x1;
	p1 =	sne.s32 s31, $0x0;
	s31 =	sshra.s32 s26, $0x1F  }
0x342: {  	s28 =	sshrl.u32 s31, $0x19;
	p0 =	por !p2, !p1  }
0x343: {  	s26 =	sadd.s32 s28, s26;
	p0 =	por !p0, !p0;
	s28 =	simm.s32 $0x1  }
0x344: {  	s26 =	sshrl.u32 s26, $0x7;
	s28 =	simm.s32 @!p0 $0x0  }
0x345: {  	s26 =	ssub.s32 s26, s28  }
0x346: {  	s26 =	sshll.u32 s26, $0x7  }
0x347: {  	s26 =	sand.u32 $0x1FFFFF80, s26  }
0x348: {  	s31 =	simm.s32 $0x3A00;
	s26 =	sadd.s32 s1, s26  }
0x349: {  	[tilespmem:s31], [sflag:$0x1] =	stream.linear.gather [hbm4b:s26+s2], $0x400, $0x38;
	[tilespmem:$0x1A200] =	vst v63  }
0x34a: {  	s26 =	sadd.s32 $0xF4280, s26;
	s31 =	simm.s32 $0x7A00  }
0x34b: {  	[tilespmem:s31], [sflag:$0x1] =	stream.linear.gather [hbm4b:s26+s2], $0x400, $0x38;
	[tilespmem:$0x1A200] =	vst v63  }
0x34c: {  	s26 =	spop (v2sf)  }
0x34d: {  	s31 =	sand.u32 $0x7F, s26  }
0x34e: {  	p4 =	slt.s32 s26, $0x1;
	p3 =	sne.s32 s31, $0x0;
	s31 =	sshra.s32 s26, $0x1F  }
0x34f: {  	s28 =	sshrl.u32 s31, $0x19;
	p0 =	por !p4, !p3  }
0x350: {  	s26 =	sadd.s32 s28, s26;
	p0 =	por !p0, !p0;
	s28 =	simm.s32 $0x1  }
0x351: {  	s26 =	sshrl.u32 s26, $0x7;
	s28 =	simm.s32 @!p0 $0x0  }
0x352: {  	s26 =	ssub.s32 s26, s28  }
0x353: {  	s26 =	sshll.u32 s26, $0x7  }
0x354: {  	s26 =	sand.u32 $0x1FFFFF80, s26  }
0x355: {  	s31 =	simm.s32 $0x3E00;
	s26 =	sadd.s32 s1, s26  }
0x356: {  	[tilespmem:s31], [sflag:$0x1] =	stream.linear.gather [hbm4b:s26+s2], $0x400, $0x38;
	[tilespmem:$0x1A200] =	vst v63  }
0x357: {  	s26 =	sadd.s32 $0xF4280, s26;
	s31 =	simm.s32 $0x7E00  }
0x358: {  	[tilespmem:s31], [sflag:$0x1] =	stream.linear.gather [hbm4b:s26+s2], $0x400, $0x38;
	[tilespmem:$0x1A200] =	vst v63  }
0x359: {  	_ =	swait.ge [sflag:s22], $0x8000  }
0x35a: {  	[sflag:s22] =	ssyncset.done $0x0  }
0x35b: {  	[sflag:s22] =	ssyncadd.s32 $0xFFFF8000  }
0x35c: {  	v52 =	vld [tilespmem:s24+$0xFFFFFFF0];
	_ =	sdelay $0x4  }
0x35d: {  	v53 =	vshra.s32 v52, $0x1F;
	v54 =	vand.u32 $0x7F, v52  }
0x35e: {  	vm12 =	vlt.s32 v52, $0x1;
	v36 =	vshrl.u32 v53, $0x19;
	vm13 =	vne.s32 v54, $0x0  }
0x35f: {  	v36 =	vadd.s32 v36, v52;
	vm0 =	vmand vm12, vm13  }
0x360: {  	v36 =	vshrl.u32 v36, $0x7;
	v55 =	vsel vm0, $0x1, v0  }
0x361: {  	v35 =	vshll.u32 v52, $0x3;
	v36 =	vsub.s32 v55, v36  }
0x362: {  	v35 =	vadd.s32 v2, v35;
	v36 =	vshll.u32 v36, $0xA  }
0x363: {  	v35 =	vadd.s32 v35, v36  }
0x364: {  	v35 =	vand.u32 $0xFFFFFC00, v35  }
0x365: {  	v35 =	vor.u32 v54, v35  }
0x366: {  	s28 =	sadd.s32 $0xFFFFFFF0, s25  }
0x367: {  	v56 =	vmov s28  }
0x368: {  	v57 =	vor.u32 s28, v1;
	v36 =	vshll.u32 v56, $0x3  }
0x369: {  	v37 =	vand.u32 $0x7F, v57;
	v58 =	vand.u32 $0x3C00, v36  }
0x36a: {  	v38 =	vor.u32 v37, v58;
	v59 =	vld.idx.msk [tilespmem:v35+s14+$0x0], $0xffff  }
0x36b: {  	v60 =	vor.u32 $0x80, v35;
	_ =	sdelay $0x3  }
0x36c: {  	[tilespmem:v38+s21+$0x0] =	vst.idx.msk $0xffff, v59  }
0x36d: {  	v61 =	vor.u32 $0x80, v38;
	v39 =	vld.idx.msk [tilespmem:v60+s14+$0x0], $0xffff  }
0x36e: {  	v62 =	vor.u32 $0x100, v35;
	_ =	sdelay $0x3  }
0x36f: {  	[tilespmem:v61+s21+$0x0] =	vst.idx.msk $0xffff, v39  }
0x370: {  	v63 =	vor.u32 $0x100, v38;
	v39 =	vld.idx.msk [tilespmem:v62+s14+$0x0], $0xffff  }
0x371: {  	v44 =	vor.u32 $0x180, v35;
	_ =	sdelay $0x3  }
0x372: {  	[tilespmem:v63+s21+$0x0] =	vst.idx.msk $0xffff, v39  }
0x373: {  	v45 =	vor.u32 $0x180, v38;
	v39 =	vld.idx.msk [tilespmem:v44+s14+$0x0], $0xffff  }
0x374: {  	v46 =	vor.u32 $0x200, v35;
	_ =	sdelay $0x3  }
0x375: {  	[tilespmem:v45+s21+$0x0] =	vst.idx.msk $0xffff, v39  }
0x376: {  	v47 =	vor.u32 $0x200, v38;
	v39 =	vld.idx.msk [tilespmem:v46+s14+$0x0], $0xffff  }
0x377: {  	v48 =	vor.u32 $0x280, v35;
	_ =	sdelay $0x3  }
0x378: {  	[tilespmem:v47+s21+$0x0] =	vst.idx.msk $0xffff, v39  }
0x379: {  	v49 =	vor.u32 $0x280, v38;
	v39 =	vld.idx.msk [tilespmem:v48+s14+$0x0], $0xffff  }
0x37a: {  	v50 =	vor.u32 $0x300, v35;
	_ =	sdelay $0x3  }
0x37b: {  	[tilespmem:v49+s21+$0x0] =	vst.idx.msk $0xffff, v39  }
0x37c: {  	v51 =	vor.u32 $0x300, v38;
	v39 =	vld.idx.msk [tilespmem:v50+s14+$0x0], $0xffff  }
0x37d: {  	v52 =	vor.u32 $0x380, v35;
	_ =	sdelay $0x3  }
0x37e: {  	v36 =	vor.u32 v37, v36;
	[tilespmem:v51+s21+$0x0] =	vst.idx.msk $0xffff, v39  }
0x37f: {  	v36 =	vor.u32 $0x380, v36;
	v53 =	vld.idx.msk [tilespmem:v52+s14+$0x0], $0xffff  }
0x380: {  	v54 =	vadd.s32 $0x4000, v35;
	_ =	sdelay $0x3  }
0x381: {  	[tilespmem:v36+s21+$0x0] =	vst.idx.msk $0xffff, v53  }
0x382: {  	v55 =	vadd.s32 $0x1000, v38;
	v36 =	vld.idx.msk [tilespmem:v54+s14+$0x0], $0xffff  }
0x383: {  	v56 =	vadd.s32 $0x4080, v35;
	_ =	sdelay $0x3  }
0x384: {  	[tilespmem:v55+s21+$0x0] =	vst.idx.msk $0xffff, v36  }
0x385: {  	v57 =	vadd.s32 $0x1080, v38;
	v36 =	vld.idx.msk [tilespmem:v56+s14+$0x0], $0xffff  }
0x386: {  	v58 =	vadd.s32 $0x4100, v35;
	_ =	sdelay $0x3  }
0x387: {  	[tilespmem:v57+s21+$0x0] =	vst.idx.msk $0xffff, v36  }
0x388: {  	v59 =	vadd.s32 $0x1100, v38;
	v36 =	vld.idx.msk [tilespmem:v58+s14+$0x0], $0xffff  }
0x389: {  	v60 =	vadd.s32 $0x4180, v35;
	_ =	sdelay $0x3  }
0x38a: {  	[tilespmem:v59+s21+$0x0] =	vst.idx.msk $0xffff, v36  }
0x38b: {  	v61 =	vadd.s32 $0x1180, v38;
	v36 =	vld.idx.msk [tilespmem:v60+s14+$0x0], $0xffff  }
0x38c: {  	v62 =	vadd.s32 $0x4200, v35;
	_ =	sdelay $0x3  }
0x38d: {  	[tilespmem:v61+s21+$0x0] =	vst.idx.msk $0xffff, v36  }
0x38e: {  	v63 =	vadd.s32 $0x1200, v38;
	v36 =	vld.idx.msk [tilespmem:v62+s14+$0x0], $0xffff  }
0x38f: {  	v42 =	vadd.s32 $0x4280, v35;
	_ =	sdelay $0x3  }
0x390: {  	[tilespmem:v63+s21+$0x0] =	vst.idx.msk $0xffff, v36  }
0x391: {  	v43 =	vadd.s32 $0x1280, v38;
	v36 =	vld.idx.msk [tilespmem:v42+s14+$0x0], $0xffff  }
0x392: {  	v44 =	vadd.s32 $0x4300, v35;
	_ =	sdelay $0x3  }
0x393: {  	[tilespmem:v43+s21+$0x0] =	vst.idx.msk $0xffff, v36  }
0x394: {  	v45 =	vadd.s32 $0x1300, v38;
	v36 =	vld.idx.msk [tilespmem:v44+s14+$0x0], $0xffff  }
0x395: {  	v35 =	vadd.s32 $0x4380, v35;
	_ =	sdelay $0x3  }
0x396: {  	[tilespmem:v45+s21+$0x0] =	vst.idx.msk $0xffff, v36  }
0x397: {  	v46 =	vadd.s32 $0x1380, v38;
	v35 =	vld.idx.msk [tilespmem:v35+s14+$0x0], $0xffff;
	_ =	sdelay $0x4  }
0x398: {  	[tilespmem:v46+s21+$0x0] =	vst.idx.msk $0xffff, v35  }
0x399: {  	v35 =	vld [tilespmem:s24+$0x20];
	_ =	sdelay $0x4  }
0x39a: {  	(v2sf) =	vpush v35, $0x0;
	_ =	sdelay $0xc  }
0x39b: {  	(v2sf) =	vpush v35, $0x1;
	_ =	sdelay $0x1  }
0x39c: {  	s26 =	spop (v2sf)  }
0x39d: {  	s31 =	sand.u32 $0x7F, s26  }
0x39e: {  	p6 =	slt.s32 s26, $0x1;
	p5 =	sne.s32 s31, $0x0;
	s31 =	sshra.s32 s26, $0x1F  }
0x39f: {  	s28 =	sshrl.u32 s31, $0x19;
	p0 =	por !p6, !p5  }
0x3a0: {  	s26 =	sadd.s32 s28, s26;
	p0 =	por !p0, !p0;
	s28 =	simm.s32 $0x1  }
0x3a1: {  	s26 =	sshrl.u32 s26, $0x7;
	s28 =	simm.s32 @!p0 $0x0  }
0x3a2: {  	s26 =	ssub.s32 s26, s28  }
0x3a3: {  	s26 =	sshll.u32 s26, $0x7  }
0x3a4: {  	s26 =	sand.u32 $0x1FFFFF80, s26  }
0x3a5: {  	s26 =	sadd.s32 s1, s26  }
0x3a6: {  	[tilespmem:s14], [sflag:$0x2] =	stream.linear.gather [hbm4b:s26+s2], $0x400, $0x38;
	[tilespmem:$0x1A200] =	vst v63  }
0x3a7: {  	(v2sf) =	vpush v35, $0x2;
	s31 =	simm.s32 $0xC200;
	s26 =	sadd.s32 $0xF4280, s26  }
0x3a8: {  	[tilespmem:s31], [sflag:$0x2] =	stream.linear.gather [hbm4b:s26+s2], $0x400, $0x38;
	[tilespmem:$0x1A200] =	vst v63  }
0x3a9: {  	s26 =	spop (v2sf)  }
0x3aa: {  	s31 =	sand.u32 $0x7F, s26  }
0x3ab: {  	p2 =	slt.s32 s26, $0x1;
	p1 =	sne.s32 s31, $0x0;
	s31 =	sshra.s32 s26, $0x1F  }
0x3ac: {  	s28 =	sshrl.u32 s31, $0x19;
	p0 =	por !p2, !p1  }
0x3ad: {  	s26 =	sadd.s32 s28, s26;
	p0 =	por !p0, !p0;
	s28 =	simm.s32 $0x1  }
0x3ae: {  	s26 =	sshrl.u32 s26, $0x7;
	s28 =	simm.s32 @!p0 $0x0  }
0x3af: {  	s26 =	ssub.s32 s26, s28  }
0x3b0: {  	s26 =	sshll.u32 s26, $0x7  }
0x3b1: {  	s26 =	sand.u32 $0x1FFFFF80, s26  }
0x3b2: {  	s31 =	simm.s32 $0x8600;
	s26 =	sadd.s32 s1, s26  }
0x3b3: {  	[tilespmem:s31], [sflag:$0x2] =	stream.linear.gather [hbm4b:s26+s2], $0x400, $0x38;
	[tilespmem:$0x1A200] =	vst v63  }
0x3b4: {  	(v2sf) =	vpush v35, $0x3;
	s26 =	sadd.s32 $0xF4280, s26;
	s31 =	simm.s32 $0xC600  }
0x3b5: {  	[tilespmem:s31], [sflag:$0x2] =	stream.linear.gather [hbm4b:s26+s2], $0x400, $0x38;
	[tilespmem:$0x1A200] =	vst v63  }
0x3b6: {  	s26 =	spop (v2sf)  }
0x3b7: {  	s31 =	sand.u32 $0x7F, s26  }
0x3b8: {  	p4 =	slt.s32 s26, $0x1;
	p3 =	sne.s32 s31, $0x0;
	s31 =	sshra.s32 s26, $0x1F  }
0x3b9: {  	s28 =	sshrl.u32 s31, $0x19;
	p0 =	por !p4, !p3  }
0x3ba: {  	s26 =	sadd.s32 s28, s26;
	p0 =	por !p0, !p0;
	s28 =	simm.s32 $0x1  }
0x3bb: {  	s26 =	sshrl.u32 s26, $0x7;
	s28 =	simm.s32 @!p0 $0x0  }
0x3bc: {  	s26 =	ssub.s32 s26, s28  }
0x3bd: {  	s26 =	sshll.u32 s26, $0x7  }
0x3be: {  	s26 =	sand.u32 $0x1FFFFF80, s26  }
0x3bf: {  	s31 =	simm.s32 $0x8A00;
	s26 =	sadd.s32 s1, s26  }
0x3c0: {  	[tilespmem:s31], [sflag:$0x2] =	stream.linear.gather [hbm4b:s26+s2], $0x400, $0x38;
	[tilespmem:$0x1A200] =	vst v63  }
0x3c1: {  	(v2sf) =	vpush v35, $0x4;
	s26 =	sadd.s32 $0xF4280, s26;
	s31 =	simm.s32 $0xCA00  }
0x3c2: {  	[tilespmem:s31], [sflag:$0x2] =	stream.linear.gather [hbm4b:s26+s2], $0x400, $0x38;
	[tilespmem:$0x1A200] =	vst v63  }
0x3c3: {  	s26 =	spop (v2sf)  }
0x3c4: {  	s31 =	sand.u32 $0x7F, s26  }
0x3c5: {  	p6 =	slt.s32 s26, $0x1;
	p5 =	sne.s32 s31, $0x0;
	s31 =	sshra.s32 s26, $0x1F  }
0x3c6: {  	s28 =	sshrl.u32 s31, $0x19;
	p0 =	por !p6, !p5  }
0x3c7: {  	s26 =	sadd.s32 s28, s26;
	p0 =	por !p0, !p0;
	s28 =	simm.s32 $0x1  }
0x3c8: {  	s26 =	sshrl.u32 s26, $0x7;
	s28 =	simm.s32 @!p0 $0x0  }
0x3c9: {  	s26 =	ssub.s32 s26, s28  }
0x3ca: {  	s26 =	sshll.u32 s26, $0x7  }
0x3cb: {  	s26 =	sand.u32 $0x1FFFFF80, s26  }
0x3cc: {  	s31 =	simm.s32 $0x8E00;
	s26 =	sadd.s32 s1, s26  }
0x3cd: {  	[tilespmem:s31], [sflag:$0x2] =	stream.linear.gather [hbm4b:s26+s2], $0x400, $0x38;
	[tilespmem:$0x1A200] =	vst v63  }
0x3ce: {  	(v2sf) =	vpush v35, $0x5;
	s26 =	sadd.s32 $0xF4280, s26;
	s31 =	simm.s32 $0xCE00  }
0x3cf: {  	[tilespmem:s31], [sflag:$0x2] =	stream.linear.gather [hbm4b:s26+s2], $0x400, $0x38;
	[tilespmem:$0x1A200] =	vst v63  }
0x3d0: {  	s26 =	spop (v2sf)  }
0x3d1: {  	s31 =	sand.u32 $0x7F, s26  }
0x3d2: {  	p2 =	slt.s32 s26, $0x1;
	p1 =	sne.s32 s31, $0x0;
	s31 =	sshra.s32 s26, $0x1F  }
0x3d3: {  	s28 =	sshrl.u32 s31, $0x19;
	p0 =	por !p2, !p1  }
0x3d4: {  	s26 =	sadd.s32 s28, s26;
	p0 =	por !p0, !p0;
	s28 =	simm.s32 $0x1  }
0x3d5: {  	s26 =	sshrl.u32 s26, $0x7;
	s28 =	simm.s32 @!p0 $0x0  }
0x3d6: {  	s26 =	ssub.s32 s26, s28  }
0x3d7: {  	s26 =	sshll.u32 s26, $0x7  }
0x3d8: {  	s26 =	sand.u32 $0x1FFFFF80, s26  }
0x3d9: {  	s31 =	simm.s32 $0x9200;
	s26 =	sadd.s32 s1, s26  }
0x3da: {  	[tilespmem:s31], [sflag:$0x2] =	stream.linear.gather [hbm4b:s26+s2], $0x400, $0x38;
	[tilespmem:$0x1A200] =	vst v63  }
0x3db: {  	(v2sf) =	vpush v35, $0x6;
	s26 =	sadd.s32 $0xF4280, s26;
	s31 =	simm.s32 $0xD200  }
0x3dc: {  	[tilespmem:s31], [sflag:$0x2] =	stream.linear.gather [hbm4b:s26+s2], $0x400, $0x38;
	[tilespmem:$0x1A200] =	vst v63  }
0x3dd: {  	s26 =	spop (v2sf)  }
0x3de: {  	s31 =	sand.u32 $0x7F, s26  }
0x3df: {  	p4 =	slt.s32 s26, $0x1;
	p3 =	sne.s32 s31, $0x0;
	s31 =	sshra.s32 s26, $0x1F  }
0x3e0: {  	s28 =	sshrl.u32 s31, $0x19;
	p0 =	por !p4, !p3  }
0x3e1: {  	s26 =	sadd.s32 s28, s26;
	p0 =	por !p0, !p0;
	s28 =	simm.s32 $0x1  }
0x3e2: {  	s26 =	sshrl.u32 s26, $0x7;
	s28 =	simm.s32 @!p0 $0x0  }
0x3e3: {  	s26 =	ssub.s32 s26, s28  }
0x3e4: {  	s26 =	sshll.u32 s26, $0x7  }
0x3e5: {  	s26 =	sand.u32 $0x1FFFFF80, s26  }
0x3e6: {  	s31 =	simm.s32 $0x9600;
	s26 =	sadd.s32 s1, s26  }
0x3e7: {  	[tilespmem:s31], [sflag:$0x2] =	stream.linear.gather [hbm4b:s26+s2], $0x400, $0x38;
	[tilespmem:$0x1A200] =	vst v63  }
0x3e8: {  	(v2sf) =	vpush v35, $0x7;
	s26 =	sadd.s32 $0xF4280, s26;
	s31 =	simm.s32 $0xD600  }
0x3e9: {  	[tilespmem:s31], [sflag:$0x2] =	stream.linear.gather [hbm4b:s26+s2], $0x400, $0x38;
	[tilespmem:$0x1A200] =	vst v63  }
0x3ea: {  	s26 =	spop (v2sf)  }
0x3eb: {  	s31 =	sand.u32 $0x7F, s26  }
0x3ec: {  	p6 =	slt.s32 s26, $0x1;
	p5 =	sne.s32 s31, $0x0;
	s31 =	sshra.s32 s26, $0x1F  }
0x3ed: {  	s28 =	sshrl.u32 s31, $0x19;
	p0 =	por !p6, !p5  }
0x3ee: {  	s26 =	sadd.s32 s28, s26;
	p0 =	por !p0, !p0;
	s28 =	simm.s32 $0x1  }
0x3ef: {  	s26 =	sshrl.u32 s26, $0x7;
	s28 =	simm.s32 @!p0 $0x0  }
0x3f0: {  	s26 =	ssub.s32 s26, s28  }
0x3f1: {  	s26 =	sshll.u32 s26, $0x7  }
0x3f2: {  	s26 =	sand.u32 $0x1FFFFF80, s26  }
0x3f3: {  	s31 =	simm.s32 $0x9A00;
	s26 =	sadd.s32 s1, s26  }
0x3f4: {  	[tilespmem:s31], [sflag:$0x2] =	stream.linear.gather [hbm4b:s26+s2], $0x400, $0x38;
	[tilespmem:$0x1A200] =	vst v63  }
0x3f5: {  	(v2sf) =	vpush v35, $0x8;
	s26 =	sadd.s32 $0xF4280, s26;
	s31 =	simm.s32 $0xDA00  }
0x3f6: {  	[tilespmem:s31], [sflag:$0x2] =	stream.linear.gather [hbm4b:s26+s2], $0x400, $0x38;
	[tilespmem:$0x1A200] =	vst v63  }
0x3f7: {  	s26 =	spop (v2sf)  }
0x3f8: {  	s31 =	sand.u32 $0x7F, s26  }
0x3f9: {  	p2 =	slt.s32 s26, $0x1;
	p1 =	sne.s32 s31, $0x0;
	s31 =	sshra.s32 s26, $0x1F  }
0x3fa: {  	s28 =	sshrl.u32 s31, $0x19;
	p0 =	por !p2, !p1  }
0x3fb: {  	s26 =	sadd.s32 s28, s26;
	p0 =	por !p0, !p0;
	s28 =	simm.s32 $0x1  }
0x3fc: {  	s26 =	sshrl.u32 s26, $0x7;
	s28 =	simm.s32 @!p0 $0x0  }
0x3fd: {  	s26 =	ssub.s32 s26, s28  }
0x3fe: {  	s26 =	sshll.u32 s26, $0x7  }
0x3ff: {  	s26 =	sand.u32 $0x1FFFFF80, s26  }
0x400: {  	s31 =	simm.s32 $0x9E00;
	s26 =	sadd.s32 s1, s26  }
0x401: {  	[tilespmem:s31], [sflag:$0x2] =	stream.linear.gather [hbm4b:s26+s2], $0x400, $0x38;
	[tilespmem:$0x1A200] =	vst v63  }
0x402: {  	(v2sf) =	vpush v35, $0x9;
	s26 =	sadd.s32 $0xF4280, s26;
	s31 =	simm.s32 $0xDE00  }
0x403: {  	[tilespmem:s31], [sflag:$0x2] =	stream.linear.gather [hbm4b:s26+s2], $0x400, $0x38;
	[tilespmem:$0x1A200] =	vst v63  }
0x404: {  	s26 =	spop (v2sf)  }
0x405: {  	s31 =	sand.u32 $0x7F, s26  }
0x406: {  	p4 =	slt.s32 s26, $0x1;
	p3 =	sne.s32 s31, $0x0;
	s31 =	sshra.s32 s26, $0x1F  }
0x407: {  	s28 =	sshrl.u32 s31, $0x19;
	p0 =	por !p4, !p3  }
0x408: {  	s26 =	sadd.s32 s28, s26;
	p0 =	por !p0, !p0;
	s28 =	simm.s32 $0x1  }
0x409: {  	s26 =	sshrl.u32 s26, $0x7;
	s28 =	simm.s32 @!p0 $0x0  }
0x40a: {  	s26 =	ssub.s32 s26, s28  }
0x40b: {  	s26 =	sshll.u32 s26, $0x7  }
0x40c: {  	s26 =	sand.u32 $0x1FFFFF80, s26  }
0x40d: {  	s31 =	simm.s32 $0xA200;
	s26 =	sadd.s32 s1, s26  }
0x40e: {  	[tilespmem:s31], [sflag:$0x2] =	stream.linear.gather [hbm4b:s26+s2], $0x400, $0x38;
	[tilespmem:$0x1A200] =	vst v63  }
0x40f: {  	(v2sf) =	vpush v35, $0xA;
	s26 =	sadd.s32 $0xF4280, s26;
	s31 =	simm.s32 $0xE200  }
0x410: {  	[tilespmem:s31], [sflag:$0x2] =	stream.linear.gather [hbm4b:s26+s2], $0x400, $0x38;
	[tilespmem:$0x1A200] =	vst v63  }
0x411: {  	s26 =	spop (v2sf)  }
0x412: {  	s31 =	sand.u32 $0x7F, s26  }
0x413: {  	p6 =	slt.s32 s26, $0x1;
	p5 =	sne.s32 s31, $0x0;
	s31 =	sshra.s32 s26, $0x1F  }
0x414: {  	s28 =	sshrl.u32 s31, $0x19;
	p0 =	por !p6, !p5  }
0x415: {  	s26 =	sadd.s32 s28, s26;
	p0 =	por !p0, !p0;
	s28 =	simm.s32 $0x1  }
0x416: {  	s26 =	sshrl.u32 s26, $0x7;
	s28 =	simm.s32 @!p0 $0x0  }
0x417: {  	s26 =	ssub.s32 s26, s28  }
0x418: {  	s26 =	sshll.u32 s26, $0x7  }
0x419: {  	s26 =	sand.u32 $0x1FFFFF80, s26  }
0x41a: {  	s31 =	simm.s32 $0xA600;
	s26 =	sadd.s32 s1, s26  }
0x41b: {  	[tilespmem:s31], [sflag:$0x2] =	stream.linear.gather [hbm4b:s26+s2], $0x400, $0x38;
	[tilespmem:$0x1A200] =	vst v63  }
0x41c: {  	(v2sf) =	vpush v35, $0xB;
	s26 =	sadd.s32 $0xF4280, s26;
	s31 =	simm.s32 $0xE600  }
0x41d: {  	[tilespmem:s31], [sflag:$0x2] =	stream.linear.gather [hbm4b:s26+s2], $0x400, $0x38;
	[tilespmem:$0x1A200] =	vst v63  }
0x41e: {  	s26 =	spop (v2sf)  }
0x41f: {  	s31 =	sand.u32 $0x7F, s26  }
0x420: {  	p2 =	slt.s32 s26, $0x1;
	p1 =	sne.s32 s31, $0x0;
	s31 =	sshra.s32 s26, $0x1F  }
0x421: {  	s28 =	sshrl.u32 s31, $0x19;
	p0 =	por !p2, !p1  }
0x422: {  	s26 =	sadd.s32 s28, s26;
	p0 =	por !p0, !p0;
	s28 =	simm.s32 $0x1  }
0x423: {  	s26 =	sshrl.u32 s26, $0x7;
	s28 =	simm.s32 @!p0 $0x0  }
0x424: {  	s26 =	ssub.s32 s26, s28  }
0x425: {  	s26 =	sshll.u32 s26, $0x7  }
0x426: {  	s26 =	sand.u32 $0x1FFFFF80, s26  }
0x427: {  	s31 =	simm.s32 $0xAA00;
	s26 =	sadd.s32 s1, s26  }
0x428: {  	[tilespmem:s31], [sflag:$0x2] =	stream.linear.gather [hbm4b:s26+s2], $0x400, $0x38;
	[tilespmem:$0x1A200] =	vst v63  }
0x429: {  	(v2sf) =	vpush v35, $0xC;
	s26 =	sadd.s32 $0xF4280, s26;
	s31 =	simm.s32 $0xEA00  }
0x42a: {  	[tilespmem:s31], [sflag:$0x2] =	stream.linear.gather [hbm4b:s26+s2], $0x400, $0x38;
	[tilespmem:$0x1A200] =	vst v63  }
0x42b: {  	s26 =	spop (v2sf)  }
0x42c: {  	s31 =	sand.u32 $0x7F, s26  }
0x42d: {  	p4 =	slt.s32 s26, $0x1;
	p3 =	sne.s32 s31, $0x0;
	s31 =	sshra.s32 s26, $0x1F  }
0x42e: {  	s28 =	sshrl.u32 s31, $0x19;
	p0 =	por !p4, !p3  }
0x42f: {  	s26 =	sadd.s32 s28, s26;
	p0 =	por !p0, !p0;
	s28 =	simm.s32 $0x1  }
0x430: {  	s26 =	sshrl.u32 s26, $0x7;
	s28 =	simm.s32 @!p0 $0x0  }
0x431: {  	s26 =	ssub.s32 s26, s28  }
0x432: {  	s26 =	sshll.u32 s26, $0x7  }
0x433: {  	s26 =	sand.u32 $0x1FFFFF80, s26  }
0x434: {  	s31 =	simm.s32 $0xAE00;
	s26 =	sadd.s32 s1, s26  }
0x435: {  	[tilespmem:s31], [sflag:$0x2] =	stream.linear.gather [hbm4b:s26+s2], $0x400, $0x38;
	[tilespmem:$0x1A200] =	vst v63  }
0x436: {  	(v2sf) =	vpush v35, $0xD;
	s26 =	sadd.s32 $0xF4280, s26;
	s31 =	simm.s32 $0xEE00  }
0x437: {  	[tilespmem:s31], [sflag:$0x2] =	stream.linear.gather [hbm4b:s26+s2], $0x400, $0x38;
	[tilespmem:$0x1A200] =	vst v63  }
0x438: {  	s26 =	spop (v2sf)  }
0x439: {  	s31 =	sand.u32 $0x7F, s26  }
0x43a: {  	p6 =	slt.s32 s26, $0x1;
	p5 =	sne.s32 s31, $0x0;
	s31 =	sshra.s32 s26, $0x1F  }
0x43b: {  	s28 =	sshrl.u32 s31, $0x19;
	p0 =	por !p6, !p5  }
0x43c: {  	s26 =	sadd.s32 s28, s26;
	p0 =	por !p0, !p0;
	s28 =	simm.s32 $0x1  }
0x43d: {  	s26 =	sshrl.u32 s26, $0x7;
	s28 =	simm.s32 @!p0 $0x0  }
0x43e: {  	s26 =	ssub.s32 s26, s28  }
0x43f: {  	s26 =	sshll.u32 s26, $0x7  }
0x440: {  	s26 =	sand.u32 $0x1FFFFF80, s26  }
0x441: {  	(v2sf) =	vpush v35, $0xE;
	s31 =	simm.s32 $0xB200;
	s26 =	sadd.s32 s1, s26  }
0x442: {  	[tilespmem:s31], [sflag:$0x2] =	stream.linear.gather [hbm4b:s26+s2], $0x400, $0x38;
	[tilespmem:$0x1A200] =	vst v63  }
0x443: {  	s26 =	sadd.s32 $0xF4280, s26;
	s31 =	simm.s32 $0xF200  }
0x444: {  	[tilespmem:s31], [sflag:$0x2] =	stream.linear.gather [hbm4b:s26+s2], $0x400, $0x38;
	[tilespmem:$0x1A200] =	vst v63  }
0x445: {  	s26 =	spop (v2sf)  }
0x446: {  	s31 =	sand.u32 $0x7F, s26  }
0x447: {  	p2 =	slt.s32 s26, $0x1;
	p1 =	sne.s32 s31, $0x0;
	s31 =	sshra.s32 s26, $0x1F  }
0x448: {  	s28 =	sshrl.u32 s31, $0x19;
	p0 =	por !p2, !p1  }
0x449: {  	s26 =	sadd.s32 s28, s26;
	p0 =	por !p0, !p0;
	s28 =	simm.s32 $0x1  }
0x44a: {  	s26 =	sshrl.u32 s26, $0x7;
	s28 =	simm.s32 @!p0 $0x0  }
0x44b: {  	s26 =	ssub.s32 s26, s28  }
0x44c: {  	s26 =	sshll.u32 s26, $0x7  }
0x44d: {  	s26 =	sand.u32 $0x1FFFFF80, s26  }
0x44e: {  	s31 =	simm.s32 $0xB600;
	s26 =	sadd.s32 s1, s26  }
0x44f: {  	(v2sf) =	vpush v35, $0xF;
	[tilespmem:s31], [sflag:$0x2] =	stream.linear.gather [hbm4b:s26+s2], $0x400, $0x38;
	[tilespmem:$0x1A200] =	vst v63  }
0x450: {  	s28 =	spop (v2sf);
	s26 =	sadd.s32 $0xF4280, s26;
	s31 =	simm.s32 $0xF600  }
0x451: {  	[tilespmem:s31], [sflag:$0x2] =	stream.linear.gather [hbm4b:s26+s2], $0x400, $0x38;
	[tilespmem:$0x1A200] =	vst v63  }
0x452: {  	s31 =	sand.u32 $0x7F, s28  }
0x453: {  	p4 =	slt.s32 s28, $0x1;
	p3 =	sne.s32 s31, $0x0;
	s31 =	sshra.s32 s28, $0x1F  }
0x454: {  	s26 =	sshrl.u32 s31, $0x19;
	p0 =	por !p4, !p3  }
0x455: {  	s26 =	sadd.s32 s26, s28;
	p0 =	por !p0, !p0;
	s28 =	simm.s32 $0x1  }
0x456: {  	s26 =	sshrl.u32 s26, $0x7;
	s28 =	simm.s32 @!p0 $0x0  }
0x457: {  	s26 =	ssub.s32 s26, s28  }
0x458: {  	s26 =	sshll.u32 s26, $0x7  }
0x459: {  	s26 =	sand.u32 $0x1FFFFF80, s26  }
0x45a: {  	s26 =	sadd.s32 s1, s26  }
0x45b: {  	[tilespmem:s18], [sflag:$0x2] =	stream.linear.gather [hbm4b:s26+s2], $0x400, $0x38;
	[tilespmem:$0x1A200] =	vst v63  }
0x45c: {  	s26 =	sadd.s32 $0xF4280, s26  }
0x45d: {  	[tilespmem:s17], [sflag:$0x2] =	stream.linear.gather [hbm4b:s26+s2], $0x400, $0x38;
	[tilespmem:$0x1A200] =	vst v63  }
0x45e: {  	s26 =	spop (v2sf)  }
0x45f: {  	s31 =	sand.u32 $0x7F, s26  }
0x460: {  	p6 =	slt.s32 s26, $0x1;
	p5 =	sne.s32 s31, $0x0;
	s31 =	sshra.s32 s26, $0x1F  }
0x461: {  	s28 =	sshrl.u32 s31, $0x19;
	p0 =	por !p6, !p5  }
0x462: {  	s26 =	sadd.s32 s28, s26;
	p0 =	por !p0, !p0;
	s28 =	simm.s32 $0x1  }
0x463: {  	s26 =	sshrl.u32 s26, $0x7;
	s28 =	simm.s32 @!p0 $0x0  }
0x464: {  	s26 =	ssub.s32 s26, s28  }
0x465: {  	s26 =	sshll.u32 s26, $0x7  }
0x466: {  	s26 =	sand.u32 $0x1FFFFF80, s26  }
0x467: {  	s26 =	sadd.s32 s1, s26  }
0x468: {  	[tilespmem:s19], [sflag:$0x2] =	stream.linear.gather [hbm4b:s26+s2], $0x400, $0x38;
	[tilespmem:$0x1A200] =	vst v63  }
0x469: {  	s26 =	sadd.s32 $0xF4280, s26  }
0x46a: {  	[tilespmem:s30], [sflag:$0x2] =	stream.linear.gather [hbm4b:s26+s2], $0x400, $0x38;
	[tilespmem:$0x1A200] =	vst v63  }
0x46b: {  	_ =	swait.ge [sflag:s23], $0x8000  }
0x46c: {  	[sflag:s23] =	ssyncset.done $0x0  }
0x46d: {  	[sflag:s23] =	ssyncadd.s32 $0xFFFF8000  }
0x46e: {  	v47 =	vld [tilespmem:s24+$0x0];
	_ =	sdelay $0x4  }
0x46f: {  	v48 =	vshra.s32 v47, $0x1F;
	v49 =	vand.u32 $0x7F, v47  }
0x470: {  	vm14 =	vlt.s32 v47, $0x1;
	v36 =	vshrl.u32 v48, $0x19;
	vm15 =	vne.s32 v49, $0x0  }
0x471: {  	v36 =	vadd.s32 v36, v47;
	vm0 =	vmand vm14, vm15  }
0x472: {  	v36 =	vshrl.u32 v36, $0x7;
	v50 =	vsel vm0, $0x1, v0  }
0x473: {  	v35 =	vshll.u32 v47, $0x3;
	v36 =	vsub.s32 v50, v36  }
0x474: {  	v35 =	vadd.s32 v2, v35;
	v36 =	vshll.u32 v36, $0xA  }
0x475: {  	v35 =	vadd.s32 v35, v36  }
0x476: {  	v35 =	vand.u32 $0xFFFFFC00, v35  }
0x477: {  	v35 =	vor.u32 v49, v35;
	_ =	sdelay $0x1  }
0x478: {  	v51 =	vmov s25  }
0x479: {  	v52 =	vor.u32 s25, v1;
	v36 =	vshll.u32 v51, $0x3  }
0x47a: {  	v37 =	vand.u32 $0x7F, v52;
	v53 =	vand.u32 $0x3C00, v36  }
0x47b: {  	v38 =	vor.u32 v37, v53;
	v54 =	vld.idx.msk [tilespmem:v35+s20+$0x0], $0xffff  }
0x47c: {  	v55 =	vor.u32 $0x80, v35;
	_ =	sdelay $0x3  }
0x47d: {  	[tilespmem:v38+s21+$0x0] =	vst.idx.msk $0xffff, v54  }
0x47e: {  	v56 =	vor.u32 $0x80, v38;
	v39 =	vld.idx.msk [tilespmem:v55+s20+$0x0], $0xffff  }
0x47f: {  	v57 =	vor.u32 $0x100, v35;
	_ =	sdelay $0x3  }
0x480: {  	[tilespmem:v56+s21+$0x0] =	vst.idx.msk $0xffff, v39  }
0x481: {  	v58 =	vor.u32 $0x100, v38;
	v39 =	vld.idx.msk [tilespmem:v57+s20+$0x0], $0xffff  }
0x482: {  	v59 =	vor.u32 $0x180, v35;
	_ =	sdelay $0x3  }
0x483: {  	[tilespmem:v58+s21+$0x0] =	vst.idx.msk $0xffff, v39  }
0x484: {  	v60 =	vor.u32 $0x180, v38;
	v39 =	vld.idx.msk [tilespmem:v59+s20+$0x0], $0xffff  }
0x485: {  	v61 =	vor.u32 $0x200, v35;
	_ =	sdelay $0x3  }
0x486: {  	[tilespmem:v60+s21+$0x0] =	vst.idx.msk $0xffff, v39  }
0x487: {  	v62 =	vor.u32 $0x200, v38;
	v39 =	vld.idx.msk [tilespmem:v61+s20+$0x0], $0xffff  }
0x488: {  	v63 =	vor.u32 $0x280, v35;
	_ =	sdelay $0x3  }
0x489: {  	[tilespmem:v62+s21+$0x0] =	vst.idx.msk $0xffff, v39  }
0x48a: {  	v44 =	vor.u32 $0x280, v38;
	v39 =	vld.idx.msk [tilespmem:v63+s20+$0x0], $0xffff  }
0x48b: {  	v45 =	vor.u32 $0x300, v35;
	_ =	sdelay $0x3  }
0x48c: {  	[tilespmem:v44+s21+$0x0] =	vst.idx.msk $0xffff, v39  }
0x48d: {  	v46 =	vor.u32 $0x300, v38;
	v39 =	vld.idx.msk [tilespmem:v45+s20+$0x0], $0xffff  }
0x48e: {  	v47 =	vor.u32 $0x380, v35;
	_ =	sdelay $0x3  }
0x48f: {  	v36 =	vor.u32 v37, v36;
	[tilespmem:v46+s21+$0x0] =	vst.idx.msk $0xffff, v39  }
0x490: {  	v36 =	vor.u32 $0x380, v36;
	v48 =	vld.idx.msk [tilespmem:v47+s20+$0x0], $0xffff  }
0x491: {  	v49 =	vadd.s32 $0x4000, v35;
	_ =	sdelay $0x3  }
0x492: {  	[tilespmem:v36+s21+$0x0] =	vst.idx.msk $0xffff, v48  }
0x493: {  	v50 =	vadd.s32 $0x1000, v38;
	v36 =	vld.idx.msk [tilespmem:v49+s20+$0x0], $0xffff  }
0x494: {  	v51 =	vadd.s32 $0x4080, v35;
	_ =	sdelay $0x3  }
0x495: {  	[tilespmem:v50+s21+$0x0] =	vst.idx.msk $0xffff, v36  }
0x496: {  	v52 =	vadd.s32 $0x1080, v38;
	v36 =	vld.idx.msk [tilespmem:v51+s20+$0x0], $0xffff  }
0x497: {  	v53 =	vadd.s32 $0x4100, v35;
	_ =	sdelay $0x3  }
0x498: {  	[tilespmem:v52+s21+$0x0] =	vst.idx.msk $0xffff, v36  }
0x499: {  	v54 =	vadd.s32 $0x1100, v38;
	v36 =	vld.idx.msk [tilespmem:v53+s20+$0x0], $0xffff  }
0x49a: {  	v55 =	vadd.s32 $0x4180, v35;
	_ =	sdelay $0x3  }
0x49b: {  	[tilespmem:v54+s21+$0x0] =	vst.idx.msk $0xffff, v36  }
0x49c: {  	v56 =	vadd.s32 $0x1180, v38;
	v36 =	vld.idx.msk [tilespmem:v55+s20+$0x0], $0xffff  }
0x49d: {  	v57 =	vadd.s32 $0x4200, v35;
	_ =	sdelay $0x3  }
0x49e: {  	[tilespmem:v56+s21+$0x0] =	vst.idx.msk $0xffff, v36  }
0x49f: {  	v58 =	vadd.s32 $0x1200, v38;
	v36 =	vld.idx.msk [tilespmem:v57+s20+$0x0], $0xffff  }
0x4a0: {  	v59 =	vadd.s32 $0x4280, v35;
	_ =	sdelay $0x3  }
0x4a1: {  	[tilespmem:v58+s21+$0x0] =	vst.idx.msk $0xffff, v36  }
0x4a2: {  	v60 =	vadd.s32 $0x1280, v38;
	v36 =	vld.idx.msk [tilespmem:v59+s20+$0x0], $0xffff  }
0x4a3: {  	v61 =	vadd.s32 $0x4300, v35;
	_ =	sdelay $0x3  }
0x4a4: {  	[tilespmem:v60+s21+$0x0] =	vst.idx.msk $0xffff, v36  }
0x4a5: {  	v62 =	vadd.s32 $0x1300, v38;
	v36 =	vld.idx.msk [tilespmem:v61+s20+$0x0], $0xffff  }
0x4a6: {  	v35 =	vadd.s32 $0x4380, v35;
	_ =	sdelay $0x3  }
0x4a7: {  	[tilespmem:v62+s21+$0x0] =	vst.idx.msk $0xffff, v36  }
0x4a8: {  	p0 =	sne.s32 s25, $0x1D0;
	v63 =	vadd.s32 $0x1380, v38;
	v35 =	vld.idx.msk [tilespmem:v35+s20+$0x0], $0xffff  }
.Ltmp0:
0x4a9: {  	_ = 	snop;
	(pc) =	sbr.rel @p0 .LBB2_2-.Ltmp0, $2  }
0x4aa: {  	_ =	sdelay $0x2  }
0x4ab: {  	s25 =	sadd.s32 $0x30, s25;
	s24 =	sadd.s32 $0x30, s24;
	[tilespmem:v63+s21+$0x0] =	vst.idx.msk $0xffff, v35  }
0x4ac: {  	_ =	swait.ge [sflag:s8], $0x8000  }
0x4ad: {  	[sflag:s8] =	ssyncset.done $0x0  }
0x4ae: {  	[sflag:s8] =	ssyncadd.s32 $0xFFFF8000  }
0x4af: {  	v35 =	vld [tilespmem:$0x1E0];
	_ =	sdelay $0x4  }
0x4b0: {  	v36 =	vshra.s32 v35, $0x1F  }
0x4b1: {  	v37 =	vand.u32 $0x7F, v35;
	v36 =	vshrl.u32 v36, $0x19  }
0x4b2: {  	vm0 =	vlt.s32 v35, $0x1;
	vm1 =	vne.s32 v37, $0x0;
	v36 =	vadd.s32 v36, v35  }
0x4b3: {  	vm0 =	vmand vm0, vm1;
	v36 =	vshrl.u32 v36, $0x7  }
0x4b4: {  	v38 =	vsel vm0, $0x1, v0;
	v36 =	vsub.s32 $0x0, v36  }
0x4b5: {  	v35 =	vshll.u32 v35, $0x3;
	v36 =	vadd.s32 v38, v36  }
0x4b6: {  	v35 =	vadd.s32 v2, v35;
	v36 =	vshll.u32 v36, $0xA  }
0x4b7: {  	v35 =	vadd.s32 v35, v36  }
0x4b8: {  	v35 =	vand.u32 $0xFFFFFC00, v35  }
0x4b9: {  	v35 =	vor.u32 v37, v35;
	_ =	sdelay $0x4  }
0x4ba: {  	v56 =	vld.idx.msk [tilespmem:v35+s9+$0x0], $0xffff  }
0x4bb: {  	v37 =	vor.u32 $0x80, v35;
	_ =	sdelay $0x3  }
0x4bc: {  	[tilespmem:v3+s21+$0x0] =	vst.idx.msk $0xffff, v56  }
0x4bd: {  	v36 =	vld.idx.msk [tilespmem:v37+s9+$0x0], $0xffff  }
0x4be: {  	v57 =	vor.u32 $0x100, v35;
	_ =	sdelay $0x3  }
0x4bf: {  	[tilespmem:v4+s21+$0x0] =	vst.idx.msk $0xffff, v36  }
0x4c0: {  	v36 =	vld.idx.msk [tilespmem:v57+s9+$0x0], $0xffff  }
0x4c1: {  	v58 =	vor.u32 $0x180, v35;
	_ =	sdelay $0x3  }
0x4c2: {  	[tilespmem:v5+s21+$0x0] =	vst.idx.msk $0xffff, v36  }
0x4c3: {  	v36 =	vld.idx.msk [tilespmem:v58+s9+$0x0], $0xffff  }
0x4c4: {  	v59 =	vor.u32 $0x200, v35;
	_ =	sdelay $0x3  }
0x4c5: {  	[tilespmem:v6+s21+$0x0] =	vst.idx.msk $0xffff, v36  }
0x4c6: {  	v36 =	vld.idx.msk [tilespmem:v59+s9+$0x0], $0xffff  }
0x4c7: {  	v60 =	vor.u32 $0x280, v35;
	_ =	sdelay $0x3  }
0x4c8: {  	[tilespmem:v7+s21+$0x0] =	vst.idx.msk $0xffff, v36  }
0x4c9: {  	v36 =	vld.idx.msk [tilespmem:v60+s9+$0x0], $0xffff  }
0x4ca: {  	v61 =	vor.u32 $0x300, v35;
	_ =	sdelay $0x3  }
0x4cb: {  	[tilespmem:v8+s21+$0x0] =	vst.idx.msk $0xffff, v36  }
0x4cc: {  	v36 =	vld.idx.msk [tilespmem:v61+s9+$0x0], $0xffff  }
0x4cd: {  	v62 =	vor.u32 $0x380, v35;
	_ =	sdelay $0x3  }
0x4ce: {  	[tilespmem:v9+s21+$0x0] =	vst.idx.msk $0xffff, v36  }
0x4cf: {  	v36 =	vld.idx.msk [tilespmem:v62+s9+$0x0], $0xffff  }
0x4d0: {  	v63 =	vadd.s32 $0x4000, v35;
	_ =	sdelay $0x3  }
0x4d1: {  	[tilespmem:v10+s21+$0x0] =	vst.idx.msk $0xffff, v36  }
0x4d2: {  	v36 =	vld.idx.msk [tilespmem:v63+s9+$0x0], $0xffff  }
0x4d3: {  	v40 =	vadd.s32 $0x4080, v35;
	_ =	sdelay $0x3  }
0x4d4: {  	[tilespmem:v11+s21+$0x0] =	vst.idx.msk $0xffff, v36  }
0x4d5: {  	v36 =	vld.idx.msk [tilespmem:v40+s9+$0x0], $0xffff  }
0x4d6: {  	v41 =	vadd.s32 $0x4100, v35;
	_ =	sdelay $0x3  }
0x4d7: {  	[tilespmem:v12+s21+$0x0] =	vst.idx.msk $0xffff, v36  }
0x4d8: {  	v36 =	vld.idx.msk [tilespmem:v41+s9+$0x0], $0xffff  }
0x4d9: {  	v42 =	vadd.s32 $0x4180, v35;
	_ =	sdelay $0x3  }
0x4da: {  	[tilespmem:v13+s21+$0x0] =	vst.idx.msk $0xffff, v36  }
0x4db: {  	v36 =	vld.idx.msk [tilespmem:v42+s9+$0x0], $0xffff  }
0x4dc: {  	v43 =	vadd.s32 $0x4200, v35;
	_ =	sdelay $0x3  }
0x4dd: {  	[tilespmem:v14+s21+$0x0] =	vst.idx.msk $0xffff, v36  }
0x4de: {  	v36 =	vld.idx.msk [tilespmem:v43+s9+$0x0], $0xffff  }
0x4df: {  	v44 =	vadd.s32 $0x4280, v35;
	_ =	sdelay $0x3  }
0x4e0: {  	[tilespmem:v15+s21+$0x0] =	vst.idx.msk $0xffff, v36  }
0x4e1: {  	v36 =	vld.idx.msk [tilespmem:v44+s9+$0x0], $0xffff  }
0x4e2: {  	v45 =	vadd.s32 $0x4300, v35;
	_ =	sdelay $0x3  }
0x4e3: {  	[tilespmem:v16+s21+$0x0] =	vst.idx.msk $0xffff, v36  }
0x4e4: {  	v36 =	vld.idx.msk [tilespmem:v45+s9+$0x0], $0xffff  }
0x4e5: {  	v35 =	vadd.s32 $0x4380, v35;
	_ =	sdelay $0x3  }
0x4e6: {  	[tilespmem:v17+s21+$0x0] =	vst.idx.msk $0xffff, v36  }
0x4e7: {  	v35 =	vld.idx.msk [tilespmem:v35+s9+$0x0], $0xffff;
	_ =	sdelay $0x4  }
0x4e8: {  	[tilespmem:v18+s21+$0x0] =	vst.idx.msk $0xffff, v35  }
0x4e9: {  	_ =	swait.ge [sflag:s22], $0x8000  }
0x4ea: {  	[sflag:s22] =	ssyncset.done $0x0  }
0x4eb: {  	[sflag:s22] =	ssyncadd.s32 $0xFFFF8000  }
0x4ec: {  	v46 =	vld [tilespmem:$0x1F0];
	_ =	sdelay $0x4  }
0x4ed: {  	v47 =	vshra.s32 v46, $0x1F;
	v48 =	vand.u32 $0x7F, v46  }
0x4ee: {  	vm14 =	vlt.s32 v46, $0x1;
	v36 =	vshrl.u32 v47, $0x19;
	vm15 =	vne.s32 v48, $0x0  }
0x4ef: {  	v36 =	vadd.s32 v36, v46;
	vm0 =	vmand vm14, vm15  }
0x4f0: {  	v36 =	vshrl.u32 v36, $0x7;
	v49 =	vsel vm0, $0x1, v0  }
0x4f1: {  	v35 =	vshll.u32 v46, $0x3;
	v36 =	vsub.s32 v49, v36  }
0x4f2: {  	v35 =	vadd.s32 v2, v35;
	v36 =	vshll.u32 v36, $0xA  }
0x4f3: {  	v35 =	vadd.s32 v35, v36  }
0x4f4: {  	v35 =	vand.u32 $0xFFFFFC00, v35  }
0x4f5: {  	v35 =	vor.u32 v48, v35;
	_ =	sdelay $0x4  }
0x4f6: {  	v50 =	vld.idx.msk [tilespmem:v35+s14+$0x0], $0xffff  }
0x4f7: {  	v37 =	vor.u32 $0x80, v35;
	_ =	sdelay $0x3  }
0x4f8: {  	[tilespmem:v19+s21+$0x0] =	vst.idx.msk $0xffff, v50  }
0x4f9: {  	v36 =	vld.idx.msk [tilespmem:v37+s14+$0x0], $0xffff  }
0x4fa: {  	v51 =	vor.u32 $0x100, v35;
	_ =	sdelay $0x3  }
0x4fb: {  	[tilespmem:v20+s21+$0x0] =	vst.idx.msk $0xffff, v36  }
0x4fc: {  	v36 =	vld.idx.msk [tilespmem:v51+s14+$0x0], $0xffff  }
0x4fd: {  	v52 =	vor.u32 $0x180, v35;
	_ =	sdelay $0x3  }
0x4fe: {  	[tilespmem:v21+s21+$0x0] =	vst.idx.msk $0xffff, v36  }
0x4ff: {  	v36 =	vld.idx.msk [tilespmem:v52+s14+$0x0], $0xffff  }
0x500: {  	v53 =	vor.u32 $0x200, v35;
	_ =	sdelay $0x3  }
0x501: {  	[tilespmem:v22+s21+$0x0] =	vst.idx.msk $0xffff, v36  }
0x502: {  	v36 =	vld.idx.msk [tilespmem:v53+s14+$0x0], $0xffff  }
0x503: {  	v54 =	vor.u32 $0x280, v35;
	_ =	sdelay $0x3  }
0x504: {  	[tilespmem:v23+s21+$0x0] =	vst.idx.msk $0xffff, v36  }
0x505: {  	v36 =	vld.idx.msk [tilespmem:v54+s14+$0x0], $0xffff  }
0x506: {  	v55 =	vor.u32 $0x300, v35;
	_ =	sdelay $0x3  }
0x507: {  	[tilespmem:v24+s21+$0x0] =	vst.idx.msk $0xffff, v36  }
0x508: {  	v36 =	vld.idx.msk [tilespmem:v55+s14+$0x0], $0xffff  }
0x509: {  	v56 =	vor.u32 $0x380, v35;
	_ =	sdelay $0x3  }
0x50a: {  	[tilespmem:v25+s21+$0x0] =	vst.idx.msk $0xffff, v36  }
0x50b: {  	v36 =	vld.idx.msk [tilespmem:v56+s14+$0x0], $0xffff  }
0x50c: {  	v57 =	vadd.s32 $0x4000, v35;
	_ =	sdelay $0x3  }
0x50d: {  	[tilespmem:v26+s21+$0x0] =	vst.idx.msk $0xffff, v36  }
0x50e: {  	v36 =	vld.idx.msk [tilespmem:v57+s14+$0x0], $0xffff  }
0x50f: {  	v58 =	vadd.s32 $0x4080, v35;
	_ =	sdelay $0x3  }
0x510: {  	[tilespmem:v27+s21+$0x0] =	vst.idx.msk $0xffff, v36  }
0x511: {  	v36 =	vld.idx.msk [tilespmem:v58+s14+$0x0], $0xffff  }
0x512: {  	v59 =	vadd.s32 $0x4100, v35;
	_ =	sdelay $0x3  }
0x513: {  	[tilespmem:v28+s21+$0x0] =	vst.idx.msk $0xffff, v36  }
0x514: {  	v36 =	vld.idx.msk [tilespmem:v59+s14+$0x0], $0xffff  }
0x515: {  	v60 =	vadd.s32 $0x4180, v35;
	_ =	sdelay $0x3  }
0x516: {  	[tilespmem:v29+s21+$0x0] =	vst.idx.msk $0xffff, v36  }
0x517: {  	v36 =	vld.idx.msk [tilespmem:v60+s14+$0x0], $0xffff  }
0x518: {  	v61 =	vadd.s32 $0x4200, v35;
	_ =	sdelay $0x3  }
0x519: {  	[tilespmem:v30+s21+$0x0] =	vst.idx.msk $0xffff, v36  }
0x51a: {  	v36 =	vld.idx.msk [tilespmem:v61+s14+$0x0], $0xffff  }
0x51b: {  	v62 =	vadd.s32 $0x4280, v35;
	_ =	sdelay $0x3  }
0x51c: {  	[tilespmem:v31+s21+$0x0] =	vst.idx.msk $0xffff, v36  }
0x51d: {  	v36 =	vld.idx.msk [tilespmem:v62+s14+$0x0], $0xffff  }
0x51e: {  	v63 =	vadd.s32 $0x4300, v35;
	_ =	sdelay $0x3  }
0x51f: {  	[tilespmem:v32+s21+$0x0] =	vst.idx.msk $0xffff, v36  }
0x520: {  	v36 =	vld.idx.msk [tilespmem:v63+s14+$0x0], $0xffff  }
0x521: {  	v35 =	vadd.s32 $0x4380, v35;
	_ =	sdelay $0x3  }
0x522: {  	[tilespmem:v33+s21+$0x0] =	vst.idx.msk $0xffff, v36  }
0x523: {  	v35 =	vld.idx.msk [tilespmem:v35+s14+$0x0], $0xffff;
	_ =	sdelay $0x2  }
0x524: {  	s24 =	sld [smem:$0x7F8];
	_ =	sdelay $0x1  }
0x525: {  	s0 =	simm.s32 $0x1000;
	s3 =	simm.s32 $0x20000;
	s25 =	simm.s32 $0x4;
	[tilespmem:v34+s21+$0x0] =	vst.idx.msk $0xffff, v35  }
0x526: {  	[hbm4b:s24+s0] =	stream.strided.scatter [tilespmem:s21], [sflag:$0x4], $0x2000, s3, s0, $0x38;
	[tilespmem:$0x1A200] =	vst v63  }
0x527: {  	_ =	swait.ge [sflag:s25], $0x2000  }
0x528: {  	s24 =	sld [smem:$0x7FD]  }
0x529: {  	s28 =	simm.s32 $0x4600;
	s26 =	sld [smem:$0x7F9]  }
0x52a: {  	s30 =	simm.s32 $0xA00;
	s4 =	simm.s32 $0xE00;
	s5 =	simm.s32 $0x4E00  }
0x52b: {  	s6 =	simm.s32 $0x1200;
	s7 =	simm.s32 $0x5200;
	s0 =	sadd.s32 $0x1, s24  }
0x52c: {  	s10 =	simm.s32 $0x1600;
	s11 =	simm.s32 $0x5600;
	p0 =	sne.s32 s0, s26  }
.Ltmp1:
0x52d: {  	s12 =	simm.s32 $0x1A00;
	s13 =	simm.s32 $0x5A00;
	(pc) =	sbr.rel @p0 .LBB2_1-.Ltmp1, $4  }
0x52e: {  	s15 =	simm.s32 $0x1E00;
	s16 =	simm.s32 $0x5E00;
	s17 =	simm.s32 $0x6200  }
0x52f: {  	s18 =	simm.s32 $0x2600;
	s19 =	simm.s32 $0x6600;
	[sflag:s25] =	ssyncset.done $0x0  }
0x530: {  	s31 =	simm.s32 $0x2A00;
	s3 =	simm.s32 $0x4A00;
	[sflag:s25] =	ssyncadd.s32 $0xFFFFE000  }
0x531: {  	[smem:$0x7FD] =	sst s0;
	s26 =	simm.s32 $0x600;
	s0 =	simm.s32 $0x2200  }
0x532: {  	_ =	sfence.sel $0x180000  }
0x533: {  	[bflag:$0x0] =	sbarrier.arrive $0xFFFF  }
0x534: {  	_ =	strace $0x90000047  }
0x535: {  	s0 =	stileid.u32;
	[bflag:$0x2] =	sbarrier.arrive $0xFFFF  }
0x536: {  	p0 =	sne.s32 s0, $0x0;
	s0 =	rddreg [dreg:$0x3]  }
0x537: {  	s0 =	sadd.s32 @!p0 $0x100000, s0  }
0x538: {  	[sflag:s0] =	ssyncadd.tile.s32 @!p0 $0x1;
	_ =	shalt  }
.Lfunc_end2:
_tile_overlayer_lowered:
.L_overlay_start_2:
0x539: {  	(tag) =	ssettag $0x2  }
0x53a: {  	s0 =	rddreg [dreg:$0x0];
	s2 =	stileid.u32  }
0x53b: {  	s1 =	rddreg [dreg:$0x1];
	p0 =	sne.s32 s2, $0x0  }
0x53c: {  	s3 =	rddreg [dreg:$0x2];
	[bflag:$0x3] =	sbarrier.arrive $0xFFFF;
	s2 =	simm.s32 @!p0 $0x1C04  }
0x53d: {  	[timem:s3], [sflag:s2] =	dma.local @!p0 [hbm:s0], s1  }
0x53e: {  	s0 =	simm.s32 @!p0 $0x4  }
0x53f: {  	_ =	swait.ge @!p0 [sflag:s0], s1  }
0x540: {  	s1 =	ssub.s32 @!p0 $0x0, s1;
	[sflag:s0] =	ssyncset.done @!p0 $0x0  }
0x541: {  	[sflag:s0] =	ssyncadd.s32 @!p0 s1  }
0x542: {  	[bflag:$0x3] =	sbarrier.arrive $0xFFFF  }
0x543: {  	_ =	shalt  }

</sc_bundles>
